<compile_context>
chip_gen: v7x
topology: tpu7x:2x2x1
jax: 0.10.2.dev20260603
libtpu: 0.0.44.dev20260713+nightly
codegen_flags: <defaults>
</compile_context>

<pallas_src>
import jax
import jax.numpy as jnp
from jax import lax
from jax.experimental import pallas as pl
from jax.experimental.pallas import tpu as pltpu
from jax.experimental.pallas import tpu_sc as plsc

N_NODES = 50000
NUM_EDGE = 1600000
NUM_SAMPLE = 800000

_ROWS = NUM_EDGE // 128

_NT = 16
_CHUNK = NUM_EDGE // _NT
_W = 4000
_NWIN = _CHUNK // _W
_NVREG = _W // 16
_NB = 256



def _score_body(m_ref, prob_ref, gum_ref, s_ref, pn_ref, key_ref):
    m = m_ref[0, 0]
    pn = prob_ref[...] / m
    pn_ref[...] = pn
    s = jnp.log(pn) + gum_ref[...]
    s_ref[...] = s
    b = pltpu.bitcast(s, jnp.int32)
    key_ref[...] = jnp.where(b >= 0, jnp.int32(0x7FFFFFFF) - b, b)


def _scores(prob, m, gumbel):
    prob2 = prob.reshape(_ROWS, 128)
    gum2 = gumbel.reshape(_ROWS, 128)
    m1 = m.reshape(1, 1)
    s, pn, key = pl.pallas_call(
        _score_body,
        out_shape=(
            jax.ShapeDtypeStruct((_ROWS, 128), jnp.float32),
            jax.ShapeDtypeStruct((_ROWS, 128), jnp.float32),
            jax.ShapeDtypeStruct((_ROWS, 128), jnp.int32),
        ),
        in_specs=[
            pl.BlockSpec(memory_space=pltpu.SMEM),
            pl.BlockSpec(memory_space=pltpu.VMEM),
            pl.BlockSpec(memory_space=pltpu.VMEM),
        ],
        out_specs=(
            pl.BlockSpec(memory_space=pltpu.VMEM),
            pl.BlockSpec(memory_space=pltpu.VMEM),
            pl.BlockSpec(memory_space=pltpu.VMEM),
        ),
    )(m1, prob2, gum2)
    return s.reshape(NUM_EDGE), pn.reshape(NUM_EDGE), key.reshape(NUM_EDGE)



_GW = 10000
_GCHUNK = NUM_EDGE // 32
_GNWIN = _GCHUNK // _GW


def _prob_body(rin, rout, nin, nout, prob_hbm,
               nbuf, mbuf, gbuf, hbuf, obuf, sem):
    cid = lax.axis_index("c")
    sid = lax.axis_index("s")
    wid = sid * 2 + cid
    base = wid * jnp.int32(_GCHUNK)

    def add_vreg(j, off):
        obuf[pl.ds(off, 16)] = gbuf[pl.ds(off, 16)] + hbuf[pl.ds(off, 16)]
        return off + 16

    def win(w, off):
        start = pl.multiple_of(base + off, 8)
        pltpu.sync_copy(nin.at[pl.ds(start, _GW)], nbuf)
        pltpu.sync_copy(nout.at[pl.ds(start, _GW)], mbuf)
        cin = pltpu.async_copy(rin.at[nbuf], gbuf, sem)
        cin.wait()
        cout = pltpu.async_copy(rout.at[mbuf], hbuf, sem)
        cout.wait()
        lax.fori_loop(0, _GW // 16, add_vreg, jnp.int32(0))
        pltpu.sync_copy(obuf, prob_hbm.at[pl.ds(start, _GW)])
        return off + _GW

    lax.fori_loop(0, _GNWIN, win, jnp.int32(0))


def _sc_prob(r_in, r_out, node_in, node_out):
    mesh = plsc.VectorSubcoreMesh(core_axis_name="c", subcore_axis_name="s")
    f = pl.kernel(
        _prob_body,
        out_type=jax.ShapeDtypeStruct((NUM_EDGE,), jnp.float32),
        mesh=mesh,
        compiler_params=pltpu.CompilerParams(needs_layout_passes=False),
        scratch_types=[
            pltpu.VMEM((_GW,), jnp.int32),
            pltpu.VMEM((_GW,), jnp.int32),
            pltpu.VMEM((_GW,), jnp.float32),
            pltpu.VMEM((_GW,), jnp.float32),
            pltpu.VMEM((_GW,), jnp.float32),
            pltpu.SemaphoreType.DMA,
        ],
    )
    return f(r_in, r_out, node_in, node_out)



_DPAD = 50048
_DSL = _DPAD // 16
_DW = 10000


def _deg_body(nin, nout, wts, din, dout, ibuf, vbuf, spdeg, sem):
    cid = lax.axis_index("c")
    sid = lax.axis_index("s")
    base = sid * jnp.int32(_CHUNK)
    zero16 = jnp.zeros((16,), jnp.float32)

    def zfill(j, off):
        vbuf[pl.ds(off, 16)] = zero16
        return off + 16

    lax.fori_loop(0, _DSL // 16 + 1, zfill, jnp.int32(0))
    zsl = pl.ds(pl.multiple_of(sid * jnp.int32(_DSL), 8), _DSL)
    pltpu.sync_copy(vbuf.at[pl.ds(0, _DSL)], spdeg.at[zsl])
    plsc.subcore_barrier()

    def win(w, off):
        sl = pl.ds(pl.multiple_of(base + off, 8), _DW)
        pltpu.sync_copy(wts.at[sl], vbuf)

        @pl.when(cid == 0)
        def _():
            pltpu.sync_copy(nin.at[sl], ibuf)

        @pl.when(cid == 1)
        def _():
            pltpu.sync_copy(nout.at[sl], ibuf)

        pltpu.sync_copy(vbuf, spdeg.at[ibuf], add=True)
        return off + _DW

    lax.fori_loop(0, _CHUNK // _DW, win, jnp.int32(0))
    plsc.subcore_barrier()

    @pl.when(cid == 0)
    def _():
        pltpu.sync_copy(spdeg.at[zsl], vbuf.at[pl.ds(0, _DSL)])
        pltpu.sync_copy(vbuf.at[pl.ds(0, _DSL)], din.at[zsl])

    @pl.when(cid == 1)
    def _():
        pltpu.sync_copy(spdeg.at[zsl], vbuf.at[pl.ds(0, _DSL)])
        pltpu.sync_copy(vbuf.at[pl.ds(0, _DSL)], dout.at[zsl])


def _sc_degrees(node_in, node_out, weights):
    mesh = plsc.VectorSubcoreMesh(core_axis_name="c", subcore_axis_name="s")
    f = pl.kernel(
        _deg_body,
        out_type=(
            jax.ShapeDtypeStruct((_DPAD,), jnp.float32),
            jax.ShapeDtypeStruct((_DPAD,), jnp.float32),
        ),
        mesh=mesh,
        compiler_params=pltpu.CompilerParams(needs_layout_passes=False),
        scratch_types=[
            pltpu.VMEM((_DW,), jnp.int32),
            pltpu.VMEM((_DW,), jnp.float32),
            pltpu.VMEM_SHARED((_DPAD,), jnp.float32),
            pltpu.SemaphoreType.DMA,
        ],
    )
    din, dout = f(node_in, node_out, weights)
    return din[:N_NODES], dout[:N_NODES]



_SCHUNK = NUM_SAMPLE // 32


def _sel_body(nin, nout, pn, wts, idx, oin, oout, opn, owt,
              ibuf, b0, b1, b2, b3, sem):
    cid = lax.axis_index("c")
    sid = lax.axis_index("s")
    wid = sid * 2 + cid
    start = pl.multiple_of(wid * jnp.int32(_SCHUNK), 8)
    sl = pl.ds(start, _SCHUNK)
    pltpu.sync_copy(idx.at[sl], ibuf)
    pltpu.async_copy(nin.at[ibuf], b0, sem).wait()
    pltpu.async_copy(nout.at[ibuf], b1, sem).wait()
    pltpu.async_copy(pn.at[ibuf], b2, sem).wait()
    pltpu.async_copy(wts.at[ibuf], b3, sem).wait()
    pltpu.sync_copy(b0, oin.at[sl])
    pltpu.sync_copy(b1, oout.at[sl])
    pltpu.sync_copy(b2, opn.at[sl])
    pltpu.sync_copy(b3, owt.at[sl])


def _sc_select(node_in, node_out, prob_n, weights, index):
    mesh = plsc.VectorSubcoreMesh(core_axis_name="c", subcore_axis_name="s")
    f = pl.kernel(
        _sel_body,
        out_type=(
            jax.ShapeDtypeStruct((NUM_SAMPLE,), jnp.int32),
            jax.ShapeDtypeStruct((NUM_SAMPLE,), jnp.int32),
            jax.ShapeDtypeStruct((NUM_SAMPLE,), jnp.float32),
            jax.ShapeDtypeStruct((NUM_SAMPLE,), jnp.float32),
        ),
        mesh=mesh,
        compiler_params=pltpu.CompilerParams(needs_layout_passes=False),
        scratch_types=[
            pltpu.VMEM((_SCHUNK,), jnp.int32),
            pltpu.VMEM((_SCHUNK,), jnp.int32),
            pltpu.VMEM((_SCHUNK,), jnp.int32),
            pltpu.VMEM((_SCHUNK,), jnp.float32),
            pltpu.VMEM((_SCHUNK,), jnp.float32),
            pltpu.SemaphoreType.DMA,
        ],
    )
    return f(node_in, node_out, prob_n, weights, index)



def _one_pass(shift, key0, pin, pout, tid,
              kbuf, pbuf, kob, pob, posb, hist2, cur, hmatbuf, scr, hmat,
              spay, sem):
    lane = lax.iota(jnp.int32, 16)
    base = tid * jnp.int32(_CHUNK)
    shift = jnp.int32(shift)

    zero16 = jnp.zeros((16,), jnp.int32)
    ones16 = jnp.ones((16,), jnp.int32)

    def zero_vreg(j, off):
        hist2[pl.ds(off, 16)] = zero16
        return off + 16

    lax.fori_loop(0, _NB, zero_vreg, jnp.int32(0))

    def hist_vreg(j, off):
        k = kbuf[pl.ds(off, 16)]
        dig = lax.shift_right_logical(k, shift) & 255
        plsc.addupdate_scatter(hist2, [lane * _NB + dig], ones16)
        return off + 16

    def hist_win(w, off):
        pltpu.sync_copy(pin.at[pl.ds(pl.multiple_of(base + off, 8), _W)], pbuf)
        pltpu.async_copy(key0.at[pbuf], kbuf, sem).wait()
        lax.fori_loop(0, _NVREG, hist_vreg, jnp.int32(0))
        return off + _W

    lax.fori_loop(0, _NWIN, hist_win, jnp.int32(0))

    def red_lane(l, c):
        loff, g16, tot = c
        return (loff + _NB, g16, tot + hist2[pl.ds(loff + g16, 16)])

    def red_grp(g, g16):
        _, _, tot = lax.fori_loop(0, 16, red_lane, (jnp.int32(0), g16, zero16))
        kob[pl.ds(g16, 16)] = tot
        return g16 + 16

    lax.fori_loop(0, _NB // 16, red_grp, jnp.int32(0))

    pltpu.sync_copy(kob.at[pl.ds(0, _NB)], hmat.at[tid])
    plsc.subcore_barrier()
    pltpu.sync_copy(hmat, hmatbuf)
    plsc.subcore_barrier()

    def scan_tile(t, c):
        ti, g16, tot, pre = c
        row = hmatbuf[ti, pl.ds(g16, 16)]
        return (ti + 1, g16, tot + row,
                pre + jnp.where(ti < tid, row, zero16))

    def scan_grp(g, c):
        g16, carry = c
        _, _, tot, pre = lax.fori_loop(
            0, _NT, scan_tile, (jnp.int32(0), g16, zero16, zero16))
        cs = plsc.cumsum(tot)
        excl = (cs - tot) + carry
        cur[pl.ds(g16, 16)] = excl + pre
        return (g16 + 16, carry + lax.reduce_max(cs, (0,)))

    lax.fori_loop(0, _NB // 16, scan_grp, (jnp.int32(0), jnp.int32(0)))

    lane_m1 = jnp.maximum(lane - 1, 0)

    def rank_vreg(j, off):
        k = kbuf[pl.ds(off, 16)]
        p = pbuf[pl.ds(off, 16)]
        dig = lax.shift_right_logical(k, shift) & 255
        ck = dig * 16 + lane
        ck_s, p_s = plsc.sort_key_val(ck, p)
        dig_s = lax.shift_right_logical(ck_s, jnp.int32(4))
        scr[...] = dig_s
        prev = plsc.load_gather(scr, [lane_m1])
        head = (lane == 0) | (dig_s != prev)
        start = plsc.cummax(jnp.where(head, lane, 0))
        rank = lane - start
        c = plsc.load_gather(cur, [dig_s])
        pos = c + rank
        pob[pl.ds(off, 16)] = p_s
        posb[pl.ds(off, 16)] = pos
        plsc.addupdate_scatter(cur, [dig_s], ones16)
        return off + 16

    def rank_win(w, off):
        pltpu.sync_copy(pin.at[pl.ds(pl.multiple_of(base + off, 8), _W)], pbuf)
        pltpu.async_copy(key0.at[pbuf], kbuf, sem).wait()
        lax.fori_loop(0, _NVREG, rank_vreg, jnp.int32(0))
        pltpu.sync_copy(pob, spay.at[posb])
        return off + _W

    lax.fori_loop(0, _NWIN, rank_win, jnp.int32(0))

    plsc.subcore_barrier()

    def back_win(w, off):
        start = pl.multiple_of(base + off, 8)
        pltpu.sync_copy(spay.at[pl.ds(start, _W)], pbuf)
        pltpu.sync_copy(pbuf, pout.at[pl.ds(start, _W)])
        return off + _W

    lax.fori_loop(0, _NWIN, back_win, jnp.int32(0))

    plsc.subcore_barrier()


def _sort_body(kin, pin, pout_hbm,
               kbuf, pbuf, kob, pob, posb, hist2, cur, hmatbuf, scr, hmat,
               spay, sem):
    cid = lax.axis_index("c")
    tid = lax.axis_index("s")

    @pl.when(cid == 0)
    def _():
        args = (tid, kbuf, pbuf, kob, pob, posb, hist2, cur, hmatbuf, scr,
                hmat, spay, sem)
        _one_pass(0, kin, pin, pout_hbm, *args)
        _one_pass(8, kin, pout_hbm, pout_hbm, *args)
        _one_pass(16, kin, pout_hbm, pout_hbm, *args)
        _one_pass(24, kin, pout_hbm, pout_hbm, *args)


def _sc_radix_sort(keys, payload):
    mesh = plsc.VectorSubcoreMesh(core_axis_name="c", subcore_axis_name="s")
    f = pl.kernel(
        _sort_body,
        out_type=jax.ShapeDtypeStruct((NUM_EDGE,), jnp.int32),
        mesh=mesh,
        compiler_params=pltpu.CompilerParams(needs_layout_passes=False),
        scratch_types=[
            pltpu.VMEM((_W,), jnp.int32),
            pltpu.VMEM((_W,), jnp.int32),
            pltpu.VMEM((_NB,), jnp.int32),
            pltpu.VMEM((_W,), jnp.int32),
            pltpu.VMEM((_W,), jnp.int32),
            pltpu.VMEM((_NB * 16,), jnp.int32),
            pltpu.VMEM((_NB,), jnp.int32),
            pltpu.VMEM((_NT, _NB), jnp.int32),
            pltpu.VMEM((16,), jnp.int32),
            pltpu.VMEM_SHARED((_NT, _NB), jnp.int32),
            pltpu.VMEM_SHARED((NUM_EDGE,), jnp.int32),
            pltpu.SemaphoreType.DMA,
        ],
    )
    return f(keys, payload)



def kernel(edge_index, edge_weight):
    node_in = edge_index[0].astype(jnp.int32)
    node_out = edge_index[1].astype(jnp.int32)

    degree_in, degree_out = _sc_degrees(node_in, node_out, edge_weight)

    prob = _sc_prob(1.0 / degree_in, 1.0 / degree_out, node_in, node_out)
    m = jnp.mean(prob)

    u = jax.random.uniform(jax.random.key(42), (NUM_EDGE,), dtype=jnp.float32,
                           minval=1e-20, maxval=1.0)
    gumbel = -jnp.log(-jnp.log(u))

    s, prob_n, key = _scores(prob, m, gumbel)

    perm = _sc_radix_sort(key, jnp.arange(NUM_EDGE, dtype=jnp.int32))
    index = perm[:NUM_SAMPLE]

    new_in, new_out, sel_p, sel_w = _sc_select(
        node_in, node_out, prob_n, edge_weight, index)
    new_edge_index = jnp.stack([new_in, new_out]).astype(jnp.int64)
    new_edge_weight = sel_w / (NUM_SAMPLE * sel_p / NUM_EDGE)
    return new_edge_index, new_edge_weight

# --- scband reference (transcript-rebuilt; emitter-appended) ---
"""Pipeline reference for scband-edge-sampler-48876727828778 (READ-ONLY COPY).

The authoritative reference and input builder live on the scoring server;
editing this copy changes nothing except your own understanding.
"""

import jax, jax.numpy as jnp
import numpy as np

jax.config.update("jax_enable_x64", True)

N_NODES = 50000
NUM_EDGE = 1600000
RATIO = 0.5
NUM_SAMPLE = int(RATIO * NUM_EDGE)  # 800000


def setup_inputs(seed: int = 0) -> dict:
    key = jax.random.key(seed)
    k1, k2 = jax.random.split(key)
    edge_index = jax.random.randint(k1, (2, NUM_EDGE), 0, N_NODES, dtype=jnp.int64)
    edge_weight = jnp.ones((NUM_EDGE,), dtype=jnp.float32)
    return {"edge_index": edge_index, "edge_weight": edge_weight}


def reference(edge_index, edge_weight):
    # node_in, node_out = graph.edge_list.t()[:2]
    node_in = edge_index[0]
    node_out = edge_index[1]

    # degree_in / degree_out: weighted degrees via scatter-add (segment_sum)
    degree_in = jax.ops.segment_sum(edge_weight, node_in, num_segments=N_NODES)
    degree_out = jax.ops.segment_sum(edge_weight, node_out, num_segments=N_NODES)

    # prob = 1 / degree_out[node_out] + 1 / degree_in[node_in]; prob /= prob.mean()
    prob = 1.0 / jnp.take(degree_out, node_out) + 1.0 / jnp.take(degree_in, node_in)
    prob = prob / jnp.mean(prob)

    # multinomial without replacement via Gumbel top-k over log-prob
    u = jax.random.uniform(jax.random.key(42), (NUM_EDGE,), dtype=jnp.float32,
                           minval=1e-20, maxval=1.0)
    gumbel = -jnp.log(-jnp.log(u))
    _, index = jax.lax.top_k(jnp.log(prob) + gumbel, NUM_SAMPLE)

    # new_graph = graph.edge_mask(index)
    new_edge_index = jnp.take(edge_index, index, axis=1)
    # new_graph._edge_weight /= num_sample * prob[index] / graph.num_edge
    new_edge_weight = jnp.take(edge_weight, index) / (
        NUM_SAMPLE * jnp.take(prob, index) / NUM_EDGE)
    return new_edge_index, new_edge_weight

if __name__ == "__main__":
    import jax
    _d = setup_inputs()
    print(jax.jit(kernel)(*tuple(_d.values())))

</pallas_src>

<mosaic_0001>
#map = affine_map<(d0, d1) -> (0)>
module attributes {stable_mosaic.version = 14 : i64} {
  func.func @_prob_body(%arg0: i32, %arg1: i32, %arg2: memref<50000xf32, #tpu.memory_space<hbm>>, %arg3: memref<50000xf32, #tpu.memory_space<hbm>>, %arg4: memref<1600000xi32, #tpu.memory_space<hbm>>, %arg5: memref<1600000xi32, #tpu.memory_space<hbm>>, %arg6: memref<1600000xf32, #tpu.memory_space<hbm>>, %arg7: memref<10000xi32, #tpu.memory_space<vmem>>, %arg8: memref<10000xi32, #tpu.memory_space<vmem>>, %arg9: memref<10000xf32, #tpu.memory_space<vmem>>, %arg10: memref<10000xf32, #tpu.memory_space<vmem>>, %arg11: memref<10000xf32, #tpu.memory_space<vmem>>, %arg12: memref<!tpu.dma_semaphore, #tpu.memory_space<semaphore_mem>>) attributes {dimension_semantics = [#tpu.dimension_semantics<core_parallel>, #tpu.dimension_semantics<subcore_parallel>], iteration_bounds = array<i64: 2, 16>, scalar_prefetch = 0 : i64, scratch_operands = 6 : i64, tpu.core_type = #tpu.core_type<sc_vector_subcore>, window_params = [{transform_indices = #map}, {transform_indices = #map}, {transform_indices = #map}, {transform_indices = #map}, {transform_indices = #map}]} {
    %mul3A = arith.constant 2 : i32
    %mul3A_0 = arith.muli %arg1, %mul3A : i32
    %add3A = arith.addi %mul3A_0, %arg0 : i32
    %mul3A_1 = arith.constant 50000 : i32
    %mul3A_2 = arith.muli %add3A, %mul3A_1 : i32
    %scan3A = arith.constant 0 : i32
    %scan3A_3 = arith.constant 0 : i32
    %scan3A_4 = arith.constant 5 : i32
    %scan3A_5 = arith.addi %scan3A_3, %scan3A_4 : i32
    %scan3A_6 = arith.constant 1 : i32
    %scan3A_7 = scf.for %scan3A_9 = %scan3A_3 to %scan3A_5 step %scan3A_6 iter_args(%scan3A_10 = %scan3A) -> (i32)  : i32 {
      %add3A_11 = arith.addi %mul3A_2, %scan3A_10 : i32
      %multiple_of3A = tpu.assume_multiple %add3A_11, 8 : i32
      "tpu.region"() ({
        %run_scoped3A = tpu.sem_alloc : memref<!tpu.dma_semaphore, #tpu.memory_space<semaphore_mem>>
        %dma_start3A_27 = tpu.memref_slice %arg4[%multiple_of3A] : memref<1600000xi32, #tpu.memory_space<hbm>> -> memref<10000xi32, #tpu.memory_space<hbm>>
        %dma_start3A_28 = tpu.memref_slice %arg4[%multiple_of3A] : memref<1600000xi32, #tpu.memory_space<hbm>> -> memref<10000xi32, #tpu.memory_space<hbm>>
        tpu.enqueue_dma source(%dma_start3A_28 : memref<10000xi32, #tpu.memory_space<hbm>>) target(%arg7 : memref<10000xi32, #tpu.memory_space<vmem>>) target_semaphore(%run_scoped3A : memref<!tpu.dma_semaphore, #tpu.memory_space<semaphore_mem>>)
        %dma_wait3A_29 = tpu.memref_slice %arg4[%multiple_of3A] : memref<1600000xi32, #tpu.memory_space<hbm>> -> memref<10000xi32, #tpu.memory_space<hbm>>
        %dma_wait3A_30 = tpu.memref_slice %arg4[%multiple_of3A] : memref<1600000xi32, #tpu.memory_space<hbm>> -> memref<10000xi32, #tpu.memory_space<hbm>>
        tpu.wait_dma2 semaphore(%run_scoped3A : memref<!tpu.dma_semaphore, #tpu.memory_space<semaphore_mem>>) src(%dma_wait3A_30 : memref<10000xi32, #tpu.memory_space<hbm>>) dst(%arg7 : memref<10000xi32, #tpu.memory_space<vmem>>)
        tpu.yield
      }) : () -> ()
      "tpu.region"() ({
        %run_scoped3A = tpu.sem_alloc : memref<!tpu.dma_semaphore, #tpu.memory_space<semaphore_mem>>
        %dma_start3A_27 = tpu.memref_slice %arg5[%multiple_of3A] : memref<1600000xi32, #tpu.memory_space<hbm>> -> memref<10000xi32, #tpu.memory_space<hbm>>
        %dma_start3A_28 = tpu.memref_slice %arg5[%multiple_of3A] : memref<1600000xi32, #tpu.memory_space<hbm>> -> memref<10000xi32, #tpu.memory_space<hbm>>
        tpu.enqueue_dma source(%dma_start3A_28 : memref<10000xi32, #tpu.memory_space<hbm>>) target(%arg8 : memref<10000xi32, #tpu.memory_space<vmem>>) target_semaphore(%run_scoped3A : memref<!tpu.dma_semaphore, #tpu.memory_space<semaphore_mem>>)
        %dma_wait3A_29 = tpu.memref_slice %arg5[%multiple_of3A] : memref<1600000xi32, #tpu.memory_space<hbm>> -> memref<10000xi32, #tpu.memory_space<hbm>>
        %dma_wait3A_30 = tpu.memref_slice %arg5[%multiple_of3A] : memref<1600000xi32, #tpu.memory_space<hbm>> -> memref<10000xi32, #tpu.memory_space<hbm>>
        tpu.wait_dma2 semaphore(%run_scoped3A : memref<!tpu.dma_semaphore, #tpu.memory_space<semaphore_mem>>) src(%dma_wait3A_30 : memref<10000xi32, #tpu.memory_space<hbm>>) dst(%arg8 : memref<10000xi32, #tpu.memory_space<vmem>>)
        tpu.yield
      }) : () -> ()
      %dma_start3A = arith.constant 0 : i32
      %dma_start3A_12 = tpu.memref_slice %arg2[%dma_start3A] : memref<50000xf32, #tpu.memory_space<hbm>> -> memref<50000xf32, #tpu.memory_space<hbm>>
      tpu.enqueue_indirect_dma source(%dma_start3A_12 : memref<50000xf32, #tpu.memory_space<hbm>>) target(%arg9 : memref<10000xf32, #tpu.memory_space<vmem>>) offsets(%arg7 : memref<10000xi32, #tpu.memory_space<vmem>>) semaphore(%arg12 : memref<!tpu.dma_semaphore, #tpu.memory_space<semaphore_mem>>)
      %dma_wait3A = arith.constant 0 : i32
      %dma_wait3A_13 = tpu.memref_slice %arg2[%dma_wait3A] : memref<50000xf32, #tpu.memory_space<hbm>> -> memref<50000xf32, #tpu.memory_space<hbm>>
      tpu.wait_indirect_dma semaphore(%arg12 : memref<!tpu.dma_semaphore, #tpu.memory_space<semaphore_mem>>) src(%dma_wait3A_13 : memref<50000xf32, #tpu.memory_space<hbm>>) dst(%arg9 : memref<10000xf32, #tpu.memory_space<vmem>>)
      %dma_start3A_14 = arith.constant 0 : i32
      %dma_start3A_15 = tpu.memref_slice %arg3[%dma_start3A_14] : memref<50000xf32, #tpu.memory_space<hbm>> -> memref<50000xf32, #tpu.memory_space<hbm>>
      tpu.enqueue_indirect_dma source(%dma_start3A_15 : memref<50000xf32, #tpu.memory_space<hbm>>) target(%arg10 : memref<10000xf32, #tpu.memory_space<vmem>>) offsets(%arg8 : memref<10000xi32, #tpu.memory_space<vmem>>) semaphore(%arg12 : memref<!tpu.dma_semaphore, #tpu.memory_space<semaphore_mem>>)
      %dma_wait3A_16 = arith.constant 0 : i32
      %dma_wait3A_17 = tpu.memref_slice %arg3[%dma_wait3A_16] : memref<50000xf32, #tpu.memory_space<hbm>> -> memref<50000xf32, #tpu.memory_space<hbm>>
      tpu.wait_indirect_dma semaphore(%arg12 : memref<!tpu.dma_semaphore, #tpu.memory_space<semaphore_mem>>) src(%dma_wait3A_17 : memref<50000xf32, #tpu.memory_space<hbm>>) dst(%arg10 : memref<10000xf32, #tpu.memory_space<vmem>>)
      %scan3A_18 = arith.constant 0 : i32
      %scan3A_19 = arith.constant 0 : i32
      %scan3A_20 = arith.constant 625 : i32
      %scan3A_21 = arith.addi %scan3A_19, %scan3A_20 : i32
      %scan3A_22 = arith.constant 1 : i32
      %scan3A_23 = scf.for %scan3A_27 = %scan3A_19 to %scan3A_21 step %scan3A_22 iter_args(%scan3A_28 = %scan3A_18) -> (i32)  : i32 {
        %get3A = arith.index_cast %scan3A_28 : i32 to index
        %get3A_29 = tpu.vector_load %arg9[%get3A] {strides = array<i32>} : memref<10000xf32, #tpu.memory_space<vmem>>, vector<16xf32>,
        %get3A_30 = arith.index_cast %scan3A_28 : i32 to index
        %get3A_31 = tpu.vector_load %arg10[%get3A_30] {strides = array<i32>} : memref<10000xf32, #tpu.memory_space<vmem>>, vector<16xf32>,
        %add3A_32 = arith.addf %get3A_29, %get3A_31 : vector<16xf32>
        %swap3A = arith.index_cast %scan3A_28 : i32 to index
        %swap3A_33 = tpu.vector_load %arg11[%swap3A] {strides = array<i32>} : memref<10000xf32, #tpu.memory_space<vmem>>, vector<16xf32>,
        tpu.vector_store %arg11[%swap3A], %add3A_32 {strides = array<i32>} : memref<10000xf32, #tpu.memory_space<vmem>>, vector<16xf32>,
        %add3A_34 = arith.constant 16 : i32
        %add3A_35 = arith.addi %scan3A_28, %add3A_34 : i32
        scf.yield %add3A_35 : i32
      }
      %scan3A_24 = arith.constant 625 : i32
      "tpu.region"() ({
        %run_scoped3A = tpu.sem_alloc : memref<!tpu.dma_semaphore, #tpu.memory_space<semaphore_mem>>
        %dma_start3A_27 = tpu.memref_slice %arg6[%multiple_of3A] : memref<1600000xf32, #tpu.memory_space<hbm>> -> memref<10000xf32, #tpu.memory_space<hbm>>
        %dma_start3A_28 = tpu.memref_slice %arg6[%multiple_of3A] : memref<1600000xf32, #tpu.memory_space<hbm>> -> memref<10000xf32, #tpu.memory_space<hbm>>
        tpu.enqueue_dma source(%arg11 : memref<10000xf32, #tpu.memory_space<vmem>>) target(%dma_start3A_28 : memref<10000xf32, #tpu.memory_space<hbm>>) target_semaphore(%run_scoped3A : memref<!tpu.dma_semaphore, #tpu.memory_space<semaphore_mem>>)
        %dma_wait3A_29 = tpu.memref_slice %arg6[%multiple_of3A] : memref<1600000xf32, #tpu.memory_space<hbm>> -> memref<10000xf32, #tpu.memory_space<hbm>>
        %dma_wait3A_30 = tpu.memref_slice %arg6[%multiple_of3A] : memref<1600000xf32, #tpu.memory_space<hbm>> -> memref<10000xf32, #tpu.memory_space<hbm>>
        tpu.wait_dma2 semaphore(%run_scoped3A : memref<!tpu.dma_semaphore, #tpu.memory_space<semaphore_mem>>) src(%arg11 : memref<10000xf32, #tpu.memory_space<vmem>>) dst(%dma_wait3A_30 : memref<10000xf32, #tpu.memory_space<hbm>>)
        tpu.yield
      }) : () -> ()
      %add3A_25 = arith.constant 10000 : i32
      %add3A_26 = arith.addi %scan3A_10, %add3A_25 : i32
      scf.yield %add3A_26 : i32
    }
    %scan3A_8 = arith.constant 5 : i32
    return
  }
}

#map = affine_map<(d0, d1) -> (0)>
module attributes {stable_mosaic.version = 14 : i64} {
  func.func @_deg_body(%arg0: i32, %arg1: i32, %arg2: memref<1600000xi32, #tpu.memory_space<hbm>>, %arg3: memref<1600000xi32, #tpu.memory_space<hbm>>, %arg4: memref<1600000xf32, #tpu.memory_space<hbm>>, %arg5: memref<50048xf32, #tpu.memory_space<hbm>>, %arg6: memref<50048xf32, #tpu.memory_space<hbm>>, %arg7: memref<10000xi32, #tpu.memory_space<vmem>>, %arg8: memref<10000xf32, #tpu.memory_space<vmem>>, %arg9: memref<50048xf32, #tpu.memory_space<vmem_shared>>, %arg10: memref<!tpu.dma_semaphore, #tpu.memory_space<semaphore_mem>>) attributes {dimension_semantics = [#tpu.dimension_semantics<core_parallel>, #tpu.dimension_semantics<subcore_parallel>], iteration_bounds = array<i64: 2, 16>, scalar_prefetch = 0 : i64, scratch_operands = 4 : i64, tpu.core_type = #tpu.core_type<sc_vector_subcore>, window_params = [{transform_indices = #map}, {transform_indices = #map}, {transform_indices = #map}, {transform_indices = #map}, {transform_indices = #map}]} {
    %mul3A = arith.constant 100000 : i32
    %mul3A_0 = arith.muli %arg1, %mul3A : i32
    %broadcast_in_dim3A = arith.constant 0.000000e+00 : f32
    %broadcast_in_dim3A_1 = vector.broadcast %broadcast_in_dim3A : f32 to vector<16xf32>
    %scan3A = arith.constant 0 : i32
    %scan3A_2 = arith.constant 0 : i32
    %scan3A_3 = arith.constant 196 : i32
    %scan3A_4 = arith.addi %scan3A_2, %scan3A_3 : i32
    %scan3A_5 = arith.constant 1 : i32
    %scan3A_6 = scf.for %scan3A_25 = %scan3A_2 to %scan3A_4 step %scan3A_5 iter_args(%scan3A_26 = %scan3A) -> (i32)  : i32 {
      %swap3A = arith.index_cast %scan3A_26 : i32 to index
      %swap3A_27 = tpu.vector_load %arg8[%swap3A] {strides = array<i32>} : memref<10000xf32, #tpu.memory_space<vmem>>, vector<16xf32>,
      tpu.vector_store %arg8[%swap3A], %broadcast_in_dim3A_1 {strides = array<i32>} : memref<10000xf32, #tpu.memory_space<vmem>>, vector<16xf32>,
      %add3A = arith.constant 16 : i32
      %add3A_28 = arith.addi %scan3A_26, %add3A : i32
      scf.yield %add3A_28 : i32
    }
    %scan3A_7 = arith.constant 196 : i32
    %mul3A_8 = arith.constant 3128 : i32
    %mul3A_9 = arith.muli %arg1, %mul3A_8 : i32
    %multiple_of3A = tpu.assume_multiple %mul3A_9, 8 : i32
    "tpu.region"() ({
      %run_scoped3A = tpu.sem_alloc : memref<!tpu.dma_semaphore, #tpu.memory_space<semaphore_mem>>
      %dma_start3A = arith.constant 0 : i32
      %dma_start3A_25 = tpu.memref_slice %arg8[%dma_start3A] : memref<10000xf32, #tpu.memory_space<vmem>> -> memref<3128xf32, #tpu.memory_space<vmem>>
      %dma_start3A_26 = tpu.memref_slice %arg9[%multiple_of3A] : memref<50048xf32, #tpu.memory_space<vmem_shared>> -> memref<3128xf32, #tpu.memory_space<vmem_shared>>
      %dma_start3A_27 = tpu.memref_slice %arg9[%multiple_of3A] : memref<50048xf32, #tpu.memory_space<vmem_shared>> -> memref<3128xf32, #tpu.memory_space<vmem_shared>>
      %dma_start3A_28 = arith.constant 0 : i32
      %dma_start3A_29 = tpu.memref_slice %arg8[%dma_start3A_28] : memref<10000xf32, #tpu.memory_space<vmem>> -> memref<3128xf32, #tpu.memory_space<vmem>>
      tpu.enqueue_dma source(%dma_start3A_29 : memref<3128xf32, #tpu.memory_space<vmem>>) target(%dma_start3A_27 : memref<3128xf32, #tpu.memory_space<vmem_shared>>) target_semaphore(%run_scoped3A : memref<!tpu.dma_semaphore, #tpu.memory_space<semaphore_mem>>)
      %dma_wait3A = arith.constant 0 : i32
      %dma_wait3A_30 = tpu.memref_slice %arg8[%dma_wait3A] : memref<10000xf32, #tpu.memory_space<vmem>> -> memref<3128xf32, #tpu.memory_space<vmem>>
      %dma_wait3A_31 = tpu.memref_slice %arg9[%multiple_of3A] : memref<50048xf32, #tpu.memory_space<vmem_shared>> -> memref<3128xf32, #tpu.memory_space<vmem_shared>>
      %dma_wait3A_32 = tpu.memref_slice %arg9[%multiple_of3A] : memref<50048xf32, #tpu.memory_space<vmem_shared>> -> memref<3128xf32, #tpu.memory_space<vmem_shared>>
      %dma_wait3A_33 = arith.constant 0 : i32
      %dma_wait3A_34 = tpu.memref_slice %arg8[%dma_wait3A_33] : memref<10000xf32, #tpu.memory_space<vmem>> -> memref<3128xf32, #tpu.memory_space<vmem>>
      tpu.wait_dma2 semaphore(%run_scoped3A : memref<!tpu.dma_semaphore, #tpu.memory_space<semaphore_mem>>) src(%dma_wait3A_34 : memref<3128xf32, #tpu.memory_space<vmem>>) dst(%dma_wait3A_32 : memref<3128xf32, #tpu.memory_space<vmem_shared>>)
      tpu.yield
    }) : () -> ()
    %barrier3A = arith.constant 0 : index
    tpu.barrier barrier_id(%barrier3A)
    %scan3A_10 = arith.constant 0 : i32
    %scan3A_11 = arith.constant 0 : i32
    %scan3A_12 = arith.constant 10 : i32
    %scan3A_13 = arith.addi %scan3A_11, %scan3A_12 : i32
    %scan3A_14 = arith.constant 1 : i32
    %scan3A_15 = scf.for %scan3A_25 = %scan3A_11 to %scan3A_13 step %scan3A_14 iter_args(%scan3A_26 = %scan3A_10) -> (i32)  : i32 {
      %add3A = arith.addi %mul3A_0, %scan3A_26 : i32
      %multiple_of3A_27 = tpu.assume_multiple %add3A, 8 : i32
      "tpu.region"() ({
        %run_scoped3A = tpu.sem_alloc : memref<!tpu.dma_semaphore, #tpu.memory_space<semaphore_mem>>
        %dma_start3A = tpu.memref_slice %arg4[%multiple_of3A_27] : memref<1600000xf32, #tpu.memory_space<hbm>> -> memref<10000xf32, #tpu.memory_space<hbm>>
        %dma_start3A_40 = tpu.memref_slice %arg4[%multiple_of3A_27] : memref<1600000xf32, #tpu.memory_space<hbm>> -> memref<10000xf32, #tpu.memory_space<hbm>>
        tpu.enqueue_dma source(%dma_start3A_40 : memref<10000xf32, #tpu.memory_space<hbm>>) target(%arg8 : memref<10000xf32, #tpu.memory_space<vmem>>) target_semaphore(%run_scoped3A : memref<!tpu.dma_semaphore, #tpu.memory_space<semaphore_mem>>)
        %dma_wait3A = tpu.memref_slice %arg4[%multiple_of3A_27] : memref<1600000xf32, #tpu.memory_space<hbm>> -> memref<10000xf32, #tpu.memory_space<hbm>>
        %dma_wait3A_41 = tpu.memref_slice %arg4[%multiple_of3A_27] : memref<1600000xf32, #tpu.memory_space<hbm>> -> memref<10000xf32, #tpu.memory_space<hbm>>
        tpu.wait_dma2 semaphore(%run_scoped3A : memref<!tpu.dma_semaphore, #tpu.memory_space<semaphore_mem>>) src(%dma_wait3A_41 : memref<10000xf32, #tpu.memory_space<hbm>>) dst(%arg8 : memref<10000xf32, #tpu.memory_space<vmem>>)
        tpu.yield
      }) : () -> ()
      %eq3A_28 = arith.constant 0 : i32
      %eq3A_29 = arith.cmpi eq, %arg0, %eq3A_28 : i32
      %convert_element_type3A_30 = arith.extui %eq3A_29 : i1 to i32
      %cond3A_31 = arith.constant 0 : i32
      %cond3A_32 = arith.cmpi ne, %convert_element_type3A_30, %cond3A_31 : i32
      scf.if %cond3A_32 {
        "tpu.region"() ({
          %run_scoped3A = tpu.sem_alloc : memref<!tpu.dma_semaphore, #tpu.memory_space<semaphore_mem>>
          %dma_start3A = tpu.memref_slice %arg2[%multiple_of3A_27] : memref<1600000xi32, #tpu.memory_space<hbm>> -> memref<10000xi32, #tpu.memory_space<hbm>>
          %dma_start3A_40 = tpu.memref_slice %arg2[%multiple_of3A_27] : memref<1600000xi32, #tpu.memory_space<hbm>> -> memref<10000xi32, #tpu.memory_space<hbm>>
          tpu.enqueue_dma source(%dma_start3A_40 : memref<10000xi32, #tpu.memory_space<hbm>>) target(%arg7 : memref<10000xi32, #tpu.memory_space<vmem>>) target_semaphore(%run_scoped3A : memref<!tpu.dma_semaphore, #tpu.memory_space<semaphore_mem>>)
          %dma_wait3A = tpu.memref_slice %arg2[%multiple_of3A_27] : memref<1600000xi32, #tpu.memory_space<hbm>> -> memref<10000xi32, #tpu.memory_space<hbm>>
          %dma_wait3A_41 = tpu.memref_slice %arg2[%multiple_of3A_27] : memref<1600000xi32, #tpu.memory_space<hbm>> -> memref<10000xi32, #tpu.memory_space<hbm>>
          tpu.wait_dma2 semaphore(%run_scoped3A : memref<!tpu.dma_semaphore, #tpu.memory_space<semaphore_mem>>) src(%dma_wait3A_41 : memref<10000xi32, #tpu.memory_space<hbm>>) dst(%arg7 : memref<10000xi32, #tpu.memory_space<vmem>>)
          tpu.yield
        }) : () -> ()
      } else {
      }
      %eq3A_33 = arith.constant 1 : i32
      %eq3A_34 = arith.cmpi eq, %arg0, %eq3A_33 : i32
      %convert_element_type3A_35 = arith.extui %eq3A_34 : i1 to i32
      %cond3A_36 = arith.constant 0 : i32
      %cond3A_37 = arith.cmpi ne, %convert_element_type3A_35, %cond3A_36 : i32
      scf.if %cond3A_37 {
        "tpu.region"() ({
          %run_scoped3A = tpu.sem_alloc : memref<!tpu.dma_semaphore, #tpu.memory_space<semaphore_mem>>
          %dma_start3A = tpu.memref_slice %arg3[%multiple_of3A_27] : memref<1600000xi32, #tpu.memory_space<hbm>> -> memref<10000xi32, #tpu.memory_space<hbm>>
          %dma_start3A_40 = tpu.memref_slice %arg3[%multiple_of3A_27] : memref<1600000xi32, #tpu.memory_space<hbm>> -> memref<10000xi32, #tpu.memory_space<hbm>>
          tpu.enqueue_dma source(%dma_start3A_40 : memref<10000xi32, #tpu.memory_space<hbm>>) target(%arg7 : memref<10000xi32, #tpu.memory_space<vmem>>) target_semaphore(%run_scoped3A : memref<!tpu.dma_semaphore, #tpu.memory_space<semaphore_mem>>)
          %dma_wait3A = tpu.memref_slice %arg3[%multiple_of3A_27] : memref<1600000xi32, #tpu.memory_space<hbm>> -> memref<10000xi32, #tpu.memory_space<hbm>>
          %dma_wait3A_41 = tpu.memref_slice %arg3[%multiple_of3A_27] : memref<1600000xi32, #tpu.memory_space<hbm>> -> memref<10000xi32, #tpu.memory_space<hbm>>
          tpu.wait_dma2 semaphore(%run_scoped3A : memref<!tpu.dma_semaphore, #tpu.memory_space<semaphore_mem>>) src(%dma_wait3A_41 : memref<10000xi32, #tpu.memory_space<hbm>>) dst(%arg7 : memref<10000xi32, #tpu.memory_space<vmem>>)
          tpu.yield
        }) : () -> ()
      } else {
      }
      "tpu.region"() ({
        %run_scoped3A = tpu.sem_alloc : memref<!tpu.dma_semaphore, #tpu.memory_space<semaphore_mem>>
        %dma_start3A = arith.constant 0 : i32
        %dma_start3A_40 = tpu.memref_slice %arg9[%dma_start3A] : memref<50048xf32, #tpu.memory_space<vmem_shared>> -> memref<50048xf32, #tpu.memory_space<vmem_shared>>
        tpu.enqueue_indirect_dma source(%arg8 : memref<10000xf32, #tpu.memory_space<vmem>>) target(%dma_start3A_40 : memref<50048xf32, #tpu.memory_space<vmem_shared>>) offsets(%arg7 : memref<10000xi32, #tpu.memory_space<vmem>>) semaphore(%run_scoped3A : memref<!tpu.dma_semaphore, #tpu.memory_space<semaphore_mem>>) {add = true}
        %dma_wait3A = arith.constant 0 : i32
        %dma_wait3A_41 = tpu.memref_slice %arg9[%dma_wait3A] : memref<50048xf32, #tpu.memory_space<vmem_shared>> -> memref<50048xf32, #tpu.memory_space<vmem_shared>>
        tpu.wait_indirect_dma semaphore(%run_scoped3A : memref<!tpu.dma_semaphore, #tpu.memory_space<semaphore_mem>>) src(%arg8 : memref<10000xf32, #tpu.memory_space<vmem>>) dst(%dma_wait3A_41 : memref<50048xf32, #tpu.memory_space<vmem_shared>>)
        tpu.yield
      }) : () -> ()
      %add3A_38 = arith.constant 10000 : i32
      %add3A_39 = arith.addi %scan3A_26, %add3A_38 : i32
      scf.yield %add3A_39 : i32
    }
    %scan3A_16 = arith.constant 10 : i32
    %barrier3A_17 = arith.constant 0 : index
    tpu.barrier barrier_id(%barrier3A_17)
    %eq3A = arith.constant 0 : i32
    %eq3A_18 = arith.cmpi eq, %arg0, %eq3A : i32
    %convert_element_type3A = arith.extui %eq3A_18 : i1 to i32
    %cond3A = arith.constant 0 : i32
    %cond3A_19 = arith.cmpi ne, %convert_element_type3A, %cond3A : i32
    scf.if %cond3A_19 {
      "tpu.region"() ({
        %run_scoped3A = tpu.sem_alloc : memref<!tpu.dma_semaphore, #tpu.memory_space<semaphore_mem>>
        %dma_start3A = arith.constant 0 : i32
        %dma_start3A_25 = tpu.memref_slice %arg8[%dma_start3A] : memref<10000xf32, #tpu.memory_space<vmem>> -> memref<3128xf32, #tpu.memory_space<vmem>>
        %dma_start3A_26 = tpu.memref_slice %arg9[%multiple_of3A] : memref<50048xf32, #tpu.memory_space<vmem_shared>> -> memref<3128xf32, #tpu.memory_space<vmem_shared>>
        %dma_start3A_27 = arith.constant 0 : i32
        %dma_start3A_28 = tpu.memref_slice %arg8[%dma_start3A_27] : memref<10000xf32, #tpu.memory_space<vmem>> -> memref<3128xf32, #tpu.memory_space<vmem>>
        %dma_start3A_29 = tpu.memref_slice %arg9[%multiple_of3A] : memref<50048xf32, #tpu.memory_space<vmem_shared>> -> memref<3128xf32, #tpu.memory_space<vmem_shared>>
        tpu.enqueue_dma source(%dma_start3A_29 : memref<3128xf32, #tpu.memory_space<vmem_shared>>) target(%dma_start3A_28 : memref<3128xf32, #tpu.memory_space<vmem>>) target_semaphore(%run_scoped3A : memref<!tpu.dma_semaphore, #tpu.memory_space<semaphore_mem>>)
        %dma_wait3A = arith.constant 0 : i32
        %dma_wait3A_30 = tpu.memref_slice %arg8[%dma_wait3A] : memref<10000xf32, #tpu.memory_space<vmem>> -> memref<3128xf32, #tpu.memory_space<vmem>>
        %dma_wait3A_31 = tpu.memref_slice %arg9[%multiple_of3A] : memref<50048xf32, #tpu.memory_space<vmem_shared>> -> memref<3128xf32, #tpu.memory_space<vmem_shared>>
        %dma_wait3A_32 = arith.constant 0 : i32
        %dma_wait3A_33 = tpu.memref_slice %arg8[%dma_wait3A_32] : memref<10000xf32, #tpu.memory_space<vmem>> -> memref<3128xf32, #tpu.memory_space<vmem>>
        %dma_wait3A_34 = tpu.memref_slice %arg9[%multiple_of3A] : memref<50048xf32, #tpu.memory_space<vmem_shared>> -> memref<3128xf32, #tpu.memory_space<vmem_shared>>
        tpu.wait_dma2 semaphore(%run_scoped3A : memref<!tpu.dma_semaphore, #tpu.memory_space<semaphore_mem>>) src(%dma_wait3A_34 : memref<3128xf32, #tpu.memory_space<vmem_shared>>) dst(%dma_wait3A_33 : memref<3128xf32, #tpu.memory_space<vmem>>)
        tpu.yield
      }) : () -> ()
      "tpu.region"() ({
        %run_scoped3A = tpu.sem_alloc : memref<!tpu.dma_semaphore, #tpu.memory_space<semaphore_mem>>
        %dma_start3A = arith.constant 0 : i32
        %dma_start3A_25 = tpu.memref_slice %arg8[%dma_start3A] : memref<10000xf32, #tpu.memory_space<vmem>> -> memref<3128xf32, #tpu.memory_space<vmem>>
        %dma_start3A_26 = tpu.memref_slice %arg5[%multiple_of3A] : memref<50048xf32, #tpu.memory_space<hbm>> -> memref<3128xf32, #tpu.memory_space<hbm>>
        %dma_start3A_27 = tpu.memref_slice %arg5[%multiple_of3A] : memref<50048xf32, #tpu.memory_space<hbm>> -> memref<3128xf32, #tpu.memory_space<hbm>>
        %dma_start3A_28 = arith.constant 0 : i32
        %dma_start3A_29 = tpu.memref_slice %arg8[%dma_start3A_28] : memref<10000xf32, #tpu.memory_space<vmem>> -> memref<3128xf32, #tpu.memory_space<vmem>>
        tpu.enqueue_dma source(%dma_start3A_29 : memref<3128xf32, #tpu.memory_space<vmem>>) target(%dma_start3A_27 : memref<3128xf32, #tpu.memory_space<hbm>>) target_semaphore(%run_scoped3A : memref<!tpu.dma_semaphore, #tpu.memory_space<semaphore_mem>>)
        %dma_wait3A = arith.constant 0 : i32
        %dma_wait3A_30 = tpu.memref_slice %arg8[%dma_wait3A] : memref<10000xf32, #tpu.memory_space<vmem>> -> memref<3128xf32, #tpu.memory_space<vmem>>
        %dma_wait3A_31 = tpu.memref_slice %arg5[%multiple_of3A] : memref<50048xf32, #tpu.memory_space<hbm>> -> memref<3128xf32, #tpu.memory_space<hbm>>
        %dma_wait3A_32 = tpu.memref_slice %arg5[%multiple_of3A] : memref<50048xf32, #tpu.memory_space<hbm>> -> memref<3128xf32, #tpu.memory_space<hbm>>
        %dma_wait3A_33 = arith.constant 0 : i32
        %dma_wait3A_34 = tpu.memref_slice %arg8[%dma_wait3A_33] : memref<10000xf32, #tpu.memory_space<vmem>> -> memref<3128xf32, #tpu.memory_space<vmem>>
        tpu.wait_dma2 semaphore(%run_scoped3A : memref<!tpu.dma_semaphore, #tpu.memory_space<semaphore_mem>>) src(%dma_wait3A_34 : memref<3128xf32, #tpu.memory_space<vmem>>) dst(%dma_wait3A_32 : memref<3128xf32, #tpu.memory_space<hbm>>)
        tpu.yield
      }) : () -> ()
    } else {
    }
    %eq3A_20 = arith.constant 1 : i32
    %eq3A_21 = arith.cmpi eq, %arg0, %eq3A_20 : i32
    %convert_element_type3A_22 = arith.extui %eq3A_21 : i1 to i32
    %cond3A_23 = arith.constant 0 : i32
    %cond3A_24 = arith.cmpi ne, %convert_element_type3A_22, %cond3A_23 : i32
    scf.if %cond3A_24 {
      "tpu.region"() ({
        %run_scoped3A = tpu.sem_alloc : memref<!tpu.dma_semaphore, #tpu.memory_space<semaphore_mem>>
        %dma_start3A = arith.constant 0 : i32
        %dma_start3A_25 = tpu.memref_slice %arg8[%dma_start3A] : memref<10000xf32, #tpu.memory_space<vmem>> -> memref<3128xf32, #tpu.memory_space<vmem>>
        %dma_start3A_26 = tpu.memref_slice %arg9[%multiple_of3A] : memref<50048xf32, #tpu.memory_space<vmem_shared>> -> memref<3128xf32, #tpu.memory_space<vmem_shared>>
        %dma_start3A_27 = arith.constant 0 : i32
        %dma_start3A_28 = tpu.memref_slice %arg8[%dma_start3A_27] : memref<10000xf32, #tpu.memory_space<vmem>> -> memref<3128xf32, #tpu.memory_space<vmem>>
        %dma_start3A_29 = tpu.memref_slice %arg9[%multiple_of3A] : memref<50048xf32, #tpu.memory_space<vmem_shared>> -> memref<3128xf32, #tpu.memory_space<vmem_shared>>
        tpu.enqueue_dma source(%dma_start3A_29 : memref<3128xf32, #tpu.memory_space<vmem_shared>>) target(%dma_start3A_28 : memref<3128xf32, #tpu.memory_space<vmem>>) target_semaphore(%run_scoped3A : memref<!tpu.dma_semaphore, #tpu.memory_space<semaphore_mem>>)
        %dma_wait3A = arith.constant 0 : i32
        %dma_wait3A_30 = tpu.memref_slice %arg8[%dma_wait3A] : memref<10000xf32, #tpu.memory_space<vmem>> -> memref<3128xf32, #tpu.memory_space<vmem>>
        %dma_wait3A_31 = tpu.memref_slice %arg9[%multiple_of3A] : memref<50048xf32, #tpu.memory_space<vmem_shared>> -> memref<3128xf32, #tpu.memory_space<vmem_shared>>
        %dma_wait3A_32 = arith.constant 0 : i32
        %dma_wait3A_33 = tpu.memref_slice %arg8[%dma_wait3A_32] : memref<10000xf32, #tpu.memory_space<vmem>> -> memref<3128xf32, #tpu.memory_space<vmem>>
        %dma_wait3A_34 = tpu.memref_slice %arg9[%multiple_of3A] : memref<50048xf32, #tpu.memory_space<vmem_shared>> -> memref<3128xf32, #tpu.memory_space<vmem_shared>>
        tpu.wait_dma2 semaphore(%run_scoped3A : memref<!tpu.dma_semaphore, #tpu.memory_space<semaphore_mem>>) src(%dma_wait3A_34 : memref<3128xf32, #tpu.memory_space<vmem_shared>>) dst(%dma_wait3A_33 : memref<3128xf32, #tpu.memory_space<vmem>>)
        tpu.yield
      }) : () -> ()
      "tpu.region"() ({
        %run_scoped3A = tpu.sem_alloc : memref<!tpu.dma_semaphore, #tpu.memory_space<semaphore_mem>>
        %dma_start3A = arith.constant 0 : i32
        %dma_start3A_25 = tpu.memref_slice %arg8[%dma_start3A] : memref<10000xf32, #tpu.memory_space<vmem>> -> memref<3128xf32, #tpu.memory_space<vmem>>
        %dma_start3A_26 = tpu.memref_slice %arg6[%multiple_of3A] : memref<50048xf32, #tpu.memory_space<hbm>> -> memref<3128xf32, #tpu.memory_space<hbm>>
        %dma_start3A_27 = tpu.memref_slice %arg6[%multiple_of3A] : memref<50048xf32, #tpu.memory_space<hbm>> -> memref<3128xf32, #tpu.memory_space<hbm>>
        %dma_start3A_28 = arith.constant 0 : i32
        %dma_start3A_29 = tpu.memref_slice %arg8[%dma_start3A_28] : memref<10000xf32, #tpu.memory_space<vmem>> -> memref<3128xf32, #tpu.memory_space<vmem>>
        tpu.enqueue_dma source(%dma_start3A_29 : memref<3128xf32, #tpu.memory_space<vmem>>) target(%dma_start3A_27 : memref<3128xf32, #tpu.memory_space<hbm>>) target_semaphore(%run_scoped3A : memref<!tpu.dma_semaphore, #tpu.memory_space<semaphore_mem>>)
        %dma_wait3A = arith.constant 0 : i32
        %dma_wait3A_30 = tpu.memref_slice %arg8[%dma_wait3A] : memref<10000xf32, #tpu.memory_space<vmem>> -> memref<3128xf32, #tpu.memory_space<vmem>>
        %dma_wait3A_31 = tpu.memref_slice %arg6[%multiple_of3A] : memref<50048xf32, #tpu.memory_space<hbm>> -> memref<3128xf32, #tpu.memory_space<hbm>>
        %dma_wait3A_32 = tpu.memref_slice %arg6[%multiple_of3A] : memref<50048xf32, #tpu.memory_space<hbm>> -> memref<3128xf32, #tpu.memory_space<hbm>>
        %dma_wait3A_33 = arith.constant 0 : i32
        %dma_wait3A_34 = tpu.memref_slice %arg8[%dma_wait3A_33] : memref<10000xf32, #tpu.memory_space<vmem>> -> memref<3128xf32, #tpu.memory_space<vmem>>
        tpu.wait_dma2 semaphore(%run_scoped3A : memref<!tpu.dma_semaphore, #tpu.memory_space<semaphore_mem>>) src(%dma_wait3A_34 : memref<3128xf32, #tpu.memory_space<vmem>>) dst(%dma_wait3A_32 : memref<3128xf32, #tpu.memory_space<hbm>>)
        tpu.yield
      }) : () -> ()
    } else {
    }
    return
  }
}

#map = affine_map<(d0, d1) -> (0)>
module attributes {stable_mosaic.version = 14 : i64} {
  func.func @_sel_body(%arg0: i32, %arg1: i32, %arg2: memref<1600000xi32, #tpu.memory_space<hbm>>, %arg3: memref<1600000xi32, #tpu.memory_space<hbm>>, %arg4: memref<1600000xf32, #tpu.memory_space<hbm>>, %arg5: memref<1600000xf32, #tpu.memory_space<hbm>>, %arg6: memref<800000xi32, #tpu.memory_space<hbm>>, %arg7: memref<800000xi32, #tpu.memory_space<hbm>>, %arg8: memref<800000xi32, #tpu.memory_space<hbm>>, %arg9: memref<800000xf32, #tpu.memory_space<hbm>>, %arg10: memref<800000xf32, #tpu.memory_space<hbm>>, %arg11: memref<25000xi32, #tpu.memory_space<vmem>>, %arg12: memref<25000xi32, #tpu.memory_space<vmem>>, %arg13: memref<25000xi32, #tpu.memory_space<vmem>>, %arg14: memref<25000xf32, #tpu.memory_space<vmem>>, %arg15: memref<25000xf32, #tpu.memory_space<vmem>>, %arg16: memref<!tpu.dma_semaphore, #tpu.memory_space<semaphore_mem>>) attributes {dimension_semantics = [#tpu.dimension_semantics<core_parallel>, #tpu.dimension_semantics<subcore_parallel>], iteration_bounds = array<i64: 2, 16>, scalar_prefetch = 0 : i64, scratch_operands = 6 : i64, tpu.core_type = #tpu.core_type<sc_vector_subcore>, window_params = [{transform_indices = #map}, {transform_indices = #map}, {transform_indices = #map}, {transform_indices = #map}, {transform_indices = #map}, {transform_indices = #map}, {transform_indices = #map}, {transform_indices = #map}, {transform_indices = #map}]} {
    %mul3A = arith.constant 2 : i32
    %mul3A_0 = arith.muli %arg1, %mul3A : i32
    %add3A = arith.addi %mul3A_0, %arg0 : i32
    %mul3A_1 = arith.constant 25000 : i32
    %mul3A_2 = arith.muli %add3A, %mul3A_1 : i32
    %multiple_of3A = tpu.assume_multiple %mul3A_2, 8 : i32
    "tpu.region"() ({
      %run_scoped3A = tpu.sem_alloc : memref<!tpu.dma_semaphore, #tpu.memory_space<semaphore_mem>>
      %dma_start3A_17 = tpu.memref_slice %arg6[%multiple_of3A] : memref<800000xi32, #tpu.memory_space<hbm>> -> memref<25000xi32, #tpu.memory_space<hbm>>
      %dma_start3A_18 = tpu.memref_slice %arg6[%multiple_of3A] : memref<800000xi32, #tpu.memory_space<hbm>> -> memref<25000xi32, #tpu.memory_space<hbm>>
      tpu.enqueue_dma source(%dma_start3A_18 : memref<25000xi32, #tpu.memory_space<hbm>>) target(%arg11 : memref<25000xi32, #tpu.memory_space<vmem>>) target_semaphore(%run_scoped3A : memref<!tpu.dma_semaphore, #tpu.memory_space<semaphore_mem>>)
      %dma_wait3A_19 = tpu.memref_slice %arg6[%multiple_of3A] : memref<800000xi32, #tpu.memory_space<hbm>> -> memref<25000xi32, #tpu.memory_space<hbm>>
      %dma_wait3A_20 = tpu.memref_slice %arg6[%multiple_of3A] : memref<800000xi32, #tpu.memory_space<hbm>> -> memref<25000xi32, #tpu.memory_space<hbm>>
      tpu.wait_dma2 semaphore(%run_scoped3A : memref<!tpu.dma_semaphore, #tpu.memory_space<semaphore_mem>>) src(%dma_wait3A_20 : memref<25000xi32, #tpu.memory_space<hbm>>) dst(%arg11 : memref<25000xi32, #tpu.memory_space<vmem>>)
      tpu.yield
    }) : () -> ()
    %dma_start3A = arith.constant 0 : i32
    %dma_start3A_3 = tpu.memref_slice %arg2[%dma_start3A] : memref<1600000xi32, #tpu.memory_space<hbm>> -> memref<1600000xi32, #tpu.memory_space<hbm>>
    tpu.enqueue_indirect_dma source(%dma_start3A_3 : memref<1600000xi32, #tpu.memory_space<hbm>>) target(%arg12 : memref<25000xi32, #tpu.memory_space<vmem>>) offsets(%arg11 : memref<25000xi32, #tpu.memory_space<vmem>>) semaphore(%arg16 : memref<!tpu.dma_semaphore, #tpu.memory_space<semaphore_mem>>)
    %dma_wait3A = arith.constant 0 : i32
    %dma_wait3A_4 = tpu.memref_slice %arg2[%dma_wait3A] : memref<1600000xi32, #tpu.memory_space<hbm>> -> memref<1600000xi32, #tpu.memory_space<hbm>>
    tpu.wait_indirect_dma semaphore(%arg16 : memref<!tpu.dma_semaphore, #tpu.memory_space<semaphore_mem>>) src(%dma_wait3A_4 : memref<1600000xi32, #tpu.memory_space<hbm>>) dst(%arg12 : memref<25000xi32, #tpu.memory_space<vmem>>)
    %dma_start3A_5 = arith.constant 0 : i32
    %dma_start3A_6 = tpu.memref_slice %arg3[%dma_start3A_5] : memref<1600000xi32, #tpu.memory_space<hbm>> -> memref<1600000xi32, #tpu.memory_space<hbm>>
    tpu.enqueue_indirect_dma source(%dma_start3A_6 : memref<1600000xi32, #tpu.memory_space<hbm>>) target(%arg13 : memref<25000xi32, #tpu.memory_space<vmem>>) offsets(%arg11 : memref<25000xi32, #tpu.memory_space<vmem>>) semaphore(%arg16 : memref<!tpu.dma_semaphore, #tpu.memory_space<semaphore_mem>>)
    %dma_wait3A_7 = arith.constant 0 : i32
    %dma_wait3A_8 = tpu.memref_slice %arg3[%dma_wait3A_7] : memref<1600000xi32, #tpu.memory_space<hbm>> -> memref<1600000xi32, #tpu.memory_space<hbm>>
    tpu.wait_indirect_dma semaphore(%arg16 : memref<!tpu.dma_semaphore, #tpu.memory_space<semaphore_mem>>) src(%dma_wait3A_8 : memref<1600000xi32, #tpu.memory_space<hbm>>) dst(%arg13 : memref<25000xi32, #tpu.memory_space<vmem>>)
    %dma_start3A_9 = arith.constant 0 : i32
    %dma_start3A_10 = tpu.memref_slice %arg4[%dma_start3A_9] : memref<1600000xf32, #tpu.memory_space<hbm>> -> memref<1600000xf32, #tpu.memory_space<hbm>>
    tpu.enqueue_indirect_dma source(%dma_start3A_10 : memref<1600000xf32, #tpu.memory_space<hbm>>) target(%arg14 : memref<25000xf32, #tpu.memory_space<vmem>>) offsets(%arg11 : memref<25000xi32, #tpu.memory_space<vmem>>) semaphore(%arg16 : memref<!tpu.dma_semaphore, #tpu.memory_space<semaphore_mem>>)
    %dma_wait3A_11 = arith.constant 0 : i32
    %dma_wait3A_12 = tpu.memref_slice %arg4[%dma_wait3A_11] : memref<1600000xf32, #tpu.memory_space<hbm>> -> memref<1600000xf32, #tpu.memory_space<hbm>>
    tpu.wait_indirect_dma semaphore(%arg16 : memref<!tpu.dma_semaphore, #tpu.memory_space<semaphore_mem>>) src(%dma_wait3A_12 : memref<1600000xf32, #tpu.memory_space<hbm>>) dst(%arg14 : memref<25000xf32, #tpu.memory_space<vmem>>)
    %dma_start3A_13 = arith.constant 0 : i32
    %dma_start3A_14 = tpu.memref_slice %arg5[%dma_start3A_13] : memref<1600000xf32, #tpu.memory_space<hbm>> -> memref<1600000xf32, #tpu.memory_space<hbm>>
    tpu.enqueue_indirect_dma source(%dma_start3A_14 : memref<1600000xf32, #tpu.memory_space<hbm>>) target(%arg15 : memref<25000xf32, #tpu.memory_space<vmem>>) offsets(%arg11 : memref<25000xi32, #tpu.memory_space<vmem>>) semaphore(%arg16 : memref<!tpu.dma_semaphore, #tpu.memory_space<semaphore_mem>>)
    %dma_wait3A_15 = arith.constant 0 : i32
    %dma_wait3A_16 = tpu.memref_slice %arg5[%dma_wait3A_15] : memref<1600000xf32, #tpu.memory_space<hbm>> -> memref<1600000xf32, #tpu.memory_space<hbm>>
    tpu.wait_indirect_dma semaphore(%arg16 : memref<!tpu.dma_semaphore, #tpu.memory_space<semaphore_mem>>) src(%dma_wait3A_16 : memref<1600000xf32, #tpu.memory_space<hbm>>) dst(%arg15 : memref<25000xf32, #tpu.memory_space<vmem>>)
    "tpu.region"() ({
      %run_scoped3A = tpu.sem_alloc : memref<!tpu.dma_semaphore, #tpu.memory_space<semaphore_mem>>
      %dma_start3A_17 = tpu.memref_slice %arg7[%multiple_of3A] : memref<800000xi32, #tpu.memory_space<hbm>> -> memref<25000xi32, #tpu.memory_space<hbm>>
      %dma_start3A_18 = tpu.memref_slice %arg7[%multiple_of3A] : memref<800000xi32, #tpu.memory_space<hbm>> -> memref<25000xi32, #tpu.memory_space<hbm>>
      tpu.enqueue_dma source(%arg12 : memref<25000xi32, #tpu.memory_space<vmem>>) target(%dma_start3A_18 : memref<25000xi32, #tpu.memory_space<hbm>>) target_semaphore(%run_scoped3A : memref<!tpu.dma_semaphore, #tpu.memory_space<semaphore_mem>>)
      %dma_wait3A_19 = tpu.memref_slice %arg7[%multiple_of3A] : memref<800000xi32, #tpu.memory_space<hbm>> -> memref<25000xi32, #tpu.memory_space<hbm>>
      %dma_wait3A_20 = tpu.memref_slice %arg7[%multiple_of3A] : memref<800000xi32, #tpu.memory_space<hbm>> -> memref<25000xi32, #tpu.memory_space<hbm>>
      tpu.wait_dma2 semaphore(%run_scoped3A : memref<!tpu.dma_semaphore, #tpu.memory_space<semaphore_mem>>) src(%arg12 : memref<25000xi32, #tpu.memory_space<vmem>>) dst(%dma_wait3A_20 : memref<25000xi32, #tpu.memory_space<hbm>>)
      tpu.yield
    }) : () -> ()
    "tpu.region"() ({
      %run_scoped3A = tpu.sem_alloc : memref<!tpu.dma_semaphore, #tpu.memory_space<semaphore_mem>>
      %dma_start3A_17 = tpu.memref_slice %arg8[%multiple_of3A] : memref<800000xi32, #tpu.memory_space<hbm>> -> memref<25000xi32, #tpu.memory_space<hbm>>
      %dma_start3A_18 = tpu.memref_slice %arg8[%multiple_of3A] : memref<800000xi32, #tpu.memory_space<hbm>> -> memref<25000xi32, #tpu.memory_space<hbm>>
      tpu.enqueue_dma source(%arg13 : memref<25000xi32, #tpu.memory_space<vmem>>) target(%dma_start3A_18 : memref<25000xi32, #tpu.memory_space<hbm>>) target_semaphore(%run_scoped3A : memref<!tpu.dma_semaphore, #tpu.memory_space<semaphore_mem>>)
      %dma_wait3A_19 = tpu.memref_slice %arg8[%multiple_of3A] : memref<800000xi32, #tpu.memory_space<hbm>> -> memref<25000xi32, #tpu.memory_space<hbm>>
      %dma_wait3A_20 = tpu.memref_slice %arg8[%multiple_of3A] : memref<800000xi32, #tpu.memory_space<hbm>> -> memref<25000xi32, #tpu.memory_space<hbm>>
      tpu.wait_dma2 semaphore(%run_scoped3A : memref<!tpu.dma_semaphore, #tpu.memory_space<semaphore_mem>>) src(%arg13 : memref<25000xi32, #tpu.memory_space<vmem>>) dst(%dma_wait3A_20 : memref<25000xi32, #tpu.memory_space<hbm>>)
      tpu.yield
    }) : () -> ()
    "tpu.region"() ({
      %run_scoped3A = tpu.sem_alloc : memref<!tpu.dma_semaphore, #tpu.memory_space<semaphore_mem>>
      %dma_start3A_17 = tpu.memref_slice %arg9[%multiple_of3A] : memref<800000xf32, #tpu.memory_space<hbm>> -> memref<25000xf32, #tpu.memory_space<hbm>>
      %dma_start3A_18 = tpu.memref_slice %arg9[%multiple_of3A] : memref<800000xf32, #tpu.memory_space<hbm>> -> memref<25000xf32, #tpu.memory_space<hbm>>
      tpu.enqueue_dma source(%arg14 : memref<25000xf32, #tpu.memory_space<vmem>>) target(%dma_start3A_18 : memref<25000xf32, #tpu.memory_space<hbm>>) target_semaphore(%run_scoped3A : memref<!tpu.dma_semaphore, #tpu.memory_space<semaphore_mem>>)
      %dma_wait3A_19 = tpu.memref_slice %arg9[%multiple_of3A] : memref<800000xf32, #tpu.memory_space<hbm>> -> memref<25000xf32, #tpu.memory_space<hbm>>
      %dma_wait3A_20 = tpu.memref_slice %arg9[%multiple_of3A] : memref<800000xf32, #tpu.memory_space<hbm>> -> memref<25000xf32, #tpu.memory_space<hbm>>
      tpu.wait_dma2 semaphore(%run_scoped3A : memref<!tpu.dma_semaphore, #tpu.memory_space<semaphore_mem>>) src(%arg14 : memref<25000xf32, #tpu.memory_space<vmem>>) dst(%dma_wait3A_20 : memref<25000xf32, #tpu.memory_space<hbm>>)
      tpu.yield
    }) : () -> ()
    "tpu.region"() ({
      %run_scoped3A = tpu.sem_alloc : memref<!tpu.dma_semaphore, #tpu.memory_space<semaphore_mem>>
      %dma_start3A_17 = tpu.memref_slice %arg10[%multiple_of3A] : memref<800000xf32, #tpu.memory_space<hbm>> -> memref<25000xf32, #tpu.memory_space<hbm>>
      %dma_start3A_18 = tpu.memref_slice %arg10[%multiple_of3A] : memref<800000xf32, #tpu.memory_space<hbm>> -> memref<25000xf32, #tpu.memory_space<hbm>>
      tpu.enqueue_dma source(%arg15 : memref<25000xf32, #tpu.memory_space<vmem>>) target(%dma_start3A_18 : memref<25000xf32, #tpu.memory_space<hbm>>) target_semaphore(%run_scoped3A : memref<!tpu.dma_semaphore, #tpu.memory_space<semaphore_mem>>)
      %dma_wait3A_19 = tpu.memref_slice %arg10[%multiple_of3A] : memref<800000xf32, #tpu.memory_space<hbm>> -> memref<25000xf32, #tpu.memory_space<hbm>>
      %dma_wait3A_20 = tpu.memref_slice %arg10[%multiple_of3A] : memref<800000xf32, #tpu.memory_space<hbm>> -> memref<25000xf32, #tpu.memory_space<hbm>>
      tpu.wait_dma2 semaphore(%run_scoped3A : memref<!tpu.dma_semaphore, #tpu.memory_space<semaphore_mem>>) src(%arg15 : memref<25000xf32, #tpu.memory_space<vmem>>) dst(%dma_wait3A_20 : memref<25000xf32, #tpu.memory_space<hbm>>)
      tpu.yield
    }) : () -> ()
    return
  }
}

#map = affine_map<(d0, d1) -> (0)>
module attributes {stable_mosaic.version = 14 : i64} {
  func.func @_sort_body(%arg0: i32, %arg1: i32, %arg2: memref<1600000xi32, #tpu.memory_space<hbm>>, %arg3: memref<1600000xi32, #tpu.memory_space<hbm>>, %arg4: memref<1600000xi32, #tpu.memory_space<hbm>>, %arg5: memref<4000xi32, #tpu.memory_space<vmem>>, %arg6: memref<4000xi32, #tpu.memory_space<vmem>>, %arg7: memref<256xi32, #tpu.memory_space<vmem>>, %arg8: memref<4000xi32, #tpu.memory_space<vmem>>, %arg9: memref<4000xi32, #tpu.memory_space<vmem>>, %arg10: memref<4096xi32, #tpu.memory_space<vmem>>, %arg11: memref<256xi32, #tpu.memory_space<vmem>>, %arg12: memref<16x256xi32, #tpu.memory_space<vmem>>, %arg13: memref<16xi32, #tpu.memory_space<vmem>>, %arg14: memref<16x256xi32, #tpu.memory_space<vmem_shared>>, %arg15: memref<1600000xi32, #tpu.memory_space<vmem_shared>>, %arg16: memref<!tpu.dma_semaphore, #tpu.memory_space<semaphore_mem>>) attributes {dimension_semantics = [#tpu.dimension_semantics<core_parallel>, #tpu.dimension_semantics<subcore_parallel>], iteration_bounds = array<i64: 2, 16>, scalar_prefetch = 0 : i64, scratch_operands = 12 : i64, tpu.core_type = #tpu.core_type<sc_vector_subcore>, window_params = [{transform_indices = #map}, {transform_indices = #map}, {transform_indices = #map}]} {
    %eq3A = arith.constant 0 : i32
    %eq3A_0 = arith.cmpi eq, %arg0, %eq3A : i32
    %convert_element_type3A = arith.extui %eq3A_0 : i1 to i32
    %cond3A = arith.constant 0 : i32
    %cond3A_1 = arith.cmpi ne, %convert_element_type3A, %cond3A : i32
    scf.if %cond3A_1 {
      %iota3A = tpu.iota {dimensions = array<i32: 0>} : vector<16xi32>
      %mul3A = arith.constant 100000 : i32
      %mul3A_2 = arith.muli %arg1, %mul3A : i32
      %broadcast_in_dim3A = arith.constant 0 : i32
      %broadcast_in_dim3A_3 = vector.broadcast %broadcast_in_dim3A : i32 to vector<16xi32>
      %broadcast_in_dim3A_4 = arith.constant 1 : i32
      %broadcast_in_dim3A_5 = vector.broadcast %broadcast_in_dim3A_4 : i32 to vector<16xi32>
      %scan3A = arith.constant 0 : i32
      %scan3A_6 = arith.constant 0 : i32
      %scan3A_7 = arith.constant 256 : i32
      %scan3A_8 = arith.addi %scan3A_6, %scan3A_7 : i32
      %scan3A_9 = arith.constant 1 : i32
      %scan3A_10 = scf.for %scan3A_243 = %scan3A_6 to %scan3A_8 step %scan3A_9 iter_args(%scan3A_244 = %scan3A) -> (i32)  : i32 {
        %swap3A = arith.index_cast %scan3A_244 : i32 to index
        %swap3A_245 = tpu.vector_load %arg10[%swap3A] {strides = array<i32>} : memref<4096xi32, #tpu.memory_space<vmem>>, vector<16xi32>,
        tpu.vector_store %arg10[%swap3A], %broadcast_in_dim3A_3 {strides = array<i32>} : memref<4096xi32, #tpu.memory_space<vmem>>, vector<16xi32>,
        %add3A = arith.constant 16 : i32
        %add3A_246 = arith.addi %scan3A_244, %add3A : i32
        scf.yield %add3A_246 : i32
      }
      %scan3A_11 = arith.constant 256 : i32
      %scan3A_12 = arith.constant 0 : i32
      %scan3A_13 = arith.constant 0 : i32
      %scan3A_14 = arith.constant 0 : i32
      %scan3A_15 = arith.constant 25 : i32
      %scan3A_16 = arith.addi %scan3A_14, %scan3A_15 : i32
      %scan3A_17 = arith.constant 1 : i32
      %scan3A_18 = scf.for %scan3A_243 = %scan3A_14 to %scan3A_16 step %scan3A_17 iter_args(%scan3A_244 = %scan3A_13) -> (i32)  : i32 {
        %add3A = arith.addi %mul3A_2, %scan3A_244 : i32
        %multiple_of3A = tpu.assume_multiple %add3A, 8 : i32
        "tpu.region"() ({
          %run_scoped3A = tpu.sem_alloc : memref<!tpu.dma_semaphore, #tpu.memory_space<semaphore_mem>>
          %dma_start3A_256 = tpu.memref_slice %arg3[%multiple_of3A] : memref<1600000xi32, #tpu.memory_space<hbm>> -> memref<4000xi32, #tpu.memory_space<hbm>>
          %dma_start3A_257 = tpu.memref_slice %arg3[%multiple_of3A] : memref<1600000xi32, #tpu.memory_space<hbm>> -> memref<4000xi32, #tpu.memory_space<hbm>>
          tpu.enqueue_dma source(%dma_start3A_257 : memref<4000xi32, #tpu.memory_space<hbm>>) target(%arg6 : memref<4000xi32, #tpu.memory_space<vmem>>) target_semaphore(%run_scoped3A : memref<!tpu.dma_semaphore, #tpu.memory_space<semaphore_mem>>)
          %dma_wait3A_258 = tpu.memref_slice %arg3[%multiple_of3A] : memref<1600000xi32, #tpu.memory_space<hbm>> -> memref<4000xi32, #tpu.memory_space<hbm>>
          %dma_wait3A_259 = tpu.memref_slice %arg3[%multiple_of3A] : memref<1600000xi32, #tpu.memory_space<hbm>> -> memref<4000xi32, #tpu.memory_space<hbm>>
          tpu.wait_dma2 semaphore(%run_scoped3A : memref<!tpu.dma_semaphore, #tpu.memory_space<semaphore_mem>>) src(%dma_wait3A_259 : memref<4000xi32, #tpu.memory_space<hbm>>) dst(%arg6 : memref<4000xi32, #tpu.memory_space<vmem>>)
          tpu.yield
        }) : () -> ()
        %dma_start3A = arith.constant 0 : i32
        %dma_start3A_245 = tpu.memref_slice %arg2[%dma_start3A] : memref<1600000xi32, #tpu.memory_space<hbm>> -> memref<1600000xi32, #tpu.memory_space<hbm>>
        tpu.enqueue_indirect_dma source(%dma_start3A_245 : memref<1600000xi32, #tpu.memory_space<hbm>>) target(%arg5 : memref<4000xi32, #tpu.memory_space<vmem>>) offsets(%arg6 : memref<4000xi32, #tpu.memory_space<vmem>>) semaphore(%arg16 : memref<!tpu.dma_semaphore, #tpu.memory_space<semaphore_mem>>)
        %dma_wait3A = arith.constant 0 : i32
        %dma_wait3A_246 = tpu.memref_slice %arg2[%dma_wait3A] : memref<1600000xi32, #tpu.memory_space<hbm>> -> memref<1600000xi32, #tpu.memory_space<hbm>>
        tpu.wait_indirect_dma semaphore(%arg16 : memref<!tpu.dma_semaphore, #tpu.memory_space<semaphore_mem>>) src(%dma_wait3A_246 : memref<1600000xi32, #tpu.memory_space<hbm>>) dst(%arg5 : memref<4000xi32, #tpu.memory_space<vmem>>)
        %scan3A_247 = arith.constant 0 : i32
        %scan3A_248 = arith.constant 0 : i32
        %scan3A_249 = arith.constant 250 : i32
        %scan3A_250 = arith.addi %scan3A_248, %scan3A_249 : i32
        %scan3A_251 = arith.constant 1 : i32
        %scan3A_252 = scf.for %scan3A_256 = %scan3A_248 to %scan3A_250 step %scan3A_251 iter_args(%scan3A_257 = %scan3A_247) -> (i32)  : i32 {
          %get3A = arith.index_cast %scan3A_257 : i32 to index
          %get3A_258 = tpu.vector_load %arg5[%get3A] {strides = array<i32>} : memref<4000xi32, #tpu.memory_space<vmem>>, vector<16xi32>,
          %shift_right_logical3A = vector.broadcast %scan3A_12 : i32 to vector<16xi32>
          %shift_right_logical3A_259 = arith.shrui %get3A_258, %shift_right_logical3A : vector<16xi32>
          %and3A = arith.constant 255 : i32
          %and3A_260 = vector.broadcast %and3A : i32 to vector<16xi32>
          %and3A_261 = arith.andi %shift_right_logical3A_259, %and3A_260 : vector<16xi32>
          %mul3A_262 = arith.constant 256 : i32
          %mul3A_263 = vector.broadcast %mul3A_262 : i32 to vector<16xi32>
          %mul3A_264 = arith.muli %iota3A, %mul3A_263 : vector<16xi32>
          %add3A_265 = arith.addi %mul3A_264, %and3A_261 : vector<16xi32>
          tpu.vector_store_idx %arg10[%add3A_265], %broadcast_in_dim3A_5 {add = true} : memref<4096xi32, #tpu.memory_space<vmem>>[vector<16xi32>], vector<16xi32>,
          %add3A_266 = arith.constant 16 : i32
          %add3A_267 = arith.addi %scan3A_257, %add3A_266 : i32
          scf.yield %add3A_267 : i32
        }
        %scan3A_253 = arith.constant 250 : i32
        %add3A_254 = arith.constant 4000 : i32
        %add3A_255 = arith.addi %scan3A_244, %add3A_254 : i32
        scf.yield %add3A_255 : i32
      }
      %scan3A_19 = arith.constant 25 : i32
      %scan3A_20 = arith.constant 0 : i32
      %scan3A_21 = arith.constant 0 : i32
      %scan3A_22 = arith.constant 16 : i32
      %scan3A_23 = arith.addi %scan3A_21, %scan3A_22 : i32
      %scan3A_24 = arith.constant 1 : i32
      %scan3A_25 = scf.for %scan3A_243 = %scan3A_21 to %scan3A_23 step %scan3A_24 iter_args(%scan3A_244 = %scan3A_20) -> (i32)  : i32 {
        %scan3A_245 = arith.constant 0 : i32
        %scan3A_246 = arith.constant 0 : i32
        %scan3A_247 = arith.constant 16 : i32
        %scan3A_248 = arith.addi %scan3A_246, %scan3A_247 : i32
        %scan3A_249 = arith.constant 1 : i32
        %scan3A_250:2 = scf.for %scan3A_254 = %scan3A_246 to %scan3A_248 step %scan3A_249 iter_args(%scan3A_255 = %scan3A_245, %scan3A_256 = %broadcast_in_dim3A_3) -> (i32, vector<16xi32>)  : i32 {
          %add3A_257 = arith.constant 256 : i32
          %add3A_258 = arith.addi %scan3A_255, %add3A_257 : i32
          %add3A_259 = arith.addi %scan3A_255, %scan3A_244 : i32
          %get3A = arith.index_cast %add3A_259 : i32 to index
          %get3A_260 = tpu.vector_load %arg10[%get3A] {strides = array<i32>} : memref<4096xi32, #tpu.memory_space<vmem>>, vector<16xi32>,
          %add3A_261 = arith.addi %scan3A_256, %get3A_260 : vector<16xi32>
          scf.yield %add3A_258, %add3A_261 : i32, vector<16xi32>
        }
        %scan3A_251 = arith.constant 16 : i32
        %swap3A = arith.index_cast %scan3A_244 : i32 to index
        %swap3A_252 = tpu.vector_load %arg7[%swap3A] {strides = array<i32>} : memref<256xi32, #tpu.memory_space<vmem>>, vector<16xi32>,
        tpu.vector_store %arg7[%swap3A], %scan3A_250#1 {strides = array<i32>} : memref<256xi32, #tpu.memory_space<vmem>>, vector<16xi32>,
        %add3A = arith.constant 16 : i32
        %add3A_253 = arith.addi %scan3A_244, %add3A : i32
        scf.yield %add3A_253 : i32
      }
      %scan3A_26 = arith.constant 16 : i32
      "tpu.region"() ({
        %run_scoped3A = tpu.sem_alloc : memref<!tpu.dma_semaphore, #tpu.memory_space<semaphore_mem>>
        %dma_start3A = arith.constant 0 : i32
        %dma_start3A_243 = tpu.memref_slice %arg7[%dma_start3A] : memref<256xi32, #tpu.memory_space<vmem>> -> memref<256xi32, #tpu.memory_space<vmem>>
        %dma_start3A_244 = arith.constant 0 : i32
        %dma_start3A_245 = tpu.memref_slice %arg14[%arg1, %dma_start3A_244] : memref<16x256xi32, #tpu.memory_space<vmem_shared>> -> memref<1x256xi32, #tpu.memory_space<vmem_shared>>
        %dma_start3A_246 = tpu.memref_squeeze %dma_start3A_245 : memref<1x256xi32, #tpu.memory_space<vmem_shared>> -> memref<256xi32, #tpu.memory_space<vmem_shared>>
        %dma_start3A_247 = arith.constant 0 : i32
        %dma_start3A_248 = tpu.memref_slice %arg14[%arg1, %dma_start3A_247] : memref<16x256xi32, #tpu.memory_space<vmem_shared>> -> memref<1x256xi32, #tpu.memory_space<vmem_shared>>
        %dma_start3A_249 = tpu.memref_squeeze %dma_start3A_248 : memref<1x256xi32, #tpu.memory_space<vmem_shared>> -> memref<256xi32, #tpu.memory_space<vmem_shared>>
        %dma_start3A_250 = arith.constant 0 : i32
        %dma_start3A_251 = tpu.memref_slice %arg7[%dma_start3A_250] : memref<256xi32, #tpu.memory_space<vmem>> -> memref<256xi32, #tpu.memory_space<vmem>>
        tpu.enqueue_dma source(%dma_start3A_251 : memref<256xi32, #tpu.memory_space<vmem>>) target(%dma_start3A_249 : memref<256xi32, #tpu.memory_space<vmem_shared>>) target_semaphore(%run_scoped3A : memref<!tpu.dma_semaphore, #tpu.memory_space<semaphore_mem>>)
        %dma_wait3A = arith.constant 0 : i32
        %dma_wait3A_252 = tpu.memref_slice %arg7[%dma_wait3A] : memref<256xi32, #tpu.memory_space<vmem>> -> memref<256xi32, #tpu.memory_space<vmem>>
        %dma_wait3A_253 = arith.constant 0 : i32
        %dma_wait3A_254 = tpu.memref_slice %arg14[%arg1, %dma_wait3A_253] : memref<16x256xi32, #tpu.memory_space<vmem_shared>> -> memref<1x256xi32, #tpu.memory_space<vmem_shared>>
        %dma_wait3A_255 = tpu.memref_squeeze %dma_wait3A_254 : memref<1x256xi32, #tpu.memory_space<vmem_shared>> -> memref<256xi32, #tpu.memory_space<vmem_shared>>
        %dma_wait3A_256 = arith.constant 0 : i32
        %dma_wait3A_257 = tpu.memref_slice %arg14[%arg1, %dma_wait3A_256] : memref<16x256xi32, #tpu.memory_space<vmem_shared>> -> memref<1x256xi32, #tpu.memory_space<vmem_shared>>
        %dma_wait3A_258 = tpu.memref_squeeze %dma_wait3A_257 : memref<1x256xi32, #tpu.memory_space<vmem_shared>> -> memref<256xi32, #tpu.memory_space<vmem_shared>>
        %dma_wait3A_259 = arith.constant 0 : i32
        %dma_wait3A_260 = tpu.memref_slice %arg7[%dma_wait3A_259] : memref<256xi32, #tpu.memory_space<vmem>> -> memref<256xi32, #tpu.memory_space<vmem>>
        tpu.wait_dma2 semaphore(%run_scoped3A : memref<!tpu.dma_semaphore, #tpu.memory_space<semaphore_mem>>) src(%dma_wait3A_260 : memref<256xi32, #tpu.memory_space<vmem>>) dst(%dma_wait3A_258 : memref<256xi32, #tpu.memory_space<vmem_shared>>)
        tpu.yield
      }) : () -> ()
      %barrier3A = arith.constant 0 : index
      tpu.barrier barrier_id(%barrier3A)
      "tpu.region"() ({
        %run_scoped3A = tpu.sem_alloc : memref<!tpu.dma_semaphore, #tpu.memory_space<semaphore_mem>>
        tpu.enqueue_dma source(%arg14 : memref<16x256xi32, #tpu.memory_space<vmem_shared>>) target(%arg12 : memref<16x256xi32, #tpu.memory_space<vmem>>) target_semaphore(%run_scoped3A : memref<!tpu.dma_semaphore, #tpu.memory_space<semaphore_mem>>)
        tpu.wait_dma2 semaphore(%run_scoped3A : memref<!tpu.dma_semaphore, #tpu.memory_space<semaphore_mem>>) src(%arg14 : memref<16x256xi32, #tpu.memory_space<vmem_shared>>) dst(%arg12 : memref<16x256xi32, #tpu.memory_space<vmem>>)
        tpu.yield
      }) : () -> ()
      %barrier3A_27 = arith.constant 0 : index
      tpu.barrier barrier_id(%barrier3A_27)
      %scan3A_28 = arith.constant 0 : i32
      %scan3A_29 = arith.constant 0 : i32
      %scan3A_30 = arith.constant 0 : i32
      %scan3A_31 = arith.constant 16 : i32
      %scan3A_32 = arith.addi %scan3A_30, %scan3A_31 : i32
      %scan3A_33 = arith.constant 1 : i32
      %scan3A_34:2 = scf.for %scan3A_243 = %scan3A_30 to %scan3A_32 step %scan3A_33 iter_args(%scan3A_244 = %scan3A_28, %scan3A_245 = %scan3A_29) -> (i32, i32)  : i32 {
        %scan3A_246 = arith.constant 0 : i32
        %scan3A_247 = arith.constant 0 : i32
        %scan3A_248 = arith.constant 16 : i32
        %scan3A_249 = arith.addi %scan3A_247, %scan3A_248 : i32
        %scan3A_250 = arith.constant 1 : i32
        %scan3A_251:3 = scf.for %scan3A_269 = %scan3A_247 to %scan3A_249 step %scan3A_250 iter_args(%scan3A_270 = %scan3A_246, %scan3A_271 = %broadcast_in_dim3A_3, %scan3A_272 = %broadcast_in_dim3A_3) -> (i32, vector<16xi32>, vector<16xi32>)  : i32 {
          %get3A = arith.index_cast %scan3A_270 : i32 to index
          %get3A_273 = arith.index_cast %scan3A_244 : i32 to index
          %get3A_274 = tpu.vector_load %arg12[%get3A, %get3A_273] {strides = array<i32>} : memref<16x256xi32, #tpu.memory_space<vmem>>, vector<16xi32>,
          %add3A_275 = arith.constant 1 : i32
          %add3A_276 = arith.addi %scan3A_270, %add3A_275 : i32
          %add3A_277 = arith.addi %scan3A_271, %get3A_274 : vector<16xi32>
          %lt3A = arith.cmpi slt, %scan3A_270, %arg1 : i32
          %select_n3A = arith.select %lt3A, %get3A_274, %broadcast_in_dim3A_3 : vector<16xi32>
          %add3A_278 = arith.addi %scan3A_272, %select_n3A : vector<16xi32>
          scf.yield %add3A_276, %add3A_277, %add3A_278 : i32, vector<16xi32>, vector<16xi32>
        }
        %scan3A_252 = arith.constant 16 : i32
        %broadcast_in_dim3A_253 = arith.constant true
        %broadcast_in_dim3A_254 = vector.broadcast %broadcast_in_dim3A_253 : i1 to vector<16xi1>
        %masked_cumsum3A = tpu.scan <sum>, %scan3A_251#1 masked %broadcast_in_dim3A_254 : vector<16xi32>, vector<16xi1> -> vector<16xi32>
        %sub3A_255 = arith.subi %masked_cumsum3A, %scan3A_251#1 : vector<16xi32>
        %add3A = vector.broadcast %scan3A_245 : i32 to vector<16xi32>
        %add3A_256 = arith.addi %sub3A_255, %add3A : vector<16xi32>
        %add3A_257 = arith.addi %add3A_256, %scan3A_251#2 : vector<16xi32>
        %swap3A = arith.index_cast %scan3A_244 : i32 to index
        %swap3A_258 = tpu.vector_load %arg11[%swap3A] {strides = array<i32>} : memref<256xi32, #tpu.memory_space<vmem>>, vector<16xi32>,
        tpu.vector_store %arg11[%swap3A], %add3A_257 {strides = array<i32>} : memref<256xi32, #tpu.memory_space<vmem>>, vector<16xi32>,
        %add3A_259 = arith.constant 16 : i32
        %add3A_260 = arith.addi %scan3A_244, %add3A_259 : i32
        %reduce_max3A = arith.constant true
        %reduce_max3A_261 = vector.broadcast %reduce_max3A : i1 to vector<16xi1>
        %reduce_max3A_262 = arith.constant -2147483648 : i32
        %reduce_max3A_263 = vector.broadcast %reduce_max3A_262 : i32 to vector<16xi32>
        %reduce_max3A_264 = arith.xori %masked_cumsum3A, %reduce_max3A_263 : vector<16xi32>
        %reduce_max3A_265 = tpu.scan <max>, %reduce_max3A_264 masked %reduce_max3A_261 : vector<16xi32>, vector<16xi1> -> vector<16xi32>
        %reduce_max3A_266 = arith.xori %reduce_max3A_265, %reduce_max3A_263 : vector<16xi32>
        %reduce_max3A_267 = vector.extract %reduce_max3A_266[15] : i32 from vector<16xi32>
        %add3A_268 = arith.addi %scan3A_245, %reduce_max3A_267 : i32
        scf.yield %add3A_260, %add3A_268 : i32, i32
      }
      %scan3A_35 = arith.constant 16 : i32
      %sub3A = arith.constant 1 : i32
      %sub3A_36 = vector.broadcast %sub3A : i32 to vector<16xi32>
      %sub3A_37 = arith.subi %iota3A, %sub3A_36 : vector<16xi32>
      %max3A = arith.constant 0 : i32
      %max3A_38 = vector.broadcast %max3A : i32 to vector<16xi32>
      %max3A_39 = arith.maxsi %sub3A_37, %max3A_38 : vector<16xi32>
      %scan3A_40 = arith.constant 0 : i32
      %scan3A_41 = arith.constant 0 : i32
      %scan3A_42 = arith.constant 0 : i32
      %scan3A_43 = arith.constant 25 : i32
      %scan3A_44 = arith.addi %scan3A_42, %scan3A_43 : i32
      %scan3A_45 = arith.constant 1 : i32
      %scan3A_46 = scf.for %scan3A_243 = %scan3A_42 to %scan3A_44 step %scan3A_45 iter_args(%scan3A_244 = %scan3A_41) -> (i32)  : i32 {
        %add3A = arith.addi %mul3A_2, %scan3A_244 : i32
        %multiple_of3A = tpu.assume_multiple %add3A, 8 : i32
        "tpu.region"() ({
          %run_scoped3A = tpu.sem_alloc : memref<!tpu.dma_semaphore, #tpu.memory_space<semaphore_mem>>
          %dma_start3A_256 = tpu.memref_slice %arg3[%multiple_of3A] : memref<1600000xi32, #tpu.memory_space<hbm>> -> memref<4000xi32, #tpu.memory_space<hbm>>
          %dma_start3A_257 = tpu.memref_slice %arg3[%multiple_of3A] : memref<1600000xi32, #tpu.memory_space<hbm>> -> memref<4000xi32, #tpu.memory_space<hbm>>
          tpu.enqueue_dma source(%dma_start3A_257 : memref<4000xi32, #tpu.memory_space<hbm>>) target(%arg6 : memref<4000xi32, #tpu.memory_space<vmem>>) target_semaphore(%run_scoped3A : memref<!tpu.dma_semaphore, #tpu.memory_space<semaphore_mem>>)
          %dma_wait3A_258 = tpu.memref_slice %arg3[%multiple_of3A] : memref<1600000xi32, #tpu.memory_space<hbm>> -> memref<4000xi32, #tpu.memory_space<hbm>>
          %dma_wait3A_259 = tpu.memref_slice %arg3[%multiple_of3A] : memref<1600000xi32, #tpu.memory_space<hbm>> -> memref<4000xi32, #tpu.memory_space<hbm>>
          tpu.wait_dma2 semaphore(%run_scoped3A : memref<!tpu.dma_semaphore, #tpu.memory_space<semaphore_mem>>) src(%dma_wait3A_259 : memref<4000xi32, #tpu.memory_space<hbm>>) dst(%arg6 : memref<4000xi32, #tpu.memory_space<vmem>>)
          tpu.yield
        }) : () -> ()
        %dma_start3A = arith.constant 0 : i32
        %dma_start3A_245 = tpu.memref_slice %arg2[%dma_start3A] : memref<1600000xi32, #tpu.memory_space<hbm>> -> memref<1600000xi32, #tpu.memory_space<hbm>>
        tpu.enqueue_indirect_dma source(%dma_start3A_245 : memref<1600000xi32, #tpu.memory_space<hbm>>) target(%arg5 : memref<4000xi32, #tpu.memory_space<vmem>>) offsets(%arg6 : memref<4000xi32, #tpu.memory_space<vmem>>) semaphore(%arg16 : memref<!tpu.dma_semaphore, #tpu.memory_space<semaphore_mem>>)
        %dma_wait3A = arith.constant 0 : i32
        %dma_wait3A_246 = tpu.memref_slice %arg2[%dma_wait3A] : memref<1600000xi32, #tpu.memory_space<hbm>> -> memref<1600000xi32, #tpu.memory_space<hbm>>
        tpu.wait_indirect_dma semaphore(%arg16 : memref<!tpu.dma_semaphore, #tpu.memory_space<semaphore_mem>>) src(%dma_wait3A_246 : memref<1600000xi32, #tpu.memory_space<hbm>>) dst(%arg5 : memref<4000xi32, #tpu.memory_space<vmem>>)
        %scan3A_247 = arith.constant 0 : i32
        %scan3A_248 = arith.constant 0 : i32
        %scan3A_249 = arith.constant 250 : i32
        %scan3A_250 = arith.addi %scan3A_248, %scan3A_249 : i32
        %scan3A_251 = arith.constant 1 : i32
        %scan3A_252 = scf.for %scan3A_256 = %scan3A_248 to %scan3A_250 step %scan3A_251 iter_args(%scan3A_257 = %scan3A_247) -> (i32)  : i32 {
          %get3A = arith.index_cast %scan3A_257 : i32 to index
          %get3A_258 = tpu.vector_load %arg5[%get3A] {strides = array<i32>} : memref<4000xi32, #tpu.memory_space<vmem>>, vector<16xi32>,
          %get3A_259 = arith.index_cast %scan3A_257 : i32 to index
          %get3A_260 = tpu.vector_load %arg6[%get3A_259] {strides = array<i32>} : memref<4000xi32, #tpu.memory_space<vmem>>, vector<16xi32>,
          %shift_right_logical3A = vector.broadcast %scan3A_40 : i32 to vector<16xi32>
          %shift_right_logical3A_261 = arith.shrui %get3A_258, %shift_right_logical3A : vector<16xi32>
          %and3A = arith.constant 255 : i32
          %and3A_262 = vector.broadcast %and3A : i32 to vector<16xi32>
          %and3A_263 = arith.andi %shift_right_logical3A_261, %and3A_262 : vector<16xi32>
          %mul3A_264 = arith.constant 16 : i32
          %mul3A_265 = vector.broadcast %mul3A_264 : i32 to vector<16xi32>
          %mul3A_266 = arith.muli %and3A_263, %mul3A_265 : vector<16xi32>
          %add3A_267 = arith.addi %mul3A_266, %iota3A : vector<16xi32>
          %masked_sort3A = arith.constant dense<true> : vector<16xi1>
          %masked_sort3A_268 = arith.constant -2147483648 : i32
          %masked_sort3A_269 = vector.broadcast %masked_sort3A_268 : i32 to vector<16xi32>
          %masked_sort3A_270 = arith.xori %add3A_267, %masked_sort3A_269 : vector<16xi32>
          %masked_sort3A_271, %masked_sort3A_272, %masked_sort3A_273 = tpu.sort %masked_sort3A_270, %get3A_260 masked %masked_sort3A : (vector<16xi32>, vector<16xi32>, vector<16xi1>) -> (vector<16xi1>, vector<16xi32>, vector<16xi32>)
          %masked_sort3A_274 = arith.xori %masked_sort3A_272, %masked_sort3A_269 : vector<16xi32>
          %shift_right_logical3A_275 = arith.constant 4 : i32
          %shift_right_logical3A_276 = vector.broadcast %shift_right_logical3A_275 : i32 to vector<16xi32>
          %shift_right_logical3A_277 = arith.shrui %masked_sort3A_274, %shift_right_logical3A_276 : vector<16xi32>
          %swap3A = arith.constant 0 : index
          %swap3A_278 = tpu.vector_load %arg13[%swap3A] {strides = array<i32>} : memref<16xi32, #tpu.memory_space<vmem>>, vector<16xi32>,
          tpu.vector_store %arg13[%swap3A], %shift_right_logical3A_277 {strides = array<i32>} : memref<16xi32, #tpu.memory_space<vmem>>, vector<16xi32>,
          %gather3A = tpu.vector_load_idx %arg13[%max3A_39] : memref<16xi32, #tpu.memory_space<vmem>>[vector<16xi32>], vector<16xi32>,
          %eq3A_279 = arith.constant 0 : i32
          %eq3A_280 = vector.broadcast %eq3A_279 : i32 to vector<16xi32>
          %eq3A_281 = arith.cmpi eq, %iota3A, %eq3A_280 : vector<16xi32>
          %ne3A = arith.cmpi ne, %shift_right_logical3A_277, %gather3A : vector<16xi32>
          %or3A = arith.ori %eq3A_281, %ne3A : vector<16xi1>
          %jit3A = arith.constant 0 : i64
          %convert_element_type3A_282 = arith.trunci %jit3A : i64 to i32
          %broadcast_in_dim3A_283 = vector.broadcast %convert_element_type3A_282 : i32 to vector<16xi32>
          %select_n3A = arith.select %or3A, %iota3A, %broadcast_in_dim3A_283 : vector<16xi1>, vector<16xi32>
          %broadcast_in_dim3A_284 = arith.constant true
          %broadcast_in_dim3A_285 = vector.broadcast %broadcast_in_dim3A_284 : i1 to vector<16xi1>
          %masked_cummax3A = arith.constant -2147483648 : i32
          %masked_cummax3A_286 = vector.broadcast %masked_cummax3A : i32 to vector<16xi32>
          %masked_cummax3A_287 = arith.xori %select_n3A, %masked_cummax3A_286 : vector<16xi32>
          %masked_cummax3A_288 = tpu.scan <max>, %masked_cummax3A_287 masked %broadcast_in_dim3A_285 : vector<16xi32>, vector<16xi1> -> vector<16xi32>
          %masked_cummax3A_289 = arith.xori %masked_cummax3A_288, %masked_cummax3A_286 : vector<16xi32>
          %sub3A_290 = arith.subi %iota3A, %masked_cummax3A_289 : vector<16xi32>
          %gather3A_291 = tpu.vector_load_idx %arg11[%shift_right_logical3A_277] : memref<256xi32, #tpu.memory_space<vmem>>[vector<16xi32>], vector<16xi32>,
          %add3A_292 = arith.addi %gather3A_291, %sub3A_290 : vector<16xi32>
          %swap3A_293 = arith.index_cast %scan3A_257 : i32 to index
          %swap3A_294 = tpu.vector_load %arg8[%swap3A_293] {strides = array<i32>} : memref<4000xi32, #tpu.memory_space<vmem>>, vector<16xi32>,
          tpu.vector_store %arg8[%swap3A_293], %masked_sort3A_273 {strides = array<i32>} : memref<4000xi32, #tpu.memory_space<vmem>>, vector<16xi32>,
          %swap3A_295 = arith.index_cast %scan3A_257 : i32 to index
          %swap3A_296 = tpu.vector_load %arg9[%swap3A_295] {strides = array<i32>} : memref<4000xi32, #tpu.memory_space<vmem>>, vector<16xi32>,
          tpu.vector_store %arg9[%swap3A_295], %add3A_292 {strides = array<i32>} : memref<4000xi32, #tpu.memory_space<vmem>>, vector<16xi32>,
          tpu.vector_store_idx %arg11[%shift_right_logical3A_277], %broadcast_in_dim3A_5 {add = true} : memref<256xi32, #tpu.memory_space<vmem>>[vector<16xi32>], vector<16xi32>,
          %add3A_297 = arith.constant 16 : i32
          %add3A_298 = arith.addi %scan3A_257, %add3A_297 : i32
          scf.yield %add3A_298 : i32
        }
        %scan3A_253 = arith.constant 250 : i32
        "tpu.region"() ({
          %run_scoped3A = tpu.sem_alloc : memref<!tpu.dma_semaphore, #tpu.memory_space<semaphore_mem>>
          %dma_start3A_256 = arith.constant 0 : i32
          %dma_start3A_257 = tpu.memref_slice %arg15[%dma_start3A_256] : memref<1600000xi32, #tpu.memory_space<vmem_shared>> -> memref<1600000xi32, #tpu.memory_space<vmem_shared>>
          tpu.enqueue_indirect_dma source(%arg8 : memref<4000xi32, #tpu.memory_space<vmem>>) target(%dma_start3A_257 : memref<1600000xi32, #tpu.memory_space<vmem_shared>>) offsets(%arg9 : memref<4000xi32, #tpu.memory_space<vmem>>) semaphore(%run_scoped3A : memref<!tpu.dma_semaphore, #tpu.memory_space<semaphore_mem>>)
          %dma_wait3A_258 = arith.constant 0 : i32
          %dma_wait3A_259 = tpu.memref_slice %arg15[%dma_wait3A_258] : memref<1600000xi32, #tpu.memory_space<vmem_shared>> -> memref<1600000xi32, #tpu.memory_space<vmem_shared>>
          tpu.wait_indirect_dma semaphore(%run_scoped3A : memref<!tpu.dma_semaphore, #tpu.memory_space<semaphore_mem>>) src(%arg8 : memref<4000xi32, #tpu.memory_space<vmem>>) dst(%dma_wait3A_259 : memref<1600000xi32, #tpu.memory_space<vmem_shared>>)
          tpu.yield
        }) : () -> ()
        %add3A_254 = arith.constant 4000 : i32
        %add3A_255 = arith.addi %scan3A_244, %add3A_254 : i32
        scf.yield %add3A_255 : i32
      }
      %scan3A_47 = arith.constant 25 : i32
      %barrier3A_48 = arith.constant 0 : index
      tpu.barrier barrier_id(%barrier3A_48)
      %scan3A_49 = arith.constant 0 : i32
      %scan3A_50 = arith.constant 0 : i32
      %scan3A_51 = arith.constant 25 : i32
      %scan3A_52 = arith.addi %scan3A_50, %scan3A_51 : i32
      %scan3A_53 = arith.constant 1 : i32
      %scan3A_54 = scf.for %scan3A_243 = %scan3A_50 to %scan3A_52 step %scan3A_53 iter_args(%scan3A_244 = %scan3A_49) -> (i32)  : i32 {
        %add3A = arith.addi %mul3A_2, %scan3A_244 : i32
        %multiple_of3A = tpu.assume_multiple %add3A, 8 : i32
        "tpu.region"() ({
          %run_scoped3A = tpu.sem_alloc : memref<!tpu.dma_semaphore, #tpu.memory_space<semaphore_mem>>
          %dma_start3A = tpu.memref_slice %arg15[%multiple_of3A] : memref<1600000xi32, #tpu.memory_space<vmem_shared>> -> memref<4000xi32, #tpu.memory_space<vmem_shared>>
          %dma_start3A_247 = tpu.memref_slice %arg15[%multiple_of3A] : memref<1600000xi32, #tpu.memory_space<vmem_shared>> -> memref<4000xi32, #tpu.memory_space<vmem_shared>>
          tpu.enqueue_dma source(%dma_start3A_247 : memref<4000xi32, #tpu.memory_space<vmem_shared>>) target(%arg6 : memref<4000xi32, #tpu.memory_space<vmem>>) target_semaphore(%run_scoped3A : memref<!tpu.dma_semaphore, #tpu.memory_space<semaphore_mem>>)
          %dma_wait3A = tpu.memref_slice %arg15[%multiple_of3A] : memref<1600000xi32, #tpu.memory_space<vmem_shared>> -> memref<4000xi32, #tpu.memory_space<vmem_shared>>
          %dma_wait3A_248 = tpu.memref_slice %arg15[%multiple_of3A] : memref<1600000xi32, #tpu.memory_space<vmem_shared>> -> memref<4000xi32, #tpu.memory_space<vmem_shared>>
          tpu.wait_dma2 semaphore(%run_scoped3A : memref<!tpu.dma_semaphore, #tpu.memory_space<semaphore_mem>>) src(%dma_wait3A_248 : memref<4000xi32, #tpu.memory_space<vmem_shared>>) dst(%arg6 : memref<4000xi32, #tpu.memory_space<vmem>>)
          tpu.yield
        }) : () -> ()
        "tpu.region"() ({
          %run_scoped3A = tpu.sem_alloc : memref<!tpu.dma_semaphore, #tpu.memory_space<semaphore_mem>>
          %dma_start3A = tpu.memref_slice %arg4[%multiple_of3A] : memref<1600000xi32, #tpu.memory_space<hbm>> -> memref<4000xi32, #tpu.memory_space<hbm>>
          %dma_start3A_247 = tpu.memref_slice %arg4[%multiple_of3A] : memref<1600000xi32, #tpu.memory_space<hbm>> -> memref<4000xi32, #tpu.memory_space<hbm>>
          tpu.enqueue_dma source(%arg6 : memref<4000xi32, #tpu.memory_space<vmem>>) target(%dma_start3A_247 : memref<4000xi32, #tpu.memory_space<hbm>>) target_semaphore(%run_scoped3A : memref<!tpu.dma_semaphore, #tpu.memory_space<semaphore_mem>>)
          %dma_wait3A = tpu.memref_slice %arg4[%multiple_of3A] : memref<1600000xi32, #tpu.memory_space<hbm>> -> memref<4000xi32, #tpu.memory_space<hbm>>
          %dma_wait3A_248 = tpu.memref_slice %arg4[%multiple_of3A] : memref<1600000xi32, #tpu.memory_space<hbm>> -> memref<4000xi32, #tpu.memory_space<hbm>>
          tpu.wait_dma2 semaphore(%run_scoped3A : memref<!tpu.dma_semaphore, #tpu.memory_space<semaphore_mem>>) src(%arg6 : memref<4000xi32, #tpu.memory_space<vmem>>) dst(%dma_wait3A_248 : memref<4000xi32, #tpu.memory_space<hbm>>)
          tpu.yield
        }) : () -> ()
        %add3A_245 = arith.constant 4000 : i32
        %add3A_246 = arith.addi %scan3A_244, %add3A_245 : i32
        scf.yield %add3A_246 : i32
      }
      %scan3A_55 = arith.constant 25 : i32
      %barrier3A_56 = arith.constant 0 : index
      tpu.barrier barrier_id(%barrier3A_56)
      %iota3A_57 = tpu.iota {dimensions = array<i32: 0>} : vector<16xi32>
      %mul3A_58 = arith.constant 100000 : i32
      %mul3A_59 = arith.muli %arg1, %mul3A_58 : i32
      %broadcast_in_dim3A_60 = arith.constant 0 : i32
      %broadcast_in_dim3A_61 = vector.broadcast %broadcast_in_dim3A_60 : i32 to vector<16xi32>
      %broadcast_in_dim3A_62 = arith.constant 1 : i32
      %broadcast_in_dim3A_63 = vector.broadcast %broadcast_in_dim3A_62 : i32 to vector<16xi32>
      %scan3A_64 = arith.constant 0 : i32
      %scan3A_65 = arith.constant 0 : i32
      %scan3A_66 = arith.constant 256 : i32
      %scan3A_67 = arith.addi %scan3A_65, %scan3A_66 : i32
      %scan3A_68 = arith.constant 1 : i32
      %scan3A_69 = scf.for %scan3A_243 = %scan3A_65 to %scan3A_67 step %scan3A_68 iter_args(%scan3A_244 = %scan3A_64) -> (i32)  : i32 {
        %swap3A = arith.index_cast %scan3A_244 : i32 to index
        %swap3A_245 = tpu.vector_load %arg10[%swap3A] {strides = array<i32>} : memref<4096xi32, #tpu.memory_space<vmem>>, vector<16xi32>,
        tpu.vector_store %arg10[%swap3A], %broadcast_in_dim3A_61 {strides = array<i32>} : memref<4096xi32, #tpu.memory_space<vmem>>, vector<16xi32>,
        %add3A = arith.constant 16 : i32
        %add3A_246 = arith.addi %scan3A_244, %add3A : i32
        scf.yield %add3A_246 : i32
      }
      %scan3A_70 = arith.constant 256 : i32
      %scan3A_71 = arith.constant 8 : i32
      %scan3A_72 = arith.constant 0 : i32
      %scan3A_73 = arith.constant 0 : i32
      %scan3A_74 = arith.constant 25 : i32
      %scan3A_75 = arith.addi %scan3A_73, %scan3A_74 : i32
      %scan3A_76 = arith.constant 1 : i32
      %scan3A_77 = scf.for %scan3A_243 = %scan3A_73 to %scan3A_75 step %scan3A_76 iter_args(%scan3A_244 = %scan3A_72) -> (i32)  : i32 {
        %add3A = arith.addi %mul3A_59, %scan3A_244 : i32
        %multiple_of3A = tpu.assume_multiple %add3A, 8 : i32
        "tpu.region"() ({
          %run_scoped3A = tpu.sem_alloc : memref<!tpu.dma_semaphore, #tpu.memory_space<semaphore_mem>>
          %dma_start3A_256 = tpu.memref_slice %arg4[%multiple_of3A] : memref<1600000xi32, #tpu.memory_space<hbm>> -> memref<4000xi32, #tpu.memory_space<hbm>>
          %dma_start3A_257 = tpu.memref_slice %arg4[%multiple_of3A] : memref<1600000xi32, #tpu.memory_space<hbm>> -> memref<4000xi32, #tpu.memory_space<hbm>>
          tpu.enqueue_dma source(%dma_start3A_257 : memref<4000xi32, #tpu.memory_space<hbm>>) target(%arg6 : memref<4000xi32, #tpu.memory_space<vmem>>) target_semaphore(%run_scoped3A : memref<!tpu.dma_semaphore, #tpu.memory_space<semaphore_mem>>)
          %dma_wait3A_258 = tpu.memref_slice %arg4[%multiple_of3A] : memref<1600000xi32, #tpu.memory_space<hbm>> -> memref<4000xi32, #tpu.memory_space<hbm>>
          %dma_wait3A_259 = tpu.memref_slice %arg4[%multiple_of3A] : memref<1600000xi32, #tpu.memory_space<hbm>> -> memref<4000xi32, #tpu.memory_space<hbm>>
          tpu.wait_dma2 semaphore(%run_scoped3A : memref<!tpu.dma_semaphore, #tpu.memory_space<semaphore_mem>>) src(%dma_wait3A_259 : memref<4000xi32, #tpu.memory_space<hbm>>) dst(%arg6 : memref<4000xi32, #tpu.memory_space<vmem>>)
          tpu.yield
        }) : () -> ()
        %dma_start3A = arith.constant 0 : i32
        %dma_start3A_245 = tpu.memref_slice %arg2[%dma_start3A] : memref<1600000xi32, #tpu.memory_space<hbm>> -> memref<1600000xi32, #tpu.memory_space<hbm>>
        tpu.enqueue_indirect_dma source(%dma_start3A_245 : memref<1600000xi32, #tpu.memory_space<hbm>>) target(%arg5 : memref<4000xi32, #tpu.memory_space<vmem>>) offsets(%arg6 : memref<4000xi32, #tpu.memory_space<vmem>>) semaphore(%arg16 : memref<!tpu.dma_semaphore, #tpu.memory_space<semaphore_mem>>)
        %dma_wait3A = arith.constant 0 : i32
        %dma_wait3A_246 = tpu.memref_slice %arg2[%dma_wait3A] : memref<1600000xi32, #tpu.memory_space<hbm>> -> memref<1600000xi32, #tpu.memory_space<hbm>>
        tpu.wait_indirect_dma semaphore(%arg16 : memref<!tpu.dma_semaphore, #tpu.memory_space<semaphore_mem>>) src(%dma_wait3A_246 : memref<1600000xi32, #tpu.memory_space<hbm>>) dst(%arg5 : memref<4000xi32, #tpu.memory_space<vmem>>)
        %scan3A_247 = arith.constant 0 : i32
        %scan3A_248 = arith.constant 0 : i32
        %scan3A_249 = arith.constant 250 : i32
        %scan3A_250 = arith.addi %scan3A_248, %scan3A_249 : i32
        %scan3A_251 = arith.constant 1 : i32
        %scan3A_252 = scf.for %scan3A_256 = %scan3A_248 to %scan3A_250 step %scan3A_251 iter_args(%scan3A_257 = %scan3A_247) -> (i32)  : i32 {
          %get3A = arith.index_cast %scan3A_257 : i32 to index
          %get3A_258 = tpu.vector_load %arg5[%get3A] {strides = array<i32>} : memref<4000xi32, #tpu.memory_space<vmem>>, vector<16xi32>,
          %shift_right_logical3A = vector.broadcast %scan3A_71 : i32 to vector<16xi32>
          %shift_right_logical3A_259 = arith.shrui %get3A_258, %shift_right_logical3A : vector<16xi32>
          %and3A = arith.constant 255 : i32
          %and3A_260 = vector.broadcast %and3A : i32 to vector<16xi32>
          %and3A_261 = arith.andi %shift_right_logical3A_259, %and3A_260 : vector<16xi32>
          %mul3A_262 = arith.constant 256 : i32
          %mul3A_263 = vector.broadcast %mul3A_262 : i32 to vector<16xi32>
          %mul3A_264 = arith.muli %iota3A_57, %mul3A_263 : vector<16xi32>
          %add3A_265 = arith.addi %mul3A_264, %and3A_261 : vector<16xi32>
          tpu.vector_store_idx %arg10[%add3A_265], %broadcast_in_dim3A_63 {add = true} : memref<4096xi32, #tpu.memory_space<vmem>>[vector<16xi32>], vector<16xi32>,
          %add3A_266 = arith.constant 16 : i32
          %add3A_267 = arith.addi %scan3A_257, %add3A_266 : i32
          scf.yield %add3A_267 : i32
        }
        %scan3A_253 = arith.constant 250 : i32
        %add3A_254 = arith.constant 4000 : i32
        %add3A_255 = arith.addi %scan3A_244, %add3A_254 : i32
        scf.yield %add3A_255 : i32
      }
      %scan3A_78 = arith.constant 25 : i32
      %scan3A_79 = arith.constant 0 : i32
      %scan3A_80 = arith.constant 0 : i32
      %scan3A_81 = arith.constant 16 : i32
      %scan3A_82 = arith.addi %scan3A_80, %scan3A_81 : i32
      %scan3A_83 = arith.constant 1 : i32
      %scan3A_84 = scf.for %scan3A_243 = %scan3A_80 to %scan3A_82 step %scan3A_83 iter_args(%scan3A_244 = %scan3A_79) -> (i32)  : i32 {
        %scan3A_245 = arith.constant 0 : i32
        %scan3A_246 = arith.constant 0 : i32
        %scan3A_247 = arith.constant 16 : i32
        %scan3A_248 = arith.addi %scan3A_246, %scan3A_247 : i32
        %scan3A_249 = arith.constant 1 : i32
        %scan3A_250:2 = scf.for %scan3A_254 = %scan3A_246 to %scan3A_248 step %scan3A_249 iter_args(%scan3A_255 = %scan3A_245, %scan3A_256 = %broadcast_in_dim3A_61) -> (i32, vector<16xi32>)  : i32 {
          %add3A_257 = arith.constant 256 : i32
          %add3A_258 = arith.addi %scan3A_255, %add3A_257 : i32
          %add3A_259 = arith.addi %scan3A_255, %scan3A_244 : i32
          %get3A = arith.index_cast %add3A_259 : i32 to index
          %get3A_260 = tpu.vector_load %arg10[%get3A] {strides = array<i32>} : memref<4096xi32, #tpu.memory_space<vmem>>, vector<16xi32>,
          %add3A_261 = arith.addi %scan3A_256, %get3A_260 : vector<16xi32>
          scf.yield %add3A_258, %add3A_261 : i32, vector<16xi32>
        }
        %scan3A_251 = arith.constant 16 : i32
        %swap3A = arith.index_cast %scan3A_244 : i32 to index
        %swap3A_252 = tpu.vector_load %arg7[%swap3A] {strides = array<i32>} : memref<256xi32, #tpu.memory_space<vmem>>, vector<16xi32>,
        tpu.vector_store %arg7[%swap3A], %scan3A_250#1 {strides = array<i32>} : memref<256xi32, #tpu.memory_space<vmem>>, vector<16xi32>,
        %add3A = arith.constant 16 : i32
        %add3A_253 = arith.addi %scan3A_244, %add3A : i32
        scf.yield %add3A_253 : i32
      }
      %scan3A_85 = arith.constant 16 : i32
      "tpu.region"() ({
        %run_scoped3A = tpu.sem_alloc : memref<!tpu.dma_semaphore, #tpu.memory_space<semaphore_mem>>
        %dma_start3A = arith.constant 0 : i32
        %dma_start3A_243 = tpu.memref_slice %arg7[%dma_start3A] : memref<256xi32, #tpu.memory_space<vmem>> -> memref<256xi32, #tpu.memory_space<vmem>>
        %dma_start3A_244 = arith.constant 0 : i32
        %dma_start3A_245 = tpu.memref_slice %arg14[%arg1, %dma_start3A_244] : memref<16x256xi32, #tpu.memory_space<vmem_shared>> -> memref<1x256xi32, #tpu.memory_space<vmem_shared>>
        %dma_start3A_246 = tpu.memref_squeeze %dma_start3A_245 : memref<1x256xi32, #tpu.memory_space<vmem_shared>> -> memref<256xi32, #tpu.memory_space<vmem_shared>>
        %dma_start3A_247 = arith.constant 0 : i32
        %dma_start3A_248 = tpu.memref_slice %arg14[%arg1, %dma_start3A_247] : memref<16x256xi32, #tpu.memory_space<vmem_shared>> -> memref<1x256xi32, #tpu.memory_space<vmem_shared>>
        %dma_start3A_249 = tpu.memref_squeeze %dma_start3A_248 : memref<1x256xi32, #tpu.memory_space<vmem_shared>> -> memref<256xi32, #tpu.memory_space<vmem_shared>>
        %dma_start3A_250 = arith.constant 0 : i32
        %dma_start3A_251 = tpu.memref_slice %arg7[%dma_start3A_250] : memref<256xi32, #tpu.memory_space<vmem>> -> memref<256xi32, #tpu.memory_space<vmem>>
        tpu.enqueue_dma source(%dma_start3A_251 : memref<256xi32, #tpu.memory_space<vmem>>) target(%dma_start3A_249 : memref<256xi32, #tpu.memory_space<vmem_shared>>) target_semaphore(%run_scoped3A : memref<!tpu.dma_semaphore, #tpu.memory_space<semaphore_mem>>)
        %dma_wait3A = arith.constant 0 : i32
        %dma_wait3A_252 = tpu.memref_slice %arg7[%dma_wait3A] : memref<256xi32, #tpu.memory_space<vmem>> -> memref<256xi32, #tpu.memory_space<vmem>>
        %dma_wait3A_253 = arith.constant 0 : i32
        %dma_wait3A_254 = tpu.memref_slice %arg14[%arg1, %dma_wait3A_253] : memref<16x256xi32, #tpu.memory_space<vmem_shared>> -> memref<1x256xi32, #tpu.memory_space<vmem_shared>>
        %dma_wait3A_255 = tpu.memref_squeeze %dma_wait3A_254 : memref<1x256xi32, #tpu.memory_space<vmem_shared>> -> memref<256xi32, #tpu.memory_space<vmem_shared>>
        %dma_wait3A_256 = arith.constant 0 : i32
        %dma_wait3A_257 = tpu.memref_slice %arg14[%arg1, %dma_wait3A_256] : memref<16x256xi32, #tpu.memory_space<vmem_shared>> -> memref<1x256xi32, #tpu.memory_space<vmem_shared>>
        %dma_wait3A_258 = tpu.memref_squeeze %dma_wait3A_257 : memref<1x256xi32, #tpu.memory_space<vmem_shared>> -> memref<256xi32, #tpu.memory_space<vmem_shared>>
        %dma_wait3A_259 = arith.constant 0 : i32
        %dma_wait3A_260 = tpu.memref_slice %arg7[%dma_wait3A_259] : memref<256xi32, #tpu.memory_space<vmem>> -> memref<256xi32, #tpu.memory_space<vmem>>
        tpu.wait_dma2 semaphore(%run_scoped3A : memref<!tpu.dma_semaphore, #tpu.memory_space<semaphore_mem>>) src(%dma_wait3A_260 : memref<256xi32, #tpu.memory_space<vmem>>) dst(%dma_wait3A_258 : memref<256xi32, #tpu.memory_space<vmem_shared>>)
        tpu.yield
      }) : () -> ()
      %barrier3A_86 = arith.constant 0 : index
      tpu.barrier barrier_id(%barrier3A_86)
      "tpu.region"() ({
        %run_scoped3A = tpu.sem_alloc : memref<!tpu.dma_semaphore, #tpu.memory_space<semaphore_mem>>
        tpu.enqueue_dma source(%arg14 : memref<16x256xi32, #tpu.memory_space<vmem_shared>>) target(%arg12 : memref<16x256xi32, #tpu.memory_space<vmem>>) target_semaphore(%run_scoped3A : memref<!tpu.dma_semaphore, #tpu.memory_space<semaphore_mem>>)
        tpu.wait_dma2 semaphore(%run_scoped3A : memref<!tpu.dma_semaphore, #tpu.memory_space<semaphore_mem>>) src(%arg14 : memref<16x256xi32, #tpu.memory_space<vmem_shared>>) dst(%arg12 : memref<16x256xi32, #tpu.memory_space<vmem>>)
        tpu.yield
      }) : () -> ()
      %barrier3A_87 = arith.constant 0 : index
      tpu.barrier barrier_id(%barrier3A_87)
      %scan3A_88 = arith.constant 0 : i32
      %scan3A_89 = arith.constant 0 : i32
      %scan3A_90 = arith.constant 0 : i32
      %scan3A_91 = arith.constant 16 : i32
      %scan3A_92 = arith.addi %scan3A_90, %scan3A_91 : i32
      %scan3A_93 = arith.constant 1 : i32
      %scan3A_94:2 = scf.for %scan3A_243 = %scan3A_90 to %scan3A_92 step %scan3A_93 iter_args(%scan3A_244 = %scan3A_88, %scan3A_245 = %scan3A_89) -> (i32, i32)  : i32 {
        %scan3A_246 = arith.constant 0 : i32
        %scan3A_247 = arith.constant 0 : i32
        %scan3A_248 = arith.constant 16 : i32
        %scan3A_249 = arith.addi %scan3A_247, %scan3A_248 : i32
        %scan3A_250 = arith.constant 1 : i32
        %scan3A_251:3 = scf.for %scan3A_269 = %scan3A_247 to %scan3A_249 step %scan3A_250 iter_args(%scan3A_270 = %scan3A_246, %scan3A_271 = %broadcast_in_dim3A_61, %scan3A_272 = %broadcast_in_dim3A_61) -> (i32, vector<16xi32>, vector<16xi32>)  : i32 {
          %get3A = arith.index_cast %scan3A_270 : i32 to index
          %get3A_273 = arith.index_cast %scan3A_244 : i32 to index
          %get3A_274 = tpu.vector_load %arg12[%get3A, %get3A_273] {strides = array<i32>} : memref<16x256xi32, #tpu.memory_space<vmem>>, vector<16xi32>,
          %add3A_275 = arith.constant 1 : i32
          %add3A_276 = arith.addi %scan3A_270, %add3A_275 : i32
          %add3A_277 = arith.addi %scan3A_271, %get3A_274 : vector<16xi32>
          %lt3A = arith.cmpi slt, %scan3A_270, %arg1 : i32
          %select_n3A = arith.select %lt3A, %get3A_274, %broadcast_in_dim3A_61 : vector<16xi32>
          %add3A_278 = arith.addi %scan3A_272, %select_n3A : vector<16xi32>
          scf.yield %add3A_276, %add3A_277, %add3A_278 : i32, vector<16xi32>, vector<16xi32>
        }
        %scan3A_252 = arith.constant 16 : i32
        %broadcast_in_dim3A_253 = arith.constant true
        %broadcast_in_dim3A_254 = vector.broadcast %broadcast_in_dim3A_253 : i1 to vector<16xi1>
        %masked_cumsum3A = tpu.scan <sum>, %scan3A_251#1 masked %broadcast_in_dim3A_254 : vector<16xi32>, vector<16xi1> -> vector<16xi32>
        %sub3A_255 = arith.subi %masked_cumsum3A, %scan3A_251#1 : vector<16xi32>
        %add3A = vector.broadcast %scan3A_245 : i32 to vector<16xi32>
        %add3A_256 = arith.addi %sub3A_255, %add3A : vector<16xi32>
        %add3A_257 = arith.addi %add3A_256, %scan3A_251#2 : vector<16xi32>
        %swap3A = arith.index_cast %scan3A_244 : i32 to index
        %swap3A_258 = tpu.vector_load %arg11[%swap3A] {strides = array<i32>} : memref<256xi32, #tpu.memory_space<vmem>>, vector<16xi32>,
        tpu.vector_store %arg11[%swap3A], %add3A_257 {strides = array<i32>} : memref<256xi32, #tpu.memory_space<vmem>>, vector<16xi32>,
        %add3A_259 = arith.constant 16 : i32
        %add3A_260 = arith.addi %scan3A_244, %add3A_259 : i32
        %reduce_max3A = arith.constant true
        %reduce_max3A_261 = vector.broadcast %reduce_max3A : i1 to vector<16xi1>
        %reduce_max3A_262 = arith.constant -2147483648 : i32
        %reduce_max3A_263 = vector.broadcast %reduce_max3A_262 : i32 to vector<16xi32>
        %reduce_max3A_264 = arith.xori %masked_cumsum3A, %reduce_max3A_263 : vector<16xi32>
        %reduce_max3A_265 = tpu.scan <max>, %reduce_max3A_264 masked %reduce_max3A_261 : vector<16xi32>, vector<16xi1> -> vector<16xi32>
        %reduce_max3A_266 = arith.xori %reduce_max3A_265, %reduce_max3A_263 : vector<16xi32>
        %reduce_max3A_267 = vector.extract %reduce_max3A_266[15] : i32 from vector<16xi32>
        %add3A_268 = arith.addi %scan3A_245, %reduce_max3A_267 : i32
        scf.yield %add3A_260, %add3A_268 : i32, i32
      }
      %scan3A_95 = arith.constant 16 : i32
      %sub3A_96 = arith.constant 1 : i32
      %sub3A_97 = vector.broadcast %sub3A_96 : i32 to vector<16xi32>
      %sub3A_98 = arith.subi %iota3A_57, %sub3A_97 : vector<16xi32>
      %max3A_99 = arith.constant 0 : i32
      %max3A_100 = vector.broadcast %max3A_99 : i32 to vector<16xi32>
      %max3A_101 = arith.maxsi %sub3A_98, %max3A_100 : vector<16xi32>
      %scan3A_102 = arith.constant 8 : i32
      %scan3A_103 = arith.constant 0 : i32
      %scan3A_104 = arith.constant 0 : i32
      %scan3A_105 = arith.constant 25 : i32
      %scan3A_106 = arith.addi %scan3A_104, %scan3A_105 : i32
      %scan3A_107 = arith.constant 1 : i32
      %scan3A_108 = scf.for %scan3A_243 = %scan3A_104 to %scan3A_106 step %scan3A_107 iter_args(%scan3A_244 = %scan3A_103) -> (i32)  : i32 {
        %add3A = arith.addi %mul3A_59, %scan3A_244 : i32
        %multiple_of3A = tpu.assume_multiple %add3A, 8 : i32
        "tpu.region"() ({
          %run_scoped3A = tpu.sem_alloc : memref<!tpu.dma_semaphore, #tpu.memory_space<semaphore_mem>>
          %dma_start3A_256 = tpu.memref_slice %arg4[%multiple_of3A] : memref<1600000xi32, #tpu.memory_space<hbm>> -> memref<4000xi32, #tpu.memory_space<hbm>>
          %dma_start3A_257 = tpu.memref_slice %arg4[%multiple_of3A] : memref<1600000xi32, #tpu.memory_space<hbm>> -> memref<4000xi32, #tpu.memory_space<hbm>>
          tpu.enqueue_dma source(%dma_start3A_257 : memref<4000xi32, #tpu.memory_space<hbm>>) target(%arg6 : memref<4000xi32, #tpu.memory_space<vmem>>) target_semaphore(%run_scoped3A : memref<!tpu.dma_semaphore, #tpu.memory_space<semaphore_mem>>)
          %dma_wait3A_258 = tpu.memref_slice %arg4[%multiple_of3A] : memref<1600000xi32, #tpu.memory_space<hbm>> -> memref<4000xi32, #tpu.memory_space<hbm>>
          %dma_wait3A_259 = tpu.memref_slice %arg4[%multiple_of3A] : memref<1600000xi32, #tpu.memory_space<hbm>> -> memref<4000xi32, #tpu.memory_space<hbm>>
          tpu.wait_dma2 semaphore(%run_scoped3A : memref<!tpu.dma_semaphore, #tpu.memory_space<semaphore_mem>>) src(%dma_wait3A_259 : memref<4000xi32, #tpu.memory_space<hbm>>) dst(%arg6 : memref<4000xi32, #tpu.memory_space<vmem>>)
          tpu.yield
        }) : () -> ()
        %dma_start3A = arith.constant 0 : i32
        %dma_start3A_245 = tpu.memref_slice %arg2[%dma_start3A] : memref<1600000xi32, #tpu.memory_space<hbm>> -> memref<1600000xi32, #tpu.memory_space<hbm>>
        tpu.enqueue_indirect_dma source(%dma_start3A_245 : memref<1600000xi32, #tpu.memory_space<hbm>>) target(%arg5 : memref<4000xi32, #tpu.memory_space<vmem>>) offsets(%arg6 : memref<4000xi32, #tpu.memory_space<vmem>>) semaphore(%arg16 : memref<!tpu.dma_semaphore, #tpu.memory_space<semaphore_mem>>)
        %dma_wait3A = arith.constant 0 : i32
        %dma_wait3A_246 = tpu.memref_slice %arg2[%dma_wait3A] : memref<1600000xi32, #tpu.memory_space<hbm>> -> memref<1600000xi32, #tpu.memory_space<hbm>>
        tpu.wait_indirect_dma semaphore(%arg16 : memref<!tpu.dma_semaphore, #tpu.memory_space<semaphore_mem>>) src(%dma_wait3A_246 : memref<1600000xi32, #tpu.memory_space<hbm>>) dst(%arg5 : memref<4000xi32, #tpu.memory_space<vmem>>)
        %scan3A_247 = arith.constant 0 : i32
        %scan3A_248 = arith.constant 0 : i32
        %scan3A_249 = arith.constant 250 : i32
        %scan3A_250 = arith.addi %scan3A_248, %scan3A_249 : i32
        %scan3A_251 = arith.constant 1 : i32
        %scan3A_252 = scf.for %scan3A_256 = %scan3A_248 to %scan3A_250 step %scan3A_251 iter_args(%scan3A_257 = %scan3A_247) -> (i32)  : i32 {
          %get3A = arith.index_cast %scan3A_257 : i32 to index
          %get3A_258 = tpu.vector_load %arg5[%get3A] {strides = array<i32>} : memref<4000xi32, #tpu.memory_space<vmem>>, vector<16xi32>,
          %get3A_259 = arith.index_cast %scan3A_257 : i32 to index
          %get3A_260 = tpu.vector_load %arg6[%get3A_259] {strides = array<i32>} : memref<4000xi32, #tpu.memory_space<vmem>>, vector<16xi32>,
          %shift_right_logical3A = vector.broadcast %scan3A_102 : i32 to vector<16xi32>
          %shift_right_logical3A_261 = arith.shrui %get3A_258, %shift_right_logical3A : vector<16xi32>
          %and3A = arith.constant 255 : i32
          %and3A_262 = vector.broadcast %and3A : i32 to vector<16xi32>
          %and3A_263 = arith.andi %shift_right_logical3A_261, %and3A_262 : vector<16xi32>
          %mul3A_264 = arith.constant 16 : i32
          %mul3A_265 = vector.broadcast %mul3A_264 : i32 to vector<16xi32>
          %mul3A_266 = arith.muli %and3A_263, %mul3A_265 : vector<16xi32>
          %add3A_267 = arith.addi %mul3A_266, %iota3A_57 : vector<16xi32>
          %masked_sort3A = arith.constant dense<true> : vector<16xi1>
          %masked_sort3A_268 = arith.constant -2147483648 : i32
          %masked_sort3A_269 = vector.broadcast %masked_sort3A_268 : i32 to vector<16xi32>
          %masked_sort3A_270 = arith.xori %add3A_267, %masked_sort3A_269 : vector<16xi32>
          %masked_sort3A_271, %masked_sort3A_272, %masked_sort3A_273 = tpu.sort %masked_sort3A_270, %get3A_260 masked %masked_sort3A : (vector<16xi32>, vector<16xi32>, vector<16xi1>) -> (vector<16xi1>, vector<16xi32>, vector<16xi32>)
          %masked_sort3A_274 = arith.xori %masked_sort3A_272, %masked_sort3A_269 : vector<16xi32>
          %shift_right_logical3A_275 = arith.constant 4 : i32
          %shift_right_logical3A_276 = vector.broadcast %shift_right_logical3A_275 : i32 to vector<16xi32>
          %shift_right_logical3A_277 = arith.shrui %masked_sort3A_274, %shift_right_logical3A_276 : vector<16xi32>
          %swap3A = arith.constant 0 : index
          %swap3A_278 = tpu.vector_load %arg13[%swap3A] {strides = array<i32>} : memref<16xi32, #tpu.memory_space<vmem>>, vector<16xi32>,
          tpu.vector_store %arg13[%swap3A], %shift_right_logical3A_277 {strides = array<i32>} : memref<16xi32, #tpu.memory_space<vmem>>, vector<16xi32>,
          %gather3A = tpu.vector_load_idx %arg13[%max3A_101] : memref<16xi32, #tpu.memory_space<vmem>>[vector<16xi32>], vector<16xi32>,
          %eq3A_279 = arith.constant 0 : i32
          %eq3A_280 = vector.broadcast %eq3A_279 : i32 to vector<16xi32>
          %eq3A_281 = arith.cmpi eq, %iota3A_57, %eq3A_280 : vector<16xi32>
          %ne3A = arith.cmpi ne, %shift_right_logical3A_277, %gather3A : vector<16xi32>
          %or3A = arith.ori %eq3A_281, %ne3A : vector<16xi1>
          %jit3A = arith.constant 0 : i64
          %convert_element_type3A_282 = arith.trunci %jit3A : i64 to i32
          %broadcast_in_dim3A_283 = vector.broadcast %convert_element_type3A_282 : i32 to vector<16xi32>
          %select_n3A = arith.select %or3A, %iota3A_57, %broadcast_in_dim3A_283 : vector<16xi1>, vector<16xi32>
          %broadcast_in_dim3A_284 = arith.constant true
          %broadcast_in_dim3A_285 = vector.broadcast %broadcast_in_dim3A_284 : i1 to vector<16xi1>
          %masked_cummax3A = arith.constant -2147483648 : i32
          %masked_cummax3A_286 = vector.broadcast %masked_cummax3A : i32 to vector<16xi32>
          %masked_cummax3A_287 = arith.xori %select_n3A, %masked_cummax3A_286 : vector<16xi32>
          %masked_cummax3A_288 = tpu.scan <max>, %masked_cummax3A_287 masked %broadcast_in_dim3A_285 : vector<16xi32>, vector<16xi1> -> vector<16xi32>
          %masked_cummax3A_289 = arith.xori %masked_cummax3A_288, %masked_cummax3A_286 : vector<16xi32>
          %sub3A_290 = arith.subi %iota3A_57, %masked_cummax3A_289 : vector<16xi32>
          %gather3A_291 = tpu.vector_load_idx %arg11[%shift_right_logical3A_277] : memref<256xi32, #tpu.memory_space<vmem>>[vector<16xi32>], vector<16xi32>,
          %add3A_292 = arith.addi %gather3A_291, %sub3A_290 : vector<16xi32>
          %swap3A_293 = arith.index_cast %scan3A_257 : i32 to index
          %swap3A_294 = tpu.vector_load %arg8[%swap3A_293] {strides = array<i32>} : memref<4000xi32, #tpu.memory_space<vmem>>, vector<16xi32>,
          tpu.vector_store %arg8[%swap3A_293], %masked_sort3A_273 {strides = array<i32>} : memref<4000xi32, #tpu.memory_space<vmem>>, vector<16xi32>,
          %swap3A_295 = arith.index_cast %scan3A_257 : i32 to index
          %swap3A_296 = tpu.vector_load %arg9[%swap3A_295] {strides = array<i32>} : memref<4000xi32, #tpu.memory_space<vmem>>, vector<16xi32>,
          tpu.vector_store %arg9[%swap3A_295], %add3A_292 {strides = array<i32>} : memref<4000xi32, #tpu.memory_space<vmem>>, vector<16xi32>,
          tpu.vector_store_idx %arg11[%shift_right_logical3A_277], %broadcast_in_dim3A_63 {add = true} : memref<256xi32, #tpu.memory_space<vmem>>[vector<16xi32>], vector<16xi32>,
          %add3A_297 = arith.constant 16 : i32
          %add3A_298 = arith.addi %scan3A_257, %add3A_297 : i32
          scf.yield %add3A_298 : i32
        }
        %scan3A_253 = arith.constant 250 : i32
        "tpu.region"() ({
          %run_scoped3A = tpu.sem_alloc : memref<!tpu.dma_semaphore, #tpu.memory_space<semaphore_mem>>
          %dma_start3A_256 = arith.constant 0 : i32
          %dma_start3A_257 = tpu.memref_slice %arg15[%dma_start3A_256] : memref<1600000xi32, #tpu.memory_space<vmem_shared>> -> memref<1600000xi32, #tpu.memory_space<vmem_shared>>
          tpu.enqueue_indirect_dma source(%arg8 : memref<4000xi32, #tpu.memory_space<vmem>>) target(%dma_start3A_257 : memref<1600000xi32, #tpu.memory_space<vmem_shared>>) offsets(%arg9 : memref<4000xi32, #tpu.memory_space<vmem>>) semaphore(%run_scoped3A : memref<!tpu.dma_semaphore, #tpu.memory_space<semaphore_mem>>)
          %dma_wait3A_258 = arith.constant 0 : i32
          %dma_wait3A_259 = tpu.memref_slice %arg15[%dma_wait3A_258] : memref<1600000xi32, #tpu.memory_space<vmem_shared>> -> memref<1600000xi32, #tpu.memory_space<vmem_shared>>
          tpu.wait_indirect_dma semaphore(%run_scoped3A : memref<!tpu.dma_semaphore, #tpu.memory_space<semaphore_mem>>) src(%arg8 : memref<4000xi32, #tpu.memory_space<vmem>>) dst(%dma_wait3A_259 : memref<1600000xi32, #tpu.memory_space<vmem_shared>>)
          tpu.yield
        }) : () -> ()
        %add3A_254 = arith.constant 4000 : i32
        %add3A_255 = arith.addi %scan3A_244, %add3A_254 : i32
        scf.yield %add3A_255 : i32
      }
      %scan3A_109 = arith.constant 25 : i32
      %barrier3A_110 = arith.constant 0 : index
      tpu.barrier barrier_id(%barrier3A_110)
      %scan3A_111 = arith.constant 0 : i32
      %scan3A_112 = arith.constant 0 : i32
      %scan3A_113 = arith.constant 25 : i32
      %scan3A_114 = arith.addi %scan3A_112, %scan3A_113 : i32
      %scan3A_115 = arith.constant 1 : i32
      %scan3A_116 = scf.for %scan3A_243 = %scan3A_112 to %scan3A_114 step %scan3A_115 iter_args(%scan3A_244 = %scan3A_111) -> (i32)  : i32 {
        %add3A = arith.addi %mul3A_59, %scan3A_244 : i32
        %multiple_of3A = tpu.assume_multiple %add3A, 8 : i32
        "tpu.region"() ({
          %run_scoped3A = tpu.sem_alloc : memref<!tpu.dma_semaphore, #tpu.memory_space<semaphore_mem>>
          %dma_start3A = tpu.memref_slice %arg15[%multiple_of3A] : memref<1600000xi32, #tpu.memory_space<vmem_shared>> -> memref<4000xi32, #tpu.memory_space<vmem_shared>>
          %dma_start3A_247 = tpu.memref_slice %arg15[%multiple_of3A] : memref<1600000xi32, #tpu.memory_space<vmem_shared>> -> memref<4000xi32, #tpu.memory_space<vmem_shared>>
          tpu.enqueue_dma source(%dma_start3A_247 : memref<4000xi32, #tpu.memory_space<vmem_shared>>) target(%arg6 : memref<4000xi32, #tpu.memory_space<vmem>>) target_semaphore(%run_scoped3A : memref<!tpu.dma_semaphore, #tpu.memory_space<semaphore_mem>>)
          %dma_wait3A = tpu.memref_slice %arg15[%multiple_of3A] : memref<1600000xi32, #tpu.memory_space<vmem_shared>> -> memref<4000xi32, #tpu.memory_space<vmem_shared>>
          %dma_wait3A_248 = tpu.memref_slice %arg15[%multiple_of3A] : memref<1600000xi32, #tpu.memory_space<vmem_shared>> -> memref<4000xi32, #tpu.memory_space<vmem_shared>>
          tpu.wait_dma2 semaphore(%run_scoped3A : memref<!tpu.dma_semaphore, #tpu.memory_space<semaphore_mem>>) src(%dma_wait3A_248 : memref<4000xi32, #tpu.memory_space<vmem_shared>>) dst(%arg6 : memref<4000xi32, #tpu.memory_space<vmem>>)
          tpu.yield
        }) : () -> ()
        "tpu.region"() ({
          %run_scoped3A = tpu.sem_alloc : memref<!tpu.dma_semaphore, #tpu.memory_space<semaphore_mem>>
          %dma_start3A = tpu.memref_slice %arg4[%multiple_of3A] : memref<1600000xi32, #tpu.memory_space<hbm>> -> memref<4000xi32, #tpu.memory_space<hbm>>
          %dma_start3A_247 = tpu.memref_slice %arg4[%multiple_of3A] : memref<1600000xi32, #tpu.memory_space<hbm>> -> memref<4000xi32, #tpu.memory_space<hbm>>
          tpu.enqueue_dma source(%arg6 : memref<4000xi32, #tpu.memory_space<vmem>>) target(%dma_start3A_247 : memref<4000xi32, #tpu.memory_space<hbm>>) target_semaphore(%run_scoped3A : memref<!tpu.dma_semaphore, #tpu.memory_space<semaphore_mem>>)
          %dma_wait3A = tpu.memref_slice %arg4[%multiple_of3A] : memref<1600000xi32, #tpu.memory_space<hbm>> -> memref<4000xi32, #tpu.memory_space<hbm>>
          %dma_wait3A_248 = tpu.memref_slice %arg4[%multiple_of3A] : memref<1600000xi32, #tpu.memory_space<hbm>> -> memref<4000xi32, #tpu.memory_space<hbm>>
          tpu.wait_dma2 semaphore(%run_scoped3A : memref<!tpu.dma_semaphore, #tpu.memory_space<semaphore_mem>>) src(%arg6 : memref<4000xi32, #tpu.memory_space<vmem>>) dst(%dma_wait3A_248 : memref<4000xi32, #tpu.memory_space<hbm>>)
          tpu.yield
        }) : () -> ()
        %add3A_245 = arith.constant 4000 : i32
        %add3A_246 = arith.addi %scan3A_244, %add3A_245 : i32
        scf.yield %add3A_246 : i32
      }
      %scan3A_117 = arith.constant 25 : i32
      %barrier3A_118 = arith.constant 0 : index
      tpu.barrier barrier_id(%barrier3A_118)
      %iota3A_119 = tpu.iota {dimensions = array<i32: 0>} : vector<16xi32>
      %mul3A_120 = arith.constant 100000 : i32
      %mul3A_121 = arith.muli %arg1, %mul3A_120 : i32
      %broadcast_in_dim3A_122 = arith.constant 0 : i32
      %broadcast_in_dim3A_123 = vector.broadcast %broadcast_in_dim3A_122 : i32 to vector<16xi32>
      %broadcast_in_dim3A_124 = arith.constant 1 : i32
      %broadcast_in_dim3A_125 = vector.broadcast %broadcast_in_dim3A_124 : i32 to vector<16xi32>
      %scan3A_126 = arith.constant 0 : i32
      %scan3A_127 = arith.constant 0 : i32
      %scan3A_128 = arith.constant 256 : i32
      %scan3A_129 = arith.addi %scan3A_127, %scan3A_128 : i32
      %scan3A_130 = arith.constant 1 : i32
      %scan3A_131 = scf.for %scan3A_243 = %scan3A_127 to %scan3A_129 step %scan3A_130 iter_args(%scan3A_244 = %scan3A_126) -> (i32)  : i32 {
        %swap3A = arith.index_cast %scan3A_244 : i32 to index
        %swap3A_245 = tpu.vector_load %arg10[%swap3A] {strides = array<i32>} : memref<4096xi32, #tpu.memory_space<vmem>>, vector<16xi32>,
        tpu.vector_store %arg10[%swap3A], %broadcast_in_dim3A_123 {strides = array<i32>} : memref<4096xi32, #tpu.memory_space<vmem>>, vector<16xi32>,
        %add3A = arith.constant 16 : i32
        %add3A_246 = arith.addi %scan3A_244, %add3A : i32
        scf.yield %add3A_246 : i32
      }
      %scan3A_132 = arith.constant 256 : i32
      %scan3A_133 = arith.constant 16 : i32
      %scan3A_134 = arith.constant 0 : i32
      %scan3A_135 = arith.constant 0 : i32
      %scan3A_136 = arith.constant 25 : i32
      %scan3A_137 = arith.addi %scan3A_135, %scan3A_136 : i32
      %scan3A_138 = arith.constant 1 : i32
      %scan3A_139 = scf.for %scan3A_243 = %scan3A_135 to %scan3A_137 step %scan3A_138 iter_args(%scan3A_244 = %scan3A_134) -> (i32)  : i32 {
        %add3A = arith.addi %mul3A_121, %scan3A_244 : i32
        %multiple_of3A = tpu.assume_multiple %add3A, 8 : i32
        "tpu.region"() ({
          %run_scoped3A = tpu.sem_alloc : memref<!tpu.dma_semaphore, #tpu.memory_space<semaphore_mem>>
          %dma_start3A_256 = tpu.memref_slice %arg4[%multiple_of3A] : memref<1600000xi32, #tpu.memory_space<hbm>> -> memref<4000xi32, #tpu.memory_space<hbm>>
          %dma_start3A_257 = tpu.memref_slice %arg4[%multiple_of3A] : memref<1600000xi32, #tpu.memory_space<hbm>> -> memref<4000xi32, #tpu.memory_space<hbm>>
          tpu.enqueue_dma source(%dma_start3A_257 : memref<4000xi32, #tpu.memory_space<hbm>>) target(%arg6 : memref<4000xi32, #tpu.memory_space<vmem>>) target_semaphore(%run_scoped3A : memref<!tpu.dma_semaphore, #tpu.memory_space<semaphore_mem>>)
          %dma_wait3A_258 = tpu.memref_slice %arg4[%multiple_of3A] : memref<1600000xi32, #tpu.memory_space<hbm>> -> memref<4000xi32, #tpu.memory_space<hbm>>
          %dma_wait3A_259 = tpu.memref_slice %arg4[%multiple_of3A] : memref<1600000xi32, #tpu.memory_space<hbm>> -> memref<4000xi32, #tpu.memory_space<hbm>>
          tpu.wait_dma2 semaphore(%run_scoped3A : memref<!tpu.dma_semaphore, #tpu.memory_space<semaphore_mem>>) src(%dma_wait3A_259 : memref<4000xi32, #tpu.memory_space<hbm>>) dst(%arg6 : memref<4000xi32, #tpu.memory_space<vmem>>)
          tpu.yield
        }) : () -> ()
        %dma_start3A = arith.constant 0 : i32
        %dma_start3A_245 = tpu.memref_slice %arg2[%dma_start3A] : memref<1600000xi32, #tpu.memory_space<hbm>> -> memref<1600000xi32, #tpu.memory_space<hbm>>
        tpu.enqueue_indirect_dma source(%dma_start3A_245 : memref<1600000xi32, #tpu.memory_space<hbm>>) target(%arg5 : memref<4000xi32, #tpu.memory_space<vmem>>) offsets(%arg6 : memref<4000xi32, #tpu.memory_space<vmem>>) semaphore(%arg16 : memref<!tpu.dma_semaphore, #tpu.memory_space<semaphore_mem>>)
        %dma_wait3A = arith.constant 0 : i32
        %dma_wait3A_246 = tpu.memref_slice %arg2[%dma_wait3A] : memref<1600000xi32, #tpu.memory_space<hbm>> -> memref<1600000xi32, #tpu.memory_space<hbm>>
        tpu.wait_indirect_dma semaphore(%arg16 : memref<!tpu.dma_semaphore, #tpu.memory_space<semaphore_mem>>) src(%dma_wait3A_246 : memref<1600000xi32, #tpu.memory_space<hbm>>) dst(%arg5 : memref<4000xi32, #tpu.memory_space<vmem>>)
        %scan3A_247 = arith.constant 0 : i32
        %scan3A_248 = arith.constant 0 : i32
        %scan3A_249 = arith.constant 250 : i32
        %scan3A_250 = arith.addi %scan3A_248, %scan3A_249 : i32
        %scan3A_251 = arith.constant 1 : i32
        %scan3A_252 = scf.for %scan3A_256 = %scan3A_248 to %scan3A_250 step %scan3A_251 iter_args(%scan3A_257 = %scan3A_247) -> (i32)  : i32 {
          %get3A = arith.index_cast %scan3A_257 : i32 to index
          %get3A_258 = tpu.vector_load %arg5[%get3A] {strides = array<i32>} : memref<4000xi32, #tpu.memory_space<vmem>>, vector<16xi32>,
          %shift_right_logical3A = vector.broadcast %scan3A_133 : i32 to vector<16xi32>
          %shift_right_logical3A_259 = arith.shrui %get3A_258, %shift_right_logical3A : vector<16xi32>
          %and3A = arith.constant 255 : i32
          %and3A_260 = vector.broadcast %and3A : i32 to vector<16xi32>
          %and3A_261 = arith.andi %shift_right_logical3A_259, %and3A_260 : vector<16xi32>
          %mul3A_262 = arith.constant 256 : i32
          %mul3A_263 = vector.broadcast %mul3A_262 : i32 to vector<16xi32>
          %mul3A_264 = arith.muli %iota3A_119, %mul3A_263 : vector<16xi32>
          %add3A_265 = arith.addi %mul3A_264, %and3A_261 : vector<16xi32>
          tpu.vector_store_idx %arg10[%add3A_265], %broadcast_in_dim3A_125 {add = true} : memref<4096xi32, #tpu.memory_space<vmem>>[vector<16xi32>], vector<16xi32>,
          %add3A_266 = arith.constant 16 : i32
          %add3A_267 = arith.addi %scan3A_257, %add3A_266 : i32
          scf.yield %add3A_267 : i32
        }
        %scan3A_253 = arith.constant 250 : i32
        %add3A_254 = arith.constant 4000 : i32
        %add3A_255 = arith.addi %scan3A_244, %add3A_254 : i32
        scf.yield %add3A_255 : i32
      }
      %scan3A_140 = arith.constant 25 : i32
      %scan3A_141 = arith.constant 0 : i32
      %scan3A_142 = arith.constant 0 : i32
      %scan3A_143 = arith.constant 16 : i32
      %scan3A_144 = arith.addi %scan3A_142, %scan3A_143 : i32
      %scan3A_145 = arith.constant 1 : i32
      %scan3A_146 = scf.for %scan3A_243 = %scan3A_142 to %scan3A_144 step %scan3A_145 iter_args(%scan3A_244 = %scan3A_141) -> (i32)  : i32 {
        %scan3A_245 = arith.constant 0 : i32
        %scan3A_246 = arith.constant 0 : i32
        %scan3A_247 = arith.constant 16 : i32
        %scan3A_248 = arith.addi %scan3A_246, %scan3A_247 : i32
        %scan3A_249 = arith.constant 1 : i32
        %scan3A_250:2 = scf.for %scan3A_254 = %scan3A_246 to %scan3A_248 step %scan3A_249 iter_args(%scan3A_255 = %scan3A_245, %scan3A_256 = %broadcast_in_dim3A_123) -> (i32, vector<16xi32>)  : i32 {
          %add3A_257 = arith.constant 256 : i32
          %add3A_258 = arith.addi %scan3A_255, %add3A_257 : i32
          %add3A_259 = arith.addi %scan3A_255, %scan3A_244 : i32
          %get3A = arith.index_cast %add3A_259 : i32 to index
          %get3A_260 = tpu.vector_load %arg10[%get3A] {strides = array<i32>} : memref<4096xi32, #tpu.memory_space<vmem>>, vector<16xi32>,
          %add3A_261 = arith.addi %scan3A_256, %get3A_260 : vector<16xi32>
          scf.yield %add3A_258, %add3A_261 : i32, vector<16xi32>
        }
        %scan3A_251 = arith.constant 16 : i32
        %swap3A = arith.index_cast %scan3A_244 : i32 to index
        %swap3A_252 = tpu.vector_load %arg7[%swap3A] {strides = array<i32>} : memref<256xi32, #tpu.memory_space<vmem>>, vector<16xi32>,
        tpu.vector_store %arg7[%swap3A], %scan3A_250#1 {strides = array<i32>} : memref<256xi32, #tpu.memory_space<vmem>>, vector<16xi32>,
        %add3A = arith.constant 16 : i32
        %add3A_253 = arith.addi %scan3A_244, %add3A : i32
        scf.yield %add3A_253 : i32
      }
      %scan3A_147 = arith.constant 16 : i32
      "tpu.region"() ({
        %run_scoped3A = tpu.sem_alloc : memref<!tpu.dma_semaphore, #tpu.memory_space<semaphore_mem>>
        %dma_start3A = arith.constant 0 : i32
        %dma_start3A_243 = tpu.memref_slice %arg7[%dma_start3A] : memref<256xi32, #tpu.memory_space<vmem>> -> memref<256xi32, #tpu.memory_space<vmem>>
        %dma_start3A_244 = arith.constant 0 : i32
        %dma_start3A_245 = tpu.memref_slice %arg14[%arg1, %dma_start3A_244] : memref<16x256xi32, #tpu.memory_space<vmem_shared>> -> memref<1x256xi32, #tpu.memory_space<vmem_shared>>
        %dma_start3A_246 = tpu.memref_squeeze %dma_start3A_245 : memref<1x256xi32, #tpu.memory_space<vmem_shared>> -> memref<256xi32, #tpu.memory_space<vmem_shared>>
        %dma_start3A_247 = arith.constant 0 : i32
        %dma_start3A_248 = tpu.memref_slice %arg14[%arg1, %dma_start3A_247] : memref<16x256xi32, #tpu.memory_space<vmem_shared>> -> memref<1x256xi32, #tpu.memory_space<vmem_shared>>
        %dma_start3A_249 = tpu.memref_squeeze %dma_start3A_248 : memref<1x256xi32, #tpu.memory_space<vmem_shared>> -> memref<256xi32, #tpu.memory_space<vmem_shared>>
        %dma_start3A_250 = arith.constant 0 : i32
        %dma_start3A_251 = tpu.memref_slice %arg7[%dma_start3A_250] : memref<256xi32, #tpu.memory_space<vmem>> -> memref<256xi32, #tpu.memory_space<vmem>>
        tpu.enqueue_dma source(%dma_start3A_251 : memref<256xi32, #tpu.memory_space<vmem>>) target(%dma_start3A_249 : memref<256xi32, #tpu.memory_space<vmem_shared>>) target_semaphore(%run_scoped3A : memref<!tpu.dma_semaphore, #tpu.memory_space<semaphore_mem>>)
        %dma_wait3A = arith.constant 0 : i32
        %dma_wait3A_252 = tpu.memref_slice %arg7[%dma_wait3A] : memref<256xi32, #tpu.memory_space<vmem>> -> memref<256xi32, #tpu.memory_space<vmem>>
        %dma_wait3A_253 = arith.constant 0 : i32
        %dma_wait3A_254 = tpu.memref_slice %arg14[%arg1, %dma_wait3A_253] : memref<16x256xi32, #tpu.memory_space<vmem_shared>> -> memref<1x256xi32, #tpu.memory_space<vmem_shared>>
        %dma_wait3A_255 = tpu.memref_squeeze %dma_wait3A_254 : memref<1x256xi32, #tpu.memory_space<vmem_shared>> -> memref<256xi32, #tpu.memory_space<vmem_shared>>
        %dma_wait3A_256 = arith.constant 0 : i32
        %dma_wait3A_257 = tpu.memref_slice %arg14[%arg1, %dma_wait3A_256] : memref<16x256xi32, #tpu.memory_space<vmem_shared>> -> memref<1x256xi32, #tpu.memory_space<vmem_shared>>
        %dma_wait3A_258 = tpu.memref_squeeze %dma_wait3A_257 : memref<1x256xi32, #tpu.memory_space<vmem_shared>> -> memref<256xi32, #tpu.memory_space<vmem_shared>>
        %dma_wait3A_259 = arith.constant 0 : i32
        %dma_wait3A_260 = tpu.memref_slice %arg7[%dma_wait3A_259] : memref<256xi32, #tpu.memory_space<vmem>> -> memref<256xi32, #tpu.memory_space<vmem>>
        tpu.wait_dma2 semaphore(%run_scoped3A : memref<!tpu.dma_semaphore, #tpu.memory_space<semaphore_mem>>) src(%dma_wait3A_260 : memref<256xi32, #tpu.memory_space<vmem>>) dst(%dma_wait3A_258 : memref<256xi32, #tpu.memory_space<vmem_shared>>)
        tpu.yield
      }) : () -> ()
      %barrier3A_148 = arith.constant 0 : index
      tpu.barrier barrier_id(%barrier3A_148)
      "tpu.region"() ({
        %run_scoped3A = tpu.sem_alloc : memref<!tpu.dma_semaphore, #tpu.memory_space<semaphore_mem>>
        tpu.enqueue_dma source(%arg14 : memref<16x256xi32, #tpu.memory_space<vmem_shared>>) target(%arg12 : memref<16x256xi32, #tpu.memory_space<vmem>>) target_semaphore(%run_scoped3A : memref<!tpu.dma_semaphore, #tpu.memory_space<semaphore_mem>>)
        tpu.wait_dma2 semaphore(%run_scoped3A : memref<!tpu.dma_semaphore, #tpu.memory_space<semaphore_mem>>) src(%arg14 : memref<16x256xi32, #tpu.memory_space<vmem_shared>>) dst(%arg12 : memref<16x256xi32, #tpu.memory_space<vmem>>)
        tpu.yield
      }) : () -> ()
      %barrier3A_149 = arith.constant 0 : index
      tpu.barrier barrier_id(%barrier3A_149)
      %scan3A_150 = arith.constant 0 : i32
      %scan3A_151 = arith.constant 0 : i32
      %scan3A_152 = arith.constant 0 : i32
      %scan3A_153 = arith.constant 16 : i32
      %scan3A_154 = arith.addi %scan3A_152, %scan3A_153 : i32
      %scan3A_155 = arith.constant 1 : i32
      %scan3A_156:2 = scf.for %scan3A_243 = %scan3A_152 to %scan3A_154 step %scan3A_155 iter_args(%scan3A_244 = %scan3A_150, %scan3A_245 = %scan3A_151) -> (i32, i32)  : i32 {
        %scan3A_246 = arith.constant 0 : i32
        %scan3A_247 = arith.constant 0 : i32
        %scan3A_248 = arith.constant 16 : i32
        %scan3A_249 = arith.addi %scan3A_247, %scan3A_248 : i32
        %scan3A_250 = arith.constant 1 : i32
        %scan3A_251:3 = scf.for %scan3A_269 = %scan3A_247 to %scan3A_249 step %scan3A_250 iter_args(%scan3A_270 = %scan3A_246, %scan3A_271 = %broadcast_in_dim3A_123, %scan3A_272 = %broadcast_in_dim3A_123) -> (i32, vector<16xi32>, vector<16xi32>)  : i32 {
          %get3A = arith.index_cast %scan3A_270 : i32 to index
          %get3A_273 = arith.index_cast %scan3A_244 : i32 to index
          %get3A_274 = tpu.vector_load %arg12[%get3A, %get3A_273] {strides = array<i32>} : memref<16x256xi32, #tpu.memory_space<vmem>>, vector<16xi32>,
          %add3A_275 = arith.constant 1 : i32
          %add3A_276 = arith.addi %scan3A_270, %add3A_275 : i32
          %add3A_277 = arith.addi %scan3A_271, %get3A_274 : vector<16xi32>
          %lt3A = arith.cmpi slt, %scan3A_270, %arg1 : i32
          %select_n3A = arith.select %lt3A, %get3A_274, %broadcast_in_dim3A_123 : vector<16xi32>
          %add3A_278 = arith.addi %scan3A_272, %select_n3A : vector<16xi32>
          scf.yield %add3A_276, %add3A_277, %add3A_278 : i32, vector<16xi32>, vector<16xi32>
        }
        %scan3A_252 = arith.constant 16 : i32
        %broadcast_in_dim3A_253 = arith.constant true
        %broadcast_in_dim3A_254 = vector.broadcast %broadcast_in_dim3A_253 : i1 to vector<16xi1>
        %masked_cumsum3A = tpu.scan <sum>, %scan3A_251#1 masked %broadcast_in_dim3A_254 : vector<16xi32>, vector<16xi1> -> vector<16xi32>
        %sub3A_255 = arith.subi %masked_cumsum3A, %scan3A_251#1 : vector<16xi32>
        %add3A = vector.broadcast %scan3A_245 : i32 to vector<16xi32>
        %add3A_256 = arith.addi %sub3A_255, %add3A : vector<16xi32>
        %add3A_257 = arith.addi %add3A_256, %scan3A_251#2 : vector<16xi32>
        %swap3A = arith.index_cast %scan3A_244 : i32 to index
        %swap3A_258 = tpu.vector_load %arg11[%swap3A] {strides = array<i32>} : memref<256xi32, #tpu.memory_space<vmem>>, vector<16xi32>,
        tpu.vector_store %arg11[%swap3A], %add3A_257 {strides = array<i32>} : memref<256xi32, #tpu.memory_space<vmem>>, vector<16xi32>,
        %add3A_259 = arith.constant 16 : i32
        %add3A_260 = arith.addi %scan3A_244, %add3A_259 : i32
        %reduce_max3A = arith.constant true
        %reduce_max3A_261 = vector.broadcast %reduce_max3A : i1 to vector<16xi1>
        %reduce_max3A_262 = arith.constant -2147483648 : i32
        %reduce_max3A_263 = vector.broadcast %reduce_max3A_262 : i32 to vector<16xi32>
        %reduce_max3A_264 = arith.xori %masked_cumsum3A, %reduce_max3A_263 : vector<16xi32>
        %reduce_max3A_265 = tpu.scan <max>, %reduce_max3A_264 masked %reduce_max3A_261 : vector<16xi32>, vector<16xi1> -> vector<16xi32>
        %reduce_max3A_266 = arith.xori %reduce_max3A_265, %reduce_max3A_263 : vector<16xi32>
        %reduce_max3A_267 = vector.extract %reduce_max3A_266[15] : i32 from vector<16xi32>
        %add3A_268 = arith.addi %scan3A_245, %reduce_max3A_267 : i32
        scf.yield %add3A_260, %add3A_268 : i32, i32
      }
      %scan3A_157 = arith.constant 16 : i32
      %sub3A_158 = arith.constant 1 : i32
      %sub3A_159 = vector.broadcast %sub3A_158 : i32 to vector<16xi32>
      %sub3A_160 = arith.subi %iota3A_119, %sub3A_159 : vector<16xi32>
      %max3A_161 = arith.constant 0 : i32
      %max3A_162 = vector.broadcast %max3A_161 : i32 to vector<16xi32>
      %max3A_163 = arith.maxsi %sub3A_160, %max3A_162 : vector<16xi32>
      %scan3A_164 = arith.constant 16 : i32
      %scan3A_165 = arith.constant 0 : i32
      %scan3A_166 = arith.constant 0 : i32
      %scan3A_167 = arith.constant 25 : i32
      %scan3A_168 = arith.addi %scan3A_166, %scan3A_167 : i32
      %scan3A_169 = arith.constant 1 : i32
      %scan3A_170 = scf.for %scan3A_243 = %scan3A_166 to %scan3A_168 step %scan3A_169 iter_args(%scan3A_244 = %scan3A_165) -> (i32)  : i32 {
        %add3A = arith.addi %mul3A_121, %scan3A_244 : i32
        %multiple_of3A = tpu.assume_multiple %add3A, 8 : i32
        "tpu.region"() ({
          %run_scoped3A = tpu.sem_alloc : memref<!tpu.dma_semaphore, #tpu.memory_space<semaphore_mem>>
          %dma_start3A_256 = tpu.memref_slice %arg4[%multiple_of3A] : memref<1600000xi32, #tpu.memory_space<hbm>> -> memref<4000xi32, #tpu.memory_space<hbm>>
          %dma_start3A_257 = tpu.memref_slice %arg4[%multiple_of3A] : memref<1600000xi32, #tpu.memory_space<hbm>> -> memref<4000xi32, #tpu.memory_space<hbm>>
          tpu.enqueue_dma source(%dma_start3A_257 : memref<4000xi32, #tpu.memory_space<hbm>>) target(%arg6 : memref<4000xi32, #tpu.memory_space<vmem>>) target_semaphore(%run_scoped3A : memref<!tpu.dma_semaphore, #tpu.memory_space<semaphore_mem>>)
          %dma_wait3A_258 = tpu.memref_slice %arg4[%multiple_of3A] : memref<1600000xi32, #tpu.memory_space<hbm>> -> memref<4000xi32, #tpu.memory_space<hbm>>
          %dma_wait3A_259 = tpu.memref_slice %arg4[%multiple_of3A] : memref<1600000xi32, #tpu.memory_space<hbm>> -> memref<4000xi32, #tpu.memory_space<hbm>>
          tpu.wait_dma2 semaphore(%run_scoped3A : memref<!tpu.dma_semaphore, #tpu.memory_space<semaphore_mem>>) src(%dma_wait3A_259 : memref<4000xi32, #tpu.memory_space<hbm>>) dst(%arg6 : memref<4000xi32, #tpu.memory_space<vmem>>)
          tpu.yield
        }) : () -> ()
        %dma_start3A = arith.constant 0 : i32
        %dma_start3A_245 = tpu.memref_slice %arg2[%dma_start3A] : memref<1600000xi32, #tpu.memory_space<hbm>> -> memref<1600000xi32, #tpu.memory_space<hbm>>
        tpu.enqueue_indirect_dma source(%dma_start3A_245 : memref<1600000xi32, #tpu.memory_space<hbm>>) target(%arg5 : memref<4000xi32, #tpu.memory_space<vmem>>) offsets(%arg6 : memref<4000xi32, #tpu.memory_space<vmem>>) semaphore(%arg16 : memref<!tpu.dma_semaphore, #tpu.memory_space<semaphore_mem>>)
        %dma_wait3A = arith.constant 0 : i32
        %dma_wait3A_246 = tpu.memref_slice %arg2[%dma_wait3A] : memref<1600000xi32, #tpu.memory_space<hbm>> -> memref<1600000xi32, #tpu.memory_space<hbm>>
        tpu.wait_indirect_dma semaphore(%arg16 : memref<!tpu.dma_semaphore, #tpu.memory_space<semaphore_mem>>) src(%dma_wait3A_246 : memref<1600000xi32, #tpu.memory_space<hbm>>) dst(%arg5 : memref<4000xi32, #tpu.memory_space<vmem>>)
        %scan3A_247 = arith.constant 0 : i32
        %scan3A_248 = arith.constant 0 : i32
        %scan3A_249 = arith.constant 250 : i32
        %scan3A_250 = arith.addi %scan3A_248, %scan3A_249 : i32
        %scan3A_251 = arith.constant 1 : i32
        %scan3A_252 = scf.for %scan3A_256 = %scan3A_248 to %scan3A_250 step %scan3A_251 iter_args(%scan3A_257 = %scan3A_247) -> (i32)  : i32 {
          %get3A = arith.index_cast %scan3A_257 : i32 to index
          %get3A_258 = tpu.vector_load %arg5[%get3A] {strides = array<i32>} : memref<4000xi32, #tpu.memory_space<vmem>>, vector<16xi32>,
          %get3A_259 = arith.index_cast %scan3A_257 : i32 to index
          %get3A_260 = tpu.vector_load %arg6[%get3A_259] {strides = array<i32>} : memref<4000xi32, #tpu.memory_space<vmem>>, vector<16xi32>,
          %shift_right_logical3A = vector.broadcast %scan3A_164 : i32 to vector<16xi32>
          %shift_right_logical3A_261 = arith.shrui %get3A_258, %shift_right_logical3A : vector<16xi32>
          %and3A = arith.constant 255 : i32
          %and3A_262 = vector.broadcast %and3A : i32 to vector<16xi32>
          %and3A_263 = arith.andi %shift_right_logical3A_261, %and3A_262 : vector<16xi32>
          %mul3A_264 = arith.constant 16 : i32
          %mul3A_265 = vector.broadcast %mul3A_264 : i32 to vector<16xi32>
          %mul3A_266 = arith.muli %and3A_263, %mul3A_265 : vector<16xi32>
          %add3A_267 = arith.addi %mul3A_266, %iota3A_119 : vector<16xi32>
          %masked_sort3A = arith.constant dense<true> : vector<16xi1>
          %masked_sort3A_268 = arith.constant -2147483648 : i32
          %masked_sort3A_269 = vector.broadcast %masked_sort3A_268 : i32 to vector<16xi32>
          %masked_sort3A_270 = arith.xori %add3A_267, %masked_sort3A_269 : vector<16xi32>
          %masked_sort3A_271, %masked_sort3A_272, %masked_sort3A_273 = tpu.sort %masked_sort3A_270, %get3A_260 masked %masked_sort3A : (vector<16xi32>, vector<16xi32>, vector<16xi1>) -> (vector<16xi1>, vector<16xi32>, vector<16xi32>)
          %masked_sort3A_274 = arith.xori %masked_sort3A_272, %masked_sort3A_269 : vector<16xi32>
          %shift_right_logical3A_275 = arith.constant 4 : i32
          %shift_right_logical3A_276 = vector.broadcast %shift_right_logical3A_275 : i32 to vector<16xi32>
          %shift_right_logical3A_277 = arith.shrui %masked_sort3A_274, %shift_right_logical3A_276 : vector<16xi32>
          %swap3A = arith.constant 0 : index
          %swap3A_278 = tpu.vector_load %arg13[%swap3A] {strides = array<i32>} : memref<16xi32, #tpu.memory_space<vmem>>, vector<16xi32>,
          tpu.vector_store %arg13[%swap3A], %shift_right_logical3A_277 {strides = array<i32>} : memref<16xi32, #tpu.memory_space<vmem>>, vector<16xi32>,
          %gather3A = tpu.vector_load_idx %arg13[%max3A_163] : memref<16xi32, #tpu.memory_space<vmem>>[vector<16xi32>], vector<16xi32>,
          %eq3A_279 = arith.constant 0 : i32
          %eq3A_280 = vector.broadcast %eq3A_279 : i32 to vector<16xi32>
          %eq3A_281 = arith.cmpi eq, %iota3A_119, %eq3A_280 : vector<16xi32>
          %ne3A = arith.cmpi ne, %shift_right_logical3A_277, %gather3A : vector<16xi32>
          %or3A = arith.ori %eq3A_281, %ne3A : vector<16xi1>
          %jit3A = arith.constant 0 : i64
          %convert_element_type3A_282 = arith.trunci %jit3A : i64 to i32
          %broadcast_in_dim3A_283 = vector.broadcast %convert_element_type3A_282 : i32 to vector<16xi32>
          %select_n3A = arith.select %or3A, %iota3A_119, %broadcast_in_dim3A_283 : vector<16xi1>, vector<16xi32>
          %broadcast_in_dim3A_284 = arith.constant true
          %broadcast_in_dim3A_285 = vector.broadcast %broadcast_in_dim3A_284 : i1 to vector<16xi1>
          %masked_cummax3A = arith.constant -2147483648 : i32
          %masked_cummax3A_286 = vector.broadcast %masked_cummax3A : i32 to vector<16xi32>
          %masked_cummax3A_287 = arith.xori %select_n3A, %masked_cummax3A_286 : vector<16xi32>
          %masked_cummax3A_288 = tpu.scan <max>, %masked_cummax3A_287 masked %broadcast_in_dim3A_285 : vector<16xi32>, vector<16xi1> -> vector<16xi32>
          %masked_cummax3A_289 = arith.xori %masked_cummax3A_288, %masked_cummax3A_286 : vector<16xi32>
          %sub3A_290 = arith.subi %iota3A_119, %masked_cummax3A_289 : vector<16xi32>
          %gather3A_291 = tpu.vector_load_idx %arg11[%shift_right_logical3A_277] : memref<256xi32, #tpu.memory_space<vmem>>[vector<16xi32>], vector<16xi32>,
          %add3A_292 = arith.addi %gather3A_291, %sub3A_290 : vector<16xi32>
          %swap3A_293 = arith.index_cast %scan3A_257 : i32 to index
          %swap3A_294 = tpu.vector_load %arg8[%swap3A_293] {strides = array<i32>} : memref<4000xi32, #tpu.memory_space<vmem>>, vector<16xi32>,
          tpu.vector_store %arg8[%swap3A_293], %masked_sort3A_273 {strides = array<i32>} : memref<4000xi32, #tpu.memory_space<vmem>>, vector<16xi32>,
          %swap3A_295 = arith.index_cast %scan3A_257 : i32 to index
          %swap3A_296 = tpu.vector_load %arg9[%swap3A_295] {strides = array<i32>} : memref<4000xi32, #tpu.memory_space<vmem>>, vector<16xi32>,
          tpu.vector_store %arg9[%swap3A_295], %add3A_292 {strides = array<i32>} : memref<4000xi32, #tpu.memory_space<vmem>>, vector<16xi32>,
          tpu.vector_store_idx %arg11[%shift_right_logical3A_277], %broadcast_in_dim3A_125 {add = true} : memref<256xi32, #tpu.memory_space<vmem>>[vector<16xi32>], vector<16xi32>,
          %add3A_297 = arith.constant 16 : i32
          %add3A_298 = arith.addi %scan3A_257, %add3A_297 : i32
          scf.yield %add3A_298 : i32
        }
        %scan3A_253 = arith.constant 250 : i32
        "tpu.region"() ({
          %run_scoped3A = tpu.sem_alloc : memref<!tpu.dma_semaphore, #tpu.memory_space<semaphore_mem>>
          %dma_start3A_256 = arith.constant 0 : i32
          %dma_start3A_257 = tpu.memref_slice %arg15[%dma_start3A_256] : memref<1600000xi32, #tpu.memory_space<vmem_shared>> -> memref<1600000xi32, #tpu.memory_space<vmem_shared>>
          tpu.enqueue_indirect_dma source(%arg8 : memref<4000xi32, #tpu.memory_space<vmem>>) target(%dma_start3A_257 : memref<1600000xi32, #tpu.memory_space<vmem_shared>>) offsets(%arg9 : memref<4000xi32, #tpu.memory_space<vmem>>) semaphore(%run_scoped3A : memref<!tpu.dma_semaphore, #tpu.memory_space<semaphore_mem>>)
          %dma_wait3A_258 = arith.constant 0 : i32
          %dma_wait3A_259 = tpu.memref_slice %arg15[%dma_wait3A_258] : memref<1600000xi32, #tpu.memory_space<vmem_shared>> -> memref<1600000xi32, #tpu.memory_space<vmem_shared>>
          tpu.wait_indirect_dma semaphore(%run_scoped3A : memref<!tpu.dma_semaphore, #tpu.memory_space<semaphore_mem>>) src(%arg8 : memref<4000xi32, #tpu.memory_space<vmem>>) dst(%dma_wait3A_259 : memref<1600000xi32, #tpu.memory_space<vmem_shared>>)
          tpu.yield
        }) : () -> ()
        %add3A_254 = arith.constant 4000 : i32
        %add3A_255 = arith.addi %scan3A_244, %add3A_254 : i32
        scf.yield %add3A_255 : i32
      }
      %scan3A_171 = arith.constant 25 : i32
      %barrier3A_172 = arith.constant 0 : index
      tpu.barrier barrier_id(%barrier3A_172)
      %scan3A_173 = arith.constant 0 : i32
      %scan3A_174 = arith.constant 0 : i32
      %scan3A_175 = arith.constant 25 : i32
      %scan3A_176 = arith.addi %scan3A_174, %scan3A_175 : i32
      %scan3A_177 = arith.constant 1 : i32
      %scan3A_178 = scf.for %scan3A_243 = %scan3A_174 to %scan3A_176 step %scan3A_177 iter_args(%scan3A_244 = %scan3A_173) -> (i32)  : i32 {
        %add3A = arith.addi %mul3A_121, %scan3A_244 : i32
        %multiple_of3A = tpu.assume_multiple %add3A, 8 : i32
        "tpu.region"() ({
          %run_scoped3A = tpu.sem_alloc : memref<!tpu.dma_semaphore, #tpu.memory_space<semaphore_mem>>
          %dma_start3A = tpu.memref_slice %arg15[%multiple_of3A] : memref<1600000xi32, #tpu.memory_space<vmem_shared>> -> memref<4000xi32, #tpu.memory_space<vmem_shared>>
          %dma_start3A_247 = tpu.memref_slice %arg15[%multiple_of3A] : memref<1600000xi32, #tpu.memory_space<vmem_shared>> -> memref<4000xi32, #tpu.memory_space<vmem_shared>>
          tpu.enqueue_dma source(%dma_start3A_247 : memref<4000xi32, #tpu.memory_space<vmem_shared>>) target(%arg6 : memref<4000xi32, #tpu.memory_space<vmem>>) target_semaphore(%run_scoped3A : memref<!tpu.dma_semaphore, #tpu.memory_space<semaphore_mem>>)
          %dma_wait3A = tpu.memref_slice %arg15[%multiple_of3A] : memref<1600000xi32, #tpu.memory_space<vmem_shared>> -> memref<4000xi32, #tpu.memory_space<vmem_shared>>
          %dma_wait3A_248 = tpu.memref_slice %arg15[%multiple_of3A] : memref<1600000xi32, #tpu.memory_space<vmem_shared>> -> memref<4000xi32, #tpu.memory_space<vmem_shared>>
          tpu.wait_dma2 semaphore(%run_scoped3A : memref<!tpu.dma_semaphore, #tpu.memory_space<semaphore_mem>>) src(%dma_wait3A_248 : memref<4000xi32, #tpu.memory_space<vmem_shared>>) dst(%arg6 : memref<4000xi32, #tpu.memory_space<vmem>>)
          tpu.yield
        }) : () -> ()
        "tpu.region"() ({
          %run_scoped3A = tpu.sem_alloc : memref<!tpu.dma_semaphore, #tpu.memory_space<semaphore_mem>>
          %dma_start3A = tpu.memref_slice %arg4[%multiple_of3A] : memref<1600000xi32, #tpu.memory_space<hbm>> -> memref<4000xi32, #tpu.memory_space<hbm>>
          %dma_start3A_247 = tpu.memref_slice %arg4[%multiple_of3A] : memref<1600000xi32, #tpu.memory_space<hbm>> -> memref<4000xi32, #tpu.memory_space<hbm>>
          tpu.enqueue_dma source(%arg6 : memref<4000xi32, #tpu.memory_space<vmem>>) target(%dma_start3A_247 : memref<4000xi32, #tpu.memory_space<hbm>>) target_semaphore(%run_scoped3A : memref<!tpu.dma_semaphore, #tpu.memory_space<semaphore_mem>>)
          %dma_wait3A = tpu.memref_slice %arg4[%multiple_of3A] : memref<1600000xi32, #tpu.memory_space<hbm>> -> memref<4000xi32, #tpu.memory_space<hbm>>
          %dma_wait3A_248 = tpu.memref_slice %arg4[%multiple_of3A] : memref<1600000xi32, #tpu.memory_space<hbm>> -> memref<4000xi32, #tpu.memory_space<hbm>>
          tpu.wait_dma2 semaphore(%run_scoped3A : memref<!tpu.dma_semaphore, #tpu.memory_space<semaphore_mem>>) src(%arg6 : memref<4000xi32, #tpu.memory_space<vmem>>) dst(%dma_wait3A_248 : memref<4000xi32, #tpu.memory_space<hbm>>)
          tpu.yield
        }) : () -> ()
        %add3A_245 = arith.constant 4000 : i32
        %add3A_246 = arith.addi %scan3A_244, %add3A_245 : i32
        scf.yield %add3A_246 : i32
      }
      %scan3A_179 = arith.constant 25 : i32
      %barrier3A_180 = arith.constant 0 : index
      tpu.barrier barrier_id(%barrier3A_180)
      %iota3A_181 = tpu.iota {dimensions = array<i32: 0>} : vector<16xi32>
      %mul3A_182 = arith.constant 100000 : i32
      %mul3A_183 = arith.muli %arg1, %mul3A_182 : i32
      %broadcast_in_dim3A_184 = arith.constant 0 : i32
      %broadcast_in_dim3A_185 = vector.broadcast %broadcast_in_dim3A_184 : i32 to vector<16xi32>
      %broadcast_in_dim3A_186 = arith.constant 1 : i32
      %broadcast_in_dim3A_187 = vector.broadcast %broadcast_in_dim3A_186 : i32 to vector<16xi32>
      %scan3A_188 = arith.constant 0 : i32
      %scan3A_189 = arith.constant 0 : i32
      %scan3A_190 = arith.constant 256 : i32
      %scan3A_191 = arith.addi %scan3A_189, %scan3A_190 : i32
      %scan3A_192 = arith.constant 1 : i32
      %scan3A_193 = scf.for %scan3A_243 = %scan3A_189 to %scan3A_191 step %scan3A_192 iter_args(%scan3A_244 = %scan3A_188) -> (i32)  : i32 {
        %swap3A = arith.index_cast %scan3A_244 : i32 to index
        %swap3A_245 = tpu.vector_load %arg10[%swap3A] {strides = array<i32>} : memref<4096xi32, #tpu.memory_space<vmem>>, vector<16xi32>,
        tpu.vector_store %arg10[%swap3A], %broadcast_in_dim3A_185 {strides = array<i32>} : memref<4096xi32, #tpu.memory_space<vmem>>, vector<16xi32>,
        %add3A = arith.constant 16 : i32
        %add3A_246 = arith.addi %scan3A_244, %add3A : i32
        scf.yield %add3A_246 : i32
      }
      %scan3A_194 = arith.constant 256 : i32
      %scan3A_195 = arith.constant 24 : i32
      %scan3A_196 = arith.constant 0 : i32
      %scan3A_197 = arith.constant 0 : i32
      %scan3A_198 = arith.constant 25 : i32
      %scan3A_199 = arith.addi %scan3A_197, %scan3A_198 : i32
      %scan3A_200 = arith.constant 1 : i32
      %scan3A_201 = scf.for %scan3A_243 = %scan3A_197 to %scan3A_199 step %scan3A_200 iter_args(%scan3A_244 = %scan3A_196) -> (i32)  : i32 {
        %add3A = arith.addi %mul3A_183, %scan3A_244 : i32
        %multiple_of3A = tpu.assume_multiple %add3A, 8 : i32
        "tpu.region"() ({
          %run_scoped3A = tpu.sem_alloc : memref<!tpu.dma_semaphore, #tpu.memory_space<semaphore_mem>>
          %dma_start3A_256 = tpu.memref_slice %arg4[%multiple_of3A] : memref<1600000xi32, #tpu.memory_space<hbm>> -> memref<4000xi32, #tpu.memory_space<hbm>>
          %dma_start3A_257 = tpu.memref_slice %arg4[%multiple_of3A] : memref<1600000xi32, #tpu.memory_space<hbm>> -> memref<4000xi32, #tpu.memory_space<hbm>>
          tpu.enqueue_dma source(%dma_start3A_257 : memref<4000xi32, #tpu.memory_space<hbm>>) target(%arg6 : memref<4000xi32, #tpu.memory_space<vmem>>) target_semaphore(%run_scoped3A : memref<!tpu.dma_semaphore, #tpu.memory_space<semaphore_mem>>)
          %dma_wait3A_258 = tpu.memref_slice %arg4[%multiple_of3A] : memref<1600000xi32, #tpu.memory_space<hbm>> -> memref<4000xi32, #tpu.memory_space<hbm>>
          %dma_wait3A_259 = tpu.memref_slice %arg4[%multiple_of3A] : memref<1600000xi32, #tpu.memory_space<hbm>> -> memref<4000xi32, #tpu.memory_space<hbm>>
          tpu.wait_dma2 semaphore(%run_scoped3A : memref<!tpu.dma_semaphore, #tpu.memory_space<semaphore_mem>>) src(%dma_wait3A_259 : memref<4000xi32, #tpu.memory_space<hbm>>) dst(%arg6 : memref<4000xi32, #tpu.memory_space<vmem>>)
          tpu.yield
        }) : () -> ()
        %dma_start3A = arith.constant 0 : i32
        %dma_start3A_245 = tpu.memref_slice %arg2[%dma_start3A] : memref<1600000xi32, #tpu.memory_space<hbm>> -> memref<1600000xi32, #tpu.memory_space<hbm>>
        tpu.enqueue_indirect_dma source(%dma_start3A_245 : memref<1600000xi32, #tpu.memory_space<hbm>>) target(%arg5 : memref<4000xi32, #tpu.memory_space<vmem>>) offsets(%arg6 : memref<4000xi32, #tpu.memory_space<vmem>>) semaphore(%arg16 : memref<!tpu.dma_semaphore, #tpu.memory_space<semaphore_mem>>)
        %dma_wait3A = arith.constant 0 : i32
        %dma_wait3A_246 = tpu.memref_slice %arg2[%dma_wait3A] : memref<1600000xi32, #tpu.memory_space<hbm>> -> memref<1600000xi32, #tpu.memory_space<hbm>>
        tpu.wait_indirect_dma semaphore(%arg16 : memref<!tpu.dma_semaphore, #tpu.memory_space<semaphore_mem>>) src(%dma_wait3A_246 : memref<1600000xi32, #tpu.memory_space<hbm>>) dst(%arg5 : memref<4000xi32, #tpu.memory_space<vmem>>)
        %scan3A_247 = arith.constant 0 : i32
        %scan3A_248 = arith.constant 0 : i32
        %scan3A_249 = arith.constant 250 : i32
        %scan3A_250 = arith.addi %scan3A_248, %scan3A_249 : i32
        %scan3A_251 = arith.constant 1 : i32
        %scan3A_252 = scf.for %scan3A_256 = %scan3A_248 to %scan3A_250 step %scan3A_251 iter_args(%scan3A_257 = %scan3A_247) -> (i32)  : i32 {
          %get3A = arith.index_cast %scan3A_257 : i32 to index
          %get3A_258 = tpu.vector_load %arg5[%get3A] {strides = array<i32>} : memref<4000xi32, #tpu.memory_space<vmem>>, vector<16xi32>,
          %shift_right_logical3A = vector.broadcast %scan3A_195 : i32 to vector<16xi32>
          %shift_right_logical3A_259 = arith.shrui %get3A_258, %shift_right_logical3A : vector<16xi32>
          %and3A = arith.constant 255 : i32
          %and3A_260 = vector.broadcast %and3A : i32 to vector<16xi32>
          %and3A_261 = arith.andi %shift_right_logical3A_259, %and3A_260 : vector<16xi32>
          %mul3A_262 = arith.constant 256 : i32
          %mul3A_263 = vector.broadcast %mul3A_262 : i32 to vector<16xi32>
          %mul3A_264 = arith.muli %iota3A_181, %mul3A_263 : vector<16xi32>
          %add3A_265 = arith.addi %mul3A_264, %and3A_261 : vector<16xi32>
          tpu.vector_store_idx %arg10[%add3A_265], %broadcast_in_dim3A_187 {add = true} : memref<4096xi32, #tpu.memory_space<vmem>>[vector<16xi32>], vector<16xi32>,
          %add3A_266 = arith.constant 16 : i32
          %add3A_267 = arith.addi %scan3A_257, %add3A_266 : i32
          scf.yield %add3A_267 : i32
        }
        %scan3A_253 = arith.constant 250 : i32
        %add3A_254 = arith.constant 4000 : i32
        %add3A_255 = arith.addi %scan3A_244, %add3A_254 : i32
        scf.yield %add3A_255 : i32
      }
      %scan3A_202 = arith.constant 25 : i32
      %scan3A_203 = arith.constant 0 : i32
      %scan3A_204 = arith.constant 0 : i32
      %scan3A_205 = arith.constant 16 : i32
      %scan3A_206 = arith.addi %scan3A_204, %scan3A_205 : i32
      %scan3A_207 = arith.constant 1 : i32
      %scan3A_208 = scf.for %scan3A_243 = %scan3A_204 to %scan3A_206 step %scan3A_207 iter_args(%scan3A_244 = %scan3A_203) -> (i32)  : i32 {
        %scan3A_245 = arith.constant 0 : i32
        %scan3A_246 = arith.constant 0 : i32
        %scan3A_247 = arith.constant 16 : i32
        %scan3A_248 = arith.addi %scan3A_246, %scan3A_247 : i32
        %scan3A_249 = arith.constant 1 : i32
        %scan3A_250:2 = scf.for %scan3A_254 = %scan3A_246 to %scan3A_248 step %scan3A_249 iter_args(%scan3A_255 = %scan3A_245, %scan3A_256 = %broadcast_in_dim3A_185) -> (i32, vector<16xi32>)  : i32 {
          %add3A_257 = arith.constant 256 : i32
          %add3A_258 = arith.addi %scan3A_255, %add3A_257 : i32
          %add3A_259 = arith.addi %scan3A_255, %scan3A_244 : i32
          %get3A = arith.index_cast %add3A_259 : i32 to index
          %get3A_260 = tpu.vector_load %arg10[%get3A] {strides = array<i32>} : memref<4096xi32, #tpu.memory_space<vmem>>, vector<16xi32>,
          %add3A_261 = arith.addi %scan3A_256, %get3A_260 : vector<16xi32>
          scf.yield %add3A_258, %add3A_261 : i32, vector<16xi32>
        }
        %scan3A_251 = arith.constant 16 : i32
        %swap3A = arith.index_cast %scan3A_244 : i32 to index
        %swap3A_252 = tpu.vector_load %arg7[%swap3A] {strides = array<i32>} : memref<256xi32, #tpu.memory_space<vmem>>, vector<16xi32>,
        tpu.vector_store %arg7[%swap3A], %scan3A_250#1 {strides = array<i32>} : memref<256xi32, #tpu.memory_space<vmem>>, vector<16xi32>,
        %add3A = arith.constant 16 : i32
        %add3A_253 = arith.addi %scan3A_244, %add3A : i32
        scf.yield %add3A_253 : i32
      }
      %scan3A_209 = arith.constant 16 : i32
      "tpu.region"() ({
        %run_scoped3A = tpu.sem_alloc : memref<!tpu.dma_semaphore, #tpu.memory_space<semaphore_mem>>
        %dma_start3A = arith.constant 0 : i32
        %dma_start3A_243 = tpu.memref_slice %arg7[%dma_start3A] : memref<256xi32, #tpu.memory_space<vmem>> -> memref<256xi32, #tpu.memory_space<vmem>>
        %dma_start3A_244 = arith.constant 0 : i32
        %dma_start3A_245 = tpu.memref_slice %arg14[%arg1, %dma_start3A_244] : memref<16x256xi32, #tpu.memory_space<vmem_shared>> -> memref<1x256xi32, #tpu.memory_space<vmem_shared>>
        %dma_start3A_246 = tpu.memref_squeeze %dma_start3A_245 : memref<1x256xi32, #tpu.memory_space<vmem_shared>> -> memref<256xi32, #tpu.memory_space<vmem_shared>>
        %dma_start3A_247 = arith.constant 0 : i32
        %dma_start3A_248 = tpu.memref_slice %arg14[%arg1, %dma_start3A_247] : memref<16x256xi32, #tpu.memory_space<vmem_shared>> -> memref<1x256xi32, #tpu.memory_space<vmem_shared>>
        %dma_start3A_249 = tpu.memref_squeeze %dma_start3A_248 : memref<1x256xi32, #tpu.memory_space<vmem_shared>> -> memref<256xi32, #tpu.memory_space<vmem_shared>>
        %dma_start3A_250 = arith.constant 0 : i32
        %dma_start3A_251 = tpu.memref_slice %arg7[%dma_start3A_250] : memref<256xi32, #tpu.memory_space<vmem>> -> memref<256xi32, #tpu.memory_space<vmem>>
        tpu.enqueue_dma source(%dma_start3A_251 : memref<256xi32, #tpu.memory_space<vmem>>) target(%dma_start3A_249 : memref<256xi32, #tpu.memory_space<vmem_shared>>) target_semaphore(%run_scoped3A : memref<!tpu.dma_semaphore, #tpu.memory_space<semaphore_mem>>)
        %dma_wait3A = arith.constant 0 : i32
        %dma_wait3A_252 = tpu.memref_slice %arg7[%dma_wait3A] : memref<256xi32, #tpu.memory_space<vmem>> -> memref<256xi32, #tpu.memory_space<vmem>>
        %dma_wait3A_253 = arith.constant 0 : i32
        %dma_wait3A_254 = tpu.memref_slice %arg14[%arg1, %dma_wait3A_253] : memref<16x256xi32, #tpu.memory_space<vmem_shared>> -> memref<1x256xi32, #tpu.memory_space<vmem_shared>>
        %dma_wait3A_255 = tpu.memref_squeeze %dma_wait3A_254 : memref<1x256xi32, #tpu.memory_space<vmem_shared>> -> memref<256xi32, #tpu.memory_space<vmem_shared>>
        %dma_wait3A_256 = arith.constant 0 : i32
        %dma_wait3A_257 = tpu.memref_slice %arg14[%arg1, %dma_wait3A_256] : memref<16x256xi32, #tpu.memory_space<vmem_shared>> -> memref<1x256xi32, #tpu.memory_space<vmem_shared>>
        %dma_wait3A_258 = tpu.memref_squeeze %dma_wait3A_257 : memref<1x256xi32, #tpu.memory_space<vmem_shared>> -> memref<256xi32, #tpu.memory_space<vmem_shared>>
        %dma_wait3A_259 = arith.constant 0 : i32
        %dma_wait3A_260 = tpu.memref_slice %arg7[%dma_wait3A_259] : memref<256xi32, #tpu.memory_space<vmem>> -> memref<256xi32, #tpu.memory_space<vmem>>
        tpu.wait_dma2 semaphore(%run_scoped3A : memref<!tpu.dma_semaphore, #tpu.memory_space<semaphore_mem>>) src(%dma_wait3A_260 : memref<256xi32, #tpu.memory_space<vmem>>) dst(%dma_wait3A_258 : memref<256xi32, #tpu.memory_space<vmem_shared>>)
        tpu.yield
      }) : () -> ()
      %barrier3A_210 = arith.constant 0 : index
      tpu.barrier barrier_id(%barrier3A_210)
      "tpu.region"() ({
        %run_scoped3A = tpu.sem_alloc : memref<!tpu.dma_semaphore, #tpu.memory_space<semaphore_mem>>
        tpu.enqueue_dma source(%arg14 : memref<16x256xi32, #tpu.memory_space<vmem_shared>>) target(%arg12 : memref<16x256xi32, #tpu.memory_space<vmem>>) target_semaphore(%run_scoped3A : memref<!tpu.dma_semaphore, #tpu.memory_space<semaphore_mem>>)
        tpu.wait_dma2 semaphore(%run_scoped3A : memref<!tpu.dma_semaphore, #tpu.memory_space<semaphore_mem>>) src(%arg14 : memref<16x256xi32, #tpu.memory_space<vmem_shared>>) dst(%arg12 : memref<16x256xi32, #tpu.memory_space<vmem>>)
        tpu.yield
      }) : () -> ()
      %barrier3A_211 = arith.constant 0 : index
      tpu.barrier barrier_id(%barrier3A_211)
      %scan3A_212 = arith.constant 0 : i32
      %scan3A_213 = arith.constant 0 : i32
      %scan3A_214 = arith.constant 0 : i32
      %scan3A_215 = arith.constant 16 : i32
      %scan3A_216 = arith.addi %scan3A_214, %scan3A_215 : i32
      %scan3A_217 = arith.constant 1 : i32
      %scan3A_218:2 = scf.for %scan3A_243 = %scan3A_214 to %scan3A_216 step %scan3A_217 iter_args(%scan3A_244 = %scan3A_212, %scan3A_245 = %scan3A_213) -> (i32, i32)  : i32 {
        %scan3A_246 = arith.constant 0 : i32
        %scan3A_247 = arith.constant 0 : i32
        %scan3A_248 = arith.constant 16 : i32
        %scan3A_249 = arith.addi %scan3A_247, %scan3A_248 : i32
        %scan3A_250 = arith.constant 1 : i32
        %scan3A_251:3 = scf.for %scan3A_269 = %scan3A_247 to %scan3A_249 step %scan3A_250 iter_args(%scan3A_270 = %scan3A_246, %scan3A_271 = %broadcast_in_dim3A_185, %scan3A_272 = %broadcast_in_dim3A_185) -> (i32, vector<16xi32>, vector<16xi32>)  : i32 {
          %get3A = arith.index_cast %scan3A_270 : i32 to index
          %get3A_273 = arith.index_cast %scan3A_244 : i32 to index
          %get3A_274 = tpu.vector_load %arg12[%get3A, %get3A_273] {strides = array<i32>} : memref<16x256xi32, #tpu.memory_space<vmem>>, vector<16xi32>,
          %add3A_275 = arith.constant 1 : i32
          %add3A_276 = arith.addi %scan3A_270, %add3A_275 : i32
          %add3A_277 = arith.addi %scan3A_271, %get3A_274 : vector<16xi32>
          %lt3A = arith.cmpi slt, %scan3A_270, %arg1 : i32
          %select_n3A = arith.select %lt3A, %get3A_274, %broadcast_in_dim3A_185 : vector<16xi32>
          %add3A_278 = arith.addi %scan3A_272, %select_n3A : vector<16xi32>
          scf.yield %add3A_276, %add3A_277, %add3A_278 : i32, vector<16xi32>, vector<16xi32>
        }
        %scan3A_252 = arith.constant 16 : i32
        %broadcast_in_dim3A_253 = arith.constant true
        %broadcast_in_dim3A_254 = vector.broadcast %broadcast_in_dim3A_253 : i1 to vector<16xi1>
        %masked_cumsum3A = tpu.scan <sum>, %scan3A_251#1 masked %broadcast_in_dim3A_254 : vector<16xi32>, vector<16xi1> -> vector<16xi32>
        %sub3A_255 = arith.subi %masked_cumsum3A, %scan3A_251#1 : vector<16xi32>
        %add3A = vector.broadcast %scan3A_245 : i32 to vector<16xi32>
        %add3A_256 = arith.addi %sub3A_255, %add3A : vector<16xi32>
        %add3A_257 = arith.addi %add3A_256, %scan3A_251#2 : vector<16xi32>
        %swap3A = arith.index_cast %scan3A_244 : i32 to index
        %swap3A_258 = tpu.vector_load %arg11[%swap3A] {strides = array<i32>} : memref<256xi32, #tpu.memory_space<vmem>>, vector<16xi32>,
        tpu.vector_store %arg11[%swap3A], %add3A_257 {strides = array<i32>} : memref<256xi32, #tpu.memory_space<vmem>>, vector<16xi32>,
        %add3A_259 = arith.constant 16 : i32
        %add3A_260 = arith.addi %scan3A_244, %add3A_259 : i32
        %reduce_max3A = arith.constant true
        %reduce_max3A_261 = vector.broadcast %reduce_max3A : i1 to vector<16xi1>
        %reduce_max3A_262 = arith.constant -2147483648 : i32
        %reduce_max3A_263 = vector.broadcast %reduce_max3A_262 : i32 to vector<16xi32>
        %reduce_max3A_264 = arith.xori %masked_cumsum3A, %reduce_max3A_263 : vector<16xi32>
        %reduce_max3A_265 = tpu.scan <max>, %reduce_max3A_264 masked %reduce_max3A_261 : vector<16xi32>, vector<16xi1> -> vector<16xi32>
        %reduce_max3A_266 = arith.xori %reduce_max3A_265, %reduce_max3A_263 : vector<16xi32>
        %reduce_max3A_267 = vector.extract %reduce_max3A_266[15] : i32 from vector<16xi32>
        %add3A_268 = arith.addi %scan3A_245, %reduce_max3A_267 : i32
        scf.yield %add3A_260, %add3A_268 : i32, i32
      }
      %scan3A_219 = arith.constant 16 : i32
      %sub3A_220 = arith.constant 1 : i32
      %sub3A_221 = vector.broadcast %sub3A_220 : i32 to vector<16xi32>
      %sub3A_222 = arith.subi %iota3A_181, %sub3A_221 : vector<16xi32>
      %max3A_223 = arith.constant 0 : i32
      %max3A_224 = vector.broadcast %max3A_223 : i32 to vector<16xi32>
      %max3A_225 = arith.maxsi %sub3A_222, %max3A_224 : vector<16xi32>
      %scan3A_226 = arith.constant 24 : i32
      %scan3A_227 = arith.constant 0 : i32
      %scan3A_228 = arith.constant 0 : i32
      %scan3A_229 = arith.constant 25 : i32
      %scan3A_230 = arith.addi %scan3A_228, %scan3A_229 : i32
      %scan3A_231 = arith.constant 1 : i32
      %scan3A_232 = scf.for %scan3A_243 = %scan3A_228 to %scan3A_230 step %scan3A_231 iter_args(%scan3A_244 = %scan3A_227) -> (i32)  : i32 {
        %add3A = arith.addi %mul3A_183, %scan3A_244 : i32
        %multiple_of3A = tpu.assume_multiple %add3A, 8 : i32
        "tpu.region"() ({
          %run_scoped3A = tpu.sem_alloc : memref<!tpu.dma_semaphore, #tpu.memory_space<semaphore_mem>>
          %dma_start3A_256 = tpu.memref_slice %arg4[%multiple_of3A] : memref<1600000xi32, #tpu.memory_space<hbm>> -> memref<4000xi32, #tpu.memory_space<hbm>>
          %dma_start3A_257 = tpu.memref_slice %arg4[%multiple_of3A] : memref<1600000xi32, #tpu.memory_space<hbm>> -> memref<4000xi32, #tpu.memory_space<hbm>>
          tpu.enqueue_dma source(%dma_start3A_257 : memref<4000xi32, #tpu.memory_space<hbm>>) target(%arg6 : memref<4000xi32, #tpu.memory_space<vmem>>) target_semaphore(%run_scoped3A : memref<!tpu.dma_semaphore, #tpu.memory_space<semaphore_mem>>)
          %dma_wait3A_258 = tpu.memref_slice %arg4[%multiple_of3A] : memref<1600000xi32, #tpu.memory_space<hbm>> -> memref<4000xi32, #tpu.memory_space<hbm>>
          %dma_wait3A_259 = tpu.memref_slice %arg4[%multiple_of3A] : memref<1600000xi32, #tpu.memory_space<hbm>> -> memref<4000xi32, #tpu.memory_space<hbm>>
          tpu.wait_dma2 semaphore(%run_scoped3A : memref<!tpu.dma_semaphore, #tpu.memory_space<semaphore_mem>>) src(%dma_wait3A_259 : memref<4000xi32, #tpu.memory_space<hbm>>) dst(%arg6 : memref<4000xi32, #tpu.memory_space<vmem>>)
          tpu.yield
        }) : () -> ()
        %dma_start3A = arith.constant 0 : i32
        %dma_start3A_245 = tpu.memref_slice %arg2[%dma_start3A] : memref<1600000xi32, #tpu.memory_space<hbm>> -> memref<1600000xi32, #tpu.memory_space<hbm>>
        tpu.enqueue_indirect_dma source(%dma_start3A_245 : memref<1600000xi32, #tpu.memory_space<hbm>>) target(%arg5 : memref<4000xi32, #tpu.memory_space<vmem>>) offsets(%arg6 : memref<4000xi32, #tpu.memory_space<vmem>>) semaphore(%arg16 : memref<!tpu.dma_semaphore, #tpu.memory_space<semaphore_mem>>)
        %dma_wait3A = arith.constant 0 : i32
        %dma_wait3A_246 = tpu.memref_slice %arg2[%dma_wait3A] : memref<1600000xi32, #tpu.memory_space<hbm>> -> memref<1600000xi32, #tpu.memory_space<hbm>>
        tpu.wait_indirect_dma semaphore(%arg16 : memref<!tpu.dma_semaphore, #tpu.memory_space<semaphore_mem>>) src(%dma_wait3A_246 : memref<1600000xi32, #tpu.memory_space<hbm>>) dst(%arg5 : memref<4000xi32, #tpu.memory_space<vmem>>)
        %scan3A_247 = arith.constant 0 : i32
        %scan3A_248 = arith.constant 0 : i32
        %scan3A_249 = arith.constant 250 : i32
        %scan3A_250 = arith.addi %scan3A_248, %scan3A_249 : i32
        %scan3A_251 = arith.constant 1 : i32
        %scan3A_252 = scf.for %scan3A_256 = %scan3A_248 to %scan3A_250 step %scan3A_251 iter_args(%scan3A_257 = %scan3A_247) -> (i32)  : i32 {
          %get3A = arith.index_cast %scan3A_257 : i32 to index
          %get3A_258 = tpu.vector_load %arg5[%get3A] {strides = array<i32>} : memref<4000xi32, #tpu.memory_space<vmem>>, vector<16xi32>,
          %get3A_259 = arith.index_cast %scan3A_257 : i32 to index
          %get3A_260 = tpu.vector_load %arg6[%get3A_259] {strides = array<i32>} : memref<4000xi32, #tpu.memory_space<vmem>>, vector<16xi32>,
          %shift_right_logical3A = vector.broadcast %scan3A_226 : i32 to vector<16xi32>
          %shift_right_logical3A_261 = arith.shrui %get3A_258, %shift_right_logical3A : vector<16xi32>
          %and3A = arith.constant 255 : i32
          %and3A_262 = vector.broadcast %and3A : i32 to vector<16xi32>
          %and3A_263 = arith.andi %shift_right_logical3A_261, %and3A_262 : vector<16xi32>
          %mul3A_264 = arith.constant 16 : i32
          %mul3A_265 = vector.broadcast %mul3A_264 : i32 to vector<16xi32>
          %mul3A_266 = arith.muli %and3A_263, %mul3A_265 : vector<16xi32>
          %add3A_267 = arith.addi %mul3A_266, %iota3A_181 : vector<16xi32>
          %masked_sort3A = arith.constant dense<true> : vector<16xi1>
          %masked_sort3A_268 = arith.constant -2147483648 : i32
          %masked_sort3A_269 = vector.broadcast %masked_sort3A_268 : i32 to vector<16xi32>
          %masked_sort3A_270 = arith.xori %add3A_267, %masked_sort3A_269 : vector<16xi32>
          %masked_sort3A_271, %masked_sort3A_272, %masked_sort3A_273 = tpu.sort %masked_sort3A_270, %get3A_260 masked %masked_sort3A : (vector<16xi32>, vector<16xi32>, vector<16xi1>) -> (vector<16xi1>, vector<16xi32>, vector<16xi32>)
          %masked_sort3A_274 = arith.xori %masked_sort3A_272, %masked_sort3A_269 : vector<16xi32>
          %shift_right_logical3A_275 = arith.constant 4 : i32
          %shift_right_logical3A_276 = vector.broadcast %shift_right_logical3A_275 : i32 to vector<16xi32>
          %shift_right_logical3A_277 = arith.shrui %masked_sort3A_274, %shift_right_logical3A_276 : vector<16xi32>
          %swap3A = arith.constant 0 : index
          %swap3A_278 = tpu.vector_load %arg13[%swap3A] {strides = array<i32>} : memref<16xi32, #tpu.memory_space<vmem>>, vector<16xi32>,
          tpu.vector_store %arg13[%swap3A], %shift_right_logical3A_277 {strides = array<i32>} : memref<16xi32, #tpu.memory_space<vmem>>, vector<16xi32>,
          %gather3A = tpu.vector_load_idx %arg13[%max3A_225] : memref<16xi32, #tpu.memory_space<vmem>>[vector<16xi32>], vector<16xi32>,
          %eq3A_279 = arith.constant 0 : i32
          %eq3A_280 = vector.broadcast %eq3A_279 : i32 to vector<16xi32>
          %eq3A_281 = arith.cmpi eq, %iota3A_181, %eq3A_280 : vector<16xi32>
          %ne3A = arith.cmpi ne, %shift_right_logical3A_277, %gather3A : vector<16xi32>
          %or3A = arith.ori %eq3A_281, %ne3A : vector<16xi1>
          %jit3A = arith.constant 0 : i64
          %convert_element_type3A_282 = arith.trunci %jit3A : i64 to i32
          %broadcast_in_dim3A_283 = vector.broadcast %convert_element_type3A_282 : i32 to vector<16xi32>
          %select_n3A = arith.select %or3A, %iota3A_181, %broadcast_in_dim3A_283 : vector<16xi1>, vector<16xi32>
          %broadcast_in_dim3A_284 = arith.constant true
          %broadcast_in_dim3A_285 = vector.broadcast %broadcast_in_dim3A_284 : i1 to vector<16xi1>
          %masked_cummax3A = arith.constant -2147483648 : i32
          %masked_cummax3A_286 = vector.broadcast %masked_cummax3A : i32 to vector<16xi32>
          %masked_cummax3A_287 = arith.xori %select_n3A, %masked_cummax3A_286 : vector<16xi32>
          %masked_cummax3A_288 = tpu.scan <max>, %masked_cummax3A_287 masked %broadcast_in_dim3A_285 : vector<16xi32>, vector<16xi1> -> vector<16xi32>
          %masked_cummax3A_289 = arith.xori %masked_cummax3A_288, %masked_cummax3A_286 : vector<16xi32>
          %sub3A_290 = arith.subi %iota3A_181, %masked_cummax3A_289 : vector<16xi32>
          %gather3A_291 = tpu.vector_load_idx %arg11[%shift_right_logical3A_277] : memref<256xi32, #tpu.memory_space<vmem>>[vector<16xi32>], vector<16xi32>,
          %add3A_292 = arith.addi %gather3A_291, %sub3A_290 : vector<16xi32>
          %swap3A_293 = arith.index_cast %scan3A_257 : i32 to index
          %swap3A_294 = tpu.vector_load %arg8[%swap3A_293] {strides = array<i32>} : memref<4000xi32, #tpu.memory_space<vmem>>, vector<16xi32>,
          tpu.vector_store %arg8[%swap3A_293], %masked_sort3A_273 {strides = array<i32>} : memref<4000xi32, #tpu.memory_space<vmem>>, vector<16xi32>,
          %swap3A_295 = arith.index_cast %scan3A_257 : i32 to index
          %swap3A_296 = tpu.vector_load %arg9[%swap3A_295] {strides = array<i32>} : memref<4000xi32, #tpu.memory_space<vmem>>, vector<16xi32>,
          tpu.vector_store %arg9[%swap3A_295], %add3A_292 {strides = array<i32>} : memref<4000xi32, #tpu.memory_space<vmem>>, vector<16xi32>,
          tpu.vector_store_idx %arg11[%shift_right_logical3A_277], %broadcast_in_dim3A_187 {add = true} : memref<256xi32, #tpu.memory_space<vmem>>[vector<16xi32>], vector<16xi32>,
          %add3A_297 = arith.constant 16 : i32
          %add3A_298 = arith.addi %scan3A_257, %add3A_297 : i32
          scf.yield %add3A_298 : i32
        }
        %scan3A_253 = arith.constant 250 : i32
        "tpu.region"() ({
          %run_scoped3A = tpu.sem_alloc : memref<!tpu.dma_semaphore, #tpu.memory_space<semaphore_mem>>
          %dma_start3A_256 = arith.constant 0 : i32
          %dma_start3A_257 = tpu.memref_slice %arg15[%dma_start3A_256] : memref<1600000xi32, #tpu.memory_space<vmem_shared>> -> memref<1600000xi32, #tpu.memory_space<vmem_shared>>
          tpu.enqueue_indirect_dma source(%arg8 : memref<4000xi32, #tpu.memory_space<vmem>>) target(%dma_start3A_257 : memref<1600000xi32, #tpu.memory_space<vmem_shared>>) offsets(%arg9 : memref<4000xi32, #tpu.memory_space<vmem>>) semaphore(%run_scoped3A : memref<!tpu.dma_semaphore, #tpu.memory_space<semaphore_mem>>)
          %dma_wait3A_258 = arith.constant 0 : i32
          %dma_wait3A_259 = tpu.memref_slice %arg15[%dma_wait3A_258] : memref<1600000xi32, #tpu.memory_space<vmem_shared>> -> memref<1600000xi32, #tpu.memory_space<vmem_shared>>
          tpu.wait_indirect_dma semaphore(%run_scoped3A : memref<!tpu.dma_semaphore, #tpu.memory_space<semaphore_mem>>) src(%arg8 : memref<4000xi32, #tpu.memory_space<vmem>>) dst(%dma_wait3A_259 : memref<1600000xi32, #tpu.memory_space<vmem_shared>>)
          tpu.yield
        }) : () -> ()
        %add3A_254 = arith.constant 4000 : i32
        %add3A_255 = arith.addi %scan3A_244, %add3A_254 : i32
        scf.yield %add3A_255 : i32
      }
      %scan3A_233 = arith.constant 25 : i32
      %barrier3A_234 = arith.constant 0 : index
      tpu.barrier barrier_id(%barrier3A_234)
      %scan3A_235 = arith.constant 0 : i32
      %scan3A_236 = arith.constant 0 : i32
      %scan3A_237 = arith.constant 25 : i32
      %scan3A_238 = arith.addi %scan3A_236, %scan3A_237 : i32
      %scan3A_239 = arith.constant 1 : i32
      %scan3A_240 = scf.for %scan3A_243 = %scan3A_236 to %scan3A_238 step %scan3A_239 iter_args(%scan3A_244 = %scan3A_235) -> (i32)  : i32 {
        %add3A = arith.addi %mul3A_183, %scan3A_244 : i32
        %multiple_of3A = tpu.assume_multiple %add3A, 8 : i32
        "tpu.region"() ({
          %run_scoped3A = tpu.sem_alloc : memref<!tpu.dma_semaphore, #tpu.memory_space<semaphore_mem>>
          %dma_start3A = tpu.memref_slice %arg15[%multiple_of3A] : memref<1600000xi32, #tpu.memory_space<vmem_shared>> -> memref<4000xi32, #tpu.memory_space<vmem_shared>>
          %dma_start3A_247 = tpu.memref_slice %arg15[%multiple_of3A] : memref<1600000xi32, #tpu.memory_space<vmem_shared>> -> memref<4000xi32, #tpu.memory_space<vmem_shared>>
          tpu.enqueue_dma source(%dma_start3A_247 : memref<4000xi32, #tpu.memory_space<vmem_shared>>) target(%arg6 : memref<4000xi32, #tpu.memory_space<vmem>>) target_semaphore(%run_scoped3A : memref<!tpu.dma_semaphore, #tpu.memory_space<semaphore_mem>>)
          %dma_wait3A = tpu.memref_slice %arg15[%multiple_of3A] : memref<1600000xi32, #tpu.memory_space<vmem_shared>> -> memref<4000xi32, #tpu.memory_space<vmem_shared>>
          %dma_wait3A_248 = tpu.memref_slice %arg15[%multiple_of3A] : memref<1600000xi32, #tpu.memory_space<vmem_shared>> -> memref<4000xi32, #tpu.memory_space<vmem_shared>>
          tpu.wait_dma2 semaphore(%run_scoped3A : memref<!tpu.dma_semaphore, #tpu.memory_space<semaphore_mem>>) src(%dma_wait3A_248 : memref<4000xi32, #tpu.memory_space<vmem_shared>>) dst(%arg6 : memref<4000xi32, #tpu.memory_space<vmem>>)
          tpu.yield
        }) : () -> ()
        "tpu.region"() ({
          %run_scoped3A = tpu.sem_alloc : memref<!tpu.dma_semaphore, #tpu.memory_space<semaphore_mem>>
          %dma_start3A = tpu.memref_slice %arg4[%multiple_of3A] : memref<1600000xi32, #tpu.memory_space<hbm>> -> memref<4000xi32, #tpu.memory_space<hbm>>
          %dma_start3A_247 = tpu.memref_slice %arg4[%multiple_of3A] : memref<1600000xi32, #tpu.memory_space<hbm>> -> memref<4000xi32, #tpu.memory_space<hbm>>
          tpu.enqueue_dma source(%arg6 : memref<4000xi32, #tpu.memory_space<vmem>>) target(%dma_start3A_247 : memref<4000xi32, #tpu.memory_space<hbm>>) target_semaphore(%run_scoped3A : memref<!tpu.dma_semaphore, #tpu.memory_space<semaphore_mem>>)
          %dma_wait3A = tpu.memref_slice %arg4[%multiple_of3A] : memref<1600000xi32, #tpu.memory_space<hbm>> -> memref<4000xi32, #tpu.memory_space<hbm>>
          %dma_wait3A_248 = tpu.memref_slice %arg4[%multiple_of3A] : memref<1600000xi32, #tpu.memory_space<hbm>> -> memref<4000xi32, #tpu.memory_space<hbm>>
          tpu.wait_dma2 semaphore(%run_scoped3A : memref<!tpu.dma_semaphore, #tpu.memory_space<semaphore_mem>>) src(%arg6 : memref<4000xi32, #tpu.memory_space<vmem>>) dst(%dma_wait3A_248 : memref<4000xi32, #tpu.memory_space<hbm>>)
          tpu.yield
        }) : () -> ()
        %add3A_245 = arith.constant 4000 : i32
        %add3A_246 = arith.addi %scan3A_244, %add3A_245 : i32
        scf.yield %add3A_246 : i32
      }
      %scan3A_241 = arith.constant 25 : i32
      %barrier3A_242 = arith.constant 0 : index
      tpu.barrier barrier_id(%barrier3A_242)
    } else {
    }
    return
  }
}

module attributes {stable_mosaic.version = 14 : i64} {
  func.func @_score_body(%arg0: memref<1x1xf32, #tpu.memory_space<smem>>, %arg1: memref<12500x128xf32, #tpu.memory_space<vmem>>, %arg2: memref<12500x128xf32, #tpu.memory_space<vmem>>, %arg3: memref<12500x128xf32, #tpu.memory_space<vmem>>, %arg4: memref<12500x128xf32, #tpu.memory_space<vmem>>, %arg5: memref<12500x128xi32, #tpu.memory_space<vmem>>) attributes {dimension_semantics = [], scalar_prefetch = 0 : i64, scratch_operands = 0 : i64, tpu.core_type = #tpu.core_type<tc>} {
    %get3A = arith.constant 0 : index
    %get3A_0 = arith.constant 0 : index
    %get3A_1 = memref.load %arg0[%get3A, %get3A_0] : memref<1x1xf32, #tpu.memory_space<smem>>
    %get3A_2 = arith.constant 0 : index
    %get3A_3 = arith.constant 0 : index
    %get3A_4 = vector.load %arg1[%get3A_2, %get3A_3] : memref<12500x128xf32, #tpu.memory_space<vmem>>, vector<12500x128xf32>
    %div3A = vector.broadcast %get3A_1 : f32 to vector<12500x128xf32>
    %div3A_5 = arith.divf %get3A_4, %div3A : vector<12500x128xf32>
    %swap3A = arith.constant 0 : index
    %swap3A_6 = arith.constant 0 : index
    %swap3A_7 = vector.load %arg4[%swap3A, %swap3A_6] : memref<12500x128xf32, #tpu.memory_space<vmem>>, vector<12500x128xf32>
    tpu.vector_store %arg4[%swap3A, %swap3A_6], %div3A_5 {strides = array<i32>} : memref<12500x128xf32, #tpu.memory_space<vmem>>, vector<12500x128xf32>,
    %log3A = math.log %div3A_5 : vector<12500x128xf32>
    %get3A_8 = arith.constant 0 : index
    %get3A_9 = arith.constant 0 : index
    %get3A_10 = vector.load %arg2[%get3A_8, %get3A_9] : memref<12500x128xf32, #tpu.memory_space<vmem>>, vector<12500x128xf32>
    %add3A = arith.addf %log3A, %get3A_10 : vector<12500x128xf32>
    %swap3A_11 = arith.constant 0 : index
    %swap3A_12 = arith.constant 0 : index
    %swap3A_13 = vector.load %arg3[%swap3A_11, %swap3A_12] : memref<12500x128xf32, #tpu.memory_space<vmem>>, vector<12500x128xf32>
    tpu.vector_store %arg3[%swap3A_11, %swap3A_12], %add3A {strides = array<i32>} : memref<12500x128xf32, #tpu.memory_space<vmem>>, vector<12500x128xf32>,
    %bitcast3A = tpu.bitcast %add3A : vector<12500x128xf32> -> vector<12500x128xi32>
    %ge3A = arith.constant 0 : i32
    %ge3A_14 = vector.broadcast %ge3A : i32 to vector<12500x128xi32>
    %ge3A_15 = arith.cmpi sge, %bitcast3A, %ge3A_14 : vector<12500x128xi32>
    %sub3A = arith.constant 2147483647 : i32
    %sub3A_16 = vector.broadcast %sub3A : i32 to vector<12500x128xi32>
    %sub3A_17 = arith.subi %sub3A_16, %bitcast3A : vector<12500x128xi32>
    %select_n3A = arith.select %ge3A_15, %sub3A_17, %bitcast3A : vector<12500x128xi1>, vector<12500x128xi32>
    %swap3A_18 = arith.constant 0 : index
    %swap3A_19 = arith.constant 0 : index
    %swap3A_20 = vector.load %arg5[%swap3A_18, %swap3A_19] : memref<12500x128xi32, #tpu.memory_space<vmem>>, vector<12500x128xi32>
    tpu.vector_store %arg5[%swap3A_18, %swap3A_19], %select_n3A {strides = array<i32>} : memref<12500x128xi32, #tpu.memory_space<vmem>>, vector<12500x128xi32>,
    return
  }
}

</mosaic_0001>

<sc_bundles>
// kernel: kernel.10.cloned.1.call-start
scs
__scs_entry_jumppad:
0x0: {  	(pc) =	sbr.rel $0x88, $3  }
0x1: {  	(tag) =	ssettag $0x0;
	lr =	simm.s32 $0x1  }
0x2: {  	[smem:$0x3F9F] =	sst lr;
	_ =	strace $0xD0000000  }
0x3: {  	_ = 	snop  }
0x4: {  	_ = 	snop  }
0x5: {  	_ = 	snop  }
0x6: {  	_ = 	snop  }
0x7: {  	_ = 	snop  }
__scs_overlays_trampoline_lowered:
0x8: {  	[smem:$0x3FAE] =	sst s0  }
0x9: {  	[smem:$0x3FAF] =	sst s1  }
0xa: {  	[smem:$0x3FB0] =	sst s2  }
0xb: {  	[smem:$0x3FB1] =	sst s3  }
0xc: {  	[smem:$0x3FB2] =	sst s4  }
0xd: {  	[smem:$0x3FB3] =	sst s5  }
0xe: {  	[smem:$0x3FB4] =	sst s6  }
0xf: {  	[smem:$0x3FB5] =	sst s7  }
0x10: {  	[smem:$0x3FB6] =	sst s8  }
0x11: {  	[smem:$0x3FB7] =	sst s9;
	s0 =	simm.s32 @!p0 $0x0  }
0x12: {  	s1 =	sld [smem:$0x3F9D];
	s0 =	simm.s32 @p0 $0x1  }
0x13: {  	[smem:$0x3FB8] =	sst s0;
	s0 =	simm.s32 @!p1 $0x0  }
0x14: {  	s2 =	sld [smem:$0x3F9C];
	s0 =	simm.s32 @p1 $0x1  }
0x15: {  	[smem:$0x3FB9] =	sst s0;
	s0 =	simm.s32 @!p2 $0x0  }
0x16: {  	s3 =	sld [smem:$0x3FDB];
	s0 =	simm.s32 @p2 $0x1  }
0x17: {  	s4 =	simm.s32 $0x1BF5;
	[smem:$0x3FBB] =	sst s0  }
0x18: {  	s0 =	sld [smem:$0x3F9E];
	_ =	swait.ge [sflag:s4], $0x0  }
0x19: {  	s7 =	sld [smem:$0x3F9F]  }
0x1a: {  	s8 =	sadd.s32 $0xFFFFE003, lr  }
0x1b: {  	s9 =	sadd.s32 $0xFFFFFEF7, lr;
	s5 =	simm.s32 $0xFFFFFFFF;
	p2 =	slt.u32 s8, $0xFFFFF086  }
0x1c: {  	p1 =	slt.u32 s9, $0xF7A;
	s5 =	simm.s32 @!p2 $0x0  }
0x1d: {  	s5 =	simm.s32 @p1 $0x1;
	p0 =	seq.s32 s7, s2  }
0x1e: {  	s7 =	smul.u32 @!p0 $0xF7A, s2;
	p2 =	seq.s32 @!p0 s5, $0x0  }
0x1f: {  	s9 =	smul.u32 $0xF7A, s1;
	s8 =	simm.s32 @!p0 $0x1BF5;
	p2 =	por !p2, p0  }
0x20: {  	[sflag:s8] =	ssyncset.s32 @!p0 $0xFFFFF086;
	s6 =	sadd.s32 @!p0 s3, s7;
	s7 =	simm.s32 @!p0 $0x108  }
0x21: {  	s3 =	sadd.s32 s3, s9;
	s6 =	sadd.s32 @!p0 $0x88, s6;
	s7 =	simm.s32 @p2 $0x1082  }
0x22: {  	[simem:s7], [sflag:s8] =	dma.local @!p0 [hbm:s6], $0xF7A  }
0x23: {  	s9 =	sor.u32 $0xD0000000, s2;
	s6 =	simm.s32 $0x108;
	_ =	swait.ge @!p0 [sflag:s8], $0x0  }
0x24: {  	s3 =	sadd.s32 $0x88, s3;
	s6 =	simm.s32 @!p1 $0x1082;
	[sflag:s4] =	ssyncset.s32 $0xFFFFF086  }
0x25: {  	[simem:s6], [sflag:s4] =	dma.local [hbm:s3], $0xF7A  }
0x26: {  	[smem:$0x3F9F] =	sst s1;
	(tag) =	ssettag s2;
	_ =	strace s9  }
0x27: {  	s1 =	sld [smem:$0x3FAF]  }
0x28: {  	s2 =	sld [smem:$0x3FB0]  }
0x29: {  	s4 =	sld [smem:$0x3FB2]  }
0x2a: {  	p0 =	seq.s32 s5, $0x0;
	s5 =	sld [smem:$0x3FB3]  }
0x2b: {  	s6 =	sld [smem:$0x3FB4]  }
0x2c: {  	s7 =	sld [smem:$0x3FB5]  }
0x2d: {  	s3 =	simm.s32 $0x108;
	s8 =	sld [smem:$0x3FB6]  }
0x2e: {  	s3 =	simm.s32 @!p0 $0x1082;
	s9 =	sld [smem:$0x3FB7]  }
0x2f: {  	lr =	sadd.s32 s0, s3;
	s0 =	sld [smem:$0x3FAE]  }
0x30: {  	s3 =	sld [smem:$0x3FB1]  }
0x31: {  	[smem:$0x3FBA] =	sst s10  }
0x32: {  	s10 =	sld [smem:$0x3FB8];
	_ =	sdelay $0x3  }
0x33: {  	p0 =	seq.s32 s10, $0x1;
	s10 =	sld [smem:$0x3FBA];
	_ =	sdelay $0x3  }
0x34: {  	[smem:$0x3FBA] =	sst s10  }
0x35: {  	s10 =	sld [smem:$0x3FB9];
	_ =	sdelay $0x3  }
0x36: {  	p1 =	seq.s32 s10, $0x1;
	s10 =	sld [smem:$0x3FBA];
	_ =	sdelay $0x3  }
0x37: {  	[smem:$0x3FBA] =	sst s10  }
0x38: {  	s10 =	sld [smem:$0x3FBB]  }
0x39: {  	_ = 	snop;
	(pc) =	sbr.ind lr, $3  }
0x3a: {  	_ = 	snop  }
0x3b: {  	_ = 	snop  }
0x3c: {  	p2 =	seq.s32 s10, $0x1;
	s10 =	sld [smem:$0x3FBA]  }
0x3d: {  	_ =	shalt  }
0x3e: {  	_ =	shalt  }
0x3f: {  	_ =	shalt  }
0x40: {  	_ =	shalt  }
0x41: {  	_ =	shalt  }
0x42: {  	_ =	shalt  }
0x43: {  	_ =	shalt  }
0x44: {  	_ =	shalt  }
0x45: {  	_ =	shalt  }
0x46: {  	_ =	shalt  }
0x47: {  	_ =	shalt  }
0x48: {  	_ =	shalt  }
0x49: {  	_ =	shalt  }
0x4a: {  	_ =	shalt  }
0x4b: {  	_ =	shalt  }
0x4c: {  	_ =	shalt  }
0x4d: {  	_ =	shalt  }
0x4e: {  	_ =	shalt  }
0x4f: {  	_ =	shalt  }
0x50: {  	_ =	shalt  }
0x51: {  	_ =	shalt  }
0x52: {  	_ =	shalt  }
0x53: {  	_ =	shalt  }
0x54: {  	_ =	shalt  }
0x55: {  	_ =	shalt  }
0x56: {  	_ =	shalt  }
0x57: {  	_ =	shalt  }
0x58: {  	_ =	shalt  }
0x59: {  	_ =	shalt  }
0x5a: {  	_ =	shalt  }
0x5b: {  	_ =	shalt  }
0x5c: {  	_ =	shalt  }
0x5d: {  	_ =	shalt  }
0x5e: {  	_ =	shalt  }
0x5f: {  	_ =	shalt  }
0x60: {  	_ =	shalt  }
0x61: {  	_ =	shalt  }
0x62: {  	_ =	shalt  }
0x63: {  	_ =	shalt  }
0x64: {  	_ =	shalt  }
0x65: {  	_ =	shalt  }
0x66: {  	_ =	shalt  }
0x67: {  	_ =	shalt  }
0x68: {  	_ =	shalt  }
0x69: {  	_ =	shalt  }
0x6a: {  	_ =	shalt  }
0x6b: {  	_ =	shalt  }
0x6c: {  	_ =	shalt  }
0x6d: {  	_ =	shalt  }
0x6e: {  	_ =	shalt  }
0x6f: {  	_ =	shalt  }
0x70: {  	_ =	shalt  }
0x71: {  	_ =	shalt  }
0x72: {  	_ =	shalt  }
0x73: {  	_ =	shalt  }
0x74: {  	_ =	shalt  }
0x75: {  	_ =	shalt  }
0x76: {  	_ =	shalt  }
0x77: {  	_ =	shalt  }
0x78: {  	_ =	shalt  }
0x79: {  	_ =	shalt  }
0x7a: {  	_ =	shalt  }
0x7b: {  	_ =	shalt  }
0x7c: {  	_ =	shalt  }
0x7d: {  	_ =	shalt  }
0x7e: {  	_ =	shalt  }
0x7f: {  	_ =	shalt  }
0x80: {  	_ =	shalt  }
0x81: {  	_ =	shalt  }
0x82: {  	_ =	shalt  }
0x83: {  	_ =	shalt  }
0x84: {  	_ =	shalt  }
0x85: {  	_ =	shalt  }
0x86: {  	_ =	shalt  }
0x87: {  	_ =	shalt  }
.Lfunc_end0:
.L_simem_size_0:
called_computation.1_lowered:
.L_overlay_start_0:
0x88: {  	s2 =	sld [smem:$0x3FD9]  }
0x89: {  	s3 =	sld [smem:$0x3FFE];
	_ =	sdelay $0x1  }
0x8a: {  	s1 =	srdreg.scid  }
0x8b: {  	s0 =	sand.u32 $0x1, s1  }
0x8c: {  	s14 =	sshll.u32 s0, $0xA;
	s2 =	sadd.s32 s3, s2  }
0x8d: {  	s2 =	sadd.s32 s2, s14  }
0x8e: {  	[smem:$0x3FC6] =	sst s2  }
0x8f: {  	_ = 	snop  }
0x90: {  	s2 =	sld [smem:$0x3FD0];
	_ =	sdelay $0x2  }
0x91: {  	s15 =	simm.s32 $0xA;
	s4 =	simm.s32 $0x10  }
0x92: {  	[smem:s4], [sflag:s15] =	dma.local [hbm:s2], $0x1  }
0x93: {  	_ =	swait.eq [sflag:s15], $0x1  }
0x94: {  	[sflag:s15] =	ssyncset.done $0x0  }
0x95: {  	s16 =	sld [smem:$0x10];
	[sflag:s15] =	ssyncadd.s32 $0xFFFFFFFF  }
0x96: {  	s17 =	sld [smem:$0x11];
	(tm) =	ssettm $0x1  }
0x97: {  	s18 =	sld [smem:$0x3FFB];
	_ =	sdelay $0x3  }
0x98: {  	_ =	strace s18  }
0x99: {  	s4 =	sld [smem:$0x3FFC];
	_ =	sdelay $0x3  }
0x9a: {  	_ =	strace s4  }
0x9b: {  	s4 =	sld [smem:$0x3FFD];
	_ =	sdelay $0x3  }
0x9c: {  	_ =	strace s4  }
0x9d: {  	_ =	strace $0x8FFFFFFF  }
0x9e: {  	s19 =	sld [smem:$0x3FDB];
	_ =	sdelay $0x1  }
0x9f: {  	s5 =	simm.s32 $_scs_section_size  }
0xa0: {  	s6 =	simm.s32 $_size__tile_overlayer_lowered;
	s7 =	simm.s32 $_tile_overlayer_lowered  }
0xa1: {  	s22 =	simm.s32 $0x1BFF;
	s21 =	sshll.u32 s7, $0x1;
	s4 =	sadd.s32 s5, s19  }
0xa2: {  	s8 =	simm.s32 $0x0;
	s20 =	sshll.u32 s6, $0x1;
	s6 =	sadd.s32 s21, s4  }
0xa3: {  	[timem:s8], [sflag:s22] =	dma.local [hbm:s6], s20  }
0xa4: {  	_ =	swait.ge [sflag:s22], s20  }
0xa5: {  	s5 =	ssub.s32 $0x0, s20;
	[sflag:s22] =	ssyncset.done $0x0  }
0xa6: {  	[sflag:s22] =	ssyncadd.s32 s5;
	_ =	sdelay $0x1  }
0xa7: {  	s23 =	simm.s32 $0x1B8B  }
0xa8: {  	_ =	swait.ge [sflag:s23], $0x1  }
0xa9: {  	[sflag:s23] =	ssyncset.done $0x0  }
0xaa: {  	s25 =	simm.s32 $0x1B8E;
	s24 =	sld [smem:$0x3FFE];
	[sflag:s23] =	ssyncadd.s32 $0xFFFFFFFF  }
0xab: {  	s26 =	simm.s32 $execute0_lowered;
	[smem:$0x3FD2] =	sst s25  }
0xac: {  	s6 =	sshll.u32 s26, $0x1;
	_ =	strace $0x80000049;
	[dreg:$0x1] =	wrdreg $0xFFFFFFFF  }
0xad: {  	s28 =	simm.s32 $_size_execute0_lowered;
	s4 =	sadd.s32 s4, s6;
	[dreg:$0x0] =	wrdreg $0x0  }
0xae: {  	s6 =	sshll.u32 s28, $0x1;
	[dreg:$0x2] =	wrdreg s4  }
0xaf: {  	[dreg:$0x3] =	wrdreg s6  }
0xb0: {  	[dreg:$0x4] =	wrdreg $0xC0  }
0xb1: {  	_ =	task [dreg:s8], $0x5FFFF  }
0xb2: {  	[dreg:$0x1] =	wrdreg $0xFFFFFFFF  }
0xb3: {  	[dreg:$0x0] =	wrdreg $0x60  }
0xb4: {  	[dreg:$0x2] =	wrdreg s24  }
0xb5: {  	[dreg:$0x3] =	wrdreg s17  }
0xb6: {  	[dreg:$0x4] =	wrdreg s16  }
0xb7: {  	[dreg:$0x5] =	wrdreg $0x9  }
0xb8: {  	_ =	task.clear_ibuf [dreg:s8], $0x6FFFF;
	_ =	strace $0x90000049  }
0xb9: {  	s29 =	simm.s32 $0x9;
	_ =	strace $0x8000004B  }
0xba: {  	_ =	swait.ge [sflag:s29], $0x1  }
0xbb: {  	[sflag:s29] =	ssyncadd.s32 $0xFFFFFFFF  }
0xbc: {  	_ =	strace $0x9000004B  }
0xbd: {  	_ =	sfence  }
0xbe: {  	s30 =	sld [smem:$0x0];
	_ =	sdelay $0x2  }
0xbf: {  	s31 =	sshll.u32 s1, $0xD;
	s1 =	sshrl.u32 s1, $0x2  }
0xc0: {  	s3 =	sand.u32 $0x4000, s31;
	s1 =	sadd.s32 s1, s30  }
0xc1: {  	s0 =	sor.u32 s3, s0;
	s1 =	sshll.u32 s1, $0x11  }
0xc2: {  	s0 =	sor.u32 s1, s0  }
0xc3: {  	s0 =	sadd.s32 $0x8F2B, s0  }
0xc4: {  	[sflag:s0] =	ssyncadd.remote.s32 $0x1  }
0xc5: {  	_ =	sfence.sel $0xFFFF  }
0xc6: {  	[dreg:$0x0] =	wrdreg $0xFFFFFFFF;
	(pc) =	sbr.abs _section_cstart, $3  }
0xc7: {  	[dreg:$0x1] =	wrdreg $0xFFFFFFFF  }
0xc8: {  	_ =	task.clear_ibuf [dreg:s8], $0x2FFFF;
	_ =	strace $0x9FFFFFFF  }
0xc9: {  	(tm) =	ssettm $0x7FFFFFFF  }
tec
execute0_lowered:
.L_overlay_start_1:
0x0: {  	(tag) =	ssettag $0x1  }
0x1: {  	s7 =	rddreg [dreg:$0x0]  }
0x2: {  	s1 =	rddreg [dreg:$0x1]  }
0x3: {  	s2 =	rddreg [dreg:$0x2]  }
0x4: {  	s0 =	rddreg [dreg:$0x3]  }
0x5: {  	s4 =	simm.s32 $0x0;
	s5 =	srdreg.scid;
	s3 =	stileid.u32  }
0x6: {  	s12 =	simm.s32 $0x2710;
	s13 =	simm.s32 $0x4F00;
	s14 =	simm.s32 $0x1  }
0x7: {  	s15 =	simm.s32 $0x7680;
	s16 =	simm.s32 $0x9E00;
	s17 =	simm.s32 $0x0  }
0x8: {  	[smem:$0x7FF] =	sst s4;
	s8 =	sand.u32 $0x1, s5;
	s5 =	sadd.s32 $0x35C00, s7  }
0x9: {  	s10 =	sshll.u32 s3, $0x1;
	s6 =	sadd.s32 $0x1A00, s7;
	s9 =	ssub.s32 $0x2, s8  }
0xa: {  	s7 =	sadd.s32 $0x37600, s7;
	_ =	strace $0x8000004A;
	s11 =	sshrl.u32 s9, $0x1  }
0xb: {  	s8 =	sor.u32 s8, s10;
	s10 =	simm.s32 $0x2;
	s9 =	ssub.s32 s9, s11  }
0xc: {  	s8 =	smul.u32 $0xC350, s8;
	s11 =	simm.s32 $0x2780;
	s9 =	smax.u32 s9, $0x1  }
.LBB2_1:
0xd: {  	s18 =	simm.s32 $0x0;
	s19 =	simm.s32 $0x0  }
.LBB2_2:
0xe: {  	s20 =	sadd.s32 s8, s18  }
0xf: {  	s20 =	sshrl.u32 s20, $0x3  }
0x10: {  	s22 =	simm.s32 $0x0;
	s21 =	sadd.s32 s6, s20  }
0x11: {  	[tilespmem:s22], [sflag:$0x2] =	stream.linear.gather [hbm4b:s21+s22], $0x2710, $0x38;
	[tilespmem:$0xC580] =	vst v63  }
0x12: {  	_ =	swait.ge [sflag:s10], $0x2710  }
0x13: {  	[sflag:s10] =	ssyncset.done $0x0  }
0x14: {  	s31 =	sadd.s32 s2, s20;
	[sflag:s10] =	ssyncadd.s32 $0xFFFFD8F0  }
0x15: {  	[tilespmem:s11], [sflag:$0x2] =	stream.linear.gather [hbm4b:s31+s22], $0x2710, $0x38;
	[tilespmem:$0xC580] =	vst v63  }
0x16: {  	_ =	swait.ge [sflag:s10], $0x2710  }
0x17: {  	[sflag:s10] =	ssyncset.done $0x0  }
0x18: {  	[sflag:s10] =	ssyncadd.s32 $0xFFFFD8F0  }
0x19: {  	[tilespmem:s13], [sflag:$0x1] =	stream.indirect.gather [hbm4b:s5+s12], $0x1, s22, s12, $0xb8;
	[tilespmem:$0xC580] =	vst v63  }
0x1a: {  	_ =	swait.ge [sflag:s14], $0x2710  }
0x1b: {  	[sflag:s14] =	ssyncset.done $0x0  }
0x1c: {  	[sflag:s14] =	ssyncadd.s32 $0xFFFFD8F0  }
0x1d: {  	[tilespmem:s15], [sflag:$0x1] =	stream.indirect.gather [hbm4b:s1+s12], $0x1, s11, s12, $0xb8;
	[tilespmem:$0xC580] =	vst v63  }
0x1e: {  	_ =	swait.ge [sflag:s14], $0x2710  }
0x1f: {  	[sflag:s14] =	ssyncset.done $0x0  }
0x20: {  	s21 =	simm.s32 $0x0;
	[sflag:s14] =	ssyncadd.s32 $0xFFFFD8F0  }
0x21: {  	v0 =	vld [tilespmem:s21+$0x4F00]  }
0x22: {  	s22 =	simm.s32 $0x40;
	v1 =	vld [tilespmem:s21+$0x7680]  }
.LBB2_3:
0x23: {  	_ = 	snop  }
0x24: {  	p0 =	sne.s32 s22, $0x9C00  }
.Ltmp0:
0x25: {  	_ = 	snop;
	(pc) =	sbr.rel @p0 .LBB2_3-.Ltmp0, $4  }
0x26: {  	_ = 	snop  }
0x27: {  	s23 =	sshra.s32 s22, $0x2;
	v2 =	vadd.f32 v1, v0  }
0x28: {  	v0 =	vld [tilespmem:s23+$0x4F00]  }
0x29: {  	s22 =	sadd.s32 $0x40, s22;
	v1 =	vld [tilespmem:s23+$0x7680];
	[tilespmem:s21+$0x9E00] =	vst v2;
	s21 =	smov.u32 s23  }
0x2a: {  	_ =	sdelay $0x3  }
0x2b: {  	s19 =	sadd.s32 $0x1, s19;
	v0 =	vadd.f32 v1, v0  }
0x2c: {  	p0 =	sne.s32 s19, $0x5  }
.Ltmp1:
0x2d: {  	s20 =	sadd.s32 s7, s20;
	[tilespmem:s21+$0x9E00] =	vst v0;
	(pc) =	sbr.rel @p0 .LBB2_2-.Ltmp1, $4  }
0x2e: {  	[hbm4b:s20+s4] =	stream.linear.scatter [tilespmem:s16], [sflag:$0x2], $0x2710, $0x38;
	[tilespmem:$0xC580] =	vst v63  }
0x2f: {  	_ =	swait.ge [sflag:s10], $0x2710  }
0x30: {  	[sflag:s10] =	ssyncset.done $0x0  }
0x31: {  	s18 =	sadd.s32 $0x2710, s18;
	[sflag:s10] =	ssyncadd.s32 $0xFFFFD8F0  }
0x32: {  	s17 =	sadd.s32 $0x1, s17  }
0x33: {  	p0 =	sne.s32 s17, s9  }
.Ltmp2:
0x34: {  	_ = 	snop;
	(pc) =	sbr.rel @p0 .LBB2_1-.Ltmp2, $1  }
0x35: {  	_ =	sdelay $0x3  }
0x36: {  	_ =	sfence.sel $0x180000  }
0x37: {  	[bflag:$0x0] =	sbarrier.arrive $0xFFFF  }
0x38: {  	p0 =	sne.s32 s3, $0x0;
	_ =	strace $0x9000004A  }
0x39: {  	s0 =	sadd.s32 @!p0 $0x100000, s0;
	[bflag:$0x2] =	sbarrier.arrive $0xFFFF  }
0x3a: {  	[sflag:s0] =	ssyncadd.tile.s32 @!p0 $0x1;
	_ =	shalt  }
.Lfunc_end2:
_tile_overlayer_lowered:
.L_overlay_start_2:
0x3b: {  	(tag) =	ssettag $0x2  }
0x3c: {  	s0 =	rddreg [dreg:$0x0];
	s2 =	stileid.u32  }
0x3d: {  	s1 =	rddreg [dreg:$0x1];
	p0 =	sne.s32 s2, $0x0  }
0x3e: {  	s3 =	rddreg [dreg:$0x2];
	[bflag:$0x3] =	sbarrier.arrive $0xFFFF;
	s2 =	simm.s32 @!p0 $0x1C02  }
0x3f: {  	[timem:s3], [sflag:s2] =	dma.local @!p0 [hbm:s0], s1  }
0x40: {  	s0 =	simm.s32 @!p0 $0x2  }
0x41: {  	_ =	swait.ge @!p0 [sflag:s0], s1  }
0x42: {  	s1 =	ssub.s32 @!p0 $0x0, s1;
	[sflag:s0] =	ssyncset.done @!p0 $0x0  }
0x43: {  	[sflag:s0] =	ssyncadd.s32 @!p0 s1  }
0x44: {  	[bflag:$0x3] =	sbarrier.arrive $0xFFFF  }
0x45: {  	_ =	shalt  }

// kernel: kernel.13.cloned.1.call-start
scs
__scs_entry_jumppad:
0x0: {  	(pc) =	sbr.rel $0x88, $3  }
0x1: {  	(tag) =	ssettag $0x0;
	lr =	simm.s32 $0x1  }
0x2: {  	[smem:$0x3F9F] =	sst lr;
	_ =	strace $0xD0000000  }
0x3: {  	_ = 	snop  }
0x4: {  	_ = 	snop  }
0x5: {  	_ = 	snop  }
0x6: {  	_ = 	snop  }
0x7: {  	_ = 	snop  }
__scs_overlays_trampoline_lowered:
0x8: {  	[smem:$0x3FAE] =	sst s0  }
0x9: {  	[smem:$0x3FAF] =	sst s1  }
0xa: {  	[smem:$0x3FB0] =	sst s2  }
0xb: {  	[smem:$0x3FB1] =	sst s3  }
0xc: {  	[smem:$0x3FB2] =	sst s4  }
0xd: {  	[smem:$0x3FB3] =	sst s5  }
0xe: {  	[smem:$0x3FB4] =	sst s6  }
0xf: {  	[smem:$0x3FB5] =	sst s7  }
0x10: {  	[smem:$0x3FB6] =	sst s8  }
0x11: {  	[smem:$0x3FB7] =	sst s9;
	s0 =	simm.s32 @!p0 $0x0  }
0x12: {  	s1 =	sld [smem:$0x3F9D];
	s0 =	simm.s32 @p0 $0x1  }
0x13: {  	[smem:$0x3FB8] =	sst s0;
	s0 =	simm.s32 @!p1 $0x0  }
0x14: {  	s2 =	sld [smem:$0x3F9C];
	s0 =	simm.s32 @p1 $0x1  }
0x15: {  	[smem:$0x3FB9] =	sst s0;
	s0 =	simm.s32 @!p2 $0x0  }
0x16: {  	s3 =	sld [smem:$0x3FDB];
	s0 =	simm.s32 @p2 $0x1  }
0x17: {  	s4 =	simm.s32 $0x1BF5;
	[smem:$0x3FBB] =	sst s0  }
0x18: {  	s0 =	sld [smem:$0x3F9E];
	_ =	swait.ge [sflag:s4], $0x0  }
0x19: {  	s7 =	sld [smem:$0x3F9F]  }
0x1a: {  	s8 =	sadd.s32 $0xFFFFE003, lr  }
0x1b: {  	s9 =	sadd.s32 $0xFFFFFEF7, lr;
	s5 =	simm.s32 $0xFFFFFFFF;
	p2 =	slt.u32 s8, $0xFFFFF086  }
0x1c: {  	p1 =	slt.u32 s9, $0xF7A;
	s5 =	simm.s32 @!p2 $0x0  }
0x1d: {  	s5 =	simm.s32 @p1 $0x1;
	p0 =	seq.s32 s7, s2  }
0x1e: {  	s7 =	smul.u32 @!p0 $0xF7A, s2;
	p2 =	seq.s32 @!p0 s5, $0x0  }
0x1f: {  	s9 =	smul.u32 $0xF7A, s1;
	s8 =	simm.s32 @!p0 $0x1BF5;
	p2 =	por !p2, p0  }
0x20: {  	[sflag:s8] =	ssyncset.s32 @!p0 $0xFFFFF086;
	s6 =	sadd.s32 @!p0 s3, s7;
	s7 =	simm.s32 @!p0 $0x108  }
0x21: {  	s3 =	sadd.s32 s3, s9;
	s6 =	sadd.s32 @!p0 $0x88, s6;
	s7 =	simm.s32 @p2 $0x1082  }
0x22: {  	[simem:s7], [sflag:s8] =	dma.local @!p0 [hbm:s6], $0xF7A  }
0x23: {  	s9 =	sor.u32 $0xD0000000, s2;
	s6 =	simm.s32 $0x108;
	_ =	swait.ge @!p0 [sflag:s8], $0x0  }
0x24: {  	s3 =	sadd.s32 $0x88, s3;
	s6 =	simm.s32 @!p1 $0x1082;
	[sflag:s4] =	ssyncset.s32 $0xFFFFF086  }
0x25: {  	[simem:s6], [sflag:s4] =	dma.local [hbm:s3], $0xF7A  }
0x26: {  	[smem:$0x3F9F] =	sst s1;
	(tag) =	ssettag s2;
	_ =	strace s9  }
0x27: {  	s1 =	sld [smem:$0x3FAF]  }
0x28: {  	s2 =	sld [smem:$0x3FB0]  }
0x29: {  	s4 =	sld [smem:$0x3FB2]  }
0x2a: {  	p0 =	seq.s32 s5, $0x0;
	s5 =	sld [smem:$0x3FB3]  }
0x2b: {  	s6 =	sld [smem:$0x3FB4]  }
0x2c: {  	s7 =	sld [smem:$0x3FB5]  }
0x2d: {  	s3 =	simm.s32 $0x108;
	s8 =	sld [smem:$0x3FB6]  }
0x2e: {  	s3 =	simm.s32 @!p0 $0x1082;
	s9 =	sld [smem:$0x3FB7]  }
0x2f: {  	lr =	sadd.s32 s0, s3;
	s0 =	sld [smem:$0x3FAE]  }
0x30: {  	s3 =	sld [smem:$0x3FB1]  }
0x31: {  	[smem:$0x3FBA] =	sst s10  }
0x32: {  	s10 =	sld [smem:$0x3FB8];
	_ =	sdelay $0x3  }
0x33: {  	p0 =	seq.s32 s10, $0x1;
	s10 =	sld [smem:$0x3FBA];
	_ =	sdelay $0x3  }
0x34: {  	[smem:$0x3FBA] =	sst s10  }
0x35: {  	s10 =	sld [smem:$0x3FB9];
	_ =	sdelay $0x3  }
0x36: {  	p1 =	seq.s32 s10, $0x1;
	s10 =	sld [smem:$0x3FBA];
	_ =	sdelay $0x3  }
0x37: {  	[smem:$0x3FBA] =	sst s10  }
0x38: {  	s10 =	sld [smem:$0x3FBB]  }
0x39: {  	_ = 	snop;
	(pc) =	sbr.ind lr, $3  }
0x3a: {  	_ = 	snop  }
0x3b: {  	_ = 	snop  }
0x3c: {  	p2 =	seq.s32 s10, $0x1;
	s10 =	sld [smem:$0x3FBA]  }
0x3d: {  	_ =	shalt  }
0x3e: {  	_ =	shalt  }
0x3f: {  	_ =	shalt  }
0x40: {  	_ =	shalt  }
0x41: {  	_ =	shalt  }
0x42: {  	_ =	shalt  }
0x43: {  	_ =	shalt  }
0x44: {  	_ =	shalt  }
0x45: {  	_ =	shalt  }
0x46: {  	_ =	shalt  }
0x47: {  	_ =	shalt  }
0x48: {  	_ =	shalt  }
0x49: {  	_ =	shalt  }
0x4a: {  	_ =	shalt  }
0x4b: {  	_ =	shalt  }
0x4c: {  	_ =	shalt  }
0x4d: {  	_ =	shalt  }
0x4e: {  	_ =	shalt  }
0x4f: {  	_ =	shalt  }
0x50: {  	_ =	shalt  }
0x51: {  	_ =	shalt  }
0x52: {  	_ =	shalt  }
0x53: {  	_ =	shalt  }
0x54: {  	_ =	shalt  }
0x55: {  	_ =	shalt  }
0x56: {  	_ =	shalt  }
0x57: {  	_ =	shalt  }
0x58: {  	_ =	shalt  }
0x59: {  	_ =	shalt  }
0x5a: {  	_ =	shalt  }
0x5b: {  	_ =	shalt  }
0x5c: {  	_ =	shalt  }
0x5d: {  	_ =	shalt  }
0x5e: {  	_ =	shalt  }
0x5f: {  	_ =	shalt  }
0x60: {  	_ =	shalt  }
0x61: {  	_ =	shalt  }
0x62: {  	_ =	shalt  }
0x63: {  	_ =	shalt  }
0x64: {  	_ =	shalt  }
0x65: {  	_ =	shalt  }
0x66: {  	_ =	shalt  }
0x67: {  	_ =	shalt  }
0x68: {  	_ =	shalt  }
0x69: {  	_ =	shalt  }
0x6a: {  	_ =	shalt  }
0x6b: {  	_ =	shalt  }
0x6c: {  	_ =	shalt  }
0x6d: {  	_ =	shalt  }
0x6e: {  	_ =	shalt  }
0x6f: {  	_ =	shalt  }
0x70: {  	_ =	shalt  }
0x71: {  	_ =	shalt  }
0x72: {  	_ =	shalt  }
0x73: {  	_ =	shalt  }
0x74: {  	_ =	shalt  }
0x75: {  	_ =	shalt  }
0x76: {  	_ =	shalt  }
0x77: {  	_ =	shalt  }
0x78: {  	_ =	shalt  }
0x79: {  	_ =	shalt  }
0x7a: {  	_ =	shalt  }
0x7b: {  	_ =	shalt  }
0x7c: {  	_ =	shalt  }
0x7d: {  	_ =	shalt  }
0x7e: {  	_ =	shalt  }
0x7f: {  	_ =	shalt  }
0x80: {  	_ =	shalt  }
0x81: {  	_ =	shalt  }
0x82: {  	_ =	shalt  }
0x83: {  	_ =	shalt  }
0x84: {  	_ =	shalt  }
0x85: {  	_ =	shalt  }
0x86: {  	_ =	shalt  }
0x87: {  	_ =	shalt  }
.Lfunc_end0:
.L_simem_size_0:
called_computation.2_lowered:
.L_overlay_start_0:
0x88: {  	s2 =	sld [smem:$0x3FD9]  }
0x89: {  	s3 =	sld [smem:$0x3FFE];
	_ =	sdelay $0x1  }
0x8a: {  	s1 =	srdreg.scid  }
0x8b: {  	s0 =	sand.u32 $0x1, s1  }
0x8c: {  	s16 =	sshll.u32 s0, $0xA;
	s2 =	sadd.s32 s3, s2  }
0x8d: {  	s2 =	sadd.s32 s2, s16  }
0x8e: {  	[smem:$0x3FC6] =	sst s2  }
0x8f: {  	_ = 	snop  }
0x90: {  	(tm) =	ssettm $0x1  }
0x91: {  	s17 =	sld [smem:$0x3FFB];
	_ =	sdelay $0x3  }
0x92: {  	_ =	strace s17  }
0x93: {  	s2 =	sld [smem:$0x3FFC];
	_ =	sdelay $0x3  }
0x94: {  	_ =	strace s2  }
0x95: {  	s2 =	sld [smem:$0x3FFD];
	_ =	sdelay $0x3  }
0x96: {  	_ =	strace s2  }
0x97: {  	_ =	strace $0x8FFFFFFF  }
0x98: {  	s18 =	sld [smem:$0x3FDB];
	_ =	sdelay $0x1  }
0x99: {  	s19 =	simm.s32 $_scs_section_size  }
0x9a: {  	s4 =	simm.s32 $_size__tile_overlayer_lowered;
	s5 =	simm.s32 $_tile_overlayer_lowered  }
0x9b: {  	s22 =	simm.s32 $0x1BFF;
	s21 =	sshll.u32 s5, $0x1;
	s2 =	sadd.s32 s19, s18  }
0x9c: {  	s6 =	simm.s32 $0x0;
	s20 =	sshll.u32 s4, $0x1;
	s4 =	sadd.s32 s21, s2  }
0x9d: {  	[timem:s6], [sflag:s22] =	dma.local [hbm:s4], s20  }
0x9e: {  	_ =	swait.ge [sflag:s22], s20  }
0x9f: {  	s3 =	ssub.s32 $0x0, s20;
	[sflag:s22] =	ssyncset.done $0x0  }
0xa0: {  	[sflag:s22] =	ssyncadd.s32 s3;
	_ =	sdelay $0x1  }
0xa1: {  	s23 =	simm.s32 $0x1B8B  }
0xa2: {  	_ =	swait.ge [sflag:s23], $0x1  }
0xa3: {  	[sflag:s23] =	ssyncset.done $0x0  }
0xa4: {  	s25 =	simm.s32 $0x1B8E;
	s24 =	sld [smem:$0x3FFE];
	[sflag:s23] =	ssyncadd.s32 $0xFFFFFFFF  }
0xa5: {  	s26 =	simm.s32 $execute0_lowered;
	[smem:$0x3FD2] =	sst s25  }
0xa6: {  	s4 =	sshll.u32 s26, $0x1;
	_ =	strace $0x8000004C;
	[dreg:$0x1] =	wrdreg $0xFFFFFFFF  }
0xa7: {  	s28 =	simm.s32 $_size_execute0_lowered;
	s2 =	sadd.s32 s2, s4;
	[dreg:$0x0] =	wrdreg $0x0  }
0xa8: {  	s4 =	sshll.u32 s28, $0x1;
	[dreg:$0x2] =	wrdreg s2  }
0xa9: {  	[dreg:$0x3] =	wrdreg s4  }
0xaa: {  	[dreg:$0x4] =	wrdreg $0xC0  }
0xab: {  	_ =	task [dreg:s6], $0x5FFFF  }
0xac: {  	[dreg:$0x1] =	wrdreg $0xFFFFFFFF  }
0xad: {  	[dreg:$0x0] =	wrdreg $0x60  }
0xae: {  	[dreg:$0x2] =	wrdreg s24  }
0xaf: {  	[dreg:$0x3] =	wrdreg $0x62800  }
0xb0: {  	[dreg:$0x4] =	wrdreg $0x63800  }
0xb1: {  	[dreg:$0x5] =	wrdreg $0x9  }
0xb2: {  	_ =	task.clear_ibuf [dreg:s6], $0x6FFFF;
	_ =	strace $0x9000004C  }
0xb3: {  	s29 =	simm.s32 $0x9;
	_ =	strace $0x8000004E  }
0xb4: {  	_ =	swait.ge [sflag:s29], $0x1  }
0xb5: {  	[sflag:s29] =	ssyncadd.s32 $0xFFFFFFFF  }
0xb6: {  	_ =	strace $0x9000004E  }
0xb7: {  	_ =	sfence  }
0xb8: {  	s30 =	sld [smem:$0x0];
	_ =	sdelay $0x2  }
0xb9: {  	s31 =	sshll.u32 s1, $0xD;
	s1 =	sshrl.u32 s1, $0x2  }
0xba: {  	s3 =	sand.u32 $0x4000, s31;
	s1 =	sadd.s32 s1, s30  }
0xbb: {  	s0 =	sor.u32 s3, s0;
	s1 =	sshll.u32 s1, $0x11  }
0xbc: {  	s0 =	sor.u32 s1, s0  }
0xbd: {  	s0 =	sadd.s32 $0x8F2B, s0  }
0xbe: {  	[sflag:s0] =	ssyncadd.remote.s32 $0x1  }
0xbf: {  	_ =	sfence.sel $0xFFFF  }
0xc0: {  	[dreg:$0x0] =	wrdreg $0xFFFFFFFF;
	(pc) =	sbr.abs _section_cstart, $3  }
0xc1: {  	[dreg:$0x1] =	wrdreg $0xFFFFFFFF  }
0xc2: {  	_ =	task.clear_ibuf [dreg:s6], $0x2FFFF;
	_ =	strace $0x9FFFFFFF  }
0xc3: {  	(tm) =	ssettm $0x7FFFFFFF  }
tec
execute0_lowered:
.L_overlay_start_1:
0x0: {  	(tag) =	ssettag $0x1  }
0x1: {  	s1 =	srdreg.scid  }
0x2: {  	s1 =	sand.u32 $0x1, s1  }
0x3: {  	p0 =	seq.s32 s1, $0x1  }
.Ltmp0:
0x4: {  	s4 =	rddreg [dreg:$0x0];
	(pc) =	sbr.rel @p0 .LBB2_74-.Ltmp0, $4  }
0x5: {  	s6 =	rddreg [dreg:$0x1]  }
0x6: {  	s2 =	rddreg [dreg:$0x2];
	s9 =	simm.s32 $0x0  }
0x7: {  	[smem:$0x7FF] =	sst s9  }
0x8: {  	s0 =	rddreg [dreg:$0x3];
	_ =	strace $0x8000004D;
	s1 =	stileid.u32  }
0x9: {  	s5 =	sshll.u32 s1, $0x8  }
0xa: {  	s3 =	sadd.s32 $0x32800, s4;
	s7 =	sshll.u32 s1, $0x7;
	s5 =	sand.u32 $0x800, s5  }
0xb: {  	s8 =	sadd.s32 $0x94400, s4;
	s7 =	sand.u32 $0x380, s7;
	s10 =	sadd.s32 s5, s6  }
0xc: {  	s4 =	sadd.s32 $0xC5200, s4;
	v0 =	vimm.s32 $0x0;
	s5 =	smul.u32 $0x186A0, s1;
	s7 =	sadd.s32 s7, s10  }
.LBB2_2:
0xd: {  	p0 =	sne.s32 s9, $0x3FC0  }
.Ltmp1:
0xe: {  	_ = 	snop;
	(pc) =	sbr.rel @p0 .LBB2_2-.Ltmp1, $3  }
0xf: {  	_ =	sdelay $0x1  }
0x10: {  	s10 =	sshra.s32 s9, $0x2  }
0x11: {  	s9 =	sadd.s32 $0x40, s9;
	[tilespmem:s10+$0x4100] =	vst v0  }
0x12: {  	s9 =	simm.s32 $0x0;
	s10 =	simm.s32 $0x1000  }
0x13: {  	s11 =	simm.s32 $0x2;
	s12 =	simm.s32 $0xFA0;
	s13 =	simm.s32 $0x1;
	v0 =	vlaneseq.u32  }
0x14: {  	v1 =	vimm.s32 $0x1;
	s14 =	simm.s32 $0x4100;
	s15 =	simm.s32 $0x0;
	s16 =	simm.s32 $0x0;
	v0 =	vmul.u32 $0x100, v0  }
.LBB2_4:
0x15: {  	s17 =	sadd.s32 s5, s15  }
0x16: {  	s17 =	sshrl.u32 s17, $0x3  }
0x17: {  	s17 =	sadd.s32 s8, s17  }
0x18: {  	[tilespmem:s10], [sflag:$0x2] =	stream.linear.gather [hbm4b:s17+s9], $0xFA0, $0x38;
	[tilespmem:$0x1EA20] =	vst v63  }
0x19: {  	_ =	swait.ge [sflag:s11], $0xFA0  }
0x1a: {  	[sflag:s11] =	ssyncset.done $0x0  }
0x1b: {  	[sflag:s11] =	ssyncadd.s32 $0xFFFFF060  }
0x1c: {  	[tilespmem:s9], [sflag:$0x1] =	stream.indirect.gather [hbm4b:s3+s12], $0x1, s10, s12, $0xb8;
	[tilespmem:$0x1EA20] =	vst v63  }
0x1d: {  	_ =	swait.ge [sflag:s13], $0xFA0  }
0x1e: {  	[sflag:s13] =	ssyncset.done $0x0  }
0x1f: {  	s18 =	simm.s32 $0x0;
	s17 =	simm.s32 $0x40;
	[sflag:s13] =	ssyncadd.s32 $0xFFFFF060  }
.LBB2_5:
0x20: {  	p0 =	sne.s32 s17, $0x3E40;
	v2 =	vld [tilespmem:s18+$0x0];
	_ =	sdelay $0x4  }
0x21: {  	v2 =	vand.u32 $0xFF, v2  }
0x22: {  	v2 =	vor.u32 v0, v2  }
.Ltmp2:
0x23: {  	(pc) =	sbr.rel @p0 .LBB2_5-.Ltmp2, $2  }
0x24: {  	_ =	sdelay $0x2  }
0x25: {  	s18 =	sshra.s32 s17, $0x2;
	s17 =	sadd.s32 $0x40, s17;
	[tilespmem:v2+s14+$0x0] =	vst.idx.add.s32.msk $0xffff, v1  }
0x26: {  	v2 =	vld [tilespmem:s18+$0x0];
	_ =	sdelay $0x4  }
0x27: {  	s16 =	sadd.s32 $0x1, s16;
	v2 =	vand.u32 $0xFF, v2  }
0x28: {  	p0 =	sne.s32 s16, $0x19;
	v2 =	vor.u32 v0, v2  }
.Ltmp3:
0x29: {  	_ = 	snop;
	(pc) =	sbr.rel @p0 .LBB2_4-.Ltmp3, $2  }
0x2a: {  	_ =	sdelay $0x2  }
0x2b: {  	s15 =	sadd.s32 $0xFA0, s15;
	[tilespmem:v2+s14+$0x0] =	vst.idx.add.s32.msk $0xffff, v1  }
0x2c: {  	s10 =	simm.s32 $0x0  }
0x2d: {  	s11 =	simm.s32 $0x100;
	s9 =	sand.u32 $0x70, s10  }
0x2e: {  	s11 =	sand.u32 $0x7FFFFF80, s11;
	s9 =	sor.u32 $0x4100, s9  }
0x2f: {  	s12 =	simm.s32 $0x200;
	s10 =	sand.u32 $0x7FFFFF80, s10;
	s11 =	sadd.s32 s11, s9  }
0x30: {  	s28 =	simm.s32 $0x300;
	s26 =	sand.u32 $0x7FFFFF80, s12;
	s10 =	sadd.s32 s10, s9;
	v0 =	vld [tilespmem:s11+$0x0]  }
0x31: {  	s31 =	simm.s32 $0x400;
	s30 =	sand.u32 $0x7FFFFF80, s28;
	s29 =	sadd.s32 s26, s9;
	v1 =	vld [tilespmem:s10+$0x0]  }
0x32: {  	s15 =	simm.s32 $0x500;
	s14 =	sand.u32 $0x7FFFFF80, s31;
	s13 =	sadd.s32 s30, s9;
	v2 =	vld [tilespmem:s29+$0x0]  }
0x33: {  	s18 =	simm.s32 $0x600;
	s17 =	sand.u32 $0x7FFFFF80, s15;
	s16 =	sadd.s32 s14, s9;
	v3 =	vld [tilespmem:s13+$0x0]  }
0x34: {  	s21 =	simm.s32 $0x700;
	s20 =	sand.u32 $0x7FFFFF80, s18;
	s19 =	sadd.s32 s17, s9;
	v4 =	vld [tilespmem:s16+$0x0]  }
0x35: {  	s24 =	simm.s32 $0x800;
	s23 =	sand.u32 $0x7FFFFF80, s21;
	s22 =	sadd.s32 s20, s9;
	v5 =	vld [tilespmem:s19+$0x0]  }
0x36: {  	s28 =	simm.s32 $0x900;
	s25 =	sadd.s32 s23, s9;
	s26 =	sand.u32 $0x7FFFFF80, s24;
	v0 =	vadd.s32 v1, v0;
	v1 =	vld [tilespmem:s22+$0x0]  }
0x37: {  	s31 =	simm.s32 $0xA00;
	s30 =	sand.u32 $0x7FFFFF80, s28;
	s29 =	sadd.s32 s26, s9;
	v0 =	vadd.s32 v0, v2;
	v2 =	vld [tilespmem:s25+$0x0]  }
0x38: {  	s14 =	simm.s32 $0xB00;
	s11 =	sadd.s32 s30, s9;
	s13 =	sand.u32 $0x7FFFFF80, s31;
	v0 =	vadd.s32 v0, v3;
	v3 =	vld [tilespmem:s29+$0x0]  }
0x39: {  	s17 =	simm.s32 $0xC00;
	s16 =	sand.u32 $0x7FFFFF80, s14;
	v60 =	vld [tilespmem:s11+$0x0];
	s15 =	sadd.s32 s13, s9;
	v0 =	vadd.s32 v0, v4  }
0x3a: {  	s20 =	simm.s32 $0xD00;
	s19 =	sand.u32 $0x7FFFFF80, s17;
	s18 =	sadd.s32 s16, s9;
	v61 =	vld [tilespmem:s15+$0x0];
	v0 =	vadd.s32 v0, v5  }
0x3b: {  	s23 =	simm.s32 $0xE00;
	s21 =	sadd.s32 s19, s9;
	s22 =	sand.u32 $0x7FFFFF80, s20;
	v0 =	vadd.s32 v0, v1;
	v1 =	vld [tilespmem:s18+$0x0]  }
0x3c: {  	s26 =	simm.s32 $0xF00;
	s24 =	sadd.s32 s22, s9;
	s25 =	sand.u32 $0x7FFFFF80, s23;
	v0 =	vadd.s32 v0, v2;
	v2 =	vld [tilespmem:s21+$0x0]  }
0x3d: {  	s28 =	sadd.s32 s25, s9;
	s29 =	sand.u32 $0x7FFFFF80, s26;
	v0 =	vadd.s32 v0, v3;
	v3 =	vld [tilespmem:s24+$0x0]  }
0x3e: {  	v62 =	vld [tilespmem:s28+$0x0];
	s9 =	sadd.s32 s29, s9;
	v0 =	vadd.s32 v0, v60  }
0x3f: {  	v63 =	vld [tilespmem:s9+$0x0];
	v0 =	vadd.s32 v0, v61  }
0x40: {  	v0 =	vadd.s32 v0, v1  }
0x41: {  	v0 =	vadd.s32 v0, v2  }
0x42: {  	s12 =	simm.s32 $0x20;
	s10 =	simm.s32 $0x10;
	v0 =	vadd.s32 v0, v3  }
0x43: {  	s31 =	simm.s32 $0x110;
	s30 =	sand.u32 $0x70, s10;
	s13 =	sand.u32 $0x7FFFFF80, s10;
	v0 =	vadd.s32 v0, v62  }
0x44: {  	s14 =	sand.u32 $0x7FFFFF80, s31;
	s11 =	sor.u32 $0x4100, s30;
	s9 =	simm.s32 $0x2000;
	v0 =	vadd.s32 v0, v63  }
.LBB2_8:
0x45: {  	p0 =	sne.s32 s12, $0xF0;
	s14 =	sadd.s32 s14, s11;
	s15 =	sadd.s32 $0x200, s10;
	[tilespmem:s9+$0x0] =	vst v0  }
0x46: {  	s13 =	sadd.s32 s13, s11;
	v0 =	vld [tilespmem:s14+$0x0];
	s14 =	sand.u32 $0x7FFFFF80, s15;
	s15 =	sadd.s32 $0x300, s10  }
0x47: {  	v1 =	vld [tilespmem:s13+$0x0];
	s13 =	sadd.s32 s14, s11;
	s14 =	sand.u32 $0x7FFFFF80, s15;
	s15 =	sadd.s32 $0x400, s10  }
0x48: {  	v2 =	vld [tilespmem:s13+$0x0];
	s13 =	sadd.s32 s14, s11;
	s14 =	sand.u32 $0x7FFFFF80, s15;
	s15 =	sadd.s32 $0x500, s10  }
0x49: {  	v3 =	vld [tilespmem:s13+$0x0];
	s13 =	sadd.s32 s14, s11;
	s14 =	sand.u32 $0x7FFFFF80, s15;
	s15 =	sadd.s32 $0x600, s10  }
0x4a: {  	v4 =	vld [tilespmem:s13+$0x0];
	s13 =	sadd.s32 s14, s11;
	s14 =	sand.u32 $0x7FFFFF80, s15;
	s15 =	sadd.s32 $0x700, s10  }
0x4b: {  	v5 =	vld [tilespmem:s13+$0x0];
	s13 =	sadd.s32 s14, s11;
	s14 =	sand.u32 $0x7FFFFF80, s15;
	s15 =	sadd.s32 $0x800, s10  }
0x4c: {  	v0 =	vadd.s32 v1, v0;
	v1 =	vld [tilespmem:s13+$0x0];
	s13 =	sadd.s32 s14, s11;
	s14 =	sand.u32 $0x7FFFFF80, s15;
	s15 =	sadd.s32 $0x900, s10  }
0x4d: {  	v0 =	vadd.s32 v0, v2;
	v2 =	vld [tilespmem:s13+$0x0];
	s13 =	sadd.s32 s14, s11;
	s14 =	sand.u32 $0x7FFFFF80, s15;
	s15 =	sadd.s32 $0xA00, s10  }
0x4e: {  	v0 =	vadd.s32 v0, v3;
	v3 =	vld [tilespmem:s13+$0x0];
	s13 =	sadd.s32 s14, s11;
	s14 =	sand.u32 $0x7FFFFF80, s15;
	s15 =	sadd.s32 $0xB00, s10  }
0x4f: {  	v0 =	vadd.s32 v0, v4;
	v4 =	vld [tilespmem:s13+$0x0];
	s13 =	sadd.s32 s14, s11;
	s14 =	sand.u32 $0x7FFFFF80, s15;
	s15 =	sadd.s32 $0xC00, s10  }
0x50: {  	v0 =	vadd.s32 v0, v5;
	v5 =	vld [tilespmem:s13+$0x0];
	s13 =	sadd.s32 s14, s11;
	s14 =	sand.u32 $0x7FFFFF80, s15;
	s15 =	sadd.s32 $0xD00, s10  }
0x51: {  	v0 =	vadd.s32 v0, v1;
	v1 =	vld [tilespmem:s13+$0x0];
	s13 =	sadd.s32 s14, s11;
	s14 =	sand.u32 $0x7FFFFF80, s15;
	s15 =	sadd.s32 $0xE00, s10  }
0x52: {  	s10 =	sadd.s32 $0xF00, s10;
	v0 =	vadd.s32 v0, v2;
	v2 =	vld [tilespmem:s13+$0x0];
	s13 =	sadd.s32 s14, s11;
	s14 =	sand.u32 $0x7FFFFF80, s15  }
0x53: {  	v0 =	vadd.s32 v0, v3;
	v3 =	vld [tilespmem:s13+$0x0];
	s13 =	sadd.s32 s14, s11;
	s14 =	sand.u32 $0x7FFFFF80, s10;
	s10 =	smov.u32 s12  }
0x54: {  	v0 =	vadd.s32 v0, v4;
	v4 =	vld [tilespmem:s13+$0x0];
	s11 =	sadd.s32 s14, s11  }
0x55: {  	v0 =	vadd.s32 v0, v5;
	v5 =	vld [tilespmem:s11+$0x0]  }
.Ltmp4:
0x56: {  	v0 =	vadd.s32 v0, v1;
	(pc) =	sbr.rel @p0 .LBB2_8-.Ltmp4, $4  }
0x57: {  	v0 =	vadd.s32 v0, v2  }
0x58: {  	s9 =	sadd.s32 $0x10, s9;
	v0 =	vadd.s32 v0, v3  }
0x59: {  	s13 =	sand.u32 $0x7FFFFF80, s12;
	s14 =	sadd.s32 $0x100, s12;
	s11 =	sand.u32 $0x70, s12;
	v0 =	vadd.s32 v0, v4  }
0x5a: {  	s14 =	sand.u32 $0x7FFFFF80, s14;
	s12 =	sadd.s32 $0x10, s12;
	s11 =	sor.u32 $0x4100, s11;
	v0 =	vadd.s32 v0, v5  }
0x5b: {  	s12 =	sadd.s32 s14, s11;
	s20 =	sadd.s32 $0x200, s10;
	[tilespmem:s9+$0x0] =	vst v0  }
0x5c: {  	s13 =	sadd.s32 s13, s11;
	s22 =	sadd.s32 $0x300, s10;
	v0 =	vld [tilespmem:s12+$0x0];
	s21 =	sand.u32 $0x7FFFFF80, s20  }
0x5d: {  	s24 =	sadd.s32 $0x400, s10;
	v1 =	vld [tilespmem:s13+$0x0];
	s23 =	sand.u32 $0x7FFFFF80, s22;
	s12 =	sadd.s32 s21, s11  }
0x5e: {  	s28 =	sadd.s32 $0x500, s10;
	s26 =	sand.u32 $0x7FFFFF80, s24;
	s25 =	sadd.s32 s23, s11;
	v2 =	vld [tilespmem:s12+$0x0]  }
0x5f: {  	s31 =	sadd.s32 $0x600, s10;
	s30 =	sand.u32 $0x7FFFFF80, s28;
	s29 =	sadd.s32 s26, s11;
	v3 =	vld [tilespmem:s25+$0x0]  }
0x60: {  	s15 =	sadd.s32 $0x700, s10;
	s14 =	sand.u32 $0x7FFFFF80, s31;
	s13 =	sadd.s32 s30, s11;
	v4 =	vld [tilespmem:s29+$0x0]  }
0x61: {  	s18 =	sadd.s32 $0x800, s10;
	s17 =	sand.u32 $0x7FFFFF80, s15;
	s16 =	sadd.s32 s14, s11;
	v5 =	vld [tilespmem:s13+$0x0]  }
0x62: {  	s20 =	sand.u32 $0x7FFFFF80, s18;
	s19 =	sadd.s32 s17, s11;
	s21 =	sadd.s32 $0x900, s10;
	v54 =	vld [tilespmem:s16+$0x0];
	v0 =	vadd.s32 v1, v0  }
0x63: {  	s24 =	sadd.s32 $0xA00, s10;
	s22 =	sadd.s32 s20, s11;
	v55 =	vld [tilespmem:s19+$0x0];
	s23 =	sand.u32 $0x7FFFFF80, s21;
	v0 =	vadd.s32 v0, v2  }
0x64: {  	s28 =	sadd.s32 $0xB00, s10;
	s26 =	sand.u32 $0x7FFFFF80, s24;
	v56 =	vld [tilespmem:s22+$0x0];
	s25 =	sadd.s32 s23, s11;
	v0 =	vadd.s32 v0, v3  }
0x65: {  	s31 =	sadd.s32 $0xC00, s10;
	s30 =	sand.u32 $0x7FFFFF80, s28;
	s29 =	sadd.s32 s26, s11;
	v57 =	vld [tilespmem:s25+$0x0];
	v0 =	vadd.s32 v0, v4  }
0x66: {  	s17 =	sadd.s32 $0xD00, s10;
	s15 =	sadd.s32 s30, s11;
	s16 =	sand.u32 $0x7FFFFF80, s31;
	v58 =	vld [tilespmem:s29+$0x0];
	v0 =	vadd.s32 v0, v5  }
0x67: {  	s20 =	sadd.s32 $0xE00, s10;
	s19 =	sand.u32 $0x7FFFFF80, s17;
	v59 =	vld [tilespmem:s15+$0x0];
	s18 =	sadd.s32 s16, s11;
	v0 =	vadd.s32 v0, v54  }
0x68: {  	s22 =	sand.u32 $0x7FFFFF80, s20;
	s21 =	sadd.s32 s19, s11;
	s23 =	sadd.s32 $0xF00, s10;
	v60 =	vld [tilespmem:s18+$0x0];
	v0 =	vadd.s32 v0, v55  }
0x69: {  	s24 =	sadd.s32 s22, s11;
	v61 =	vld [tilespmem:s21+$0x0];
	s10 =	sand.u32 $0x7FFFFF80, s23;
	v0 =	vadd.s32 v0, v56  }
0x6a: {  	v62 =	vld [tilespmem:s24+$0x0];
	s10 =	sadd.s32 s10, s11;
	v0 =	vadd.s32 v0, v57  }
0x6b: {  	v63 =	vld [tilespmem:s10+$0x0];
	v0 =	vadd.s32 v0, v58  }
0x6c: {  	v0 =	vadd.s32 v0, v59  }
0x6d: {  	v0 =	vadd.s32 v0, v60  }
0x6e: {  	v0 =	vadd.s32 v0, v61  }
0x6f: {  	v0 =	vadd.s32 v0, v62  }
0x70: {  	s28 =	simm.s32 $0x400;
	s25 =	sadd.s32 $0x10, s9;
	v0 =	vadd.s32 v0, v63  }
0x71: {  	s26 =	simm.s32 $0x80;
	s30 =	simm.s32 $0x2;
	s29 =	simm.s32 $0x2000;
	[tilespmem:s25+$0x0] =	vst v0  }
0x72: {  	[spmem:s7] =	stream.strided.scatter [tilespmem:s29], [sflag:$0x2], $0x100, s28, s26, $0x38;
	[tilespmem:$0x1EA20] =	vst v63  }
0x73: {  	_ =	swait.ge [sflag:s30], $0x100  }
0x74: {  	[sflag:s30] =	ssyncset.done $0x0  }
0x75: {  	[sflag:s30] =	ssyncadd.s32 $0xFFFFFF00  }
0x76: {  	s31 =	simm.s32 $0x5200;
	[bflag:$0x0] =	sbarrier.arrive $0xFFFF  }
0x77: {  	[tilespmem:s31], [sflag:$0x2] =	stream.linear.gather [spmem:s6], $0x1000, $0x38;
	[tilespmem:$0x1EA20] =	vst v63  }
0x78: {  	_ =	swait.ge [sflag:s30], $0x1000  }
0x79: {  	[sflag:s30] =	ssyncset.done $0x0  }
0x7a: {  	s12 =	simm.s32 $0x0;
	s9 =	simm.s32 $0x0;
	[sflag:s30] =	ssyncadd.s32 $0xFFFFF000  }
0x7b: {  	s11 =	simm.s32 $0x0;
	s10 =	simm.s32 $0x0;
	[bflag:$0x0] =	sbarrier.arrive $0xFFFF  }
.LBB2_10:
0x7c: {  	s13 =	sand.u32 $0x70, s10  }
0x7d: {  	s14 =	sshll.u32 s10, $0x3;
	v0 =	vmov s13  }
0x7e: {  	s30 =	sand.u32 $0xFFFFFC00, s14  }
0x7f: {  	s31 =	sand.u32 $0xFFFFF800, s9;
	s13 =	sadd.s32 $0x5200, s30  }
0x80: {  	s16 =	sand.u32 $0x380, s9;
	s14 =	sadd.s32 s31, s13  }
0x81: {  	s15 =	simm.s32 $0x1;
	s14 =	sadd.s32 s16, s14  }
0x82: {  	v3 =	vimm.s32 $0x0;
	s17 =	simm.s32 $0x80;
	v2 =	vimm.s32 $0x0;
	s16 =	simm.s32 $0x100;
	v1 =	vld.idx.msk [tilespmem:v0+s14+$0x0 ss:$0x1], $0xffff;
	s14 =	simm.s32 $0x0  }
.LBB2_11:
0x83: {  	s18 =	sand.u32 $0xFFFFF800, s16  }
0x84: {  	p0 =	sne.s32 s15, $0xF;
	s19 =	smov.u32 s15;
	s15 =	sadd.s32 $0x1, s15  }
.Ltmp5:
0x85: {  	s20 =	sand.u32 $0x380, s17;
	s18 =	sadd.s32 s18, s13;
	(pc) =	sbr.rel @p0 .LBB2_11-.Ltmp5, $4  }
0x86: {  	p1 =	slt.u32 s14, s1;
	s14 =	smov.u32 s19;
	s18 =	sadd.s32 s20, s18  }
0x87: {  	v3 =	vadd.s32 v3, v1;
	v4 =	vpsel !p1, $0x0, v1;
	v1 =	vld.idx.msk [tilespmem:v0+s18+$0x0 ss:$0x1], $0xffff  }
0x88: {  	v2 =	vadd.s32 v2, v4  }
0x89: {  	s16 =	sadd.s32 $0x100, s16;
	s17 =	sadd.s32 $0x80, s17  }
0x8a: {  	_ =	sdelay $0x1  }
0x8b: {  	v0 =	vadd.s32 v3, v1  }
0x8c: {  	(xrf0) =	vadd.scan.msk.s32 $0xffff, v0;
	_ =	sdelay $0x5  }
0x8d: {  	v62, _, _ =	vpop (xrf0)  }
0x8e: {  	v4 =	vxor.u32 $0x80000000, v62  }
0x8f: {  	(xrf0) =	vmax.scan.msk.u32 $0xffff, v4;
	_ =	sdelay $0x5  }
0x90: {  	v4, _, _ =	vpop (xrf0)  }
0x91: {  	(v2sf) =	vpush v4, $0xF;
	_ =	sdelay $0xa  }
0x92: {  	p0 =	slt.u32 s14, s1;
	s11 =	sadd.s32 $0x1, s11  }
0x93: {  	v63 =	vpsel !p0, $0x0, v1;
	p0 =	sne.s32 s11, $0x10  }
.Ltmp6:
0x94: {  	_ = 	snop;
	(pc) =	sbr.rel @p0 .LBB2_10-.Ltmp6, $4  }
0x95: {  	v1 =	vadd.s32 v2, v63;
	v0 =	vsub.s32 s12, v0  }
0x96: {  	v0 =	vadd.s32 v1, v0;
	s13 =	spop (v2sf)  }
0x97: {  	v0 =	vadd.s32 v62, v0;
	s31 =	sadd.s32 s13, s12  }
0x98: {  	[tilespmem:s10+$0x5100] =	vst v0;
	s10 =	sadd.s32 $0x10, s10;
	s12 =	sadd.s32 $0x80000000, s31  }
0x99: {  	v0 =	vimm.s32 $0xEDCBA987  }
0x9a: {  	v1 =	vimm.s32 $0x65432100;
	v0 =	vunpack.c.l.s4.s8 v0  }
0x9b: {  	v1 =	vunpack.c.l.s4.s8 v1  }
0x9c: {  	s9 =	simm.s32 $0x0;
	s10 =	simm.s32 $0x1000;
	v2 =	vunpack.c.0.s8.s32 v0  }
0x9d: {  	s11 =	simm.s32 $0x2;
	s12 =	simm.s32 $0xFA0;
	s13 =	simm.s32 $0x1;
	v3 =	vlaneseq.u32;
	v1 =	vunpack.c.0.s8.s32 v1  }
0x9e: {  	s14 =	simm.s32 $0x6200;
	s15 =	simm.s32 $0x5100;
	s16 =	simm.s32 $0x3100;
	v0 =	vor.u32 $0x80000000, v3;
	v2 =	vand.u32 $0xF, v2  }
0x9f: {  	s17 =	simm.s32 $0x2100;
	s18 =	simm.s32 $0x0;
	s19 =	simm.s32 $0x0;
	v1 =	vcombine.low v1, v2;
	v2 =	vadd.s32 $0x1, v3;
	v3 =	vimm.s32 $0x1  }
.LBB2_14:
0xa0: {  	s20 =	sadd.s32 s5, s18  }
0xa1: {  	s20 =	sshrl.u32 s20, $0x3  }
0xa2: {  	s20 =	sadd.s32 s8, s20  }
0xa3: {  	[tilespmem:s10], [sflag:$0x2] =	stream.linear.gather [hbm4b:s20+s9], $0xFA0, $0x38;
	[tilespmem:$0x1EA20] =	vst v63  }
0xa4: {  	_ =	swait.ge [sflag:s11], $0xFA0  }
0xa5: {  	[sflag:s11] =	ssyncset.done $0x0  }
0xa6: {  	[sflag:s11] =	ssyncadd.s32 $0xFFFFF060  }
0xa7: {  	[tilespmem:s9], [sflag:$0x1] =	stream.indirect.gather [hbm4b:s3+s12], $0x1, s10, s12, $0xb8;
	[tilespmem:$0x1EA20] =	vst v63  }
0xa8: {  	_ =	swait.ge [sflag:s13], $0xFA0  }
0xa9: {  	[sflag:s13] =	ssyncset.done $0x0  }
0xaa: {  	s22 =	simm.s32 $0x0;
	[sflag:s13] =	ssyncadd.s32 $0xFFFFF060  }
0xab: {  	v4 =	vld [tilespmem:s22+$0x0];
	_ =	sdelay $0x2  }
0xac: {  	v5 =	vld [tilespmem:s22+$0x1000];
	_ =	sdelay $0x1  }
0xad: {  	v4 =	vshll.u32 v4, $0x4  }
0xae: {  	v4 =	vand.u32 $0xFF0, v4  }
0xaf: {  	v4 =	vor.u32 v0, v4  }
0xb0: {  	(xrf1) =	vsort.ascd.msk.u32 $0xffff, v4, v5;
	_ =	sdelay $0xd  }
0xb1: {  	v4, v5, _ =	vpop (xrf1)  }
0xb2: {  	v4 =	vshrl.u32 v4, $0x4  }
0xb3: {  	v6 =	vxor.u32 $0x8000000, v4  }
0xb4: {  	[tilespmem:$0x6200] =	vst v6  }
0xb5: {  	v7 =	vld.idx.msk [tilespmem:v1+s14+$0x0], $0xffff;
	_ =	sdelay $0x3  }
0xb6: {  	v4 =	vand.u32 $0x7F, v4;
	v8 =	vand.u32 $0xFFFFF80, v6  }
0xb7: {  	v4 =	vor.u32 v4, v8;
	vm0 =	veq.s32 v6, v7  }
0xb8: {  	v6 =	vsel vm0, $0x80000000, v0  }
0xb9: {  	(xrf0) =	vmax.scan.msk.u32 $0xffff, v6;
	_ =	sdelay $0x2  }
0xba: {  	v6 =	vld.idx.msk [tilespmem:v4+s15+$0x0], $0xffff;
	_ =	sdelay $0x2  }
0xbb: {  	v7, _, _ =	vpop (xrf0)  }
0xbc: {  	v7 =	vxor.u32 $0x7FFFFFFF, v7  }
0xbd: {  	v6 =	vadd.s32 v7, v6  }
0xbe: {  	[tilespmem:s22+$0x2100] =	vst v5;
	v5 =	vadd.s32 v2, v6  }
0xbf: {  	s21 =	simm.s32 $0x80;
	s20 =	simm.s32 $0x40;
	[tilespmem:s22+$0x3100] =	vst v5  }
.LBB2_15:
0xc0: {  	p0 =	sne.s32 s21, $0x3E40  }
0xc1: {  	s22 =	sshra.s32 s20, $0x2;
	[tilespmem:v4+s15+$0x0] =	vst.idx.add.s32.msk $0xffff, v3;
	s20 =	smov.u32 s21;
	s21 =	sadd.s32 $0x40, s21  }
0xc2: {  	v4 =	vld [tilespmem:s22+$0x0];
	_ =	sdelay $0x2  }
0xc3: {  	v5 =	vld [tilespmem:s22+$0x1000];
	_ =	sdelay $0x1  }
0xc4: {  	v4 =	vshll.u32 v4, $0x4  }
0xc5: {  	v4 =	vand.u32 $0xFF0, v4  }
0xc6: {  	v4 =	vor.u32 v0, v4  }
0xc7: {  	(xrf1) =	vsort.ascd.msk.u32 $0xffff, v4, v5;
	_ =	sdelay $0xd  }
0xc8: {  	v4, v5, _ =	vpop (xrf1)  }
0xc9: {  	v4 =	vshrl.u32 v4, $0x4  }
0xca: {  	v6 =	vxor.u32 $0x8000000, v4  }
0xcb: {  	[tilespmem:$0x6200] =	vst v6;
	v7 =	vand.u32 $0xFFFFF80, v6  }
0xcc: {  	v8 =	vld.idx.msk [tilespmem:v1+s14+$0x0], $0xffff;
	_ =	sdelay $0x3  }
0xcd: {  	v4 =	vand.u32 $0x7F, v4  }
0xce: {  	v4 =	vor.u32 v4, v7  }
0xcf: {  	vm0 =	veq.s32 v6, v8  }
0xd0: {  	v6 =	vsel vm0, $0x80000000, v0  }
0xd1: {  	(xrf0) =	vmax.scan.msk.u32 $0xffff, v6;
	_ =	sdelay $0x1  }
0xd2: {  	v6 =	vld.idx.msk [tilespmem:v4+s15+$0x0], $0xffff  }
0xd3: {  	[tilespmem:s22+$0x2100] =	vst v5;
	_ =	sdelay $0x2  }
.Ltmp7:
0xd4: {  	v5, _, _ =	vpop (xrf0);
	(pc) =	sbr.rel @p0 .LBB2_15-.Ltmp7, $4  }
0xd5: {  	v5 =	vxor.u32 $0x7FFFFFFF, v5  }
0xd6: {  	v5 =	vadd.s32 v5, v6  }
0xd7: {  	v5 =	vadd.s32 v2, v5  }
0xd8: {  	[tilespmem:s22+$0x3100] =	vst v5  }
0xd9: {  	_ =	sdelay $0x3  }
0xda: {  	s20 =	sshra.s32 s20, $0x2;
	[tilespmem:v4+s15+$0x0] =	vst.idx.add.s32.msk $0xffff, v3  }
0xdb: {  	v4 =	vld [tilespmem:s20+$0x0];
	_ =	sdelay $0x2  }
0xdc: {  	v5 =	vld [tilespmem:s20+$0x1000];
	_ =	sdelay $0x1  }
0xdd: {  	v4 =	vshll.u32 v4, $0x4  }
0xde: {  	v4 =	vand.u32 $0xFF0, v4  }
0xdf: {  	v4 =	vor.u32 v0, v4  }
0xe0: {  	(xrf1) =	vsort.ascd.msk.u32 $0xffff, v4, v5;
	_ =	sdelay $0xd  }
0xe1: {  	v4, v5, _ =	vpop (xrf1)  }
0xe2: {  	v4 =	vshrl.u32 v4, $0x4  }
0xe3: {  	v6 =	vxor.u32 $0x8000000, v4  }
0xe4: {  	[tilespmem:$0x6200] =	vst v6  }
0xe5: {  	v7 =	vld.idx.msk [tilespmem:v1+s14+$0x0], $0xffff;
	_ =	sdelay $0x3  }
0xe6: {  	v4 =	vand.u32 $0x7F, v4;
	v8 =	vand.u32 $0xFFFFF80, v6  }
0xe7: {  	v4 =	vor.u32 v4, v8;
	vm0 =	veq.s32 v6, v7  }
0xe8: {  	v6 =	vsel vm0, $0x80000000, v0  }
0xe9: {  	(xrf0) =	vmax.scan.msk.u32 $0xffff, v6;
	_ =	sdelay $0x2  }
0xea: {  	v62 =	vld.idx.msk [tilespmem:v4+s15+$0x0], $0xffff;
	_ =	sdelay $0x2  }
0xeb: {  	v63, _, _ =	vpop (xrf0)  }
0xec: {  	v7 =	vxor.u32 $0x7FFFFFFF, v63  }
0xed: {  	v6 =	vadd.s32 v7, v62  }
0xee: {  	s19 =	sadd.s32 $0x1, s19;
	[tilespmem:s20+$0x2100] =	vst v5;
	v5 =	vadd.s32 v2, v6  }
0xef: {  	p0 =	sne.s32 s19, $0x19;
	[tilespmem:s20+$0x3100] =	vst v5  }
.Ltmp8:
0xf0: {  	[tilespmem:v4+s15+$0x0] =	vst.idx.add.s32.msk $0xffff, v3;
	(pc) =	sbr.rel @p0 .LBB2_14-.Ltmp8, $4  }
0xf1: {  	[spmem:s2] =	stream.indirect.scatter [tilespmem:s17], [sflag:$0x2], $0x1, s16, s12, $0xb8;
	[tilespmem:$0x1EA20] =	vst v63  }
0xf2: {  	_ =	swait.ge [sflag:s11], $0xFA0  }
0xf3: {  	[sflag:s11] =	ssyncset.done $0x0  }
0xf4: {  	s18 =	sadd.s32 $0xFA0, s18;
	[sflag:s11] =	ssyncadd.s32 $0xFFFFF060  }
0xf5: {  	s8 =	smul.u32 $0x61A80, s1;
	_ =	sdelay $0x1  }
0xf6: {  	[bflag:$0x0] =	sbarrier.arrive $0xFFFF;
	s13 =	smul.u32 $0x30D4, s1;
	s9 =	sshrl.u32 s8, $0x2  }
0xf7: {  	s12 =	simm.s32 $0x1000;
	s11 =	simm.s32 $0x2;
	s10 =	sadd.s32 s9, s2  }
0xf8: {  	[tilespmem:s12], [sflag:$0x2] =	stream.linear.gather [spmem:s10], $0xFA0, $0x38;
	[tilespmem:$0x1EA20] =	vst v63  }
0xf9: {  	_ =	swait.ge [sflag:s11], $0xFA0  }
0xfa: {  	s8 =	sadd.s32 s13, s4;
	[sflag:s11] =	ssyncset.done $0x0  }
0xfb: {  	s13 =	simm.s32 $0x0;
	s14 =	sadd.s32 $0x0, s8;
	[sflag:s11] =	ssyncadd.s32 $0xFFFFF060  }
0xfc: {  	[hbm4b:s14+s13] =	stream.linear.scatter [tilespmem:s12], [sflag:$0x2], $0xFA0, $0x38;
	[tilespmem:$0x1EA20] =	vst v63  }
0xfd: {  	_ =	swait.ge [sflag:s11], $0xFA0  }
0xfe: {  	s14 =	simm.s32 $0x1F4;
	[sflag:s11] =	ssyncset.done $0x0  }
.LBB2_18:
0xff: {  	p0 =	sne.s32 s14, $0x2EE0;
	[sflag:s11] =	ssyncadd.s32 $0xFFFFF060;
	s10 =	sadd.s32 $0xFA0, s10  }
0x100: {  	[tilespmem:s12], [sflag:$0x2] =	stream.linear.gather [spmem:s10], $0xFA0, $0x38;
	[tilespmem:$0x1EA20] =	vst v63  }
0x101: {  	s15 =	smov.u32 s14;
	s14 =	sadd.s32 $0x1F4, s14;
	_ =	swait.ge [sflag:s11], $0xFA0  }
.Ltmp9:
0x102: {  	[sflag:s11] =	ssyncset.done $0x0;
	(pc) =	sbr.rel @p0 .LBB2_18-.Ltmp9, $4  }
0x103: {  	s15 =	sadd.s32 s15, s8;
	[sflag:s11] =	ssyncadd.s32 $0xFFFFF060  }
0x104: {  	[hbm4b:s15+s13] =	stream.linear.scatter [tilespmem:s12], [sflag:$0x2], $0xFA0, $0x38;
	[tilespmem:$0x1EA20] =	vst v63  }
0x105: {  	_ =	swait.ge [sflag:s11], $0xFA0  }
0x106: {  	[sflag:s11] =	ssyncset.done $0x0  }
0x107: {  	[sflag:s11] =	ssyncadd.s32 $0xFFFFF060  }
0x108: {  	s10 =	simm.s32 $0x0;
	v0 =	vimm.s32 $0x0;
	s11 =	simm.s32 $0x0;
	[bflag:$0x0] =	sbarrier.arrive $0xFFFF  }
.LBB2_20:
0x109: {  	p0 =	sne.s32 s11, $0x3FC0  }
.Ltmp10:
0x10a: {  	_ = 	snop;
	(pc) =	sbr.rel @p0 .LBB2_20-.Ltmp10, $3  }
0x10b: {  	_ =	sdelay $0x1  }
0x10c: {  	s12 =	sshra.s32 s11, $0x2  }
0x10d: {  	s11 =	sadd.s32 $0x40, s11;
	[tilespmem:s12+$0x4100] =	vst v0  }
0x10e: {  	s11 =	simm.s32 $0x1000;
	s12 =	simm.s32 $0x2;
	s13 =	simm.s32 $0xFA0;
	v0 =	vlaneseq.u32  }
0x10f: {  	s14 =	simm.s32 $0x1;
	v1 =	vimm.s32 $0x1;
	s15 =	simm.s32 $0x4100;
	s16 =	simm.s32 $0x0;
	v0 =	vmul.u32 $0x100, v0  }
.LBB2_22:
0x110: {  	s17 =	sadd.s32 s5, s10  }
0x111: {  	s17 =	sshrl.u32 s17, $0x3  }
0x112: {  	s18 =	simm.s32 $0x0;
	s17 =	sadd.s32 s4, s17  }
0x113: {  	[tilespmem:s11], [sflag:$0x2] =	stream.linear.gather [hbm4b:s17+s18], $0xFA0, $0x38;
	[tilespmem:$0x1EA20] =	vst v63  }
0x114: {  	_ =	swait.ge [sflag:s12], $0xFA0  }
0x115: {  	[sflag:s12] =	ssyncset.done $0x0  }
0x116: {  	[sflag:s12] =	ssyncadd.s32 $0xFFFFF060  }
0x117: {  	[tilespmem:s18], [sflag:$0x1] =	stream.indirect.gather [hbm4b:s3+s13], $0x1, s11, s13, $0xb8;
	[tilespmem:$0x1EA20] =	vst v63  }
0x118: {  	_ =	swait.ge [sflag:s14], $0xFA0  }
0x119: {  	[sflag:s14] =	ssyncset.done $0x0  }
0x11a: {  	s17 =	simm.s32 $0x40;
	s18 =	simm.s32 $0x0;
	[sflag:s14] =	ssyncadd.s32 $0xFFFFF060  }
.LBB2_23:
0x11b: {  	p0 =	sne.s32 s17, $0x3E40;
	v2 =	vld [tilespmem:s18+$0x0];
	_ =	sdelay $0x4  }
0x11c: {  	v2 =	vshrl.u32 v2, $0x8  }
0x11d: {  	v2 =	vand.u32 $0xFF, v2  }
0x11e: {  	v2 =	vor.u32 v0, v2  }
.Ltmp11:
0x11f: {  	(pc) =	sbr.rel @p0 .LBB2_23-.Ltmp11, $2  }
0x120: {  	_ =	sdelay $0x2  }
0x121: {  	s18 =	sshra.s32 s17, $0x2;
	s17 =	sadd.s32 $0x40, s17;
	[tilespmem:v2+s15+$0x0] =	vst.idx.add.s32.msk $0xffff, v1  }
0x122: {  	v2 =	vld [tilespmem:s18+$0x0];
	_ =	sdelay $0x4  }
0x123: {  	v2 =	vshrl.u32 v2, $0x8  }
0x124: {  	s16 =	sadd.s32 $0x1, s16;
	v2 =	vand.u32 $0xFF, v2  }
0x125: {  	p0 =	sne.s32 s16, $0x19;
	v2 =	vor.u32 v0, v2  }
.Ltmp12:
0x126: {  	_ = 	snop;
	(pc) =	sbr.rel @p0 .LBB2_22-.Ltmp12, $2  }
0x127: {  	_ =	sdelay $0x2  }
0x128: {  	s10 =	sadd.s32 $0xFA0, s10;
	[tilespmem:v2+s15+$0x0] =	vst.idx.add.s32.msk $0xffff, v1  }
0x129: {  	s11 =	simm.s32 $0x0  }
0x12a: {  	s12 =	simm.s32 $0x100;
	s10 =	sand.u32 $0x70, s11  }
0x12b: {  	s12 =	sand.u32 $0x7FFFFF80, s12;
	s10 =	sor.u32 $0x4100, s10  }
0x12c: {  	s13 =	simm.s32 $0x200;
	s11 =	sand.u32 $0x7FFFFF80, s11;
	s12 =	sadd.s32 s12, s10  }
0x12d: {  	s28 =	simm.s32 $0x300;
	s26 =	sand.u32 $0x7FFFFF80, s13;
	s11 =	sadd.s32 s11, s10;
	v0 =	vld [tilespmem:s12+$0x0]  }
0x12e: {  	s31 =	simm.s32 $0x400;
	s30 =	sand.u32 $0x7FFFFF80, s28;
	s29 =	sadd.s32 s26, s10;
	v1 =	vld [tilespmem:s11+$0x0]  }
0x12f: {  	s15 =	simm.s32 $0x500;
	s14 =	sand.u32 $0x7FFFFF80, s31;
	v2 =	vld [tilespmem:s29+$0x0];
	s12 =	sadd.s32 s30, s10  }
0x130: {  	s18 =	simm.s32 $0x600;
	s17 =	sand.u32 $0x7FFFFF80, s15;
	s16 =	sadd.s32 s14, s10;
	v3 =	vld [tilespmem:s12+$0x0]  }
0x131: {  	s21 =	simm.s32 $0x700;
	s20 =	sand.u32 $0x7FFFFF80, s18;
	s19 =	sadd.s32 s17, s10;
	v4 =	vld [tilespmem:s16+$0x0]  }
0x132: {  	s24 =	simm.s32 $0x800;
	s23 =	sand.u32 $0x7FFFFF80, s21;
	s22 =	sadd.s32 s20, s10;
	v5 =	vld [tilespmem:s19+$0x0]  }
0x133: {  	s28 =	simm.s32 $0x900;
	s25 =	sadd.s32 s23, s10;
	s26 =	sand.u32 $0x7FFFFF80, s24;
	v0 =	vadd.s32 v1, v0;
	v1 =	vld [tilespmem:s22+$0x0]  }
0x134: {  	s31 =	simm.s32 $0xA00;
	s29 =	sadd.s32 s26, s10;
	s30 =	sand.u32 $0x7FFFFF80, s28;
	v0 =	vadd.s32 v0, v2;
	v2 =	vld [tilespmem:s25+$0x0]  }
0x135: {  	s13 =	sand.u32 $0x7FFFFF80, s31;
	s14 =	simm.s32 $0xB00;
	s12 =	sadd.s32 s30, s10;
	v0 =	vadd.s32 v0, v3;
	v3 =	vld [tilespmem:s29+$0x0]  }
0x136: {  	s15 =	sadd.s32 s13, s10;
	s17 =	simm.s32 $0xC00;
	s16 =	sand.u32 $0x7FFFFF80, s14;
	v60 =	vld [tilespmem:s12+$0x0];
	v0 =	vadd.s32 v0, v4  }
0x137: {  	s20 =	simm.s32 $0xD00;
	v61 =	vld [tilespmem:s15+$0x0];
	s19 =	sand.u32 $0x7FFFFF80, s17;
	s18 =	sadd.s32 s16, s10;
	v0 =	vadd.s32 v0, v5  }
0x138: {  	s23 =	simm.s32 $0xE00;
	s21 =	sadd.s32 s19, s10;
	s22 =	sand.u32 $0x7FFFFF80, s20;
	v0 =	vadd.s32 v0, v1;
	v1 =	vld [tilespmem:s18+$0x0]  }
0x139: {  	s26 =	simm.s32 $0xF00;
	s24 =	sadd.s32 s22, s10;
	s25 =	sand.u32 $0x7FFFFF80, s23;
	v0 =	vadd.s32 v0, v2;
	v2 =	vld [tilespmem:s21+$0x0]  }
0x13a: {  	s28 =	sadd.s32 s25, s10;
	s29 =	sand.u32 $0x7FFFFF80, s26;
	v0 =	vadd.s32 v0, v3;
	v3 =	vld [tilespmem:s24+$0x0]  }
0x13b: {  	v62 =	vld [tilespmem:s28+$0x0];
	s10 =	sadd.s32 s29, s10;
	v0 =	vadd.s32 v0, v60  }
0x13c: {  	v63 =	vld [tilespmem:s10+$0x0];
	v0 =	vadd.s32 v0, v61  }
0x13d: {  	v0 =	vadd.s32 v0, v1  }
0x13e: {  	v0 =	vadd.s32 v0, v2  }
0x13f: {  	s31 =	simm.s32 $0x110;
	s11 =	simm.s32 $0x10;
	v0 =	vadd.s32 v0, v3  }
0x140: {  	s13 =	simm.s32 $0x20;
	s15 =	sand.u32 $0x7FFFFF80, s31;
	s30 =	sand.u32 $0x70, s11;
	v0 =	vadd.s32 v0, v62  }
0x141: {  	s14 =	sand.u32 $0x7FFFFF80, s11;
	s12 =	sor.u32 $0x4100, s30;
	s10 =	simm.s32 $0x2000;
	v0 =	vadd.s32 v0, v63  }
.LBB2_26:
0x142: {  	p0 =	sne.s32 s13, $0xF0;
	s15 =	sadd.s32 s15, s12;
	s16 =	sadd.s32 $0x200, s11;
	[tilespmem:s10+$0x0] =	vst v0  }
0x143: {  	s14 =	sadd.s32 s14, s12;
	v0 =	vld [tilespmem:s15+$0x0];
	s15 =	sand.u32 $0x7FFFFF80, s16;
	s16 =	sadd.s32 $0x300, s11  }
0x144: {  	v1 =	vld [tilespmem:s14+$0x0];
	s14 =	sadd.s32 s15, s12;
	s15 =	sand.u32 $0x7FFFFF80, s16;
	s16 =	sadd.s32 $0x400, s11  }
0x145: {  	v2 =	vld [tilespmem:s14+$0x0];
	s14 =	sadd.s32 s15, s12;
	s15 =	sand.u32 $0x7FFFFF80, s16;
	s16 =	sadd.s32 $0x500, s11  }
0x146: {  	v3 =	vld [tilespmem:s14+$0x0];
	s14 =	sadd.s32 s15, s12;
	s15 =	sand.u32 $0x7FFFFF80, s16;
	s16 =	sadd.s32 $0x600, s11  }
0x147: {  	v4 =	vld [tilespmem:s14+$0x0];
	s14 =	sadd.s32 s15, s12;
	s15 =	sand.u32 $0x7FFFFF80, s16;
	s16 =	sadd.s32 $0x700, s11  }
0x148: {  	v5 =	vld [tilespmem:s14+$0x0];
	s14 =	sadd.s32 s15, s12;
	s15 =	sand.u32 $0x7FFFFF80, s16;
	s16 =	sadd.s32 $0x800, s11  }
0x149: {  	v0 =	vadd.s32 v1, v0;
	v1 =	vld [tilespmem:s14+$0x0];
	s14 =	sadd.s32 s15, s12;
	s15 =	sand.u32 $0x7FFFFF80, s16;
	s16 =	sadd.s32 $0x900, s11  }
0x14a: {  	v0 =	vadd.s32 v0, v2;
	v2 =	vld [tilespmem:s14+$0x0];
	s14 =	sadd.s32 s15, s12;
	s15 =	sand.u32 $0x7FFFFF80, s16;
	s16 =	sadd.s32 $0xA00, s11  }
0x14b: {  	v0 =	vadd.s32 v0, v3;
	v3 =	vld [tilespmem:s14+$0x0];
	s14 =	sadd.s32 s15, s12;
	s15 =	sand.u32 $0x7FFFFF80, s16;
	s16 =	sadd.s32 $0xB00, s11  }
0x14c: {  	v0 =	vadd.s32 v0, v4;
	v4 =	vld [tilespmem:s14+$0x0];
	s14 =	sadd.s32 s15, s12;
	s15 =	sand.u32 $0x7FFFFF80, s16;
	s16 =	sadd.s32 $0xC00, s11  }
0x14d: {  	v0 =	vadd.s32 v0, v5;
	v5 =	vld [tilespmem:s14+$0x0];
	s14 =	sadd.s32 s15, s12;
	s15 =	sand.u32 $0x7FFFFF80, s16;
	s16 =	sadd.s32 $0xD00, s11  }
0x14e: {  	v0 =	vadd.s32 v0, v1;
	v1 =	vld [tilespmem:s14+$0x0];
	s14 =	sadd.s32 s15, s12;
	s15 =	sand.u32 $0x7FFFFF80, s16;
	s16 =	sadd.s32 $0xE00, s11  }
0x14f: {  	s11 =	sadd.s32 $0xF00, s11;
	v0 =	vadd.s32 v0, v2;
	v2 =	vld [tilespmem:s14+$0x0];
	s14 =	sadd.s32 s15, s12;
	s15 =	sand.u32 $0x7FFFFF80, s16  }
0x150: {  	v0 =	vadd.s32 v0, v3;
	v3 =	vld [tilespmem:s14+$0x0];
	s14 =	sadd.s32 s15, s12;
	s15 =	sand.u32 $0x7FFFFF80, s11;
	s11 =	smov.u32 s13  }
0x151: {  	v0 =	vadd.s32 v0, v4;
	v4 =	vld [tilespmem:s14+$0x0];
	s12 =	sadd.s32 s15, s12  }
0x152: {  	v0 =	vadd.s32 v0, v5;
	v5 =	vld [tilespmem:s12+$0x0]  }
.Ltmp13:
0x153: {  	v0 =	vadd.s32 v0, v1;
	(pc) =	sbr.rel @p0 .LBB2_26-.Ltmp13, $4  }
0x154: {  	v0 =	vadd.s32 v0, v2  }
0x155: {  	s10 =	sadd.s32 $0x10, s10;
	v0 =	vadd.s32 v0, v3  }
0x156: {  	s14 =	sand.u32 $0x7FFFFF80, s13;
	s15 =	sadd.s32 $0x100, s13;
	s12 =	sand.u32 $0x70, s13;
	v0 =	vadd.s32 v0, v4  }
0x157: {  	s15 =	sand.u32 $0x7FFFFF80, s15;
	s13 =	sadd.s32 $0x10, s13;
	s12 =	sor.u32 $0x4100, s12;
	v0 =	vadd.s32 v0, v5  }
0x158: {  	s13 =	sadd.s32 s15, s12;
	s17 =	sadd.s32 $0x200, s11;
	[tilespmem:s10+$0x0] =	vst v0  }
0x159: {  	s14 =	sadd.s32 s14, s12;
	s19 =	sadd.s32 $0x300, s11;
	v0 =	vld [tilespmem:s13+$0x0];
	s18 =	sand.u32 $0x7FFFFF80, s17  }
0x15a: {  	s21 =	sadd.s32 $0x400, s11;
	v1 =	vld [tilespmem:s14+$0x0];
	s20 =	sand.u32 $0x7FFFFF80, s19;
	s13 =	sadd.s32 s18, s12  }
0x15b: {  	s24 =	sadd.s32 $0x500, s11;
	s23 =	sand.u32 $0x7FFFFF80, s21;
	s22 =	sadd.s32 s20, s12;
	v2 =	vld [tilespmem:s13+$0x0]  }
0x15c: {  	s28 =	sadd.s32 $0x600, s11;
	s26 =	sand.u32 $0x7FFFFF80, s24;
	s25 =	sadd.s32 s23, s12;
	v3 =	vld [tilespmem:s22+$0x0]  }
0x15d: {  	s31 =	sadd.s32 $0x700, s11;
	s30 =	sand.u32 $0x7FFFFF80, s28;
	s29 =	sadd.s32 s26, s12;
	v4 =	vld [tilespmem:s25+$0x0]  }
0x15e: {  	s17 =	sand.u32 $0x7FFFFF80, s31;
	s16 =	sadd.s32 s30, s12;
	s18 =	sadd.s32 $0x800, s11;
	v5 =	vld [tilespmem:s29+$0x0]  }
0x15f: {  	s21 =	sadd.s32 $0x900, s11;
	s19 =	sadd.s32 s17, s12;
	v54 =	vld [tilespmem:s16+$0x0];
	s20 =	sand.u32 $0x7FFFFF80, s18;
	v0 =	vadd.s32 v1, v0  }
0x160: {  	s24 =	sadd.s32 $0xA00, s11;
	s23 =	sand.u32 $0x7FFFFF80, s21;
	v55 =	vld [tilespmem:s19+$0x0];
	s22 =	sadd.s32 s20, s12;
	v0 =	vadd.s32 v0, v2  }
0x161: {  	s28 =	sadd.s32 $0xB00, s11;
	s26 =	sand.u32 $0x7FFFFF80, s24;
	s25 =	sadd.s32 s23, s12;
	v56 =	vld [tilespmem:s22+$0x0];
	v0 =	vadd.s32 v0, v3  }
0x162: {  	s31 =	sadd.s32 $0xC00, s11;
	s30 =	sand.u32 $0x7FFFFF80, s28;
	s29 =	sadd.s32 s26, s12;
	v57 =	vld [tilespmem:s25+$0x0];
	v0 =	vadd.s32 v0, v4  }
0x163: {  	s17 =	sadd.s32 $0xD00, s11;
	s14 =	sadd.s32 s30, s12;
	s16 =	sand.u32 $0x7FFFFF80, s31;
	v58 =	vld [tilespmem:s29+$0x0];
	v0 =	vadd.s32 v0, v5  }
0x164: {  	s19 =	sand.u32 $0x7FFFFF80, s17;
	v59 =	vld [tilespmem:s14+$0x0];
	s18 =	sadd.s32 s16, s12;
	s20 =	sadd.s32 $0xE00, s11;
	v0 =	vadd.s32 v0, v54  }
0x165: {  	s23 =	sadd.s32 $0xF00, s11;
	s21 =	sadd.s32 s19, s12;
	v60 =	vld [tilespmem:s18+$0x0];
	s22 =	sand.u32 $0x7FFFFF80, s20;
	v0 =	vadd.s32 v0, v55  }
0x166: {  	s11 =	sand.u32 $0x7FFFFF80, s23;
	v61 =	vld [tilespmem:s21+$0x0];
	s24 =	sadd.s32 s22, s12;
	v0 =	vadd.s32 v0, v56  }
0x167: {  	s11 =	sadd.s32 s11, s12;
	v62 =	vld [tilespmem:s24+$0x0];
	v0 =	vadd.s32 v0, v57  }
0x168: {  	v63 =	vld [tilespmem:s11+$0x0];
	v0 =	vadd.s32 v0, v58  }
0x169: {  	v0 =	vadd.s32 v0, v59  }
0x16a: {  	v0 =	vadd.s32 v0, v60  }
0x16b: {  	v0 =	vadd.s32 v0, v61  }
0x16c: {  	v0 =	vadd.s32 v0, v62  }
0x16d: {  	s28 =	simm.s32 $0x400;
	s25 =	sadd.s32 $0x10, s10;
	v0 =	vadd.s32 v0, v63  }
0x16e: {  	s26 =	simm.s32 $0x80;
	s30 =	simm.s32 $0x2;
	s29 =	simm.s32 $0x2000;
	[tilespmem:s25+$0x0] =	vst v0  }
0x16f: {  	[spmem:s7] =	stream.strided.scatter [tilespmem:s29], [sflag:$0x2], $0x100, s28, s26, $0x38;
	[tilespmem:$0x1EA20] =	vst v63  }
0x170: {  	_ =	swait.ge [sflag:s30], $0x100  }
0x171: {  	[sflag:s30] =	ssyncset.done $0x0  }
0x172: {  	[sflag:s30] =	ssyncadd.s32 $0xFFFFFF00  }
0x173: {  	s31 =	simm.s32 $0x5200;
	[bflag:$0x0] =	sbarrier.arrive $0xFFFF  }
0x174: {  	[tilespmem:s31], [sflag:$0x2] =	stream.linear.gather [spmem:s6], $0x1000, $0x38;
	[tilespmem:$0x1EA20] =	vst v63  }
0x175: {  	_ =	swait.ge [sflag:s30], $0x1000  }
0x176: {  	[sflag:s30] =	ssyncset.done $0x0  }
0x177: {  	s13 =	simm.s32 $0x0;
	s10 =	simm.s32 $0x0;
	[sflag:s30] =	ssyncadd.s32 $0xFFFFF000  }
0x178: {  	s11 =	simm.s32 $0x0;
	s12 =	simm.s32 $0x0;
	[bflag:$0x0] =	sbarrier.arrive $0xFFFF  }
.LBB2_28:
0x179: {  	s14 =	sand.u32 $0x70, s11  }
0x17a: {  	s15 =	sshll.u32 s11, $0x3;
	v0 =	vmov s14  }
0x17b: {  	s30 =	sand.u32 $0xFFFFFC00, s15  }
0x17c: {  	s31 =	sand.u32 $0xFFFFF800, s10;
	s14 =	sadd.s32 $0x5200, s30  }
0x17d: {  	s17 =	sand.u32 $0x380, s10;
	s15 =	sadd.s32 s31, s14  }
0x17e: {  	s16 =	simm.s32 $0x1;
	s15 =	sadd.s32 s17, s15  }
0x17f: {  	v3 =	vimm.s32 $0x0;
	s18 =	simm.s32 $0x80;
	v2 =	vimm.s32 $0x0;
	s17 =	simm.s32 $0x100;
	v1 =	vld.idx.msk [tilespmem:v0+s15+$0x0 ss:$0x1], $0xffff;
	s15 =	simm.s32 $0x0  }
.LBB2_29:
0x180: {  	s19 =	sand.u32 $0xFFFFF800, s17  }
0x181: {  	p0 =	sne.s32 s16, $0xF;
	s20 =	smov.u32 s16;
	s16 =	sadd.s32 $0x1, s16  }
.Ltmp14:
0x182: {  	s21 =	sand.u32 $0x380, s18;
	s19 =	sadd.s32 s19, s14;
	(pc) =	sbr.rel @p0 .LBB2_29-.Ltmp14, $4  }
0x183: {  	p1 =	slt.u32 s15, s1;
	s15 =	smov.u32 s20;
	s19 =	sadd.s32 s21, s19  }
0x184: {  	v3 =	vadd.s32 v3, v1;
	v4 =	vpsel !p1, $0x0, v1;
	v1 =	vld.idx.msk [tilespmem:v0+s19+$0x0 ss:$0x1], $0xffff  }
0x185: {  	v2 =	vadd.s32 v2, v4  }
0x186: {  	s17 =	sadd.s32 $0x100, s17;
	s18 =	sadd.s32 $0x80, s18  }
0x187: {  	_ =	sdelay $0x1  }
0x188: {  	v0 =	vadd.s32 v3, v1  }
0x189: {  	(xrf0) =	vadd.scan.msk.s32 $0xffff, v0;
	_ =	sdelay $0x5  }
0x18a: {  	v62, _, _ =	vpop (xrf0)  }
0x18b: {  	v4 =	vxor.u32 $0x80000000, v62  }
0x18c: {  	(xrf0) =	vmax.scan.msk.u32 $0xffff, v4;
	_ =	sdelay $0x5  }
0x18d: {  	v4, _, _ =	vpop (xrf0)  }
0x18e: {  	(v2sf) =	vpush v4, $0xF;
	_ =	sdelay $0xa  }
0x18f: {  	p0 =	slt.u32 s15, s1;
	s12 =	sadd.s32 $0x1, s12  }
0x190: {  	v63 =	vpsel !p0, $0x0, v1;
	p0 =	sne.s32 s12, $0x10  }
.Ltmp15:
0x191: {  	_ = 	snop;
	(pc) =	sbr.rel @p0 .LBB2_28-.Ltmp15, $4  }
0x192: {  	v1 =	vadd.s32 v2, v63;
	v0 =	vsub.s32 s13, v0  }
0x193: {  	v0 =	vadd.s32 v1, v0;
	s14 =	spop (v2sf)  }
0x194: {  	v0 =	vadd.s32 v62, v0;
	s31 =	sadd.s32 s14, s13  }
0x195: {  	[tilespmem:s11+$0x5100] =	vst v0;
	s11 =	sadd.s32 $0x10, s11;
	s13 =	sadd.s32 $0x80000000, s31  }
0x196: {  	v0 =	vimm.s32 $0xEDCBA987  }
0x197: {  	v1 =	vimm.s32 $0x65432100;
	v0 =	vunpack.c.l.s4.s8 v0  }
0x198: {  	v1 =	vunpack.c.l.s4.s8 v1  }
0x199: {  	s10 =	simm.s32 $0x0;
	s11 =	simm.s32 $0x1000;
	v2 =	vunpack.c.0.s8.s32 v0  }
0x19a: {  	s12 =	simm.s32 $0x2;
	s13 =	simm.s32 $0xFA0;
	s14 =	simm.s32 $0x1;
	v3 =	vlaneseq.u32;
	v1 =	vunpack.c.0.s8.s32 v1  }
0x19b: {  	s15 =	simm.s32 $0x6200;
	s16 =	simm.s32 $0x5100;
	s17 =	simm.s32 $0x3100;
	v0 =	vor.u32 $0x80000000, v3;
	v2 =	vand.u32 $0xF, v2  }
0x19c: {  	s18 =	simm.s32 $0x2100;
	s19 =	simm.s32 $0x0;
	s20 =	simm.s32 $0x0;
	v1 =	vcombine.low v1, v2;
	v2 =	vadd.s32 $0x1, v3;
	v3 =	vimm.s32 $0x1  }
.LBB2_32:
0x19d: {  	s21 =	sadd.s32 s5, s19  }
0x19e: {  	s21 =	sshrl.u32 s21, $0x3  }
0x19f: {  	s21 =	sadd.s32 s4, s21  }
0x1a0: {  	[tilespmem:s11], [sflag:$0x2] =	stream.linear.gather [hbm4b:s21+s10], $0xFA0, $0x38;
	[tilespmem:$0x1EA20] =	vst v63  }
0x1a1: {  	_ =	swait.ge [sflag:s12], $0xFA0  }
0x1a2: {  	[sflag:s12] =	ssyncset.done $0x0  }
0x1a3: {  	[sflag:s12] =	ssyncadd.s32 $0xFFFFF060  }
0x1a4: {  	[tilespmem:s10], [sflag:$0x1] =	stream.indirect.gather [hbm4b:s3+s13], $0x1, s11, s13, $0xb8;
	[tilespmem:$0x1EA20] =	vst v63  }
0x1a5: {  	_ =	swait.ge [sflag:s14], $0xFA0  }
0x1a6: {  	[sflag:s14] =	ssyncset.done $0x0  }
0x1a7: {  	s23 =	simm.s32 $0x0;
	[sflag:s14] =	ssyncadd.s32 $0xFFFFF060  }
0x1a8: {  	v4 =	vld [tilespmem:s23+$0x0];
	_ =	sdelay $0x2  }
0x1a9: {  	v5 =	vld [tilespmem:s23+$0x1000];
	_ =	sdelay $0x1  }
0x1aa: {  	v4 =	vshrl.u32 v4, $0x4  }
0x1ab: {  	v4 =	vand.u32 $0xFF0, v4  }
0x1ac: {  	v4 =	vor.u32 v0, v4  }
0x1ad: {  	(xrf1) =	vsort.ascd.msk.u32 $0xffff, v4, v5;
	_ =	sdelay $0xd  }
0x1ae: {  	v4, v5, _ =	vpop (xrf1)  }
0x1af: {  	v4 =	vshrl.u32 v4, $0x4  }
0x1b0: {  	v6 =	vxor.u32 $0x8000000, v4  }
0x1b1: {  	[tilespmem:$0x6200] =	vst v6  }
0x1b2: {  	v7 =	vld.idx.msk [tilespmem:v1+s15+$0x0], $0xffff;
	_ =	sdelay $0x3  }
0x1b3: {  	v4 =	vand.u32 $0x7F, v4;
	v8 =	vand.u32 $0xFFFFF80, v6  }
0x1b4: {  	v4 =	vor.u32 v4, v8;
	vm0 =	veq.s32 v6, v7  }
0x1b5: {  	v6 =	vsel vm0, $0x80000000, v0  }
0x1b6: {  	(xrf0) =	vmax.scan.msk.u32 $0xffff, v6;
	_ =	sdelay $0x2  }
0x1b7: {  	v6 =	vld.idx.msk [tilespmem:v4+s16+$0x0], $0xffff;
	_ =	sdelay $0x2  }
0x1b8: {  	v7, _, _ =	vpop (xrf0)  }
0x1b9: {  	v7 =	vxor.u32 $0x7FFFFFFF, v7  }
0x1ba: {  	v6 =	vadd.s32 v7, v6  }
0x1bb: {  	[tilespmem:s23+$0x2100] =	vst v5;
	v5 =	vadd.s32 v2, v6  }
0x1bc: {  	s22 =	simm.s32 $0x80;
	s21 =	simm.s32 $0x40;
	[tilespmem:s23+$0x3100] =	vst v5  }
.LBB2_33:
0x1bd: {  	p0 =	sne.s32 s22, $0x3E40  }
0x1be: {  	s23 =	sshra.s32 s21, $0x2;
	[tilespmem:v4+s16+$0x0] =	vst.idx.add.s32.msk $0xffff, v3;
	s21 =	smov.u32 s22;
	s22 =	sadd.s32 $0x40, s22  }
0x1bf: {  	v4 =	vld [tilespmem:s23+$0x0];
	_ =	sdelay $0x2  }
0x1c0: {  	v5 =	vld [tilespmem:s23+$0x1000];
	_ =	sdelay $0x1  }
0x1c1: {  	v4 =	vshrl.u32 v4, $0x4  }
0x1c2: {  	v4 =	vand.u32 $0xFF0, v4  }
0x1c3: {  	v4 =	vor.u32 v0, v4  }
0x1c4: {  	(xrf1) =	vsort.ascd.msk.u32 $0xffff, v4, v5;
	_ =	sdelay $0xd  }
0x1c5: {  	v4, v5, _ =	vpop (xrf1)  }
0x1c6: {  	v4 =	vshrl.u32 v4, $0x4  }
0x1c7: {  	v6 =	vxor.u32 $0x8000000, v4  }
0x1c8: {  	[tilespmem:$0x6200] =	vst v6;
	v7 =	vand.u32 $0xFFFFF80, v6  }
0x1c9: {  	v8 =	vld.idx.msk [tilespmem:v1+s15+$0x0], $0xffff;
	_ =	sdelay $0x3  }
0x1ca: {  	v4 =	vand.u32 $0x7F, v4  }
0x1cb: {  	v4 =	vor.u32 v4, v7  }
0x1cc: {  	vm0 =	veq.s32 v6, v8  }
0x1cd: {  	v6 =	vsel vm0, $0x80000000, v0  }
0x1ce: {  	(xrf0) =	vmax.scan.msk.u32 $0xffff, v6;
	_ =	sdelay $0x1  }
0x1cf: {  	v6 =	vld.idx.msk [tilespmem:v4+s16+$0x0], $0xffff  }
0x1d0: {  	[tilespmem:s23+$0x2100] =	vst v5;
	_ =	sdelay $0x2  }
.Ltmp16:
0x1d1: {  	v5, _, _ =	vpop (xrf0);
	(pc) =	sbr.rel @p0 .LBB2_33-.Ltmp16, $4  }
0x1d2: {  	v5 =	vxor.u32 $0x7FFFFFFF, v5  }
0x1d3: {  	v5 =	vadd.s32 v5, v6  }
0x1d4: {  	v5 =	vadd.s32 v2, v5  }
0x1d5: {  	[tilespmem:s23+$0x3100] =	vst v5  }
0x1d6: {  	_ =	sdelay $0x3  }
0x1d7: {  	s21 =	sshra.s32 s21, $0x2;
	[tilespmem:v4+s16+$0x0] =	vst.idx.add.s32.msk $0xffff, v3  }
0x1d8: {  	v4 =	vld [tilespmem:s21+$0x0];
	_ =	sdelay $0x2  }
0x1d9: {  	v5 =	vld [tilespmem:s21+$0x1000];
	_ =	sdelay $0x1  }
0x1da: {  	v4 =	vshrl.u32 v4, $0x4  }
0x1db: {  	v4 =	vand.u32 $0xFF0, v4  }
0x1dc: {  	v4 =	vor.u32 v0, v4  }
0x1dd: {  	(xrf1) =	vsort.ascd.msk.u32 $0xffff, v4, v5;
	_ =	sdelay $0xd  }
0x1de: {  	v4, v5, _ =	vpop (xrf1)  }
0x1df: {  	v4 =	vshrl.u32 v4, $0x4  }
0x1e0: {  	v6 =	vxor.u32 $0x8000000, v4  }
0x1e1: {  	[tilespmem:$0x6200] =	vst v6  }
0x1e2: {  	v7 =	vld.idx.msk [tilespmem:v1+s15+$0x0], $0xffff;
	_ =	sdelay $0x3  }
0x1e3: {  	v4 =	vand.u32 $0x7F, v4;
	v8 =	vand.u32 $0xFFFFF80, v6  }
0x1e4: {  	v4 =	vor.u32 v4, v8;
	vm0 =	veq.s32 v6, v7  }
0x1e5: {  	v6 =	vsel vm0, $0x80000000, v0  }
0x1e6: {  	(xrf0) =	vmax.scan.msk.u32 $0xffff, v6;
	_ =	sdelay $0x2  }
0x1e7: {  	v62 =	vld.idx.msk [tilespmem:v4+s16+$0x0], $0xffff;
	_ =	sdelay $0x2  }
0x1e8: {  	v63, _, _ =	vpop (xrf0)  }
0x1e9: {  	v7 =	vxor.u32 $0x7FFFFFFF, v63  }
0x1ea: {  	v6 =	vadd.s32 v7, v62  }
0x1eb: {  	s20 =	sadd.s32 $0x1, s20;
	[tilespmem:s21+$0x2100] =	vst v5;
	v5 =	vadd.s32 v2, v6  }
0x1ec: {  	p0 =	sne.s32 s20, $0x19;
	[tilespmem:s21+$0x3100] =	vst v5  }
.Ltmp17:
0x1ed: {  	[tilespmem:v4+s16+$0x0] =	vst.idx.add.s32.msk $0xffff, v3;
	(pc) =	sbr.rel @p0 .LBB2_32-.Ltmp17, $4  }
0x1ee: {  	[spmem:s2] =	stream.indirect.scatter [tilespmem:s18], [sflag:$0x2], $0x1, s17, s13, $0xb8;
	[tilespmem:$0x1EA20] =	vst v63  }
0x1ef: {  	_ =	swait.ge [sflag:s12], $0xFA0  }
0x1f0: {  	[sflag:s12] =	ssyncset.done $0x0  }
0x1f1: {  	s19 =	sadd.s32 $0xFA0, s19;
	[sflag:s12] =	ssyncadd.s32 $0xFFFFF060  }
0x1f2: {  	[bflag:$0x0] =	sbarrier.arrive $0xFFFF  }
0x1f3: {  	s10 =	sadd.s32 s9, s2;
	s12 =	simm.s32 $0x1000;
	s11 =	simm.s32 $0x2  }
0x1f4: {  	[tilespmem:s12], [sflag:$0x2] =	stream.linear.gather [spmem:s10], $0xFA0, $0x38;
	[tilespmem:$0x1EA20] =	vst v63  }
0x1f5: {  	_ =	swait.ge [sflag:s11], $0xFA0  }
0x1f6: {  	[sflag:s11] =	ssyncset.done $0x0  }
0x1f7: {  	s13 =	simm.s32 $0x0;
	s14 =	sadd.s32 $0x0, s8;
	[sflag:s11] =	ssyncadd.s32 $0xFFFFF060  }
0x1f8: {  	[hbm4b:s14+s13] =	stream.linear.scatter [tilespmem:s12], [sflag:$0x2], $0xFA0, $0x38;
	[tilespmem:$0x1EA20] =	vst v63  }
0x1f9: {  	_ =	swait.ge [sflag:s11], $0xFA0  }
0x1fa: {  	s14 =	simm.s32 $0x1F4;
	[sflag:s11] =	ssyncset.done $0x0  }
.LBB2_36:
0x1fb: {  	p0 =	sne.s32 s14, $0x2EE0;
	[sflag:s11] =	ssyncadd.s32 $0xFFFFF060;
	s10 =	sadd.s32 $0xFA0, s10  }
0x1fc: {  	[tilespmem:s12], [sflag:$0x2] =	stream.linear.gather [spmem:s10], $0xFA0, $0x38;
	[tilespmem:$0x1EA20] =	vst v63  }
0x1fd: {  	s15 =	smov.u32 s14;
	s14 =	sadd.s32 $0x1F4, s14;
	_ =	swait.ge [sflag:s11], $0xFA0  }
.Ltmp18:
0x1fe: {  	[sflag:s11] =	ssyncset.done $0x0;
	(pc) =	sbr.rel @p0 .LBB2_36-.Ltmp18, $4  }
0x1ff: {  	s15 =	sadd.s32 s15, s8;
	[sflag:s11] =	ssyncadd.s32 $0xFFFFF060  }
0x200: {  	[hbm4b:s15+s13] =	stream.linear.scatter [tilespmem:s12], [sflag:$0x2], $0xFA0, $0x38;
	[tilespmem:$0x1EA20] =	vst v63  }
0x201: {  	_ =	swait.ge [sflag:s11], $0xFA0  }
0x202: {  	[sflag:s11] =	ssyncset.done $0x0  }
0x203: {  	[sflag:s11] =	ssyncadd.s32 $0xFFFFF060  }
0x204: {  	s10 =	simm.s32 $0x0;
	v0 =	vimm.s32 $0x0;
	s11 =	simm.s32 $0x0;
	[bflag:$0x0] =	sbarrier.arrive $0xFFFF  }
.LBB2_38:
0x205: {  	p0 =	sne.s32 s11, $0x3FC0  }
.Ltmp19:
0x206: {  	_ = 	snop;
	(pc) =	sbr.rel @p0 .LBB2_38-.Ltmp19, $3  }
0x207: {  	_ =	sdelay $0x1  }
0x208: {  	s12 =	sshra.s32 s11, $0x2  }
0x209: {  	s11 =	sadd.s32 $0x40, s11;
	[tilespmem:s12+$0x4100] =	vst v0  }
0x20a: {  	s11 =	simm.s32 $0x1000;
	s12 =	simm.s32 $0x2;
	s13 =	simm.s32 $0xFA0;
	v0 =	vlaneseq.u32  }
0x20b: {  	s14 =	simm.s32 $0x1;
	v1 =	vimm.s32 $0x1;
	s15 =	simm.s32 $0x4100;
	s16 =	simm.s32 $0x0;
	v0 =	vmul.u32 $0x100, v0  }
.LBB2_40:
0x20c: {  	s17 =	sadd.s32 s5, s10  }
0x20d: {  	s17 =	sshrl.u32 s17, $0x3  }
0x20e: {  	s18 =	simm.s32 $0x0;
	s17 =	sadd.s32 s4, s17  }
0x20f: {  	[tilespmem:s11], [sflag:$0x2] =	stream.linear.gather [hbm4b:s17+s18], $0xFA0, $0x38;
	[tilespmem:$0x1EA20] =	vst v63  }
0x210: {  	_ =	swait.ge [sflag:s12], $0xFA0  }
0x211: {  	[sflag:s12] =	ssyncset.done $0x0  }
0x212: {  	[sflag:s12] =	ssyncadd.s32 $0xFFFFF060  }
0x213: {  	[tilespmem:s18], [sflag:$0x1] =	stream.indirect.gather [hbm4b:s3+s13], $0x1, s11, s13, $0xb8;
	[tilespmem:$0x1EA20] =	vst v63  }
0x214: {  	_ =	swait.ge [sflag:s14], $0xFA0  }
0x215: {  	[sflag:s14] =	ssyncset.done $0x0  }
0x216: {  	s17 =	simm.s32 $0x40;
	s18 =	simm.s32 $0x0;
	[sflag:s14] =	ssyncadd.s32 $0xFFFFF060  }
.LBB2_41:
0x217: {  	p0 =	sne.s32 s17, $0x3E40;
	v2 =	vld [tilespmem:s18+$0x0];
	_ =	sdelay $0x4  }
0x218: {  	v2 =	vshrl.u32 v2, $0x10  }
0x219: {  	v2 =	vand.u32 $0xFF, v2  }
0x21a: {  	v2 =	vor.u32 v0, v2  }
.Ltmp20:
0x21b: {  	(pc) =	sbr.rel @p0 .LBB2_41-.Ltmp20, $2  }
0x21c: {  	_ =	sdelay $0x2  }
0x21d: {  	s18 =	sshra.s32 s17, $0x2;
	s17 =	sadd.s32 $0x40, s17;
	[tilespmem:v2+s15+$0x0] =	vst.idx.add.s32.msk $0xffff, v1  }
0x21e: {  	v2 =	vld [tilespmem:s18+$0x0];
	_ =	sdelay $0x4  }
0x21f: {  	v2 =	vshrl.u32 v2, $0x10  }
0x220: {  	s16 =	sadd.s32 $0x1, s16;
	v2 =	vand.u32 $0xFF, v2  }
0x221: {  	p0 =	sne.s32 s16, $0x19;
	v2 =	vor.u32 v0, v2  }
.Ltmp21:
0x222: {  	_ = 	snop;
	(pc) =	sbr.rel @p0 .LBB2_40-.Ltmp21, $2  }
0x223: {  	_ =	sdelay $0x2  }
0x224: {  	s10 =	sadd.s32 $0xFA0, s10;
	[tilespmem:v2+s15+$0x0] =	vst.idx.add.s32.msk $0xffff, v1  }
0x225: {  	s11 =	simm.s32 $0x0  }
0x226: {  	s12 =	simm.s32 $0x100;
	s10 =	sand.u32 $0x70, s11  }
0x227: {  	s12 =	sand.u32 $0x7FFFFF80, s12;
	s10 =	sor.u32 $0x4100, s10  }
0x228: {  	s13 =	simm.s32 $0x200;
	s11 =	sand.u32 $0x7FFFFF80, s11;
	s12 =	sadd.s32 s12, s10  }
0x229: {  	s28 =	simm.s32 $0x300;
	s26 =	sand.u32 $0x7FFFFF80, s13;
	s11 =	sadd.s32 s11, s10;
	v0 =	vld [tilespmem:s12+$0x0]  }
0x22a: {  	s31 =	simm.s32 $0x400;
	s30 =	sand.u32 $0x7FFFFF80, s28;
	s29 =	sadd.s32 s26, s10;
	v1 =	vld [tilespmem:s11+$0x0]  }
0x22b: {  	s15 =	simm.s32 $0x500;
	s14 =	sand.u32 $0x7FFFFF80, s31;
	v2 =	vld [tilespmem:s29+$0x0];
	s12 =	sadd.s32 s30, s10  }
0x22c: {  	s18 =	simm.s32 $0x600;
	s17 =	sand.u32 $0x7FFFFF80, s15;
	s16 =	sadd.s32 s14, s10;
	v3 =	vld [tilespmem:s12+$0x0]  }
0x22d: {  	s21 =	simm.s32 $0x700;
	s20 =	sand.u32 $0x7FFFFF80, s18;
	s19 =	sadd.s32 s17, s10;
	v4 =	vld [tilespmem:s16+$0x0]  }
0x22e: {  	s24 =	simm.s32 $0x800;
	s23 =	sand.u32 $0x7FFFFF80, s21;
	s22 =	sadd.s32 s20, s10;
	v5 =	vld [tilespmem:s19+$0x0]  }
0x22f: {  	s28 =	simm.s32 $0x900;
	s25 =	sadd.s32 s23, s10;
	s26 =	sand.u32 $0x7FFFFF80, s24;
	v0 =	vadd.s32 v1, v0;
	v1 =	vld [tilespmem:s22+$0x0]  }
0x230: {  	s31 =	simm.s32 $0xA00;
	s29 =	sadd.s32 s26, s10;
	s30 =	sand.u32 $0x7FFFFF80, s28;
	v0 =	vadd.s32 v0, v2;
	v2 =	vld [tilespmem:s25+$0x0]  }
0x231: {  	s13 =	sand.u32 $0x7FFFFF80, s31;
	s14 =	simm.s32 $0xB00;
	s12 =	sadd.s32 s30, s10;
	v0 =	vadd.s32 v0, v3;
	v3 =	vld [tilespmem:s29+$0x0]  }
0x232: {  	s15 =	sadd.s32 s13, s10;
	s17 =	simm.s32 $0xC00;
	s16 =	sand.u32 $0x7FFFFF80, s14;
	v60 =	vld [tilespmem:s12+$0x0];
	v0 =	vadd.s32 v0, v4  }
0x233: {  	s20 =	simm.s32 $0xD00;
	v61 =	vld [tilespmem:s15+$0x0];
	s19 =	sand.u32 $0x7FFFFF80, s17;
	s18 =	sadd.s32 s16, s10;
	v0 =	vadd.s32 v0, v5  }
0x234: {  	s23 =	simm.s32 $0xE00;
	s21 =	sadd.s32 s19, s10;
	s22 =	sand.u32 $0x7FFFFF80, s20;
	v0 =	vadd.s32 v0, v1;
	v1 =	vld [tilespmem:s18+$0x0]  }
0x235: {  	s26 =	simm.s32 $0xF00;
	s24 =	sadd.s32 s22, s10;
	s25 =	sand.u32 $0x7FFFFF80, s23;
	v0 =	vadd.s32 v0, v2;
	v2 =	vld [tilespmem:s21+$0x0]  }
0x236: {  	s28 =	sadd.s32 s25, s10;
	s29 =	sand.u32 $0x7FFFFF80, s26;
	v0 =	vadd.s32 v0, v3;
	v3 =	vld [tilespmem:s24+$0x0]  }
0x237: {  	v62 =	vld [tilespmem:s28+$0x0];
	s10 =	sadd.s32 s29, s10;
	v0 =	vadd.s32 v0, v60  }
0x238: {  	v63 =	vld [tilespmem:s10+$0x0];
	v0 =	vadd.s32 v0, v61  }
0x239: {  	v0 =	vadd.s32 v0, v1  }
0x23a: {  	v0 =	vadd.s32 v0, v2  }
0x23b: {  	s31 =	simm.s32 $0x110;
	s11 =	simm.s32 $0x10;
	v0 =	vadd.s32 v0, v3  }
0x23c: {  	s13 =	simm.s32 $0x20;
	s15 =	sand.u32 $0x7FFFFF80, s31;
	s30 =	sand.u32 $0x70, s11;
	v0 =	vadd.s32 v0, v62  }
0x23d: {  	s14 =	sand.u32 $0x7FFFFF80, s11;
	s12 =	sor.u32 $0x4100, s30;
	s10 =	simm.s32 $0x2000;
	v0 =	vadd.s32 v0, v63  }
.LBB2_44:
0x23e: {  	p0 =	sne.s32 s13, $0xF0;
	s15 =	sadd.s32 s15, s12;
	s16 =	sadd.s32 $0x200, s11;
	[tilespmem:s10+$0x0] =	vst v0  }
0x23f: {  	s14 =	sadd.s32 s14, s12;
	v0 =	vld [tilespmem:s15+$0x0];
	s15 =	sand.u32 $0x7FFFFF80, s16;
	s16 =	sadd.s32 $0x300, s11  }
0x240: {  	v1 =	vld [tilespmem:s14+$0x0];
	s14 =	sadd.s32 s15, s12;
	s15 =	sand.u32 $0x7FFFFF80, s16;
	s16 =	sadd.s32 $0x400, s11  }
0x241: {  	v2 =	vld [tilespmem:s14+$0x0];
	s14 =	sadd.s32 s15, s12;
	s15 =	sand.u32 $0x7FFFFF80, s16;
	s16 =	sadd.s32 $0x500, s11  }
0x242: {  	v3 =	vld [tilespmem:s14+$0x0];
	s14 =	sadd.s32 s15, s12;
	s15 =	sand.u32 $0x7FFFFF80, s16;
	s16 =	sadd.s32 $0x600, s11  }
0x243: {  	v4 =	vld [tilespmem:s14+$0x0];
	s14 =	sadd.s32 s15, s12;
	s15 =	sand.u32 $0x7FFFFF80, s16;
	s16 =	sadd.s32 $0x700, s11  }
0x244: {  	v5 =	vld [tilespmem:s14+$0x0];
	s14 =	sadd.s32 s15, s12;
	s15 =	sand.u32 $0x7FFFFF80, s16;
	s16 =	sadd.s32 $0x800, s11  }
0x245: {  	v0 =	vadd.s32 v1, v0;
	v1 =	vld [tilespmem:s14+$0x0];
	s14 =	sadd.s32 s15, s12;
	s15 =	sand.u32 $0x7FFFFF80, s16;
	s16 =	sadd.s32 $0x900, s11  }
0x246: {  	v0 =	vadd.s32 v0, v2;
	v2 =	vld [tilespmem:s14+$0x0];
	s14 =	sadd.s32 s15, s12;
	s15 =	sand.u32 $0x7FFFFF80, s16;
	s16 =	sadd.s32 $0xA00, s11  }
0x247: {  	v0 =	vadd.s32 v0, v3;
	v3 =	vld [tilespmem:s14+$0x0];
	s14 =	sadd.s32 s15, s12;
	s15 =	sand.u32 $0x7FFFFF80, s16;
	s16 =	sadd.s32 $0xB00, s11  }
0x248: {  	v0 =	vadd.s32 v0, v4;
	v4 =	vld [tilespmem:s14+$0x0];
	s14 =	sadd.s32 s15, s12;
	s15 =	sand.u32 $0x7FFFFF80, s16;
	s16 =	sadd.s32 $0xC00, s11  }
0x249: {  	v0 =	vadd.s32 v0, v5;
	v5 =	vld [tilespmem:s14+$0x0];
	s14 =	sadd.s32 s15, s12;
	s15 =	sand.u32 $0x7FFFFF80, s16;
	s16 =	sadd.s32 $0xD00, s11  }
0x24a: {  	v0 =	vadd.s32 v0, v1;
	v1 =	vld [tilespmem:s14+$0x0];
	s14 =	sadd.s32 s15, s12;
	s15 =	sand.u32 $0x7FFFFF80, s16;
	s16 =	sadd.s32 $0xE00, s11  }
0x24b: {  	s11 =	sadd.s32 $0xF00, s11;
	v0 =	vadd.s32 v0, v2;
	v2 =	vld [tilespmem:s14+$0x0];
	s14 =	sadd.s32 s15, s12;
	s15 =	sand.u32 $0x7FFFFF80, s16  }
0x24c: {  	v0 =	vadd.s32 v0, v3;
	v3 =	vld [tilespmem:s14+$0x0];
	s14 =	sadd.s32 s15, s12;
	s15 =	sand.u32 $0x7FFFFF80, s11;
	s11 =	smov.u32 s13  }
0x24d: {  	v0 =	vadd.s32 v0, v4;
	v4 =	vld [tilespmem:s14+$0x0];
	s12 =	sadd.s32 s15, s12  }
0x24e: {  	v0 =	vadd.s32 v0, v5;
	v5 =	vld [tilespmem:s12+$0x0]  }
.Ltmp22:
0x24f: {  	v0 =	vadd.s32 v0, v1;
	(pc) =	sbr.rel @p0 .LBB2_44-.Ltmp22, $4  }
0x250: {  	v0 =	vadd.s32 v0, v2  }
0x251: {  	s10 =	sadd.s32 $0x10, s10;
	v0 =	vadd.s32 v0, v3  }
0x252: {  	s14 =	sand.u32 $0x7FFFFF80, s13;
	s15 =	sadd.s32 $0x100, s13;
	s12 =	sand.u32 $0x70, s13;
	v0 =	vadd.s32 v0, v4  }
0x253: {  	s15 =	sand.u32 $0x7FFFFF80, s15;
	s13 =	sadd.s32 $0x10, s13;
	s12 =	sor.u32 $0x4100, s12;
	v0 =	vadd.s32 v0, v5  }
0x254: {  	s13 =	sadd.s32 s15, s12;
	s17 =	sadd.s32 $0x200, s11;
	[tilespmem:s10+$0x0] =	vst v0  }
0x255: {  	s14 =	sadd.s32 s14, s12;
	s19 =	sadd.s32 $0x300, s11;
	v0 =	vld [tilespmem:s13+$0x0];
	s18 =	sand.u32 $0x7FFFFF80, s17  }
0x256: {  	s21 =	sadd.s32 $0x400, s11;
	v1 =	vld [tilespmem:s14+$0x0];
	s20 =	sand.u32 $0x7FFFFF80, s19;
	s13 =	sadd.s32 s18, s12  }
0x257: {  	s24 =	sadd.s32 $0x500, s11;
	s23 =	sand.u32 $0x7FFFFF80, s21;
	s22 =	sadd.s32 s20, s12;
	v2 =	vld [tilespmem:s13+$0x0]  }
0x258: {  	s28 =	sadd.s32 $0x600, s11;
	s26 =	sand.u32 $0x7FFFFF80, s24;
	s25 =	sadd.s32 s23, s12;
	v3 =	vld [tilespmem:s22+$0x0]  }
0x259: {  	s31 =	sadd.s32 $0x700, s11;
	s30 =	sand.u32 $0x7FFFFF80, s28;
	s29 =	sadd.s32 s26, s12;
	v4 =	vld [tilespmem:s25+$0x0]  }
0x25a: {  	s17 =	sand.u32 $0x7FFFFF80, s31;
	s16 =	sadd.s32 s30, s12;
	s18 =	sadd.s32 $0x800, s11;
	v5 =	vld [tilespmem:s29+$0x0]  }
0x25b: {  	s21 =	sadd.s32 $0x900, s11;
	s19 =	sadd.s32 s17, s12;
	v54 =	vld [tilespmem:s16+$0x0];
	s20 =	sand.u32 $0x7FFFFF80, s18;
	v0 =	vadd.s32 v1, v0  }
0x25c: {  	s24 =	sadd.s32 $0xA00, s11;
	s23 =	sand.u32 $0x7FFFFF80, s21;
	v55 =	vld [tilespmem:s19+$0x0];
	s22 =	sadd.s32 s20, s12;
	v0 =	vadd.s32 v0, v2  }
0x25d: {  	s28 =	sadd.s32 $0xB00, s11;
	s26 =	sand.u32 $0x7FFFFF80, s24;
	s25 =	sadd.s32 s23, s12;
	v56 =	vld [tilespmem:s22+$0x0];
	v0 =	vadd.s32 v0, v3  }
0x25e: {  	s31 =	sadd.s32 $0xC00, s11;
	s30 =	sand.u32 $0x7FFFFF80, s28;
	s29 =	sadd.s32 s26, s12;
	v57 =	vld [tilespmem:s25+$0x0];
	v0 =	vadd.s32 v0, v4  }
0x25f: {  	s17 =	sadd.s32 $0xD00, s11;
	s14 =	sadd.s32 s30, s12;
	s16 =	sand.u32 $0x7FFFFF80, s31;
	v58 =	vld [tilespmem:s29+$0x0];
	v0 =	vadd.s32 v0, v5  }
0x260: {  	s19 =	sand.u32 $0x7FFFFF80, s17;
	v59 =	vld [tilespmem:s14+$0x0];
	s18 =	sadd.s32 s16, s12;
	s20 =	sadd.s32 $0xE00, s11;
	v0 =	vadd.s32 v0, v54  }
0x261: {  	s23 =	sadd.s32 $0xF00, s11;
	s21 =	sadd.s32 s19, s12;
	v60 =	vld [tilespmem:s18+$0x0];
	s22 =	sand.u32 $0x7FFFFF80, s20;
	v0 =	vadd.s32 v0, v55  }
0x262: {  	s11 =	sand.u32 $0x7FFFFF80, s23;
	v61 =	vld [tilespmem:s21+$0x0];
	s24 =	sadd.s32 s22, s12;
	v0 =	vadd.s32 v0, v56  }
0x263: {  	s11 =	sadd.s32 s11, s12;
	v62 =	vld [tilespmem:s24+$0x0];
	v0 =	vadd.s32 v0, v57  }
0x264: {  	v63 =	vld [tilespmem:s11+$0x0];
	v0 =	vadd.s32 v0, v58  }
0x265: {  	v0 =	vadd.s32 v0, v59  }
0x266: {  	v0 =	vadd.s32 v0, v60  }
0x267: {  	v0 =	vadd.s32 v0, v61  }
0x268: {  	v0 =	vadd.s32 v0, v62  }
0x269: {  	s28 =	simm.s32 $0x400;
	s25 =	sadd.s32 $0x10, s10;
	v0 =	vadd.s32 v0, v63  }
0x26a: {  	s26 =	simm.s32 $0x80;
	s30 =	simm.s32 $0x2;
	s29 =	simm.s32 $0x2000;
	[tilespmem:s25+$0x0] =	vst v0  }
0x26b: {  	[spmem:s7] =	stream.strided.scatter [tilespmem:s29], [sflag:$0x2], $0x100, s28, s26, $0x38;
	[tilespmem:$0x1EA20] =	vst v63  }
0x26c: {  	_ =	swait.ge [sflag:s30], $0x100  }
0x26d: {  	[sflag:s30] =	ssyncset.done $0x0  }
0x26e: {  	[sflag:s30] =	ssyncadd.s32 $0xFFFFFF00  }
0x26f: {  	s31 =	simm.s32 $0x5200;
	[bflag:$0x0] =	sbarrier.arrive $0xFFFF  }
0x270: {  	[tilespmem:s31], [sflag:$0x2] =	stream.linear.gather [spmem:s6], $0x1000, $0x38;
	[tilespmem:$0x1EA20] =	vst v63  }
0x271: {  	_ =	swait.ge [sflag:s30], $0x1000  }
0x272: {  	[sflag:s30] =	ssyncset.done $0x0  }
0x273: {  	s13 =	simm.s32 $0x0;
	s10 =	simm.s32 $0x0;
	[sflag:s30] =	ssyncadd.s32 $0xFFFFF000  }
0x274: {  	s11 =	simm.s32 $0x0;
	s12 =	simm.s32 $0x0;
	[bflag:$0x0] =	sbarrier.arrive $0xFFFF  }
.LBB2_46:
0x275: {  	s14 =	sand.u32 $0x70, s11  }
0x276: {  	s15 =	sshll.u32 s11, $0x3;
	v0 =	vmov s14  }
0x277: {  	s30 =	sand.u32 $0xFFFFFC00, s15  }
0x278: {  	s31 =	sand.u32 $0xFFFFF800, s10;
	s14 =	sadd.s32 $0x5200, s30  }
0x279: {  	s17 =	sand.u32 $0x380, s10;
	s15 =	sadd.s32 s31, s14  }
0x27a: {  	s16 =	simm.s32 $0x1;
	s15 =	sadd.s32 s17, s15  }
0x27b: {  	v3 =	vimm.s32 $0x0;
	s18 =	simm.s32 $0x80;
	v2 =	vimm.s32 $0x0;
	s17 =	simm.s32 $0x100;
	v1 =	vld.idx.msk [tilespmem:v0+s15+$0x0 ss:$0x1], $0xffff;
	s15 =	simm.s32 $0x0  }
.LBB2_47:
0x27c: {  	s19 =	sand.u32 $0xFFFFF800, s17  }
0x27d: {  	p0 =	sne.s32 s16, $0xF;
	s20 =	smov.u32 s16;
	s16 =	sadd.s32 $0x1, s16  }
.Ltmp23:
0x27e: {  	s21 =	sand.u32 $0x380, s18;
	s19 =	sadd.s32 s19, s14;
	(pc) =	sbr.rel @p0 .LBB2_47-.Ltmp23, $4  }
0x27f: {  	p1 =	slt.u32 s15, s1;
	s15 =	smov.u32 s20;
	s19 =	sadd.s32 s21, s19  }
0x280: {  	v3 =	vadd.s32 v3, v1;
	v4 =	vpsel !p1, $0x0, v1;
	v1 =	vld.idx.msk [tilespmem:v0+s19+$0x0 ss:$0x1], $0xffff  }
0x281: {  	v2 =	vadd.s32 v2, v4  }
0x282: {  	s17 =	sadd.s32 $0x100, s17;
	s18 =	sadd.s32 $0x80, s18  }
0x283: {  	_ =	sdelay $0x1  }
0x284: {  	v0 =	vadd.s32 v3, v1  }
0x285: {  	(xrf0) =	vadd.scan.msk.s32 $0xffff, v0;
	_ =	sdelay $0x5  }
0x286: {  	v62, _, _ =	vpop (xrf0)  }
0x287: {  	v4 =	vxor.u32 $0x80000000, v62  }
0x288: {  	(xrf0) =	vmax.scan.msk.u32 $0xffff, v4;
	_ =	sdelay $0x5  }
0x289: {  	v4, _, _ =	vpop (xrf0)  }
0x28a: {  	(v2sf) =	vpush v4, $0xF;
	_ =	sdelay $0xa  }
0x28b: {  	p0 =	slt.u32 s15, s1;
	s12 =	sadd.s32 $0x1, s12  }
0x28c: {  	v63 =	vpsel !p0, $0x0, v1;
	p0 =	sne.s32 s12, $0x10  }
.Ltmp24:
0x28d: {  	_ = 	snop;
	(pc) =	sbr.rel @p0 .LBB2_46-.Ltmp24, $4  }
0x28e: {  	v1 =	vadd.s32 v2, v63;
	v0 =	vsub.s32 s13, v0  }
0x28f: {  	v0 =	vadd.s32 v1, v0;
	s14 =	spop (v2sf)  }
0x290: {  	v0 =	vadd.s32 v62, v0;
	s31 =	sadd.s32 s14, s13  }
0x291: {  	[tilespmem:s11+$0x5100] =	vst v0;
	s11 =	sadd.s32 $0x10, s11;
	s13 =	sadd.s32 $0x80000000, s31  }
0x292: {  	v0 =	vimm.s32 $0xEDCBA987  }
0x293: {  	v1 =	vimm.s32 $0x65432100;
	v0 =	vunpack.c.l.s4.s8 v0  }
0x294: {  	v1 =	vunpack.c.l.s4.s8 v1  }
0x295: {  	s10 =	simm.s32 $0x0;
	s11 =	simm.s32 $0x1000;
	v2 =	vunpack.c.0.s8.s32 v0  }
0x296: {  	s12 =	simm.s32 $0x2;
	s13 =	simm.s32 $0xFA0;
	s14 =	simm.s32 $0x1;
	v3 =	vlaneseq.u32;
	v1 =	vunpack.c.0.s8.s32 v1  }
0x297: {  	s15 =	simm.s32 $0x6200;
	s16 =	simm.s32 $0x5100;
	s17 =	simm.s32 $0x3100;
	v0 =	vor.u32 $0x80000000, v3;
	v2 =	vand.u32 $0xF, v2  }
0x298: {  	s18 =	simm.s32 $0x2100;
	s19 =	simm.s32 $0x0;
	s20 =	simm.s32 $0x0;
	v1 =	vcombine.low v1, v2;
	v2 =	vadd.s32 $0x1, v3;
	v3 =	vimm.s32 $0x1  }
.LBB2_50:
0x299: {  	s21 =	sadd.s32 s5, s19  }
0x29a: {  	s21 =	sshrl.u32 s21, $0x3  }
0x29b: {  	s21 =	sadd.s32 s4, s21  }
0x29c: {  	[tilespmem:s11], [sflag:$0x2] =	stream.linear.gather [hbm4b:s21+s10], $0xFA0, $0x38;
	[tilespmem:$0x1EA20] =	vst v63  }
0x29d: {  	_ =	swait.ge [sflag:s12], $0xFA0  }
0x29e: {  	[sflag:s12] =	ssyncset.done $0x0  }
0x29f: {  	[sflag:s12] =	ssyncadd.s32 $0xFFFFF060  }
0x2a0: {  	[tilespmem:s10], [sflag:$0x1] =	stream.indirect.gather [hbm4b:s3+s13], $0x1, s11, s13, $0xb8;
	[tilespmem:$0x1EA20] =	vst v63  }
0x2a1: {  	_ =	swait.ge [sflag:s14], $0xFA0  }
0x2a2: {  	[sflag:s14] =	ssyncset.done $0x0  }
0x2a3: {  	s23 =	simm.s32 $0x0;
	[sflag:s14] =	ssyncadd.s32 $0xFFFFF060  }
0x2a4: {  	v4 =	vld [tilespmem:s23+$0x0];
	_ =	sdelay $0x2  }
0x2a5: {  	v5 =	vld [tilespmem:s23+$0x1000];
	_ =	sdelay $0x1  }
0x2a6: {  	v4 =	vshrl.u32 v4, $0xC  }
0x2a7: {  	v4 =	vand.u32 $0xFF0, v4  }
0x2a8: {  	v4 =	vor.u32 v0, v4  }
0x2a9: {  	(xrf1) =	vsort.ascd.msk.u32 $0xffff, v4, v5;
	_ =	sdelay $0xd  }
0x2aa: {  	v4, v5, _ =	vpop (xrf1)  }
0x2ab: {  	v4 =	vshrl.u32 v4, $0x4  }
0x2ac: {  	v6 =	vxor.u32 $0x8000000, v4  }
0x2ad: {  	[tilespmem:$0x6200] =	vst v6  }
0x2ae: {  	v7 =	vld.idx.msk [tilespmem:v1+s15+$0x0], $0xffff;
	_ =	sdelay $0x3  }
0x2af: {  	v4 =	vand.u32 $0x7F, v4;
	v8 =	vand.u32 $0xFFFFF80, v6  }
0x2b0: {  	v4 =	vor.u32 v4, v8;
	vm0 =	veq.s32 v6, v7  }
0x2b1: {  	v6 =	vsel vm0, $0x80000000, v0  }
0x2b2: {  	(xrf0) =	vmax.scan.msk.u32 $0xffff, v6;
	_ =	sdelay $0x2  }
0x2b3: {  	v6 =	vld.idx.msk [tilespmem:v4+s16+$0x0], $0xffff;
	_ =	sdelay $0x2  }
0x2b4: {  	v7, _, _ =	vpop (xrf0)  }
0x2b5: {  	v7 =	vxor.u32 $0x7FFFFFFF, v7  }
0x2b6: {  	v6 =	vadd.s32 v7, v6  }
0x2b7: {  	[tilespmem:s23+$0x2100] =	vst v5;
	v5 =	vadd.s32 v2, v6  }
0x2b8: {  	s22 =	simm.s32 $0x80;
	s21 =	simm.s32 $0x40;
	[tilespmem:s23+$0x3100] =	vst v5  }
.LBB2_51:
0x2b9: {  	p0 =	sne.s32 s22, $0x3E40  }
0x2ba: {  	s23 =	sshra.s32 s21, $0x2;
	[tilespmem:v4+s16+$0x0] =	vst.idx.add.s32.msk $0xffff, v3;
	s21 =	smov.u32 s22;
	s22 =	sadd.s32 $0x40, s22  }
0x2bb: {  	v4 =	vld [tilespmem:s23+$0x0];
	_ =	sdelay $0x2  }
0x2bc: {  	v5 =	vld [tilespmem:s23+$0x1000];
	_ =	sdelay $0x1  }
0x2bd: {  	v4 =	vshrl.u32 v4, $0xC  }
0x2be: {  	v4 =	vand.u32 $0xFF0, v4  }
0x2bf: {  	v4 =	vor.u32 v0, v4  }
0x2c0: {  	(xrf1) =	vsort.ascd.msk.u32 $0xffff, v4, v5;
	_ =	sdelay $0xd  }
0x2c1: {  	v4, v5, _ =	vpop (xrf1)  }
0x2c2: {  	v4 =	vshrl.u32 v4, $0x4  }
0x2c3: {  	v6 =	vxor.u32 $0x8000000, v4  }
0x2c4: {  	[tilespmem:$0x6200] =	vst v6;
	v7 =	vand.u32 $0xFFFFF80, v6  }
0x2c5: {  	v8 =	vld.idx.msk [tilespmem:v1+s15+$0x0], $0xffff;
	_ =	sdelay $0x3  }
0x2c6: {  	v4 =	vand.u32 $0x7F, v4  }
0x2c7: {  	v4 =	vor.u32 v4, v7  }
0x2c8: {  	vm0 =	veq.s32 v6, v8  }
0x2c9: {  	v6 =	vsel vm0, $0x80000000, v0  }
0x2ca: {  	(xrf0) =	vmax.scan.msk.u32 $0xffff, v6;
	_ =	sdelay $0x1  }
0x2cb: {  	v6 =	vld.idx.msk [tilespmem:v4+s16+$0x0], $0xffff  }
0x2cc: {  	[tilespmem:s23+$0x2100] =	vst v5;
	_ =	sdelay $0x2  }
.Ltmp25:
0x2cd: {  	v5, _, _ =	vpop (xrf0);
	(pc) =	sbr.rel @p0 .LBB2_51-.Ltmp25, $4  }
0x2ce: {  	v5 =	vxor.u32 $0x7FFFFFFF, v5  }
0x2cf: {  	v5 =	vadd.s32 v5, v6  }
0x2d0: {  	v5 =	vadd.s32 v2, v5  }
0x2d1: {  	[tilespmem:s23+$0x3100] =	vst v5  }
0x2d2: {  	_ =	sdelay $0x3  }
0x2d3: {  	s21 =	sshra.s32 s21, $0x2;
	[tilespmem:v4+s16+$0x0] =	vst.idx.add.s32.msk $0xffff, v3  }
0x2d4: {  	v4 =	vld [tilespmem:s21+$0x0];
	_ =	sdelay $0x2  }
0x2d5: {  	v5 =	vld [tilespmem:s21+$0x1000];
	_ =	sdelay $0x1  }
0x2d6: {  	v4 =	vshrl.u32 v4, $0xC  }
0x2d7: {  	v4 =	vand.u32 $0xFF0, v4  }
0x2d8: {  	v4 =	vor.u32 v0, v4  }
0x2d9: {  	(xrf1) =	vsort.ascd.msk.u32 $0xffff, v4, v5;
	_ =	sdelay $0xd  }
0x2da: {  	v4, v5, _ =	vpop (xrf1)  }
0x2db: {  	v4 =	vshrl.u32 v4, $0x4  }
0x2dc: {  	v6 =	vxor.u32 $0x8000000, v4  }
0x2dd: {  	[tilespmem:$0x6200] =	vst v6  }
0x2de: {  	v7 =	vld.idx.msk [tilespmem:v1+s15+$0x0], $0xffff;
	_ =	sdelay $0x3  }
0x2df: {  	v4 =	vand.u32 $0x7F, v4;
	v8 =	vand.u32 $0xFFFFF80, v6  }
0x2e0: {  	v4 =	vor.u32 v4, v8;
	vm0 =	veq.s32 v6, v7  }
0x2e1: {  	v6 =	vsel vm0, $0x80000000, v0  }
0x2e2: {  	(xrf0) =	vmax.scan.msk.u32 $0xffff, v6;
	_ =	sdelay $0x2  }
0x2e3: {  	v62 =	vld.idx.msk [tilespmem:v4+s16+$0x0], $0xffff;
	_ =	sdelay $0x2  }
0x2e4: {  	v63, _, _ =	vpop (xrf0)  }
0x2e5: {  	v7 =	vxor.u32 $0x7FFFFFFF, v63  }
0x2e6: {  	v6 =	vadd.s32 v7, v62  }
0x2e7: {  	s20 =	sadd.s32 $0x1, s20;
	[tilespmem:s21+$0x2100] =	vst v5;
	v5 =	vadd.s32 v2, v6  }
0x2e8: {  	p0 =	sne.s32 s20, $0x19;
	[tilespmem:s21+$0x3100] =	vst v5  }
.Ltmp26:
0x2e9: {  	[tilespmem:v4+s16+$0x0] =	vst.idx.add.s32.msk $0xffff, v3;
	(pc) =	sbr.rel @p0 .LBB2_50-.Ltmp26, $4  }
0x2ea: {  	[spmem:s2] =	stream.indirect.scatter [tilespmem:s18], [sflag:$0x2], $0x1, s17, s13, $0xb8;
	[tilespmem:$0x1EA20] =	vst v63  }
0x2eb: {  	_ =	swait.ge [sflag:s12], $0xFA0  }
0x2ec: {  	[sflag:s12] =	ssyncset.done $0x0  }
0x2ed: {  	s19 =	sadd.s32 $0xFA0, s19;
	[sflag:s12] =	ssyncadd.s32 $0xFFFFF060  }
0x2ee: {  	[bflag:$0x0] =	sbarrier.arrive $0xFFFF  }
0x2ef: {  	s10 =	sadd.s32 s9, s2;
	s12 =	simm.s32 $0x1000;
	s11 =	simm.s32 $0x2  }
0x2f0: {  	[tilespmem:s12], [sflag:$0x2] =	stream.linear.gather [spmem:s10], $0xFA0, $0x38;
	[tilespmem:$0x1EA20] =	vst v63  }
0x2f1: {  	_ =	swait.ge [sflag:s11], $0xFA0  }
0x2f2: {  	[sflag:s11] =	ssyncset.done $0x0  }
0x2f3: {  	s13 =	simm.s32 $0x0;
	s14 =	sadd.s32 $0x0, s8;
	[sflag:s11] =	ssyncadd.s32 $0xFFFFF060  }
0x2f4: {  	[hbm4b:s14+s13] =	stream.linear.scatter [tilespmem:s12], [sflag:$0x2], $0xFA0, $0x38;
	[tilespmem:$0x1EA20] =	vst v63  }
0x2f5: {  	_ =	swait.ge [sflag:s11], $0xFA0  }
0x2f6: {  	s14 =	simm.s32 $0x1F4;
	[sflag:s11] =	ssyncset.done $0x0  }
.LBB2_54:
0x2f7: {  	p0 =	sne.s32 s14, $0x2EE0;
	[sflag:s11] =	ssyncadd.s32 $0xFFFFF060;
	s10 =	sadd.s32 $0xFA0, s10  }
0x2f8: {  	[tilespmem:s12], [sflag:$0x2] =	stream.linear.gather [spmem:s10], $0xFA0, $0x38;
	[tilespmem:$0x1EA20] =	vst v63  }
0x2f9: {  	s15 =	smov.u32 s14;
	s14 =	sadd.s32 $0x1F4, s14;
	_ =	swait.ge [sflag:s11], $0xFA0  }
.Ltmp27:
0x2fa: {  	[sflag:s11] =	ssyncset.done $0x0;
	(pc) =	sbr.rel @p0 .LBB2_54-.Ltmp27, $4  }
0x2fb: {  	s15 =	sadd.s32 s15, s8;
	[sflag:s11] =	ssyncadd.s32 $0xFFFFF060  }
0x2fc: {  	[hbm4b:s15+s13] =	stream.linear.scatter [tilespmem:s12], [sflag:$0x2], $0xFA0, $0x38;
	[tilespmem:$0x1EA20] =	vst v63  }
0x2fd: {  	_ =	swait.ge [sflag:s11], $0xFA0  }
0x2fe: {  	[sflag:s11] =	ssyncset.done $0x0  }
0x2ff: {  	[sflag:s11] =	ssyncadd.s32 $0xFFFFF060  }
0x300: {  	s10 =	simm.s32 $0x0;
	v0 =	vimm.s32 $0x0;
	s11 =	simm.s32 $0x0;
	[bflag:$0x0] =	sbarrier.arrive $0xFFFF  }
.LBB2_56:
0x301: {  	p0 =	sne.s32 s11, $0x3FC0  }
.Ltmp28:
0x302: {  	_ = 	snop;
	(pc) =	sbr.rel @p0 .LBB2_56-.Ltmp28, $3  }
0x303: {  	_ =	sdelay $0x1  }
0x304: {  	s12 =	sshra.s32 s11, $0x2  }
0x305: {  	s11 =	sadd.s32 $0x40, s11;
	[tilespmem:s12+$0x4100] =	vst v0  }
0x306: {  	s11 =	simm.s32 $0x1000;
	s12 =	simm.s32 $0x2;
	s13 =	simm.s32 $0xFA0;
	v0 =	vlaneseq.u32  }
0x307: {  	s14 =	simm.s32 $0x1;
	v1 =	vimm.s32 $0x1;
	s15 =	simm.s32 $0x4100;
	s16 =	simm.s32 $0x0;
	v0 =	vmul.u32 $0x100, v0  }
.LBB2_58:
0x308: {  	s17 =	sadd.s32 s5, s10  }
0x309: {  	s17 =	sshrl.u32 s17, $0x3  }
0x30a: {  	s18 =	simm.s32 $0x0;
	s17 =	sadd.s32 s4, s17  }
0x30b: {  	[tilespmem:s11], [sflag:$0x2] =	stream.linear.gather [hbm4b:s17+s18], $0xFA0, $0x38;
	[tilespmem:$0x1EA20] =	vst v63  }
0x30c: {  	_ =	swait.ge [sflag:s12], $0xFA0  }
0x30d: {  	[sflag:s12] =	ssyncset.done $0x0  }
0x30e: {  	[sflag:s12] =	ssyncadd.s32 $0xFFFFF060  }
0x30f: {  	[tilespmem:s18], [sflag:$0x1] =	stream.indirect.gather [hbm4b:s3+s13], $0x1, s11, s13, $0xb8;
	[tilespmem:$0x1EA20] =	vst v63  }
0x310: {  	_ =	swait.ge [sflag:s14], $0xFA0  }
0x311: {  	[sflag:s14] =	ssyncset.done $0x0  }
0x312: {  	s17 =	simm.s32 $0x40;
	s18 =	simm.s32 $0x0;
	[sflag:s14] =	ssyncadd.s32 $0xFFFFF060  }
.LBB2_59:
0x313: {  	p0 =	sne.s32 s17, $0x3E40;
	v2 =	vld [tilespmem:s18+$0x0];
	_ =	sdelay $0x4  }
0x314: {  	v2 =	vshrl.u32 v2, $0x18  }
0x315: {  	v3 =	vand.u32 $0x80, v2  }
0x316: {  	v2 =	vand.u32 $0x7F, v2;
	v3 =	vor.u32 v0, v3  }
0x317: {  	v2 =	vor.u32 v2, v3  }
.Ltmp29:
0x318: {  	(pc) =	sbr.rel @p0 .LBB2_59-.Ltmp29, $2  }
0x319: {  	_ =	sdelay $0x2  }
0x31a: {  	s18 =	sshra.s32 s17, $0x2;
	s17 =	sadd.s32 $0x40, s17;
	[tilespmem:v2+s15+$0x0] =	vst.idx.add.s32.msk $0xffff, v1  }
0x31b: {  	v2 =	vld [tilespmem:s18+$0x0];
	_ =	sdelay $0x4  }
0x31c: {  	v2 =	vshrl.u32 v2, $0x18  }
0x31d: {  	v3 =	vand.u32 $0x80, v2  }
0x31e: {  	s16 =	sadd.s32 $0x1, s16;
	v2 =	vand.u32 $0x7F, v2;
	v3 =	vor.u32 v0, v3  }
0x31f: {  	p0 =	sne.s32 s16, $0x19;
	v2 =	vor.u32 v2, v3  }
.Ltmp30:
0x320: {  	_ = 	snop;
	(pc) =	sbr.rel @p0 .LBB2_58-.Ltmp30, $2  }
0x321: {  	_ =	sdelay $0x2  }
0x322: {  	s10 =	sadd.s32 $0xFA0, s10;
	[tilespmem:v2+s15+$0x0] =	vst.idx.add.s32.msk $0xffff, v1  }
0x323: {  	s11 =	simm.s32 $0x0  }
0x324: {  	s12 =	simm.s32 $0x100;
	s10 =	sand.u32 $0x70, s11  }
0x325: {  	s12 =	sand.u32 $0x7FFFFF80, s12;
	s10 =	sor.u32 $0x4100, s10  }
0x326: {  	s13 =	simm.s32 $0x200;
	s11 =	sand.u32 $0x7FFFFF80, s11;
	s12 =	sadd.s32 s12, s10  }
0x327: {  	s28 =	simm.s32 $0x300;
	s26 =	sand.u32 $0x7FFFFF80, s13;
	s11 =	sadd.s32 s11, s10;
	v0 =	vld [tilespmem:s12+$0x0]  }
0x328: {  	s31 =	simm.s32 $0x400;
	s30 =	sand.u32 $0x7FFFFF80, s28;
	s29 =	sadd.s32 s26, s10;
	v1 =	vld [tilespmem:s11+$0x0]  }
0x329: {  	s15 =	simm.s32 $0x500;
	s14 =	sand.u32 $0x7FFFFF80, s31;
	v2 =	vld [tilespmem:s29+$0x0];
	s12 =	sadd.s32 s30, s10  }
0x32a: {  	s18 =	simm.s32 $0x600;
	s17 =	sand.u32 $0x7FFFFF80, s15;
	s16 =	sadd.s32 s14, s10;
	v3 =	vld [tilespmem:s12+$0x0]  }
0x32b: {  	s21 =	simm.s32 $0x700;
	s20 =	sand.u32 $0x7FFFFF80, s18;
	s19 =	sadd.s32 s17, s10;
	v4 =	vld [tilespmem:s16+$0x0]  }
0x32c: {  	s24 =	simm.s32 $0x800;
	s23 =	sand.u32 $0x7FFFFF80, s21;
	s22 =	sadd.s32 s20, s10;
	v5 =	vld [tilespmem:s19+$0x0]  }
0x32d: {  	s28 =	simm.s32 $0x900;
	s25 =	sadd.s32 s23, s10;
	s26 =	sand.u32 $0x7FFFFF80, s24;
	v0 =	vadd.s32 v1, v0;
	v1 =	vld [tilespmem:s22+$0x0]  }
0x32e: {  	s31 =	simm.s32 $0xA00;
	s29 =	sadd.s32 s26, s10;
	s30 =	sand.u32 $0x7FFFFF80, s28;
	v0 =	vadd.s32 v0, v2;
	v2 =	vld [tilespmem:s25+$0x0]  }
0x32f: {  	s13 =	sand.u32 $0x7FFFFF80, s31;
	s14 =	simm.s32 $0xB00;
	s12 =	sadd.s32 s30, s10;
	v0 =	vadd.s32 v0, v3;
	v3 =	vld [tilespmem:s29+$0x0]  }
0x330: {  	s15 =	sadd.s32 s13, s10;
	s17 =	simm.s32 $0xC00;
	s16 =	sand.u32 $0x7FFFFF80, s14;
	v60 =	vld [tilespmem:s12+$0x0];
	v0 =	vadd.s32 v0, v4  }
0x331: {  	s20 =	simm.s32 $0xD00;
	v61 =	vld [tilespmem:s15+$0x0];
	s19 =	sand.u32 $0x7FFFFF80, s17;
	s18 =	sadd.s32 s16, s10;
	v0 =	vadd.s32 v0, v5  }
0x332: {  	s23 =	simm.s32 $0xE00;
	s21 =	sadd.s32 s19, s10;
	s22 =	sand.u32 $0x7FFFFF80, s20;
	v0 =	vadd.s32 v0, v1;
	v1 =	vld [tilespmem:s18+$0x0]  }
0x333: {  	s26 =	simm.s32 $0xF00;
	s24 =	sadd.s32 s22, s10;
	s25 =	sand.u32 $0x7FFFFF80, s23;
	v0 =	vadd.s32 v0, v2;
	v2 =	vld [tilespmem:s21+$0x0]  }
0x334: {  	s28 =	sadd.s32 s25, s10;
	s29 =	sand.u32 $0x7FFFFF80, s26;
	v0 =	vadd.s32 v0, v3;
	v3 =	vld [tilespmem:s24+$0x0]  }
0x335: {  	v62 =	vld [tilespmem:s28+$0x0];
	s10 =	sadd.s32 s29, s10;
	v0 =	vadd.s32 v0, v60  }
0x336: {  	v63 =	vld [tilespmem:s10+$0x0];
	v0 =	vadd.s32 v0, v61  }
0x337: {  	v0 =	vadd.s32 v0, v1  }
0x338: {  	v0 =	vadd.s32 v0, v2  }
0x339: {  	s31 =	simm.s32 $0x110;
	s11 =	simm.s32 $0x10;
	v0 =	vadd.s32 v0, v3  }
0x33a: {  	s13 =	simm.s32 $0x20;
	s15 =	sand.u32 $0x7FFFFF80, s31;
	s30 =	sand.u32 $0x70, s11;
	v0 =	vadd.s32 v0, v62  }
0x33b: {  	s14 =	sand.u32 $0x7FFFFF80, s11;
	s12 =	sor.u32 $0x4100, s30;
	s10 =	simm.s32 $0x2000;
	v0 =	vadd.s32 v0, v63  }
.LBB2_62:
0x33c: {  	p0 =	sne.s32 s13, $0xF0;
	s15 =	sadd.s32 s15, s12;
	s16 =	sadd.s32 $0x200, s11;
	[tilespmem:s10+$0x0] =	vst v0  }
0x33d: {  	s14 =	sadd.s32 s14, s12;
	v0 =	vld [tilespmem:s15+$0x0];
	s15 =	sand.u32 $0x7FFFFF80, s16;
	s16 =	sadd.s32 $0x300, s11  }
0x33e: {  	v1 =	vld [tilespmem:s14+$0x0];
	s14 =	sadd.s32 s15, s12;
	s15 =	sand.u32 $0x7FFFFF80, s16;
	s16 =	sadd.s32 $0x400, s11  }
0x33f: {  	v2 =	vld [tilespmem:s14+$0x0];
	s14 =	sadd.s32 s15, s12;
	s15 =	sand.u32 $0x7FFFFF80, s16;
	s16 =	sadd.s32 $0x500, s11  }
0x340: {  	v3 =	vld [tilespmem:s14+$0x0];
	s14 =	sadd.s32 s15, s12;
	s15 =	sand.u32 $0x7FFFFF80, s16;
	s16 =	sadd.s32 $0x600, s11  }
0x341: {  	v4 =	vld [tilespmem:s14+$0x0];
	s14 =	sadd.s32 s15, s12;
	s15 =	sand.u32 $0x7FFFFF80, s16;
	s16 =	sadd.s32 $0x700, s11  }
0x342: {  	v5 =	vld [tilespmem:s14+$0x0];
	s14 =	sadd.s32 s15, s12;
	s15 =	sand.u32 $0x7FFFFF80, s16;
	s16 =	sadd.s32 $0x800, s11  }
0x343: {  	v0 =	vadd.s32 v1, v0;
	v1 =	vld [tilespmem:s14+$0x0];
	s14 =	sadd.s32 s15, s12;
	s15 =	sand.u32 $0x7FFFFF80, s16;
	s16 =	sadd.s32 $0x900, s11  }
0x344: {  	v0 =	vadd.s32 v0, v2;
	v2 =	vld [tilespmem:s14+$0x0];
	s14 =	sadd.s32 s15, s12;
	s15 =	sand.u32 $0x7FFFFF80, s16;
	s16 =	sadd.s32 $0xA00, s11  }
0x345: {  	v0 =	vadd.s32 v0, v3;
	v3 =	vld [tilespmem:s14+$0x0];
	s14 =	sadd.s32 s15, s12;
	s15 =	sand.u32 $0x7FFFFF80, s16;
	s16 =	sadd.s32 $0xB00, s11  }
0x346: {  	v0 =	vadd.s32 v0, v4;
	v4 =	vld [tilespmem:s14+$0x0];
	s14 =	sadd.s32 s15, s12;
	s15 =	sand.u32 $0x7FFFFF80, s16;
	s16 =	sadd.s32 $0xC00, s11  }
0x347: {  	v0 =	vadd.s32 v0, v5;
	v5 =	vld [tilespmem:s14+$0x0];
	s14 =	sadd.s32 s15, s12;
	s15 =	sand.u32 $0x7FFFFF80, s16;
	s16 =	sadd.s32 $0xD00, s11  }
0x348: {  	v0 =	vadd.s32 v0, v1;
	v1 =	vld [tilespmem:s14+$0x0];
	s14 =	sadd.s32 s15, s12;
	s15 =	sand.u32 $0x7FFFFF80, s16;
	s16 =	sadd.s32 $0xE00, s11  }
0x349: {  	s11 =	sadd.s32 $0xF00, s11;
	v0 =	vadd.s32 v0, v2;
	v2 =	vld [tilespmem:s14+$0x0];
	s14 =	sadd.s32 s15, s12;
	s15 =	sand.u32 $0x7FFFFF80, s16  }
0x34a: {  	v0 =	vadd.s32 v0, v3;
	v3 =	vld [tilespmem:s14+$0x0];
	s14 =	sadd.s32 s15, s12;
	s15 =	sand.u32 $0x7FFFFF80, s11;
	s11 =	smov.u32 s13  }
0x34b: {  	v0 =	vadd.s32 v0, v4;
	v4 =	vld [tilespmem:s14+$0x0];
	s12 =	sadd.s32 s15, s12  }
0x34c: {  	v0 =	vadd.s32 v0, v5;
	v5 =	vld [tilespmem:s12+$0x0]  }
.Ltmp31:
0x34d: {  	v0 =	vadd.s32 v0, v1;
	(pc) =	sbr.rel @p0 .LBB2_62-.Ltmp31, $4  }
0x34e: {  	v0 =	vadd.s32 v0, v2  }
0x34f: {  	s10 =	sadd.s32 $0x10, s10;
	v0 =	vadd.s32 v0, v3  }
0x350: {  	s14 =	sand.u32 $0x7FFFFF80, s13;
	s15 =	sadd.s32 $0x100, s13;
	s12 =	sand.u32 $0x70, s13;
	v0 =	vadd.s32 v0, v4  }
0x351: {  	s15 =	sand.u32 $0x7FFFFF80, s15;
	s13 =	sadd.s32 $0x10, s13;
	s12 =	sor.u32 $0x4100, s12;
	v0 =	vadd.s32 v0, v5  }
0x352: {  	s13 =	sadd.s32 s15, s12;
	s17 =	sadd.s32 $0x200, s11;
	[tilespmem:s10+$0x0] =	vst v0  }
0x353: {  	s14 =	sadd.s32 s14, s12;
	s19 =	sadd.s32 $0x300, s11;
	v0 =	vld [tilespmem:s13+$0x0];
	s18 =	sand.u32 $0x7FFFFF80, s17  }
0x354: {  	s21 =	sadd.s32 $0x400, s11;
	v1 =	vld [tilespmem:s14+$0x0];
	s20 =	sand.u32 $0x7FFFFF80, s19;
	s13 =	sadd.s32 s18, s12  }
0x355: {  	s24 =	sadd.s32 $0x500, s11;
	s23 =	sand.u32 $0x7FFFFF80, s21;
	s22 =	sadd.s32 s20, s12;
	v2 =	vld [tilespmem:s13+$0x0]  }
0x356: {  	s28 =	sadd.s32 $0x600, s11;
	s26 =	sand.u32 $0x7FFFFF80, s24;
	s25 =	sadd.s32 s23, s12;
	v3 =	vld [tilespmem:s22+$0x0]  }
0x357: {  	s31 =	sadd.s32 $0x700, s11;
	s30 =	sand.u32 $0x7FFFFF80, s28;
	s29 =	sadd.s32 s26, s12;
	v4 =	vld [tilespmem:s25+$0x0]  }
0x358: {  	s17 =	sand.u32 $0x7FFFFF80, s31;
	s16 =	sadd.s32 s30, s12;
	s18 =	sadd.s32 $0x800, s11;
	v5 =	vld [tilespmem:s29+$0x0]  }
0x359: {  	s21 =	sadd.s32 $0x900, s11;
	s19 =	sadd.s32 s17, s12;
	v54 =	vld [tilespmem:s16+$0x0];
	s20 =	sand.u32 $0x7FFFFF80, s18;
	v0 =	vadd.s32 v1, v0  }
0x35a: {  	s24 =	sadd.s32 $0xA00, s11;
	s23 =	sand.u32 $0x7FFFFF80, s21;
	v55 =	vld [tilespmem:s19+$0x0];
	s22 =	sadd.s32 s20, s12;
	v0 =	vadd.s32 v0, v2  }
0x35b: {  	s28 =	sadd.s32 $0xB00, s11;
	s26 =	sand.u32 $0x7FFFFF80, s24;
	s25 =	sadd.s32 s23, s12;
	v56 =	vld [tilespmem:s22+$0x0];
	v0 =	vadd.s32 v0, v3  }
0x35c: {  	s31 =	sadd.s32 $0xC00, s11;
	s30 =	sand.u32 $0x7FFFFF80, s28;
	s29 =	sadd.s32 s26, s12;
	v57 =	vld [tilespmem:s25+$0x0];
	v0 =	vadd.s32 v0, v4  }
0x35d: {  	s17 =	sadd.s32 $0xD00, s11;
	s14 =	sadd.s32 s30, s12;
	s16 =	sand.u32 $0x7FFFFF80, s31;
	v58 =	vld [tilespmem:s29+$0x0];
	v0 =	vadd.s32 v0, v5  }
0x35e: {  	s19 =	sand.u32 $0x7FFFFF80, s17;
	v59 =	vld [tilespmem:s14+$0x0];
	s18 =	sadd.s32 s16, s12;
	s20 =	sadd.s32 $0xE00, s11;
	v0 =	vadd.s32 v0, v54  }
0x35f: {  	s23 =	sadd.s32 $0xF00, s11;
	s21 =	sadd.s32 s19, s12;
	v60 =	vld [tilespmem:s18+$0x0];
	s22 =	sand.u32 $0x7FFFFF80, s20;
	v0 =	vadd.s32 v0, v55  }
0x360: {  	s11 =	sand.u32 $0x7FFFFF80, s23;
	v61 =	vld [tilespmem:s21+$0x0];
	s24 =	sadd.s32 s22, s12;
	v0 =	vadd.s32 v0, v56  }
0x361: {  	s11 =	sadd.s32 s11, s12;
	v62 =	vld [tilespmem:s24+$0x0];
	v0 =	vadd.s32 v0, v57  }
0x362: {  	v63 =	vld [tilespmem:s11+$0x0];
	v0 =	vadd.s32 v0, v58  }
0x363: {  	v0 =	vadd.s32 v0, v59  }
0x364: {  	v0 =	vadd.s32 v0, v60  }
0x365: {  	v0 =	vadd.s32 v0, v61  }
0x366: {  	v0 =	vadd.s32 v0, v62  }
0x367: {  	s28 =	simm.s32 $0x400;
	s25 =	sadd.s32 $0x10, s10;
	v0 =	vadd.s32 v0, v63  }
0x368: {  	s26 =	simm.s32 $0x80;
	s30 =	simm.s32 $0x2;
	s29 =	simm.s32 $0x2000;
	[tilespmem:s25+$0x0] =	vst v0  }
0x369: {  	[spmem:s7] =	stream.strided.scatter [tilespmem:s29], [sflag:$0x2], $0x100, s28, s26, $0x38;
	[tilespmem:$0x1EA20] =	vst v63  }
0x36a: {  	_ =	swait.ge [sflag:s30], $0x100  }
0x36b: {  	[sflag:s30] =	ssyncset.done $0x0  }
0x36c: {  	[sflag:s30] =	ssyncadd.s32 $0xFFFFFF00  }
0x36d: {  	s31 =	simm.s32 $0x5200;
	[bflag:$0x0] =	sbarrier.arrive $0xFFFF  }
0x36e: {  	[tilespmem:s31], [sflag:$0x2] =	stream.linear.gather [spmem:s6], $0x1000, $0x38;
	[tilespmem:$0x1EA20] =	vst v63  }
0x36f: {  	_ =	swait.ge [sflag:s30], $0x1000  }
0x370: {  	[sflag:s30] =	ssyncset.done $0x0  }
0x371: {  	s10 =	simm.s32 $0x0;
	s11 =	simm.s32 $0x0;
	[sflag:s30] =	ssyncadd.s32 $0xFFFFF000  }
0x372: {  	s7 =	simm.s32 $0x0;
	s6 =	simm.s32 $0x0;
	[bflag:$0x0] =	sbarrier.arrive $0xFFFF  }
.LBB2_64:
0x373: {  	s12 =	sand.u32 $0x70, s7  }
0x374: {  	s13 =	sshll.u32 s7, $0x3;
	v0 =	vmov s12  }
0x375: {  	s30 =	sand.u32 $0xFFFFFC00, s13  }
0x376: {  	s31 =	sand.u32 $0xFFFFF800, s6;
	s12 =	sadd.s32 $0x5200, s30  }
0x377: {  	s15 =	sand.u32 $0x380, s6;
	s13 =	sadd.s32 s31, s12  }
0x378: {  	s14 =	simm.s32 $0x1;
	s13 =	sadd.s32 s15, s13  }
0x379: {  	v3 =	vimm.s32 $0x0;
	s16 =	simm.s32 $0x80;
	v2 =	vimm.s32 $0x0;
	s15 =	simm.s32 $0x100;
	v1 =	vld.idx.msk [tilespmem:v0+s13+$0x0 ss:$0x1], $0xffff;
	s13 =	simm.s32 $0x0  }
.LBB2_65:
0x37a: {  	s17 =	sand.u32 $0xFFFFF800, s15  }
0x37b: {  	p0 =	sne.s32 s14, $0xF;
	s18 =	smov.u32 s14;
	s14 =	sadd.s32 $0x1, s14  }
.Ltmp32:
0x37c: {  	s19 =	sand.u32 $0x380, s16;
	s17 =	sadd.s32 s17, s12;
	(pc) =	sbr.rel @p0 .LBB2_65-.Ltmp32, $4  }
0x37d: {  	p1 =	slt.u32 s13, s1;
	s13 =	smov.u32 s18;
	s17 =	sadd.s32 s19, s17  }
0x37e: {  	v3 =	vadd.s32 v3, v1;
	v4 =	vpsel !p1, $0x0, v1;
	v1 =	vld.idx.msk [tilespmem:v0+s17+$0x0 ss:$0x1], $0xffff  }
0x37f: {  	v2 =	vadd.s32 v2, v4  }
0x380: {  	s15 =	sadd.s32 $0x100, s15;
	s16 =	sadd.s32 $0x80, s16  }
0x381: {  	_ =	sdelay $0x1  }
0x382: {  	v0 =	vadd.s32 v3, v1  }
0x383: {  	(xrf0) =	vadd.scan.msk.s32 $0xffff, v0;
	_ =	sdelay $0x5  }
0x384: {  	v62, _, _ =	vpop (xrf0)  }
0x385: {  	v4 =	vxor.u32 $0x80000000, v62  }
0x386: {  	(xrf0) =	vmax.scan.msk.u32 $0xffff, v4;
	_ =	sdelay $0x5  }
0x387: {  	v4, _, _ =	vpop (xrf0)  }
0x388: {  	(v2sf) =	vpush v4, $0xF;
	_ =	sdelay $0xa  }
0x389: {  	p0 =	slt.u32 s13, s1;
	s10 =	sadd.s32 $0x1, s10  }
0x38a: {  	v63 =	vpsel !p0, $0x0, v1;
	p0 =	sne.s32 s10, $0x10  }
.Ltmp33:
0x38b: {  	_ = 	snop;
	(pc) =	sbr.rel @p0 .LBB2_64-.Ltmp33, $4  }
0x38c: {  	v1 =	vadd.s32 v2, v63;
	v0 =	vsub.s32 s11, v0  }
0x38d: {  	v0 =	vadd.s32 v1, v0;
	s12 =	spop (v2sf)  }
0x38e: {  	v0 =	vadd.s32 v62, v0;
	s31 =	sadd.s32 s12, s11  }
0x38f: {  	[tilespmem:s7+$0x5100] =	vst v0;
	s7 =	sadd.s32 $0x10, s7;
	s11 =	sadd.s32 $0x80000000, s31  }
0x390: {  	v0 =	vimm.s32 $0xEDCBA987  }
0x391: {  	v1 =	vimm.s32 $0x65432100;
	v0 =	vunpack.c.l.s4.s8 v0  }
0x392: {  	v1 =	vunpack.c.l.s4.s8 v1  }
0x393: {  	s6 =	simm.s32 $0x0;
	s7 =	simm.s32 $0x1000;
	v2 =	vunpack.c.0.s8.s32 v0  }
0x394: {  	s10 =	simm.s32 $0x2;
	s11 =	simm.s32 $0xFA0;
	s12 =	simm.s32 $0x1;
	v3 =	vlaneseq.u32;
	v1 =	vunpack.c.0.s8.s32 v1  }
0x395: {  	s13 =	simm.s32 $0x6200;
	s14 =	simm.s32 $0x5100;
	s15 =	simm.s32 $0x3100;
	v0 =	vor.u32 $0x80000000, v3;
	v2 =	vand.u32 $0xF, v2  }
0x396: {  	s16 =	simm.s32 $0x2100;
	s17 =	simm.s32 $0x0;
	s18 =	simm.s32 $0x0;
	v1 =	vcombine.low v1, v2;
	v2 =	vadd.s32 $0x1, v3;
	v3 =	vimm.s32 $0x1  }
.LBB2_68:
0x397: {  	s19 =	sadd.s32 s5, s17  }
0x398: {  	s19 =	sshrl.u32 s19, $0x3  }
0x399: {  	s19 =	sadd.s32 s4, s19  }
0x39a: {  	[tilespmem:s7], [sflag:$0x2] =	stream.linear.gather [hbm4b:s19+s6], $0xFA0, $0x38;
	[tilespmem:$0x1EA20] =	vst v63  }
0x39b: {  	_ =	swait.ge [sflag:s10], $0xFA0  }
0x39c: {  	[sflag:s10] =	ssyncset.done $0x0  }
0x39d: {  	[sflag:s10] =	ssyncadd.s32 $0xFFFFF060  }
0x39e: {  	[tilespmem:s6], [sflag:$0x1] =	stream.indirect.gather [hbm4b:s3+s11], $0x1, s7, s11, $0xb8;
	[tilespmem:$0x1EA20] =	vst v63  }
0x39f: {  	_ =	swait.ge [sflag:s12], $0xFA0  }
0x3a0: {  	[sflag:s12] =	ssyncset.done $0x0  }
0x3a1: {  	s21 =	simm.s32 $0x0;
	[sflag:s12] =	ssyncadd.s32 $0xFFFFF060  }
0x3a2: {  	v4 =	vld [tilespmem:s21+$0x0];
	_ =	sdelay $0x2  }
0x3a3: {  	v5 =	vld [tilespmem:s21+$0x1000];
	_ =	sdelay $0x1  }
0x3a4: {  	v4 =	vshrl.u32 v4, $0x14  }
0x3a5: {  	v4 =	vand.u32 $0xFF0, v4  }
0x3a6: {  	v4 =	vor.u32 v0, v4  }
0x3a7: {  	(xrf1) =	vsort.ascd.msk.u32 $0xffff, v4, v5;
	_ =	sdelay $0xd  }
0x3a8: {  	v4, v5, _ =	vpop (xrf1)  }
0x3a9: {  	v4 =	vshrl.u32 v4, $0x4  }
0x3aa: {  	v6 =	vxor.u32 $0x8000000, v4  }
0x3ab: {  	[tilespmem:$0x6200] =	vst v6  }
0x3ac: {  	v7 =	vld.idx.msk [tilespmem:v1+s13+$0x0], $0xffff;
	_ =	sdelay $0x3  }
0x3ad: {  	v4 =	vand.u32 $0x7F, v4;
	v8 =	vand.u32 $0xFFFFF80, v6  }
0x3ae: {  	v4 =	vor.u32 v4, v8;
	vm0 =	veq.s32 v6, v7  }
0x3af: {  	v6 =	vsel vm0, $0x80000000, v0  }
0x3b0: {  	(xrf0) =	vmax.scan.msk.u32 $0xffff, v6;
	_ =	sdelay $0x2  }
0x3b1: {  	v6 =	vld.idx.msk [tilespmem:v4+s14+$0x0], $0xffff;
	_ =	sdelay $0x2  }
0x3b2: {  	v7, _, _ =	vpop (xrf0)  }
0x3b3: {  	v7 =	vxor.u32 $0x7FFFFFFF, v7  }
0x3b4: {  	v6 =	vadd.s32 v7, v6  }
0x3b5: {  	[tilespmem:s21+$0x2100] =	vst v5;
	v5 =	vadd.s32 v2, v6  }
0x3b6: {  	s20 =	simm.s32 $0x80;
	s19 =	simm.s32 $0x40;
	[tilespmem:s21+$0x3100] =	vst v5  }
.LBB2_69:
0x3b7: {  	p0 =	sne.s32 s20, $0x3E40  }
0x3b8: {  	s21 =	sshra.s32 s19, $0x2;
	[tilespmem:v4+s14+$0x0] =	vst.idx.add.s32.msk $0xffff, v3;
	s19 =	smov.u32 s20;
	s20 =	sadd.s32 $0x40, s20  }
0x3b9: {  	v4 =	vld [tilespmem:s21+$0x0];
	_ =	sdelay $0x2  }
0x3ba: {  	v5 =	vld [tilespmem:s21+$0x1000];
	_ =	sdelay $0x1  }
0x3bb: {  	v4 =	vshrl.u32 v4, $0x14  }
0x3bc: {  	v4 =	vand.u32 $0xFF0, v4  }
0x3bd: {  	v4 =	vor.u32 v0, v4  }
0x3be: {  	(xrf1) =	vsort.ascd.msk.u32 $0xffff, v4, v5;
	_ =	sdelay $0xd  }
0x3bf: {  	v4, v5, _ =	vpop (xrf1)  }
0x3c0: {  	v4 =	vshrl.u32 v4, $0x4  }
0x3c1: {  	v6 =	vxor.u32 $0x8000000, v4  }
0x3c2: {  	[tilespmem:$0x6200] =	vst v6;
	v7 =	vand.u32 $0xFFFFF80, v6  }
0x3c3: {  	v8 =	vld.idx.msk [tilespmem:v1+s13+$0x0], $0xffff;
	_ =	sdelay $0x3  }
0x3c4: {  	v4 =	vand.u32 $0x7F, v4  }
0x3c5: {  	v4 =	vor.u32 v4, v7  }
0x3c6: {  	vm0 =	veq.s32 v6, v8  }
0x3c7: {  	v6 =	vsel vm0, $0x80000000, v0  }
0x3c8: {  	(xrf0) =	vmax.scan.msk.u32 $0xffff, v6;
	_ =	sdelay $0x1  }
0x3c9: {  	v6 =	vld.idx.msk [tilespmem:v4+s14+$0x0], $0xffff  }
0x3ca: {  	[tilespmem:s21+$0x2100] =	vst v5;
	_ =	sdelay $0x2  }
.Ltmp34:
0x3cb: {  	v5, _, _ =	vpop (xrf0);
	(pc) =	sbr.rel @p0 .LBB2_69-.Ltmp34, $4  }
0x3cc: {  	v5 =	vxor.u32 $0x7FFFFFFF, v5  }
0x3cd: {  	v5 =	vadd.s32 v5, v6  }
0x3ce: {  	v5 =	vadd.s32 v2, v5  }
0x3cf: {  	[tilespmem:s21+$0x3100] =	vst v5  }
0x3d0: {  	_ =	sdelay $0x3  }
0x3d1: {  	s19 =	sshra.s32 s19, $0x2;
	[tilespmem:v4+s14+$0x0] =	vst.idx.add.s32.msk $0xffff, v3  }
0x3d2: {  	v4 =	vld [tilespmem:s19+$0x0];
	_ =	sdelay $0x2  }
0x3d3: {  	v5 =	vld [tilespmem:s19+$0x1000];
	_ =	sdelay $0x1  }
0x3d4: {  	v4 =	vshrl.u32 v4, $0x14  }
0x3d5: {  	v4 =	vand.u32 $0xFF0, v4  }
0x3d6: {  	v4 =	vor.u32 v0, v4  }
0x3d7: {  	(xrf1) =	vsort.ascd.msk.u32 $0xffff, v4, v5;
	_ =	sdelay $0xd  }
0x3d8: {  	v4, v5, _ =	vpop (xrf1)  }
0x3d9: {  	v4 =	vshrl.u32 v4, $0x4  }
0x3da: {  	v6 =	vxor.u32 $0x8000000, v4  }
0x3db: {  	[tilespmem:$0x6200] =	vst v6  }
0x3dc: {  	v7 =	vld.idx.msk [tilespmem:v1+s13+$0x0], $0xffff;
	_ =	sdelay $0x3  }
0x3dd: {  	v4 =	vand.u32 $0x7F, v4;
	v8 =	vand.u32 $0xFFFFF80, v6  }
0x3de: {  	v4 =	vor.u32 v4, v8;
	vm0 =	veq.s32 v6, v7  }
0x3df: {  	v6 =	vsel vm0, $0x80000000, v0  }
0x3e0: {  	(xrf0) =	vmax.scan.msk.u32 $0xffff, v6;
	_ =	sdelay $0x2  }
0x3e1: {  	v62 =	vld.idx.msk [tilespmem:v4+s14+$0x0], $0xffff;
	_ =	sdelay $0x2  }
0x3e2: {  	v63, _, _ =	vpop (xrf0)  }
0x3e3: {  	v7 =	vxor.u32 $0x7FFFFFFF, v63  }
0x3e4: {  	v6 =	vadd.s32 v7, v62  }
0x3e5: {  	s18 =	sadd.s32 $0x1, s18;
	[tilespmem:s19+$0x2100] =	vst v5;
	v5 =	vadd.s32 v2, v6  }
0x3e6: {  	p0 =	sne.s32 s18, $0x19;
	[tilespmem:s19+$0x3100] =	vst v5  }
.Ltmp35:
0x3e7: {  	[tilespmem:v4+s14+$0x0] =	vst.idx.add.s32.msk $0xffff, v3;
	(pc) =	sbr.rel @p0 .LBB2_68-.Ltmp35, $4  }
0x3e8: {  	[spmem:s2] =	stream.indirect.scatter [tilespmem:s16], [sflag:$0x2], $0x1, s15, s11, $0xb8;
	[tilespmem:$0x1EA20] =	vst v63  }
0x3e9: {  	_ =	swait.ge [sflag:s10], $0xFA0  }
0x3ea: {  	[sflag:s10] =	ssyncset.done $0x0  }
0x3eb: {  	s17 =	sadd.s32 $0xFA0, s17;
	[sflag:s10] =	ssyncadd.s32 $0xFFFFF060  }
0x3ec: {  	[bflag:$0x0] =	sbarrier.arrive $0xFFFF  }
0x3ed: {  	s2 =	sadd.s32 s9, s2;
	s4 =	simm.s32 $0x1000;
	s3 =	simm.s32 $0x2  }
0x3ee: {  	[tilespmem:s4], [sflag:$0x2] =	stream.linear.gather [spmem:s2], $0xFA0, $0x38;
	[tilespmem:$0x1EA20] =	vst v63  }
0x3ef: {  	_ =	swait.ge [sflag:s3], $0xFA0  }
0x3f0: {  	[sflag:s3] =	ssyncset.done $0x0  }
0x3f1: {  	s5 =	simm.s32 $0x0;
	s6 =	sadd.s32 $0x0, s8;
	[sflag:s3] =	ssyncadd.s32 $0xFFFFF060  }
0x3f2: {  	[hbm4b:s6+s5] =	stream.linear.scatter [tilespmem:s4], [sflag:$0x2], $0xFA0, $0x38;
	[tilespmem:$0x1EA20] =	vst v63  }
0x3f3: {  	_ =	swait.ge [sflag:s3], $0xFA0  }
0x3f4: {  	s6 =	simm.s32 $0x1F4;
	[sflag:s3] =	ssyncset.done $0x0  }
.LBB2_72:
0x3f5: {  	p0 =	sne.s32 s6, $0x2EE0;
	[sflag:s3] =	ssyncadd.s32 $0xFFFFF060;
	s2 =	sadd.s32 $0xFA0, s2  }
0x3f6: {  	[tilespmem:s4], [sflag:$0x2] =	stream.linear.gather [spmem:s2], $0xFA0, $0x38;
	[tilespmem:$0x1EA20] =	vst v63  }
0x3f7: {  	s7 =	smov.u32 s6;
	s6 =	sadd.s32 $0x1F4, s6;
	_ =	swait.ge [sflag:s3], $0xFA0  }
.Ltmp36:
0x3f8: {  	[sflag:s3] =	ssyncset.done $0x0;
	(pc) =	sbr.rel @p0 .LBB2_72-.Ltmp36, $4  }
0x3f9: {  	s7 =	sadd.s32 s7, s8;
	[sflag:s3] =	ssyncadd.s32 $0xFFFFF060  }
0x3fa: {  	[hbm4b:s7+s5] =	stream.linear.scatter [tilespmem:s4], [sflag:$0x2], $0xFA0, $0x38;
	[tilespmem:$0x1EA20] =	vst v63  }
0x3fb: {  	_ =	swait.ge [sflag:s3], $0xFA0  }
0x3fc: {  	[sflag:s3] =	ssyncset.done $0x0  }
0x3fd: {  	[sflag:s3] =	ssyncadd.s32 $0xFFFFF060  }
0x3fe: {  	[bflag:$0x0] =	sbarrier.arrive $0xFFFF  }
.LBB2_74:
0x3ff: {  	_ =	sfence.sel $0x180000  }
0x400: {  	[bflag:$0x0] =	sbarrier.arrive $0xFFFF  }
0x401: {  	p0 =	sne.s32 s1, $0x0;
	_ =	strace $0x9000004D  }
0x402: {  	s0 =	sadd.s32 @!p0 $0x100000, s0;
	[bflag:$0x2] =	sbarrier.arrive $0xFFFF  }
0x403: {  	[sflag:s0] =	ssyncadd.tile.s32 @!p0 $0x1;
	_ =	shalt  }
.Lfunc_end2:
_tile_overlayer_lowered:
.L_overlay_start_2:
0x404: {  	(tag) =	ssettag $0x2  }
0x405: {  	s0 =	rddreg [dreg:$0x0];
	s2 =	stileid.u32  }
0x406: {  	s1 =	rddreg [dreg:$0x1];
	p0 =	sne.s32 s2, $0x0  }
0x407: {  	s3 =	rddreg [dreg:$0x2];
	[bflag:$0x3] =	sbarrier.arrive $0xFFFF;
	s2 =	simm.s32 @!p0 $0x1C02  }
0x408: {  	[timem:s3], [sflag:s2] =	dma.local @!p0 [hbm:s0], s1  }
0x409: {  	s0 =	simm.s32 @!p0 $0x2  }
0x40a: {  	_ =	swait.ge @!p0 [sflag:s0], s1  }
0x40b: {  	s1 =	ssub.s32 @!p0 $0x0, s1;
	[sflag:s0] =	ssyncset.done @!p0 $0x0  }
0x40c: {  	[sflag:s0] =	ssyncadd.s32 @!p0 s1  }
0x40d: {  	[bflag:$0x3] =	sbarrier.arrive $0xFFFF  }
0x40e: {  	_ =	shalt  }

// kernel: kernel.16.cloned.1.call-start
scs
__scs_entry_jumppad:
0x0: {  	(pc) =	sbr.rel $0x88, $3  }
0x1: {  	(tag) =	ssettag $0x0;
	lr =	simm.s32 $0x1  }
0x2: {  	[smem:$0x3F9F] =	sst lr;
	_ =	strace $0xD0000000  }
0x3: {  	_ = 	snop  }
0x4: {  	_ = 	snop  }
0x5: {  	_ = 	snop  }
0x6: {  	_ = 	snop  }
0x7: {  	_ = 	snop  }
__scs_overlays_trampoline_lowered:
0x8: {  	[smem:$0x3FAE] =	sst s0  }
0x9: {  	[smem:$0x3FAF] =	sst s1  }
0xa: {  	[smem:$0x3FB0] =	sst s2  }
0xb: {  	[smem:$0x3FB1] =	sst s3  }
0xc: {  	[smem:$0x3FB2] =	sst s4  }
0xd: {  	[smem:$0x3FB3] =	sst s5  }
0xe: {  	[smem:$0x3FB4] =	sst s6  }
0xf: {  	[smem:$0x3FB5] =	sst s7  }
0x10: {  	[smem:$0x3FB6] =	sst s8  }
0x11: {  	[smem:$0x3FB7] =	sst s9;
	s0 =	simm.s32 @!p0 $0x0  }
0x12: {  	s1 =	sld [smem:$0x3F9D];
	s0 =	simm.s32 @p0 $0x1  }
0x13: {  	[smem:$0x3FB8] =	sst s0;
	s0 =	simm.s32 @!p1 $0x0  }
0x14: {  	s2 =	sld [smem:$0x3F9C];
	s0 =	simm.s32 @p1 $0x1  }
0x15: {  	[smem:$0x3FB9] =	sst s0;
	s0 =	simm.s32 @!p2 $0x0  }
0x16: {  	s3 =	sld [smem:$0x3FDB];
	s0 =	simm.s32 @p2 $0x1  }
0x17: {  	s4 =	simm.s32 $0x1BF5;
	[smem:$0x3FBB] =	sst s0  }
0x18: {  	s0 =	sld [smem:$0x3F9E];
	_ =	swait.ge [sflag:s4], $0x0  }
0x19: {  	s7 =	sld [smem:$0x3F9F]  }
0x1a: {  	s8 =	sadd.s32 $0xFFFFE003, lr  }
0x1b: {  	s9 =	sadd.s32 $0xFFFFFEF7, lr;
	s5 =	simm.s32 $0xFFFFFFFF;
	p2 =	slt.u32 s8, $0xFFFFF086  }
0x1c: {  	p1 =	slt.u32 s9, $0xF7A;
	s5 =	simm.s32 @!p2 $0x0  }
0x1d: {  	s5 =	simm.s32 @p1 $0x1;
	p0 =	seq.s32 s7, s2  }
0x1e: {  	s7 =	smul.u32 @!p0 $0xF7A, s2;
	p2 =	seq.s32 @!p0 s5, $0x0  }
0x1f: {  	s9 =	smul.u32 $0xF7A, s1;
	s8 =	simm.s32 @!p0 $0x1BF5;
	p2 =	por !p2, p0  }
0x20: {  	[sflag:s8] =	ssyncset.s32 @!p0 $0xFFFFF086;
	s6 =	sadd.s32 @!p0 s3, s7;
	s7 =	simm.s32 @!p0 $0x108  }
0x21: {  	s3 =	sadd.s32 s3, s9;
	s6 =	sadd.s32 @!p0 $0x88, s6;
	s7 =	simm.s32 @p2 $0x1082  }
0x22: {  	[simem:s7], [sflag:s8] =	dma.local @!p0 [hbm:s6], $0xF7A  }
0x23: {  	s9 =	sor.u32 $0xD0000000, s2;
	s6 =	simm.s32 $0x108;
	_ =	swait.ge @!p0 [sflag:s8], $0x0  }
0x24: {  	s3 =	sadd.s32 $0x88, s3;
	s6 =	simm.s32 @!p1 $0x1082;
	[sflag:s4] =	ssyncset.s32 $0xFFFFF086  }
0x25: {  	[simem:s6], [sflag:s4] =	dma.local [hbm:s3], $0xF7A  }
0x26: {  	[smem:$0x3F9F] =	sst s1;
	(tag) =	ssettag s2;
	_ =	strace s9  }
0x27: {  	s1 =	sld [smem:$0x3FAF]  }
0x28: {  	s2 =	sld [smem:$0x3FB0]  }
0x29: {  	s4 =	sld [smem:$0x3FB2]  }
0x2a: {  	p0 =	seq.s32 s5, $0x0;
	s5 =	sld [smem:$0x3FB3]  }
0x2b: {  	s6 =	sld [smem:$0x3FB4]  }
0x2c: {  	s7 =	sld [smem:$0x3FB5]  }
0x2d: {  	s3 =	simm.s32 $0x108;
	s8 =	sld [smem:$0x3FB6]  }
0x2e: {  	s3 =	simm.s32 @!p0 $0x1082;
	s9 =	sld [smem:$0x3FB7]  }
0x2f: {  	lr =	sadd.s32 s0, s3;
	s0 =	sld [smem:$0x3FAE]  }
0x30: {  	s3 =	sld [smem:$0x3FB1]  }
0x31: {  	[smem:$0x3FBA] =	sst s10  }
0x32: {  	s10 =	sld [smem:$0x3FB8];
	_ =	sdelay $0x3  }
0x33: {  	p0 =	seq.s32 s10, $0x1;
	s10 =	sld [smem:$0x3FBA];
	_ =	sdelay $0x3  }
0x34: {  	[smem:$0x3FBA] =	sst s10  }
0x35: {  	s10 =	sld [smem:$0x3FB9];
	_ =	sdelay $0x3  }
0x36: {  	p1 =	seq.s32 s10, $0x1;
	s10 =	sld [smem:$0x3FBA];
	_ =	sdelay $0x3  }
0x37: {  	[smem:$0x3FBA] =	sst s10  }
0x38: {  	s10 =	sld [smem:$0x3FBB]  }
0x39: {  	_ = 	snop;
	(pc) =	sbr.ind lr, $3  }
0x3a: {  	_ = 	snop  }
0x3b: {  	_ = 	snop  }
0x3c: {  	p2 =	seq.s32 s10, $0x1;
	s10 =	sld [smem:$0x3FBA]  }
0x3d: {  	_ =	shalt  }
0x3e: {  	_ =	shalt  }
0x3f: {  	_ =	shalt  }
0x40: {  	_ =	shalt  }
0x41: {  	_ =	shalt  }
0x42: {  	_ =	shalt  }
0x43: {  	_ =	shalt  }
0x44: {  	_ =	shalt  }
0x45: {  	_ =	shalt  }
0x46: {  	_ =	shalt  }
0x47: {  	_ =	shalt  }
0x48: {  	_ =	shalt  }
0x49: {  	_ =	shalt  }
0x4a: {  	_ =	shalt  }
0x4b: {  	_ =	shalt  }
0x4c: {  	_ =	shalt  }
0x4d: {  	_ =	shalt  }
0x4e: {  	_ =	shalt  }
0x4f: {  	_ =	shalt  }
0x50: {  	_ =	shalt  }
0x51: {  	_ =	shalt  }
0x52: {  	_ =	shalt  }
0x53: {  	_ =	shalt  }
0x54: {  	_ =	shalt  }
0x55: {  	_ =	shalt  }
0x56: {  	_ =	shalt  }
0x57: {  	_ =	shalt  }
0x58: {  	_ =	shalt  }
0x59: {  	_ =	shalt  }
0x5a: {  	_ =	shalt  }
0x5b: {  	_ =	shalt  }
0x5c: {  	_ =	shalt  }
0x5d: {  	_ =	shalt  }
0x5e: {  	_ =	shalt  }
0x5f: {  	_ =	shalt  }
0x60: {  	_ =	shalt  }
0x61: {  	_ =	shalt  }
0x62: {  	_ =	shalt  }
0x63: {  	_ =	shalt  }
0x64: {  	_ =	shalt  }
0x65: {  	_ =	shalt  }
0x66: {  	_ =	shalt  }
0x67: {  	_ =	shalt  }
0x68: {  	_ =	shalt  }
0x69: {  	_ =	shalt  }
0x6a: {  	_ =	shalt  }
0x6b: {  	_ =	shalt  }
0x6c: {  	_ =	shalt  }
0x6d: {  	_ =	shalt  }
0x6e: {  	_ =	shalt  }
0x6f: {  	_ =	shalt  }
0x70: {  	_ =	shalt  }
0x71: {  	_ =	shalt  }
0x72: {  	_ =	shalt  }
0x73: {  	_ =	shalt  }
0x74: {  	_ =	shalt  }
0x75: {  	_ =	shalt  }
0x76: {  	_ =	shalt  }
0x77: {  	_ =	shalt  }
0x78: {  	_ =	shalt  }
0x79: {  	_ =	shalt  }
0x7a: {  	_ =	shalt  }
0x7b: {  	_ =	shalt  }
0x7c: {  	_ =	shalt  }
0x7d: {  	_ =	shalt  }
0x7e: {  	_ =	shalt  }
0x7f: {  	_ =	shalt  }
0x80: {  	_ =	shalt  }
0x81: {  	_ =	shalt  }
0x82: {  	_ =	shalt  }
0x83: {  	_ =	shalt  }
0x84: {  	_ =	shalt  }
0x85: {  	_ =	shalt  }
0x86: {  	_ =	shalt  }
0x87: {  	_ =	shalt  }
.Lfunc_end0:
.L_simem_size_0:
called_computation.3_lowered:
.L_overlay_start_0:
0x88: {  	s2 =	sld [smem:$0x3FD9]  }
0x89: {  	s3 =	sld [smem:$0x3FFE];
	_ =	sdelay $0x1  }
0x8a: {  	s1 =	srdreg.scid  }
0x8b: {  	s0 =	sand.u32 $0x1, s1  }
0x8c: {  	s14 =	sshll.u32 s0, $0xA;
	s2 =	sadd.s32 s3, s2  }
0x8d: {  	s2 =	sadd.s32 s2, s14  }
0x8e: {  	[smem:$0x3FC6] =	sst s2  }
0x8f: {  	_ = 	snop  }
0x90: {  	s2 =	sld [smem:$0x3FD0];
	_ =	sdelay $0x2  }
0x91: {  	s4 =	simm.s32 $0xA;
	s5 =	simm.s32 $0x10;
	s15 =	sld [smem:$0x3FC8]  }
0x92: {  	[smem:s5], [sflag:s4] =	dma.local [hbm:s2], $0x1  }
0x93: {  	_ =	swait.eq [sflag:s4], $0x1  }
0x94: {  	[sflag:s4] =	ssyncset.done $0x0  }
0x95: {  	s16 =	sld [smem:$0x10];
	[sflag:s4] =	ssyncadd.s32 $0xFFFFFFFF  }
0x96: {  	s17 =	sld [smem:$0x11];
	(tm) =	ssettm $0x1  }
0x97: {  	s18 =	sld [smem:$0x3FFB];
	_ =	sdelay $0x3  }
0x98: {  	_ =	strace s18  }
0x99: {  	s5 =	sld [smem:$0x3FFC];
	_ =	sdelay $0x3  }
0x9a: {  	_ =	strace s5  }
0x9b: {  	s5 =	sld [smem:$0x3FFD];
	_ =	sdelay $0x3  }
0x9c: {  	_ =	strace s5  }
0x9d: {  	_ =	strace $0x8FFFFFFF  }
0x9e: {  	s19 =	sld [smem:$0x3FDB];
	_ =	sdelay $0x1  }
0x9f: {  	s6 =	simm.s32 $_scs_section_size  }
0xa0: {  	s7 =	simm.s32 $_size__tile_overlayer_lowered;
	s8 =	simm.s32 $_tile_overlayer_lowered  }
0xa1: {  	s22 =	simm.s32 $0x1BFF;
	s21 =	sshll.u32 s8, $0x1;
	s5 =	sadd.s32 s6, s19  }
0xa2: {  	s9 =	simm.s32 $0x0;
	s20 =	sshll.u32 s7, $0x1;
	s7 =	sadd.s32 s21, s5  }
0xa3: {  	[timem:s9], [sflag:s22] =	dma.local [hbm:s7], s20  }
0xa4: {  	_ =	swait.ge [sflag:s22], s20  }
0xa5: {  	s6 =	ssub.s32 $0x0, s20;
	[sflag:s22] =	ssyncset.done $0x0  }
0xa6: {  	[sflag:s22] =	ssyncadd.s32 s6;
	_ =	sdelay $0x1  }
0xa7: {  	s23 =	simm.s32 $0x1B8B  }
0xa8: {  	_ =	swait.ge [sflag:s23], $0x1  }
0xa9: {  	[sflag:s23] =	ssyncset.done $0x0  }
0xaa: {  	s25 =	simm.s32 $0x1B8E;
	s24 =	sld [smem:$0x3FFE];
	[sflag:s23] =	ssyncadd.s32 $0xFFFFFFFF  }
0xab: {  	s26 =	simm.s32 $execute0_lowered;
	[smem:$0x3FD2] =	sst s25  }
0xac: {  	s7 =	sshll.u32 s26, $0x1;
	_ =	strace $0x8000004F;
	[dreg:$0x1] =	wrdreg $0xFFFFFFFF  }
0xad: {  	s28 =	simm.s32 $_size_execute0_lowered;
	s5 =	sadd.s32 s5, s7;
	[dreg:$0x0] =	wrdreg $0x0  }
0xae: {  	s7 =	sshll.u32 s28, $0x1;
	[dreg:$0x2] =	wrdreg s5  }
0xaf: {  	[dreg:$0x3] =	wrdreg s7  }
0xb0: {  	[dreg:$0x4] =	wrdreg $0xC0  }
0xb1: {  	_ =	task [dreg:s9], $0x5FFFF  }
0xb2: {  	[dreg:$0x1] =	wrdreg $0xFFFFFFFF  }
0xb3: {  	[dreg:$0x0] =	wrdreg $0x60  }
0xb4: {  	[dreg:$0x2] =	wrdreg s24  }
0xb5: {  	[dreg:$0x3] =	wrdreg s16  }
0xb6: {  	[dreg:$0x4] =	wrdreg s15  }
0xb7: {  	[dreg:$0x5] =	wrdreg s17  }
0xb8: {  	[dreg:$0x6] =	wrdreg $0x9  }
0xb9: {  	_ =	task.clear_ibuf [dreg:s9], $0x7FFFF;
	_ =	strace $0x9000004F  }
0xba: {  	s29 =	simm.s32 $0x9;
	_ =	strace $0x80000051  }
0xbb: {  	_ =	swait.ge [sflag:s29], $0x1  }
0xbc: {  	[sflag:s29] =	ssyncadd.s32 $0xFFFFFFFF  }
0xbd: {  	_ =	strace $0x90000051  }
0xbe: {  	_ =	sfence  }
0xbf: {  	s30 =	sld [smem:$0x0];
	_ =	sdelay $0x2  }
0xc0: {  	s31 =	sshll.u32 s1, $0xD;
	s1 =	sshrl.u32 s1, $0x2  }
0xc1: {  	s3 =	sand.u32 $0x4000, s31;
	s1 =	sadd.s32 s1, s30  }
0xc2: {  	s0 =	sor.u32 s3, s0;
	s1 =	sshll.u32 s1, $0x11  }
0xc3: {  	s0 =	sor.u32 s1, s0  }
0xc4: {  	s0 =	sadd.s32 $0x8F2B, s0  }
0xc5: {  	[sflag:s0] =	ssyncadd.remote.s32 $0x1  }
0xc6: {  	_ =	sfence.sel $0xFFFF  }
0xc7: {  	[dreg:$0x0] =	wrdreg $0xFFFFFFFF;
	(pc) =	sbr.abs _section_cstart, $3  }
0xc8: {  	[dreg:$0x1] =	wrdreg $0xFFFFFFFF  }
0xc9: {  	_ =	task.clear_ibuf [dreg:s9], $0x2FFFF;
	_ =	strace $0x9FFFFFFF  }
0xca: {  	(tm) =	ssettm $0x7FFFFFFF  }
0xcb: {  	_ =	shalt  }
tec
execute0_lowered:
.L_overlay_start_1:
0x0: {  	(tag) =	ssettag $0x1  }
0x1: {  	s15 =	rddreg [dreg:$0x0]  }
0x2: {  	s1 =	rddreg [dreg:$0x1]  }
0x3: {  	s2 =	srdreg.scid;
	s0 =	stileid.u32  }
0x4: {  	s3 =	rddreg [dreg:$0x2];
	s17 =	sand.u32 $0x1, s2;
	s31 =	sshll.u32 s0, $0x1  }
0x5: {  	s5 =	rddreg [dreg:$0x3];
	s6 =	sor.u32 s17, s31  }
0x6: {  	s4 =	simm.s32 $0x0;
	s2 =	rddreg [dreg:$0x4];
	s16 =	smul.u32 $0xC35, s6  }
0x7: {  	[smem:$0x7FF] =	sst s4  }
0x8: {  	_ =	strace $0x80000050;
	s6 =	sadd.s32 s5, s16;
	s5 =	simm.s32 $0x2  }
0x9: {  	[tilespmem:s4], [sflag:$0x2] =	stream.linear.gather [hbm4b:s6+s4], $0x61A8, $0x38;
	[tilespmem:$0x1EA00] =	vst v63  }
0xa: {  	_ =	swait.ge [sflag:s5], $0x61A8  }
0xb: {  	s8 =	simm.s32 $0x61A8;
	s9 =	simm.s32 $0x6200;
	[sflag:s5] =	ssyncset.done $0x0  }
0xc: {  	s10 =	simm.s32 $0x1;
	s7 =	sadd.s32 $0x1A00, s15;
	[sflag:s5] =	ssyncadd.s32 $0xFFFF9E58  }
0xd: {  	[tilespmem:s9], [sflag:$0x1] =	stream.indirect.gather [hbm4b:s7+s8], $0x1, s4, s8, $0xb8;
	[tilespmem:$0x1EA00] =	vst v63  }
0xe: {  	_ =	swait.ge [sflag:s10], $0x61A8  }
0xf: {  	[sflag:s10] =	ssyncset.done $0x0  }
0x10: {  	s11 =	simm.s32 $0xC400;
	[sflag:s10] =	ssyncadd.s32 $0xFFFF9E58  }
0x11: {  	[tilespmem:s11], [sflag:$0x1] =	stream.indirect.gather [hbm4b:s1+s8], $0x1, s4, s8, $0xb8;
	[tilespmem:$0x1EA00] =	vst v63  }
0x12: {  	_ =	swait.ge [sflag:s10], $0x61A8  }
0x13: {  	[sflag:s10] =	ssyncset.done $0x0  }
0x14: {  	s13 =	simm.s32 $0x12600;
	s12 =	sadd.s32 $0x63600, s15;
	[sflag:s10] =	ssyncadd.s32 $0xFFFF9E58  }
0x15: {  	[tilespmem:s13], [sflag:$0x1] =	stream.indirect.gather [hbm4b:s12+s8], $0x1, s4, s8, $0xb8;
	[tilespmem:$0x1EA00] =	vst v63  }
0x16: {  	_ =	swait.ge [sflag:s10], $0x61A8  }
0x17: {  	[sflag:s10] =	ssyncset.done $0x0  }
0x18: {  	s14 =	simm.s32 $0x18800;
	[sflag:s10] =	ssyncadd.s32 $0xFFFF9E58  }
0x19: {  	[tilespmem:s14], [sflag:$0x1] =	stream.indirect.gather [hbm4b:s3+s8], $0x1, s4, s8, $0xb8;
	[tilespmem:$0x1EA00] =	vst v63  }
0x1a: {  	_ =	swait.ge [sflag:s10], $0x61A8  }
0x1b: {  	s18 =	sadd.s32 s16, s15;
	[sflag:s10] =	ssyncset.done $0x0  }
0x1c: {  	s15 =	sadd.s32 $0x32800, s18;
	[sflag:s10] =	ssyncadd.s32 $0xFFFF9E58  }
0x1d: {  	[hbm4b:s15+s4] =	stream.linear.scatter [tilespmem:s9], [sflag:$0x2], $0x61A8, $0x38;
	[tilespmem:$0x1EA00] =	vst v63  }
0x1e: {  	_ =	swait.ge [sflag:s5], $0x61A8  }
0x1f: {  	[sflag:s5] =	ssyncset.done $0x0  }
0x20: {  	s19 =	ssub.s32 $0x2, s17;
	s16 =	sadd.s32 $0x94400, s18;
	[sflag:s5] =	ssyncadd.s32 $0xFFFF9E58  }
0x21: {  	[hbm4b:s16+s4] =	stream.linear.scatter [tilespmem:s11], [sflag:$0x2], $0x61A8, $0x38;
	[tilespmem:$0x1EA00] =	vst v63  }
0x22: {  	s20 =	sshrl.u32 s19, $0x1;
	_ =	swait.ge [sflag:s5], $0x61A8  }
0x23: {  	s19 =	ssub.s32 s19, s20;
	[sflag:s5] =	ssyncset.done $0x0  }
0x24: {  	s19 =	smax.u32 s19, $0x1;
	s17 =	sadd.s32 $0xACC00, s18;
	[sflag:s5] =	ssyncadd.s32 $0xFFFF9E58  }
0x25: {  	[hbm4b:s17+s4] =	stream.linear.scatter [tilespmem:s13], [sflag:$0x2], $0x61A8, $0x38;
	[tilespmem:$0x1EA00] =	vst v63  }
0x26: {  	p0 =	sne.s32 s19, $0x1;
	_ =	swait.ge [sflag:s5], $0x61A8  }
.Ltmp0:
0x27: {  	[sflag:s5] =	ssyncset.done $0x0;
	(pc) =	sbr.rel @!p0 .LBB2_2-.Ltmp0, $4  }
0x28: {  	s18 =	sadd.s32 $0xC5400, s18;
	[sflag:s5] =	ssyncadd.s32 $0xFFFF9E58  }
0x29: {  	[hbm4b:s18+s4] =	stream.linear.scatter [tilespmem:s14], [sflag:$0x2], $0x61A8, $0x38;
	[tilespmem:$0x1EA00] =	vst v63  }
0x2a: {  	_ =	swait.ge [sflag:s5], $0x61A8  }
0x2b: {  	s19 =	sadd.s32 $0xFFFFFFFF, s19;
	[sflag:s5] =	ssyncset.done $0x0  }
.LBB2_1:
0x2c: {  	p0 =	sne.s32 s19, $0x1;
	s19 =	sadd.s32 $0xFFFFFFFF, s19;
	[sflag:s5] =	ssyncadd.s32 $0xFFFF9E58  }
0x2d: {  	[tilespmem:s4], [sflag:$0x2] =	stream.linear.gather [hbm4b:s6+s4], $0x61A8, $0x38;
	[tilespmem:$0x1EA00] =	vst v63  }
0x2e: {  	_ =	swait.ge [sflag:s5], $0x61A8  }
0x2f: {  	[sflag:s5] =	ssyncset.done $0x0  }
0x30: {  	[sflag:s5] =	ssyncadd.s32 $0xFFFF9E58  }
0x31: {  	[tilespmem:s9], [sflag:$0x1] =	stream.indirect.gather [hbm4b:s7+s8], $0x1, s4, s8, $0xb8;
	[tilespmem:$0x1EA00] =	vst v63  }
0x32: {  	_ =	swait.ge [sflag:s10], $0x61A8  }
0x33: {  	[sflag:s10] =	ssyncset.done $0x0  }
0x34: {  	[sflag:s10] =	ssyncadd.s32 $0xFFFF9E58  }
0x35: {  	[tilespmem:s11], [sflag:$0x1] =	stream.indirect.gather [hbm4b:s1+s8], $0x1, s4, s8, $0xb8;
	[tilespmem:$0x1EA00] =	vst v63  }
0x36: {  	_ =	swait.ge [sflag:s10], $0x61A8  }
0x37: {  	[sflag:s10] =	ssyncset.done $0x0  }
0x38: {  	[sflag:s10] =	ssyncadd.s32 $0xFFFF9E58  }
0x39: {  	[tilespmem:s13], [sflag:$0x1] =	stream.indirect.gather [hbm4b:s12+s8], $0x1, s4, s8, $0xb8;
	[tilespmem:$0x1EA00] =	vst v63  }
0x3a: {  	_ =	swait.ge [sflag:s10], $0x61A8  }
0x3b: {  	[sflag:s10] =	ssyncset.done $0x0  }
0x3c: {  	[sflag:s10] =	ssyncadd.s32 $0xFFFF9E58  }
0x3d: {  	[tilespmem:s14], [sflag:$0x1] =	stream.indirect.gather [hbm4b:s3+s8], $0x1, s4, s8, $0xb8;
	[tilespmem:$0x1EA00] =	vst v63  }
0x3e: {  	_ =	swait.ge [sflag:s10], $0x61A8  }
0x3f: {  	[sflag:s10] =	ssyncset.done $0x0  }
0x40: {  	[sflag:s10] =	ssyncadd.s32 $0xFFFF9E58  }
0x41: {  	[hbm4b:s15+s4] =	stream.linear.scatter [tilespmem:s9], [sflag:$0x2], $0x61A8, $0x38;
	[tilespmem:$0x1EA00] =	vst v63  }
0x42: {  	_ =	swait.ge [sflag:s5], $0x61A8  }
0x43: {  	[sflag:s5] =	ssyncset.done $0x0  }
0x44: {  	[sflag:s5] =	ssyncadd.s32 $0xFFFF9E58  }
0x45: {  	[hbm4b:s16+s4] =	stream.linear.scatter [tilespmem:s11], [sflag:$0x2], $0x61A8, $0x38;
	[tilespmem:$0x1EA00] =	vst v63  }
0x46: {  	_ =	swait.ge [sflag:s5], $0x61A8  }
0x47: {  	[sflag:s5] =	ssyncset.done $0x0  }
0x48: {  	[sflag:s5] =	ssyncadd.s32 $0xFFFF9E58  }
0x49: {  	[hbm4b:s17+s4] =	stream.linear.scatter [tilespmem:s13], [sflag:$0x2], $0x61A8, $0x38;
	[tilespmem:$0x1EA00] =	vst v63  }
0x4a: {  	_ =	swait.ge [sflag:s5], $0x61A8  }
.Ltmp1:
0x4b: {  	[sflag:s5] =	ssyncset.done $0x0;
	(pc) =	sbr.rel @p0 .LBB2_1-.Ltmp1, $4  }
0x4c: {  	[sflag:s5] =	ssyncadd.s32 $0xFFFF9E58  }
0x4d: {  	[hbm4b:s18+s4] =	stream.linear.scatter [tilespmem:s14], [sflag:$0x2], $0x61A8, $0x38;
	[tilespmem:$0x1EA00] =	vst v63  }
0x4e: {  	_ =	swait.ge [sflag:s5], $0x61A8  }
0x4f: {  	[sflag:s5] =	ssyncset.done $0x0  }
.LBB2_2:
0x50: {  	[sflag:s5] =	ssyncadd.s32 $0xFFFF9E58  }
0x51: {  	_ =	sfence.sel $0x180000  }
0x52: {  	[bflag:$0x0] =	sbarrier.arrive $0xFFFF  }
0x53: {  	p0 =	sne.s32 s0, $0x0;
	_ =	strace $0x90000050  }
0x54: {  	s0 =	sadd.s32 @!p0 $0x100000, s2;
	[bflag:$0x2] =	sbarrier.arrive $0xFFFF  }
0x55: {  	[sflag:s0] =	ssyncadd.tile.s32 @!p0 $0x1;
	_ =	shalt  }
.Lfunc_end2:
_tile_overlayer_lowered:
.L_overlay_start_2:
0x56: {  	(tag) =	ssettag $0x2  }
0x57: {  	s0 =	rddreg [dreg:$0x0];
	s2 =	stileid.u32  }
0x58: {  	s1 =	rddreg [dreg:$0x1];
	p0 =	sne.s32 s2, $0x0  }
0x59: {  	s3 =	rddreg [dreg:$0x2];
	[bflag:$0x3] =	sbarrier.arrive $0xFFFF;
	s2 =	simm.s32 @!p0 $0x1C02  }
0x5a: {  	[timem:s3], [sflag:s2] =	dma.local @!p0 [hbm:s0], s1  }
0x5b: {  	s0 =	simm.s32 @!p0 $0x2  }
0x5c: {  	_ =	swait.ge @!p0 [sflag:s0], s1  }
0x5d: {  	s1 =	ssub.s32 @!p0 $0x0, s1;
	[sflag:s0] =	ssyncset.done @!p0 $0x0  }
0x5e: {  	[sflag:s0] =	ssyncadd.s32 @!p0 s1  }
0x5f: {  	[bflag:$0x3] =	sbarrier.arrive $0xFFFF  }
0x60: {  	_ =	shalt  }

// kernel: kernel.7.cloned.1.call-start
scs
__scs_entry_jumppad:
0x0: {  	(pc) =	sbr.rel $0x88, $3  }
0x1: {  	(tag) =	ssettag $0x0;
	lr =	simm.s32 $0x1  }
0x2: {  	[smem:$0x3F9F] =	sst lr;
	_ =	strace $0xD0000000  }
0x3: {  	_ = 	snop  }
0x4: {  	_ = 	snop  }
0x5: {  	_ = 	snop  }
0x6: {  	_ = 	snop  }
0x7: {  	_ = 	snop  }
__scs_overlays_trampoline_lowered:
0x8: {  	[smem:$0x3FAE] =	sst s0  }
0x9: {  	[smem:$0x3FAF] =	sst s1  }
0xa: {  	[smem:$0x3FB0] =	sst s2  }
0xb: {  	[smem:$0x3FB1] =	sst s3  }
0xc: {  	[smem:$0x3FB2] =	sst s4  }
0xd: {  	[smem:$0x3FB3] =	sst s5  }
0xe: {  	[smem:$0x3FB4] =	sst s6  }
0xf: {  	[smem:$0x3FB5] =	sst s7  }
0x10: {  	[smem:$0x3FB6] =	sst s8  }
0x11: {  	[smem:$0x3FB7] =	sst s9;
	s0 =	simm.s32 @!p0 $0x0  }
0x12: {  	s1 =	sld [smem:$0x3F9D];
	s0 =	simm.s32 @p0 $0x1  }
0x13: {  	[smem:$0x3FB8] =	sst s0;
	s0 =	simm.s32 @!p1 $0x0  }
0x14: {  	s2 =	sld [smem:$0x3F9C];
	s0 =	simm.s32 @p1 $0x1  }
0x15: {  	[smem:$0x3FB9] =	sst s0;
	s0 =	simm.s32 @!p2 $0x0  }
0x16: {  	s3 =	sld [smem:$0x3FDB];
	s0 =	simm.s32 @p2 $0x1  }
0x17: {  	s4 =	simm.s32 $0x1BF5;
	[smem:$0x3FBB] =	sst s0  }
0x18: {  	s0 =	sld [smem:$0x3F9E];
	_ =	swait.ge [sflag:s4], $0x0  }
0x19: {  	s7 =	sld [smem:$0x3F9F]  }
0x1a: {  	s8 =	sadd.s32 $0xFFFFE003, lr  }
0x1b: {  	s9 =	sadd.s32 $0xFFFFFEF7, lr;
	s5 =	simm.s32 $0xFFFFFFFF;
	p2 =	slt.u32 s8, $0xFFFFF086  }
0x1c: {  	p1 =	slt.u32 s9, $0xF7A;
	s5 =	simm.s32 @!p2 $0x0  }
0x1d: {  	s5 =	simm.s32 @p1 $0x1;
	p0 =	seq.s32 s7, s2  }
0x1e: {  	s7 =	smul.u32 @!p0 $0xF7A, s2;
	p2 =	seq.s32 @!p0 s5, $0x0  }
0x1f: {  	s9 =	smul.u32 $0xF7A, s1;
	s8 =	simm.s32 @!p0 $0x1BF5;
	p2 =	por !p2, p0  }
0x20: {  	[sflag:s8] =	ssyncset.s32 @!p0 $0xFFFFF086;
	s6 =	sadd.s32 @!p0 s3, s7;
	s7 =	simm.s32 @!p0 $0x108  }
0x21: {  	s3 =	sadd.s32 s3, s9;
	s6 =	sadd.s32 @!p0 $0x88, s6;
	s7 =	simm.s32 @p2 $0x1082  }
0x22: {  	[simem:s7], [sflag:s8] =	dma.local @!p0 [hbm:s6], $0xF7A  }
0x23: {  	s9 =	sor.u32 $0xD0000000, s2;
	s6 =	simm.s32 $0x108;
	_ =	swait.ge @!p0 [sflag:s8], $0x0  }
0x24: {  	s3 =	sadd.s32 $0x88, s3;
	s6 =	simm.s32 @!p1 $0x1082;
	[sflag:s4] =	ssyncset.s32 $0xFFFFF086  }
0x25: {  	[simem:s6], [sflag:s4] =	dma.local [hbm:s3], $0xF7A  }
0x26: {  	[smem:$0x3F9F] =	sst s1;
	(tag) =	ssettag s2;
	_ =	strace s9  }
0x27: {  	s1 =	sld [smem:$0x3FAF]  }
0x28: {  	s2 =	sld [smem:$0x3FB0]  }
0x29: {  	s4 =	sld [smem:$0x3FB2]  }
0x2a: {  	p0 =	seq.s32 s5, $0x0;
	s5 =	sld [smem:$0x3FB3]  }
0x2b: {  	s6 =	sld [smem:$0x3FB4]  }
0x2c: {  	s7 =	sld [smem:$0x3FB5]  }
0x2d: {  	s3 =	simm.s32 $0x108;
	s8 =	sld [smem:$0x3FB6]  }
0x2e: {  	s3 =	simm.s32 @!p0 $0x1082;
	s9 =	sld [smem:$0x3FB7]  }
0x2f: {  	lr =	sadd.s32 s0, s3;
	s0 =	sld [smem:$0x3FAE]  }
0x30: {  	s3 =	sld [smem:$0x3FB1]  }
0x31: {  	[smem:$0x3FBA] =	sst s10  }
0x32: {  	s10 =	sld [smem:$0x3FB8];
	_ =	sdelay $0x3  }
0x33: {  	p0 =	seq.s32 s10, $0x1;
	s10 =	sld [smem:$0x3FBA];
	_ =	sdelay $0x3  }
0x34: {  	[smem:$0x3FBA] =	sst s10  }
0x35: {  	s10 =	sld [smem:$0x3FB9];
	_ =	sdelay $0x3  }
0x36: {  	p1 =	seq.s32 s10, $0x1;
	s10 =	sld [smem:$0x3FBA];
	_ =	sdelay $0x3  }
0x37: {  	[smem:$0x3FBA] =	sst s10  }
0x38: {  	s10 =	sld [smem:$0x3FBB]  }
0x39: {  	_ = 	snop;
	(pc) =	sbr.ind lr, $3  }
0x3a: {  	_ = 	snop  }
0x3b: {  	_ = 	snop  }
0x3c: {  	p2 =	seq.s32 s10, $0x1;
	s10 =	sld [smem:$0x3FBA]  }
0x3d: {  	_ =	shalt  }
0x3e: {  	_ =	shalt  }
0x3f: {  	_ =	shalt  }
0x40: {  	_ =	shalt  }
0x41: {  	_ =	shalt  }
0x42: {  	_ =	shalt  }
0x43: {  	_ =	shalt  }
0x44: {  	_ =	shalt  }
0x45: {  	_ =	shalt  }
0x46: {  	_ =	shalt  }
0x47: {  	_ =	shalt  }
0x48: {  	_ =	shalt  }
0x49: {  	_ =	shalt  }
0x4a: {  	_ =	shalt  }
0x4b: {  	_ =	shalt  }
0x4c: {  	_ =	shalt  }
0x4d: {  	_ =	shalt  }
0x4e: {  	_ =	shalt  }
0x4f: {  	_ =	shalt  }
0x50: {  	_ =	shalt  }
0x51: {  	_ =	shalt  }
0x52: {  	_ =	shalt  }
0x53: {  	_ =	shalt  }
0x54: {  	_ =	shalt  }
0x55: {  	_ =	shalt  }
0x56: {  	_ =	shalt  }
0x57: {  	_ =	shalt  }
0x58: {  	_ =	shalt  }
0x59: {  	_ =	shalt  }
0x5a: {  	_ =	shalt  }
0x5b: {  	_ =	shalt  }
0x5c: {  	_ =	shalt  }
0x5d: {  	_ =	shalt  }
0x5e: {  	_ =	shalt  }
0x5f: {  	_ =	shalt  }
0x60: {  	_ =	shalt  }
0x61: {  	_ =	shalt  }
0x62: {  	_ =	shalt  }
0x63: {  	_ =	shalt  }
0x64: {  	_ =	shalt  }
0x65: {  	_ =	shalt  }
0x66: {  	_ =	shalt  }
0x67: {  	_ =	shalt  }
0x68: {  	_ =	shalt  }
0x69: {  	_ =	shalt  }
0x6a: {  	_ =	shalt  }
0x6b: {  	_ =	shalt  }
0x6c: {  	_ =	shalt  }
0x6d: {  	_ =	shalt  }
0x6e: {  	_ =	shalt  }
0x6f: {  	_ =	shalt  }
0x70: {  	_ =	shalt  }
0x71: {  	_ =	shalt  }
0x72: {  	_ =	shalt  }
0x73: {  	_ =	shalt  }
0x74: {  	_ =	shalt  }
0x75: {  	_ =	shalt  }
0x76: {  	_ =	shalt  }
0x77: {  	_ =	shalt  }
0x78: {  	_ =	shalt  }
0x79: {  	_ =	shalt  }
0x7a: {  	_ =	shalt  }
0x7b: {  	_ =	shalt  }
0x7c: {  	_ =	shalt  }
0x7d: {  	_ =	shalt  }
0x7e: {  	_ =	shalt  }
0x7f: {  	_ =	shalt  }
0x80: {  	_ =	shalt  }
0x81: {  	_ =	shalt  }
0x82: {  	_ =	shalt  }
0x83: {  	_ =	shalt  }
0x84: {  	_ =	shalt  }
0x85: {  	_ =	shalt  }
0x86: {  	_ =	shalt  }
0x87: {  	_ =	shalt  }
.Lfunc_end0:
.L_simem_size_0:
called_computation_lowered:
.L_overlay_start_0:
0x88: {  	s2 =	sld [smem:$0x3FD9]  }
0x89: {  	s3 =	sld [smem:$0x3FFE];
	_ =	sdelay $0x1  }
0x8a: {  	s1 =	srdreg.scid  }
0x8b: {  	s0 =	sand.u32 $0x1, s1  }
0x8c: {  	s14 =	sshll.u32 s0, $0xA;
	s2 =	sadd.s32 s3, s2  }
0x8d: {  	s2 =	sadd.s32 s2, s14  }
0x8e: {  	[smem:$0x3FC6] =	sst s2  }
0x8f: {  	_ = 	snop  }
0x90: {  	s2 =	sld [smem:$0x3FD0];
	_ =	sdelay $0x2  }
0x91: {  	s4 =	simm.s32 $0xA;
	s5 =	simm.s32 $0x10;
	s15 =	sld [smem:$0x3FC8]  }
0x92: {  	[smem:s5], [sflag:s4] =	dma.local [hbm:s2], $0x1  }
0x93: {  	_ =	swait.eq [sflag:s4], $0x1  }
0x94: {  	[sflag:s4] =	ssyncset.done $0x0  }
0x95: {  	[sflag:s4] =	ssyncadd.s32 $0xFFFFFFFF  }
0x96: {  	s16 =	sld [smem:$0x10];
	(tm) =	ssettm $0x1  }
0x97: {  	s17 =	sld [smem:$0x3FFB];
	_ =	sdelay $0x3  }
0x98: {  	_ =	strace s17  }
0x99: {  	s4 =	sld [smem:$0x3FFC];
	_ =	sdelay $0x3  }
0x9a: {  	_ =	strace s4  }
0x9b: {  	s4 =	sld [smem:$0x3FFD];
	_ =	sdelay $0x3  }
0x9c: {  	_ =	strace s4  }
0x9d: {  	_ =	strace $0x8FFFFFFF  }
0x9e: {  	s18 =	sld [smem:$0x3FDB];
	_ =	sdelay $0x1  }
0x9f: {  	s19 =	simm.s32 $_scs_section_size  }
0xa0: {  	s6 =	simm.s32 $_size__tile_overlayer_lowered;
	s7 =	simm.s32 $_tile_overlayer_lowered  }
0xa1: {  	s22 =	simm.s32 $0x1BFF;
	s21 =	sshll.u32 s7, $0x1;
	s4 =	sadd.s32 s19, s18  }
0xa2: {  	s8 =	simm.s32 $0x0;
	s20 =	sshll.u32 s6, $0x1;
	s6 =	sadd.s32 s21, s4  }
0xa3: {  	[timem:s8], [sflag:s22] =	dma.local [hbm:s6], s20  }
0xa4: {  	_ =	swait.ge [sflag:s22], s20  }
0xa5: {  	s5 =	ssub.s32 $0x0, s20;
	[sflag:s22] =	ssyncset.done $0x0  }
0xa6: {  	[sflag:s22] =	ssyncadd.s32 s5;
	_ =	sdelay $0x1  }
0xa7: {  	s23 =	simm.s32 $0x1B8B  }
0xa8: {  	_ =	swait.ge [sflag:s23], $0x1  }
0xa9: {  	[sflag:s23] =	ssyncset.done $0x0  }
0xaa: {  	s25 =	simm.s32 $0x1B8E;
	s24 =	sld [smem:$0x3FFE];
	[sflag:s23] =	ssyncadd.s32 $0xFFFFFFFF  }
0xab: {  	s26 =	simm.s32 $execute0_lowered;
	[smem:$0x3FD2] =	sst s25  }
0xac: {  	s6 =	sshll.u32 s26, $0x1;
	_ =	strace $0x80000046;
	[dreg:$0x1] =	wrdreg $0xFFFFFFFF  }
0xad: {  	s28 =	simm.s32 $_size_execute0_lowered;
	s4 =	sadd.s32 s4, s6;
	[dreg:$0x0] =	wrdreg $0x0  }
0xae: {  	s6 =	sshll.u32 s28, $0x1;
	[dreg:$0x2] =	wrdreg s4  }
0xaf: {  	[dreg:$0x3] =	wrdreg s6  }
0xb0: {  	[dreg:$0x4] =	wrdreg $0xC0  }
0xb1: {  	_ =	task [dreg:s8], $0x5FFFF  }
0xb2: {  	[dreg:$0x1] =	wrdreg $0xFFFFFFFF  }
0xb3: {  	[dreg:$0x0] =	wrdreg $0x60  }
0xb4: {  	[dreg:$0x2] =	wrdreg s24  }
0xb5: {  	[dreg:$0x3] =	wrdreg s16  }
0xb6: {  	[dreg:$0x4] =	wrdreg s15  }
0xb7: {  	[dreg:$0x5] =	wrdreg $0x4F000  }
0xb8: {  	[dreg:$0x6] =	wrdreg $0x9  }
0xb9: {  	_ =	task.clear_ibuf [dreg:s8], $0x7FFFF;
	_ =	strace $0x90000046  }
0xba: {  	s29 =	simm.s32 $0x9;
	_ =	strace $0x80000048  }
0xbb: {  	_ =	swait.ge [sflag:s29], $0x1  }
0xbc: {  	[sflag:s29] =	ssyncadd.s32 $0xFFFFFFFF  }
0xbd: {  	_ =	strace $0x90000048  }
0xbe: {  	_ =	sfence  }
0xbf: {  	s30 =	sld [smem:$0x0];
	_ =	sdelay $0x2  }
0xc0: {  	s31 =	sshll.u32 s1, $0xD;
	s1 =	sshrl.u32 s1, $0x2  }
0xc1: {  	s3 =	sand.u32 $0x4000, s31;
	s1 =	sadd.s32 s1, s30  }
0xc2: {  	s0 =	sor.u32 s3, s0;
	s1 =	sshll.u32 s1, $0x11  }
0xc3: {  	s0 =	sor.u32 s1, s0  }
0xc4: {  	s0 =	sadd.s32 $0x8F2B, s0  }
0xc5: {  	[sflag:s0] =	ssyncadd.remote.s32 $0x1  }
0xc6: {  	_ =	sfence.sel $0xFFFF  }
0xc7: {  	[dreg:$0x0] =	wrdreg $0xFFFFFFFF;
	(pc) =	sbr.abs _section_cstart, $3  }
0xc8: {  	[dreg:$0x1] =	wrdreg $0xFFFFFFFF  }
0xc9: {  	_ =	task.clear_ibuf [dreg:s8], $0x2FFFF;
	_ =	strace $0x9FFFFFFF  }
0xca: {  	(tm) =	ssettm $0x7FFFFFFF  }
0xcb: {  	_ =	shalt  }
tec
execute0_lowered:
.L_overlay_start_1:
0x0: {  	(tag) =	ssettag $0x1  }
0x1: {  	s4 =	rddreg [dreg:$0x0]  }
0x2: {  	s6 =	rddreg [dreg:$0x1]  }
0x3: {  	s8 =	rddreg [dreg:$0x2]  }
0x4: {  	s1 =	rddreg [dreg:$0x3]  }
0x5: {  	s0 =	rddreg [dreg:$0x4]  }
0x6: {  	s3 =	simm.s32 $0x0;
	s5 =	srdreg.scid;
	s2 =	stileid.u32  }
0x7: {  	[smem:$0x7FF] =	sst s3;
	s5 =	sand.u32 $0x1, s5;
	s7 =	sadd.s32 $0x1A00, s4  }
0x8: {  	s10 =	smul.u32 $0xC38, s2;
	s11 =	sadd.s32 $0x32800, s4;
	s12 =	sadd.s32 $0x34200, s4  }
0x9: {  	s31 =	smul.u32 $0x30D4, s2;
	_ =	strace $0x80000047;
	s9 =	ssub.s32 $0x2, s5  }
0xa: {  	p0 =	seq.s32 s5, $0x1;
	s30 =	sshrl.u32 s9, $0x1;
	s4 =	sadd.s32 s10, s1  }
0xb: {  	s10 =	sshrl.u32 s10, $0x3;
	s11 =	smov.u32 @p0 s12;
	s7 =	smov.u32 @p0 s6  }
0xc: {  	s8 =	sadd.s32 s31, s8;
	s12 =	simm.s32 $0x0;
	s9 =	ssub.s32 s9, s30  }
0xd: {  	s6 =	sadd.s32 s11, s10;
	s7 =	sadd.s32 s31, s7;
	s10 =	simm.s32 $0x1  }
0xe: {  	v0 =	vimm.f32 $0.0e+00;
	s11 =	simm.s32 $0x2710;
	s5 =	smax.u32 s9, $0x1;
	s9 =	simm.s32 $0x2780  }
.LBB2_1:
0xf: {  	s13 =	simm.s32 $0x40;
	s14 =	simm.s32 $0x0  }
.LBB2_2:
0x10: {  	p0 =	sne.s32 s13, $0x30C0;
	[tilespmem:s14+$0x2780] =	vst v0;
	s14 =	smov.u32 s13;
	s13 =	sadd.s32 $0x40, s13  }
.Ltmp0:
0x11: {  	(pc) =	sbr.rel @p0 .LBB2_2-.Ltmp0, $2  }
0x12: {  	_ =	sdelay $0x2  }
0x13: {  	s14 =	sshra.s32 s14, $0x2  }
0x14: {  	[tilespmem:s14+$0x2780] =	vst v0  }
0x15: {  	[spmem:s4] =	stream.linear.scatter [tilespmem:s9], [sflag:$0x1], $0xC38, $0x38;
	[tilespmem:$0x5B38] =	vst v63  }
0x16: {  	_ =	swait.ge [sflag:s10], $0xC38  }
0x17: {  	[sflag:s10] =	ssyncset.done $0x0  }
0x18: {  	[sflag:s10] =	ssyncadd.s32 $0xFFFFF3C8  }
0x19: {  	s13 =	sadd.s32 $0x0, s8;
	[bflag:$0x0] =	sbarrier.arrive $0xFFFF  }
0x1a: {  	[tilespmem:s9], [sflag:$0x1] =	stream.linear.gather [hbm4b:s13+s3], $0x2710, $0x38;
	[tilespmem:$0x5B38] =	vst v63  }
0x1b: {  	_ =	swait.ge [sflag:s10], $0x2710  }
0x1c: {  	[sflag:s10] =	ssyncset.done $0x0  }
0x1d: {  	s31 =	sadd.s32 $0x0, s7;
	[sflag:s10] =	ssyncadd.s32 $0xFFFFD8F0  }
0x1e: {  	[tilespmem:s3], [sflag:$0x1] =	stream.linear.gather [hbm4b:s31+s3], $0x2710, $0x38;
	[tilespmem:$0x5B38] =	vst v63  }
0x1f: {  	_ =	swait.ge [sflag:s10], $0x2710  }
0x20: {  	[sflag:s10] =	ssyncset.done $0x0  }
0x21: {  	[sflag:s10] =	ssyncadd.s32 $0xFFFFD8F0  }
0x22: {  	[spmem:s1] =	stream.indirect.scatter.add.f32 [tilespmem:s9], [sflag:$0x1], $0x1, s3, s11, $0xb8;
	[tilespmem:$0x5B38] =	vst v63  }
0x23: {  	_ =	swait.ge [sflag:s10], $0x2710  }
0x24: {  	s14 =	simm.s32 $0x9C4;
	s13 =	simm.s32 $0x4E2;
	[sflag:s10] =	ssyncset.done $0x0  }
.LBB2_4:
0x25: {  	s15 =	sadd.s32 s13, s8  }
0x26: {  	[sflag:s10] =	ssyncadd.s32 $0xFFFFD8F0;
	s16 =	smov.u32 s14;
	s17 =	sadd.s32 $0x4E2, s14  }
0x27: {  	[tilespmem:s9], [sflag:$0x1] =	stream.linear.gather [hbm4b:s15+s3], $0x2710, $0x38;
	[tilespmem:$0x5B38] =	vst v63  }
0x28: {  	p0 =	sne.s32 s14, $0x2BF2;
	_ =	swait.ge [sflag:s10], $0x2710  }
0x29: {  	[sflag:s10] =	ssyncset.done $0x0  }
0x2a: {  	s14 =	sadd.s32 s13, s7;
	s13 =	smov.u32 s16;
	[sflag:s10] =	ssyncadd.s32 $0xFFFFD8F0  }
0x2b: {  	[tilespmem:s3], [sflag:$0x1] =	stream.linear.gather [hbm4b:s14+s3], $0x2710, $0x38;
	[tilespmem:$0x5B38] =	vst v63  }
0x2c: {  	_ =	swait.ge [sflag:s10], $0x2710  }
.Ltmp1:
0x2d: {  	[sflag:s10] =	ssyncset.done $0x0;
	(pc) =	sbr.rel @p0 .LBB2_4-.Ltmp1, $4  }
0x2e: {  	[sflag:s10] =	ssyncadd.s32 $0xFFFFD8F0  }
0x2f: {  	[spmem:s1] =	stream.indirect.scatter.add.f32 [tilespmem:s9], [sflag:$0x1], $0x1, s3, s11, $0xb8;
	[tilespmem:$0x5B38] =	vst v63  }
0x30: {  	_ =	swait.ge [sflag:s10], $0x2710  }
0x31: {  	s14 =	smov.u32 s17;
	[sflag:s10] =	ssyncset.done $0x0  }
0x32: {  	s14 =	sadd.s32 s13, s8;
	[sflag:s10] =	ssyncadd.s32 $0xFFFFD8F0  }
0x33: {  	[tilespmem:s9], [sflag:$0x1] =	stream.linear.gather [hbm4b:s14+s3], $0x2710, $0x38;
	[tilespmem:$0x5B38] =	vst v63  }
0x34: {  	_ =	swait.ge [sflag:s10], $0x2710  }
0x35: {  	[sflag:s10] =	ssyncset.done $0x0  }
0x36: {  	s31 =	sadd.s32 s13, s7;
	[sflag:s10] =	ssyncadd.s32 $0xFFFFD8F0  }
0x37: {  	[tilespmem:s3], [sflag:$0x1] =	stream.linear.gather [hbm4b:s31+s3], $0x2710, $0x38;
	[tilespmem:$0x5B38] =	vst v63  }
0x38: {  	_ =	swait.ge [sflag:s10], $0x2710  }
0x39: {  	[sflag:s10] =	ssyncset.done $0x0  }
0x3a: {  	[sflag:s10] =	ssyncadd.s32 $0xFFFFD8F0  }
0x3b: {  	[spmem:s1] =	stream.indirect.scatter.add.f32 [tilespmem:s9], [sflag:$0x1], $0x1, s3, s11, $0xb8;
	[tilespmem:$0x5B38] =	vst v63  }
0x3c: {  	_ =	swait.ge [sflag:s10], $0x2710  }
0x3d: {  	[sflag:s10] =	ssyncset.done $0x0  }
0x3e: {  	[sflag:s10] =	ssyncadd.s32 $0xFFFFD8F0  }
0x3f: {  	[bflag:$0x0] =	sbarrier.arrive $0xFFFF  }
0x40: {  	[tilespmem:s9], [sflag:$0x1] =	stream.linear.gather [spmem:s4], $0xC38, $0x38;
	[tilespmem:$0x5B38] =	vst v63  }
0x41: {  	s12 =	sadd.s32 $0x1, s12;
	_ =	swait.ge [sflag:s10], $0xC38  }
0x42: {  	p0 =	sne.s32 s12, s5;
	[sflag:s10] =	ssyncset.done $0x0  }
.Ltmp2:
0x43: {  	[sflag:s10] =	ssyncadd.s32 $0xFFFFF3C8;
	(pc) =	sbr.rel @p0 .LBB2_1-.Ltmp2, $4  }
0x44: {  	[hbm4b:s6+s3] =	stream.linear.scatter [tilespmem:s9], [sflag:$0x1], $0xC38, $0x38;
	[tilespmem:$0x5B38] =	vst v63  }
0x45: {  	_ =	swait.ge [sflag:s10], $0xC38  }
0x46: {  	[sflag:s10] =	ssyncset.done $0x0  }
0x47: {  	[sflag:s10] =	ssyncadd.s32 $0xFFFFF3C8  }
0x48: {  	_ =	sfence.sel $0x180000  }
0x49: {  	[bflag:$0x0] =	sbarrier.arrive $0xFFFF  }
0x4a: {  	p0 =	sne.s32 s2, $0x0;
	_ =	strace $0x90000047  }
0x4b: {  	s0 =	sadd.s32 @!p0 $0x100000, s0;
	[bflag:$0x2] =	sbarrier.arrive $0xFFFF  }
0x4c: {  	[sflag:s0] =	ssyncadd.tile.s32 @!p0 $0x1;
	_ =	shalt  }
.Lfunc_end2:
_tile_overlayer_lowered:
.L_overlay_start_2:
0x4d: {  	(tag) =	ssettag $0x2  }
0x4e: {  	s0 =	rddreg [dreg:$0x0];
	s2 =	stileid.u32  }
0x4f: {  	s1 =	rddreg [dreg:$0x1];
	p0 =	sne.s32 s2, $0x0  }
0x50: {  	s3 =	rddreg [dreg:$0x2];
	[bflag:$0x3] =	sbarrier.arrive $0xFFFF;
	s2 =	simm.s32 @!p0 $0x1C01  }
0x51: {  	[timem:s3], [sflag:s2] =	dma.local @!p0 [hbm:s0], s1  }
0x52: {  	s0 =	simm.s32 @!p0 $0x1  }
0x53: {  	_ =	swait.ge @!p0 [sflag:s0], s1  }
0x54: {  	s1 =	ssub.s32 @!p0 $0x0, s1;
	[sflag:s0] =	ssyncset.done @!p0 $0x0  }
0x55: {  	[sflag:s0] =	ssyncadd.s32 @!p0 s1  }
0x56: {  	[bflag:$0x3] =	sbarrier.arrive $0xFFFF  }
0x57: {  	_ =	shalt  }

</sc_bundles>
